<compile_context>
chip_gen: v7x
topology: tpu7x:2x2x1
jax: 0.10.2.dev20260603
libtpu: 0.0.44.dev20260713+nightly
codegen_flags: <defaults>
</compile_context>

<pallas_src>
import functools

import jax
import jax.numpy as jnp
from jax import lax
from jax.experimental import pallas as pl
from jax.experimental.pallas import tpu as pltpu
from jax.experimental.pallas import tpu_sc as plsc

B = 16384
D = 512
V = 10000
L = 16
NC = 2
NS = 16
NW = NC * NS

B_TC = 5632
B_SC = B - B_TC
BPW = B_SC // NW
CH = 48
NCH = BPW // CH
NACC = 4

R = 512
G = B_TC // R

_mesh = plsc.VectorSubcoreMesh(core_axis_name="c", subcore_axis_name="s")


@functools.partial(
    pl.kernel,
    mesh=_mesh,
    out_type=jax.ShapeDtypeStruct((1, NW * L), jnp.float32),
    scratch_types=[
        pltpu.VMEM((BPW,), jnp.int32),
        pltpu.VMEM((CH, D), jnp.float32),
        pltpu.VMEM((CH, D), jnp.float32),
        pltpu.VMEM((CH, D), jnp.float32),
        pltpu.VMEM((CH, D), jnp.float32),
        pltpu.VMEM((L,), jnp.float32),
        pltpu.SemaphoreType.DMA,
        pltpu.SemaphoreType.DMA,
        pltpu.SemaphoreType.DMA,
        pltpu.SemaphoreType.DMA,
    ],
)
def _sc_partials(features_hbm, target_hbm, center_hbm, out_hbm,
                 idx_v, fbuf0, fbuf1, cbuf0, cbuf1, accv,
                 semf0, semf1, semc0, semc1):
    wid = lax.axis_index("s") * NC + lax.axis_index("c")
    base = wid * BPW
    pltpu.sync_copy(target_hbm.at[pl.ds(base, BPW)], idx_v)

    fbufs = (fbuf0, fbuf1)
    cbufs = (cbuf0, cbuf1)
    semfs = (semf0, semf1)
    semcs = (semc0, semc1)

    def start(g):
        b = g % 2
        cpf = pltpu.async_copy(
            features_hbm.at[pl.ds(base + g * CH, CH)], fbufs[b], semfs[b])
        cpc = pltpu.async_copy(
            center_hbm.at[idx_v.at[pl.ds(g * CH, CH)]], cbufs[b], semcs[b])
        return cpf, cpc

    def compute(b, accs):
        fbuf = fbufs[b]
        cbuf = cbufs[b]

        def row_body(r, accs):
            accs = list(accs)
            for v in range(D // L):
                df = fbuf[r, pl.ds(v * L, L)] - cbuf[r, pl.ds(v * L, L)]
                accs[v % NACC] = accs[v % NACC] + df * df
            return tuple(accs)

        return lax.fori_loop(0, CH, row_body, tuple(accs))

    accs = tuple(jnp.zeros((L,), jnp.float32) for _ in range(NACC))
    pending = start(0)
    for g in range(NCH):
        cur = pending
        if g + 1 < NCH:
            pending = start(g + 1)
        cur[0].wait()
        cur[1].wait()
        accs = compute(g % 2, accs)

    accs = list(accs)
    total = accs[0]
    for a in accs[1:]:
        total = total + a
    accv[...] = total
    pltpu.sync_copy(accv, out_hbm.at[0, pl.ds(wid * L, L)])


def _tc_body(tgt_ref, f_ref, c_ref, o_ref, gath_ref):
    i = pl.program_id(0)

    @pl.when(i == 0)
    def _():
        o_ref[...] = jnp.zeros_like(o_ref)

    def cp(r32, _):
        for j in range(32):
            r = r32 * 32 + j
            idx = tgt_ref[B_SC + i * R + r]
            gath_ref[pl.ds(r, 1), :] = c_ref[pl.ds(idx, 1), :]
        return 0

    lax.fori_loop(0, R // 32, cp, 0)
    d = f_ref[...] - gath_ref[...]
    o_ref[...] += jnp.sum(d * d, axis=0, keepdims=True)


_tc_partial = pl.pallas_call(
    _tc_body,
    grid_spec=pltpu.PrefetchScalarGridSpec(
        num_scalar_prefetch=1,
        grid=(G,),
        in_specs=[
            pl.BlockSpec((R, D), lambda i, tgt: (B_SC // R + i, 0)),
            pl.BlockSpec((V, D), lambda i, tgt: (0, 0)),
        ],
        out_specs=pl.BlockSpec((1, D), lambda i, tgt: (0, 0)),
        scratch_shapes=[pltpu.VMEM((R, D), jnp.float32)],
    ),
    out_shape=jax.ShapeDtypeStruct((1, D), jnp.float32),
)


def kernel(features, target, center):
    tgt = target.astype(jnp.int32)
    psc = _sc_partials(features, tgt, center)
    ptc = _tc_partial(tgt, features, center)
    return jnp.sum(psc + ptc) * (1.0 / B)

# --- scband reference (transcript-rebuilt; emitter-appended) ---
"""Pipeline reference for scband-center-loss-78357383348728 (READ-ONLY COPY).

The authoritative reference and input builder live on the scoring server;
editing this copy changes nothing except your own understanding.
"""

import jax, jax.numpy as jnp
import numpy as np

NUM_CLASSES = 10000
FEAT_DIM = 512
BATCH = 16384


def setup_inputs(seed: int = 0) -> dict:
    key = jax.random.key(seed)
    k1, k2, k3 = jax.random.split(key, 3)
    features = jax.random.normal(k1, (BATCH, FEAT_DIM), dtype=jnp.float32)
    target = jax.random.randint(k2, (BATCH,), 0, NUM_CLASSES, dtype=jnp.int64)
    # xavier_uniform init for center: bound = sqrt(6 / (fan_in + fan_out))
    bound = float(np.sqrt(6.0 / (NUM_CLASSES + FEAT_DIM)))
    center = jax.random.uniform(k3, (NUM_CLASSES, FEAT_DIM), dtype=jnp.float32, minval=-bound, maxval=bound)
    return {"features": features, "target": target, "center": center}


def reference(features, target, center):
    # centers_batch = self.center.index_select(0, target)
    centers_batch = jnp.take(center, target, axis=0)
    # (features - centers_batch).pow(2).sum(dim=1).mean()
    loss = jnp.mean(jnp.sum((features - centers_batch) ** 2, axis=1))
    return loss

if __name__ == "__main__":
    import jax
    _d = setup_inputs()
    print(jax.jit(kernel)(*tuple(_d.values())))

</pallas_src>

<mosaic_0001>
#map = affine_map<(d0, d1) -> (0, 0)>
#map1 = affine_map<(d0, d1) -> (0)>
module attributes {stable_mosaic.version = 14 : i64} {
  func.func @_sc_partials(%arg0: i32, %arg1: i32, %arg2: memref<16384x512xf32, #tpu.memory_space<hbm>>, %arg3: memref<16384xi32, #tpu.memory_space<hbm>>, %arg4: memref<10000x512xf32, #tpu.memory_space<hbm>>, %arg5: memref<1x512xf32, #tpu.memory_space<hbm>>, %arg6: memref<336xi32, #tpu.memory_space<vmem>>, %arg7: memref<48x512xf32, #tpu.memory_space<vmem>>, %arg8: memref<48x512xf32, #tpu.memory_space<vmem>>, %arg9: memref<48x512xf32, #tpu.memory_space<vmem>>, %arg10: memref<48x512xf32, #tpu.memory_space<vmem>>, %arg11: memref<16xf32, #tpu.memory_space<vmem>>, %arg12: memref<!tpu.dma_semaphore, #tpu.memory_space<semaphore_mem>>, %arg13: memref<!tpu.dma_semaphore, #tpu.memory_space<semaphore_mem>>, %arg14: memref<!tpu.dma_semaphore, #tpu.memory_space<semaphore_mem>>, %arg15: memref<!tpu.dma_semaphore, #tpu.memory_space<semaphore_mem>>) attributes {dimension_semantics = [#tpu.dimension_semantics<core_parallel>, #tpu.dimension_semantics<subcore_parallel>], iteration_bounds = array<i64: 2, 16>, scalar_prefetch = 0 : i64, scratch_operands = 10 : i64, tpu.core_type = #tpu.core_type<sc_vector_subcore>, window_params = [{transform_indices = #map}, {transform_indices = #map1}, {transform_indices = #map}, {transform_indices = #map}]} {
    %mul3A = arith.constant 2 : i32
    %mul3A_0 = arith.muli %arg1, %mul3A : i32
    %add3A = arith.addi %mul3A_0, %arg0 : i32
    %mul3A_1 = arith.constant 336 : i32
    %mul3A_2 = arith.muli %add3A, %mul3A_1 : i32
    "tpu.region"() ({
      %run_scoped3A_197 = tpu.sem_alloc : memref<!tpu.dma_semaphore, #tpu.memory_space<semaphore_mem>>
      %dma_start3A_198 = tpu.memref_slice %arg3[%mul3A_2] : memref<16384xi32, #tpu.memory_space<hbm>> -> memref<336xi32, #tpu.memory_space<hbm>>
      %dma_start3A_199 = tpu.memref_slice %arg3[%mul3A_2] : memref<16384xi32, #tpu.memory_space<hbm>> -> memref<336xi32, #tpu.memory_space<hbm>>
      tpu.enqueue_dma source(%dma_start3A_199 : memref<336xi32, #tpu.memory_space<hbm>>) target(%arg6 : memref<336xi32, #tpu.memory_space<vmem>>) target_semaphore(%run_scoped3A_197 : memref<!tpu.dma_semaphore, #tpu.memory_space<semaphore_mem>>)
      %dma_wait3A_200 = tpu.memref_slice %arg3[%mul3A_2] : memref<16384xi32, #tpu.memory_space<hbm>> -> memref<336xi32, #tpu.memory_space<hbm>>
      %dma_wait3A_201 = tpu.memref_slice %arg3[%mul3A_2] : memref<16384xi32, #tpu.memory_space<hbm>> -> memref<336xi32, #tpu.memory_space<hbm>>
      tpu.wait_dma2 semaphore(%run_scoped3A_197 : memref<!tpu.dma_semaphore, #tpu.memory_space<semaphore_mem>>) src(%dma_wait3A_201 : memref<336xi32, #tpu.memory_space<hbm>>) dst(%arg6 : memref<336xi32, #tpu.memory_space<vmem>>)
      tpu.yield
    }) : () -> ()
    %broadcast_in_dim3A = arith.constant 0.000000e+00 : f32
    %broadcast_in_dim3A_3 = vector.broadcast %broadcast_in_dim3A : f32 to vector<16xf32>
    %broadcast_in_dim3A_4 = arith.constant 0.000000e+00 : f32
    %broadcast_in_dim3A_5 = vector.broadcast %broadcast_in_dim3A_4 : f32 to vector<16xf32>
    %broadcast_in_dim3A_6 = arith.constant 0.000000e+00 : f32
    %broadcast_in_dim3A_7 = vector.broadcast %broadcast_in_dim3A_6 : f32 to vector<16xf32>
    %broadcast_in_dim3A_8 = arith.constant 0.000000e+00 : f32
    %broadcast_in_dim3A_9 = vector.broadcast %broadcast_in_dim3A_8 : f32 to vector<16xf32>
    %add3A_10 = arith.constant 0 : i32
    %add3A_11 = arith.addi %mul3A_2, %add3A_10 : i32
    %dma_start3A = arith.constant 0 : i32
    %dma_start3A_12 = tpu.memref_slice %arg2[%add3A_11, %dma_start3A] : memref<16384x512xf32, #tpu.memory_space<hbm>> -> memref<48x512xf32, #tpu.memory_space<hbm>>
    %dma_start3A_13 = arith.constant 0 : i32
    %dma_start3A_14 = tpu.memref_slice %arg2[%add3A_11, %dma_start3A_13] : memref<16384x512xf32, #tpu.memory_space<hbm>> -> memref<48x512xf32, #tpu.memory_space<hbm>>
    tpu.enqueue_dma source(%dma_start3A_14 : memref<48x512xf32, #tpu.memory_space<hbm>>) target(%arg7 : memref<48x512xf32, #tpu.memory_space<vmem>>) target_semaphore(%arg12 : memref<!tpu.dma_semaphore, #tpu.memory_space<semaphore_mem>>)
    %dma_start3A_15 = arith.constant 0 : i32
    %dma_start3A_16 = tpu.memref_slice %arg6[%dma_start3A_15] : memref<336xi32, #tpu.memory_space<vmem>> -> memref<48xi32, #tpu.memory_space<vmem>>
    %dma_start3A_17 = arith.constant 0 : i32
    %dma_start3A_18 = arith.constant 0 : i32
    %dma_start3A_19 = tpu.memref_slice %arg4[%dma_start3A_17, %dma_start3A_18] : memref<10000x512xf32, #tpu.memory_space<hbm>> -> memref<10000x512xf32, #tpu.memory_space<hbm>>
    tpu.enqueue_indirect_dma source(%dma_start3A_19 : memref<10000x512xf32, #tpu.memory_space<hbm>>) target(%arg9 : memref<48x512xf32, #tpu.memory_space<vmem>>) offsets(%dma_start3A_16 : memref<48xi32, #tpu.memory_space<vmem>>) semaphore(%arg14 : memref<!tpu.dma_semaphore, #tpu.memory_space<semaphore_mem>>)
    %add3A_20 = arith.constant 48 : i32
    %add3A_21 = arith.addi %mul3A_2, %add3A_20 : i32
    %dma_start3A_22 = arith.constant 0 : i32
    %dma_start3A_23 = tpu.memref_slice %arg2[%add3A_21, %dma_start3A_22] : memref<16384x512xf32, #tpu.memory_space<hbm>> -> memref<48x512xf32, #tpu.memory_space<hbm>>
    %dma_start3A_24 = arith.constant 0 : i32
    %dma_start3A_25 = tpu.memref_slice %arg2[%add3A_21, %dma_start3A_24] : memref<16384x512xf32, #tpu.memory_space<hbm>> -> memref<48x512xf32, #tpu.memory_space<hbm>>
    tpu.enqueue_dma source(%dma_start3A_25 : memref<48x512xf32, #tpu.memory_space<hbm>>) target(%arg8 : memref<48x512xf32, #tpu.memory_space<vmem>>) target_semaphore(%arg13 : memref<!tpu.dma_semaphore, #tpu.memory_space<semaphore_mem>>)
    %dma_start3A_26 = arith.constant 48 : i32
    %dma_start3A_27 = tpu.memref_slice %arg6[%dma_start3A_26] : memref<336xi32, #tpu.memory_space<vmem>> -> memref<48xi32, #tpu.memory_space<vmem>>
    %dma_start3A_28 = arith.constant 0 : i32
    %dma_start3A_29 = arith.constant 0 : i32
    %dma_start3A_30 = tpu.memref_slice %arg4[%dma_start3A_28, %dma_start3A_29] : memref<10000x512xf32, #tpu.memory_space<hbm>> -> memref<10000x512xf32, #tpu.memory_space<hbm>>
    tpu.enqueue_indirect_dma source(%dma_start3A_30 : memref<10000x512xf32, #tpu.memory_space<hbm>>) target(%arg10 : memref<48x512xf32, #tpu.memory_space<vmem>>) offsets(%dma_start3A_27 : memref<48xi32, #tpu.memory_space<vmem>>) semaphore(%arg15 : memref<!tpu.dma_semaphore, #tpu.memory_space<semaphore_mem>>)
    %dma_wait3A = arith.constant 0 : i32
    %dma_wait3A_31 = tpu.memref_slice %arg2[%add3A_11, %dma_wait3A] : memref<16384x512xf32, #tpu.memory_space<hbm>> -> memref<48x512xf32, #tpu.memory_space<hbm>>
    %dma_wait3A_32 = arith.constant 0 : i32
    %dma_wait3A_33 = tpu.memref_slice %arg2[%add3A_11, %dma_wait3A_32] : memref<16384x512xf32, #tpu.memory_space<hbm>> -> memref<48x512xf32, #tpu.memory_space<hbm>>
    tpu.wait_dma2 semaphore(%arg12 : memref<!tpu.dma_semaphore, #tpu.memory_space<semaphore_mem>>) src(%dma_wait3A_33 : memref<48x512xf32, #tpu.memory_space<hbm>>) dst(%arg7 : memref<48x512xf32, #tpu.memory_space<vmem>>)
    %dma_wait3A_34 = arith.constant 0 : i32
    %dma_wait3A_35 = tpu.memref_slice %arg6[%dma_wait3A_34] : memref<336xi32, #tpu.memory_space<vmem>> -> memref<48xi32, #tpu.memory_space<vmem>>
    %dma_wait3A_36 = arith.constant 0 : i32
    %dma_wait3A_37 = arith.constant 0 : i32
    %dma_wait3A_38 = tpu.memref_slice %arg4[%dma_wait3A_36, %dma_wait3A_37] : memref<10000x512xf32, #tpu.memory_space<hbm>> -> memref<10000x512xf32, #tpu.memory_space<hbm>>
    tpu.wait_indirect_dma semaphore(%arg14 : memref<!tpu.dma_semaphore, #tpu.memory_space<semaphore_mem>>) src(%dma_wait3A_38 : memref<10000x512xf32, #tpu.memory_space<hbm>>) dst(%arg9 : memref<48x512xf32, #tpu.memory_space<vmem>>)
    %scan3A = arith.constant 0 : i32
    %scan3A_39 = arith.constant 48 : i32
    %scan3A_40 = arith.addi %scan3A, %scan3A_39 : i32
    %scan3A_41 = arith.constant 1 : i32
    %scan3A_42:4 = scf.for %scan3A_197 = %scan3A to %scan3A_40 step %scan3A_41 iter_args(%scan3A_198 = %broadcast_in_dim3A_3, %scan3A_199 = %broadcast_in_dim3A_5, %scan3A_200 = %broadcast_in_dim3A_7, %scan3A_201 = %broadcast_in_dim3A_9) -> (vector<16xf32>, vector<16xf32>, vector<16xf32>, vector<16xf32>)  : i32 {
      %get3A = arith.index_cast %scan3A_197 : i32 to index
      %get3A_202 = arith.constant 0 : index
      %get3A_203 = tpu.vector_load %arg7[%get3A, %get3A_202] {strides = array<i32>} : memref<48x512xf32, #tpu.memory_space<vmem>>, vector<1x16xf32>,
      %get3A_204 = vector.shape_cast %get3A_203 : vector<1x16xf32> to vector<16xf32>
      %get3A_205 = arith.index_cast %scan3A_197 : i32 to index
      %get3A_206 = arith.constant 0 : index
      %get3A_207 = tpu.vector_load %arg9[%get3A_205, %get3A_206] {strides = array<i32>} : memref<48x512xf32, #tpu.memory_space<vmem>>, vector<1x16xf32>,
      %get3A_208 = vector.shape_cast %get3A_207 : vector<1x16xf32> to vector<16xf32>
      %sub3A = arith.subf %get3A_204, %get3A_208 : vector<16xf32>
      %mul3A_209 = arith.mulf %sub3A, %sub3A : vector<16xf32>
      %add3A_210 = arith.addf %scan3A_198, %mul3A_209 : vector<16xf32>
      %get3A_211 = arith.index_cast %scan3A_197 : i32 to index
      %get3A_212 = arith.constant 16 : index
      %get3A_213 = tpu.vector_load %arg7[%get3A_211, %get3A_212] {strides = array<i32>} : memref<48x512xf32, #tpu.memory_space<vmem>>, vector<1x16xf32>,
      %get3A_214 = vector.shape_cast %get3A_213 : vector<1x16xf32> to vector<16xf32>
      %get3A_215 = arith.index_cast %scan3A_197 : i32 to index
      %get3A_216 = arith.constant 16 : index
      %get3A_217 = tpu.vector_load %arg9[%get3A_215, %get3A_216] {strides = array<i32>} : memref<48x512xf32, #tpu.memory_space<vmem>>, vector<1x16xf32>,
      %get3A_218 = vector.shape_cast %get3A_217 : vector<1x16xf32> to vector<16xf32>
      %sub3A_219 = arith.subf %get3A_214, %get3A_218 : vector<16xf32>
      %mul3A_220 = arith.mulf %sub3A_219, %sub3A_219 : vector<16xf32>
      %add3A_221 = arith.addf %scan3A_199, %mul3A_220 : vector<16xf32>
      %get3A_222 = arith.index_cast %scan3A_197 : i32 to index
      %get3A_223 = arith.constant 32 : index
      %get3A_224 = tpu.vector_load %arg7[%get3A_222, %get3A_223] {strides = array<i32>} : memref<48x512xf32, #tpu.memory_space<vmem>>, vector<1x16xf32>,
      %get3A_225 = vector.shape_cast %get3A_224 : vector<1x16xf32> to vector<16xf32>
      %get3A_226 = arith.index_cast %scan3A_197 : i32 to index
      %get3A_227 = arith.constant 32 : index
      %get3A_228 = tpu.vector_load %arg9[%get3A_226, %get3A_227] {strides = array<i32>} : memref<48x512xf32, #tpu.memory_space<vmem>>, vector<1x16xf32>,
      %get3A_229 = vector.shape_cast %get3A_228 : vector<1x16xf32> to vector<16xf32>
      %sub3A_230 = arith.subf %get3A_225, %get3A_229 : vector<16xf32>
      %mul3A_231 = arith.mulf %sub3A_230, %sub3A_230 : vector<16xf32>
      %add3A_232 = arith.addf %scan3A_200, %mul3A_231 : vector<16xf32>
      %get3A_233 = arith.index_cast %scan3A_197 : i32 to index
      %get3A_234 = arith.constant 48 : index
      %get3A_235 = tpu.vector_load %arg7[%get3A_233, %get3A_234] {strides = array<i32>} : memref<48x512xf32, #tpu.memory_space<vmem>>, vector<1x16xf32>,
      %get3A_236 = vector.shape_cast %get3A_235 : vector<1x16xf32> to vector<16xf32>
      %get3A_237 = arith.index_cast %scan3A_197 : i32 to index
      %get3A_238 = arith.constant 48 : index
      %get3A_239 = tpu.vector_load %arg9[%get3A_237, %get3A_238] {strides = array<i32>} : memref<48x512xf32, #tpu.memory_space<vmem>>, vector<1x16xf32>,
      %get3A_240 = vector.shape_cast %get3A_239 : vector<1x16xf32> to vector<16xf32>
      %sub3A_241 = arith.subf %get3A_236, %get3A_240 : vector<16xf32>
      %mul3A_242 = arith.mulf %sub3A_241, %sub3A_241 : vector<16xf32>
      %add3A_243 = arith.addf %scan3A_201, %mul3A_242 : vector<16xf32>
      %get3A_244 = arith.index_cast %scan3A_197 : i32 to index
      %get3A_245 = arith.constant 64 : index
      %get3A_246 = tpu.vector_load %arg7[%get3A_244, %get3A_245] {strides = array<i32>} : memref<48x512xf32, #tpu.memory_space<vmem>>, vector<1x16xf32>,
      %get3A_247 = vector.shape_cast %get3A_246 : vector<1x16xf32> to vector<16xf32>
      %get3A_248 = arith.index_cast %scan3A_197 : i32 to index
      %get3A_249 = arith.constant 64 : index
      %get3A_250 = tpu.vector_load %arg9[%get3A_248, %get3A_249] {strides = array<i32>} : memref<48x512xf32, #tpu.memory_space<vmem>>, vector<1x16xf32>,
      %get3A_251 = vector.shape_cast %get3A_250 : vector<1x16xf32> to vector<16xf32>
      %sub3A_252 = arith.subf %get3A_247, %get3A_251 : vector<16xf32>
      %mul3A_253 = arith.mulf %sub3A_252, %sub3A_252 : vector<16xf32>
      %add3A_254 = arith.addf %add3A_210, %mul3A_253 : vector<16xf32>
      %get3A_255 = arith.index_cast %scan3A_197 : i32 to index
      %get3A_256 = arith.constant 80 : index
      %get3A_257 = tpu.vector_load %arg7[%get3A_255, %get3A_256] {strides = array<i32>} : memref<48x512xf32, #tpu.memory_space<vmem>>, vector<1x16xf32>,
      %get3A_258 = vector.shape_cast %get3A_257 : vector<1x16xf32> to vector<16xf32>
      %get3A_259 = arith.index_cast %scan3A_197 : i32 to index
      %get3A_260 = arith.constant 80 : index
      %get3A_261 = tpu.vector_load %arg9[%get3A_259, %get3A_260] {strides = array<i32>} : memref<48x512xf32, #tpu.memory_space<vmem>>, vector<1x16xf32>,
      %get3A_262 = vector.shape_cast %get3A_261 : vector<1x16xf32> to vector<16xf32>
      %sub3A_263 = arith.subf %get3A_258, %get3A_262 : vector<16xf32>
      %mul3A_264 = arith.mulf %sub3A_263, %sub3A_263 : vector<16xf32>
      %add3A_265 = arith.addf %add3A_221, %mul3A_264 : vector<16xf32>
      %get3A_266 = arith.index_cast %scan3A_197 : i32 to index
      %get3A_267 = arith.constant 96 : index
      %get3A_268 = tpu.vector_load %arg7[%get3A_266, %get3A_267] {strides = array<i32>} : memref<48x512xf32, #tpu.memory_space<vmem>>, vector<1x16xf32>,
      %get3A_269 = vector.shape_cast %get3A_268 : vector<1x16xf32> to vector<16xf32>
      %get3A_270 = arith.index_cast %scan3A_197 : i32 to index
      %get3A_271 = arith.constant 96 : index
      %get3A_272 = tpu.vector_load %arg9[%get3A_270, %get3A_271] {strides = array<i32>} : memref<48x512xf32, #tpu.memory_space<vmem>>, vector<1x16xf32>,
      %get3A_273 = vector.shape_cast %get3A_272 : vector<1x16xf32> to vector<16xf32>
      %sub3A_274 = arith.subf %get3A_269, %get3A_273 : vector<16xf32>
      %mul3A_275 = arith.mulf %sub3A_274, %sub3A_274 : vector<16xf32>
      %add3A_276 = arith.addf %add3A_232, %mul3A_275 : vector<16xf32>
      %get3A_277 = arith.index_cast %scan3A_197 : i32 to index
      %get3A_278 = arith.constant 112 : index
      %get3A_279 = tpu.vector_load %arg7[%get3A_277, %get3A_278] {strides = array<i32>} : memref<48x512xf32, #tpu.memory_space<vmem>>, vector<1x16xf32>,
      %get3A_280 = vector.shape_cast %get3A_279 : vector<1x16xf32> to vector<16xf32>
      %get3A_281 = arith.index_cast %scan3A_197 : i32 to index
      %get3A_282 = arith.constant 112 : index
      %get3A_283 = tpu.vector_load %arg9[%get3A_281, %get3A_282] {strides = array<i32>} : memref<48x512xf32, #tpu.memory_space<vmem>>, vector<1x16xf32>,
      %get3A_284 = vector.shape_cast %get3A_283 : vector<1x16xf32> to vector<16xf32>
      %sub3A_285 = arith.subf %get3A_280, %get3A_284 : vector<16xf32>
      %mul3A_286 = arith.mulf %sub3A_285, %sub3A_285 : vector<16xf32>
      %add3A_287 = arith.addf %add3A_243, %mul3A_286 : vector<16xf32>
      %get3A_288 = arith.index_cast %scan3A_197 : i32 to index
      %get3A_289 = arith.constant 128 : index
      %get3A_290 = tpu.vector_load %arg7[%get3A_288, %get3A_289] {strides = array<i32>} : memref<48x512xf32, #tpu.memory_space<vmem>>, vector<1x16xf32>,
      %get3A_291 = vector.shape_cast %get3A_290 : vector<1x16xf32> to vector<16xf32>
      %get3A_292 = arith.index_cast %scan3A_197 : i32 to index
      %get3A_293 = arith.constant 128 : index
      %get3A_294 = tpu.vector_load %arg9[%get3A_292, %get3A_293] {strides = array<i32>} : memref<48x512xf32, #tpu.memory_space<vmem>>, vector<1x16xf32>,
      %get3A_295 = vector.shape_cast %get3A_294 : vector<1x16xf32> to vector<16xf32>
      %sub3A_296 = arith.subf %get3A_291, %get3A_295 : vector<16xf32>
      %mul3A_297 = arith.mulf %sub3A_296, %sub3A_296 : vector<16xf32>
      %add3A_298 = arith.addf %add3A_254, %mul3A_297 : vector<16xf32>
      %get3A_299 = arith.index_cast %scan3A_197 : i32 to index
      %get3A_300 = arith.constant 144 : index
      %get3A_301 = tpu.vector_load %arg7[%get3A_299, %get3A_300] {strides = array<i32>} : memref<48x512xf32, #tpu.memory_space<vmem>>, vector<1x16xf32>,
      %get3A_302 = vector.shape_cast %get3A_301 : vector<1x16xf32> to vector<16xf32>
      %get3A_303 = arith.index_cast %scan3A_197 : i32 to index
      %get3A_304 = arith.constant 144 : index
      %get3A_305 = tpu.vector_load %arg9[%get3A_303, %get3A_304] {strides = array<i32>} : memref<48x512xf32, #tpu.memory_space<vmem>>, vector<1x16xf32>,
      %get3A_306 = vector.shape_cast %get3A_305 : vector<1x16xf32> to vector<16xf32>
      %sub3A_307 = arith.subf %get3A_302, %get3A_306 : vector<16xf32>
      %mul3A_308 = arith.mulf %sub3A_307, %sub3A_307 : vector<16xf32>
      %add3A_309 = arith.addf %add3A_265, %mul3A_308 : vector<16xf32>
      %get3A_310 = arith.index_cast %scan3A_197 : i32 to index
      %get3A_311 = arith.constant 160 : index
      %get3A_312 = tpu.vector_load %arg7[%get3A_310, %get3A_311] {strides = array<i32>} : memref<48x512xf32, #tpu.memory_space<vmem>>, vector<1x16xf32>,
      %get3A_313 = vector.shape_cast %get3A_312 : vector<1x16xf32> to vector<16xf32>
      %get3A_314 = arith.index_cast %scan3A_197 : i32 to index
      %get3A_315 = arith.constant 160 : index
      %get3A_316 = tpu.vector_load %arg9[%get3A_314, %get3A_315] {strides = array<i32>} : memref<48x512xf32, #tpu.memory_space<vmem>>, vector<1x16xf32>,
      %get3A_317 = vector.shape_cast %get3A_316 : vector<1x16xf32> to vector<16xf32>
      %sub3A_318 = arith.subf %get3A_313, %get3A_317 : vector<16xf32>
      %mul3A_319 = arith.mulf %sub3A_318, %sub3A_318 : vector<16xf32>
      %add3A_320 = arith.addf %add3A_276, %mul3A_319 : vector<16xf32>
      %get3A_321 = arith.index_cast %scan3A_197 : i32 to index
      %get3A_322 = arith.constant 176 : index
      %get3A_323 = tpu.vector_load %arg7[%get3A_321, %get3A_322] {strides = array<i32>} : memref<48x512xf32, #tpu.memory_space<vmem>>, vector<1x16xf32>,
      %get3A_324 = vector.shape_cast %get3A_323 : vector<1x16xf32> to vector<16xf32>
      %get3A_325 = arith.index_cast %scan3A_197 : i32 to index
      %get3A_326 = arith.constant 176 : index
      %get3A_327 = tpu.vector_load %arg9[%get3A_325, %get3A_326] {strides = array<i32>} : memref<48x512xf32, #tpu.memory_space<vmem>>, vector<1x16xf32>,
      %get3A_328 = vector.shape_cast %get3A_327 : vector<1x16xf32> to vector<16xf32>
      %sub3A_329 = arith.subf %get3A_324, %get3A_328 : vector<16xf32>
      %mul3A_330 = arith.mulf %sub3A_329, %sub3A_329 : vector<16xf32>
      %add3A_331 = arith.addf %add3A_287, %mul3A_330 : vector<16xf32>
      %get3A_332 = arith.index_cast %scan3A_197 : i32 to index
      %get3A_333 = arith.constant 192 : index
      %get3A_334 = tpu.vector_load %arg7[%get3A_332, %get3A_333] {strides = array<i32>} : memref<48x512xf32, #tpu.memory_space<vmem>>, vector<1x16xf32>,
      %get3A_335 = vector.shape_cast %get3A_334 : vector<1x16xf32> to vector<16xf32>
      %get3A_336 = arith.index_cast %scan3A_197 : i32 to index
      %get3A_337 = arith.constant 192 : index
      %get3A_338 = tpu.vector_load %arg9[%get3A_336, %get3A_337] {strides = array<i32>} : memref<48x512xf32, #tpu.memory_space<vmem>>, vector<1x16xf32>,
      %get3A_339 = vector.shape_cast %get3A_338 : vector<1x16xf32> to vector<16xf32>
      %sub3A_340 = arith.subf %get3A_335, %get3A_339 : vector<16xf32>
      %mul3A_341 = arith.mulf %sub3A_340, %sub3A_340 : vector<16xf32>
      %add3A_342 = arith.addf %add3A_298, %mul3A_341 : vector<16xf32>
      %get3A_343 = arith.index_cast %scan3A_197 : i32 to index
      %get3A_344 = arith.constant 208 : index
      %get3A_345 = tpu.vector_load %arg7[%get3A_343, %get3A_344] {strides = array<i32>} : memref<48x512xf32, #tpu.memory_space<vmem>>, vector<1x16xf32>,
      %get3A_346 = vector.shape_cast %get3A_345 : vector<1x16xf32> to vector<16xf32>
      %get3A_347 = arith.index_cast %scan3A_197 : i32 to index
      %get3A_348 = arith.constant 208 : index
      %get3A_349 = tpu.vector_load %arg9[%get3A_347, %get3A_348] {strides = array<i32>} : memref<48x512xf32, #tpu.memory_space<vmem>>, vector<1x16xf32>,
      %get3A_350 = vector.shape_cast %get3A_349 : vector<1x16xf32> to vector<16xf32>
      %sub3A_351 = arith.subf %get3A_346, %get3A_350 : vector<16xf32>
      %mul3A_352 = arith.mulf %sub3A_351, %sub3A_351 : vector<16xf32>
      %add3A_353 = arith.addf %add3A_309, %mul3A_352 : vector<16xf32>
      %get3A_354 = arith.index_cast %scan3A_197 : i32 to index
      %get3A_355 = arith.constant 224 : index
      %get3A_356 = tpu.vector_load %arg7[%get3A_354, %get3A_355] {strides = array<i32>} : memref<48x512xf32, #tpu.memory_space<vmem>>, vector<1x16xf32>,
      %get3A_357 = vector.shape_cast %get3A_356 : vector<1x16xf32> to vector<16xf32>
      %get3A_358 = arith.index_cast %scan3A_197 : i32 to index
      %get3A_359 = arith.constant 224 : index
      %get3A_360 = tpu.vector_load %arg9[%get3A_358, %get3A_359] {strides = array<i32>} : memref<48x512xf32, #tpu.memory_space<vmem>>, vector<1x16xf32>,
      %get3A_361 = vector.shape_cast %get3A_360 : vector<1x16xf32> to vector<16xf32>
      %sub3A_362 = arith.subf %get3A_357, %get3A_361 : vector<16xf32>
      %mul3A_363 = arith.mulf %sub3A_362, %sub3A_362 : vector<16xf32>
      %add3A_364 = arith.addf %add3A_320, %mul3A_363 : vector<16xf32>
      %get3A_365 = arith.index_cast %scan3A_197 : i32 to index
      %get3A_366 = arith.constant 240 : index
      %get3A_367 = tpu.vector_load %arg7[%get3A_365, %get3A_366] {strides = array<i32>} : memref<48x512xf32, #tpu.memory_space<vmem>>, vector<1x16xf32>,
      %get3A_368 = vector.shape_cast %get3A_367 : vector<1x16xf32> to vector<16xf32>
      %get3A_369 = arith.index_cast %scan3A_197 : i32 to index
      %get3A_370 = arith.constant 240 : index
      %get3A_371 = tpu.vector_load %arg9[%get3A_369, %get3A_370] {strides = array<i32>} : memref<48x512xf32, #tpu.memory_space<vmem>>, vector<1x16xf32>,
      %get3A_372 = vector.shape_cast %get3A_371 : vector<1x16xf32> to vector<16xf32>
      %sub3A_373 = arith.subf %get3A_368, %get3A_372 : vector<16xf32>
      %mul3A_374 = arith.mulf %sub3A_373, %sub3A_373 : vector<16xf32>
      %add3A_375 = arith.addf %add3A_331, %mul3A_374 : vector<16xf32>
      %get3A_376 = arith.index_cast %scan3A_197 : i32 to index
      %get3A_377 = arith.constant 256 : index
      %get3A_378 = tpu.vector_load %arg7[%get3A_376, %get3A_377] {strides = array<i32>} : memref<48x512xf32, #tpu.memory_space<vmem>>, vector<1x16xf32>,
      %get3A_379 = vector.shape_cast %get3A_378 : vector<1x16xf32> to vector<16xf32>
      %get3A_380 = arith.index_cast %scan3A_197 : i32 to index
      %get3A_381 = arith.constant 256 : index
      %get3A_382 = tpu.vector_load %arg9[%get3A_380, %get3A_381] {strides = array<i32>} : memref<48x512xf32, #tpu.memory_space<vmem>>, vector<1x16xf32>,
      %get3A_383 = vector.shape_cast %get3A_382 : vector<1x16xf32> to vector<16xf32>
      %sub3A_384 = arith.subf %get3A_379, %get3A_383 : vector<16xf32>
      %mul3A_385 = arith.mulf %sub3A_384, %sub3A_384 : vector<16xf32>
      %add3A_386 = arith.addf %add3A_342, %mul3A_385 : vector<16xf32>
      %get3A_387 = arith.index_cast %scan3A_197 : i32 to index
      %get3A_388 = arith.constant 272 : index
      %get3A_389 = tpu.vector_load %arg7[%get3A_387, %get3A_388] {strides = array<i32>} : memref<48x512xf32, #tpu.memory_space<vmem>>, vector<1x16xf32>,
      %get3A_390 = vector.shape_cast %get3A_389 : vector<1x16xf32> to vector<16xf32>
      %get3A_391 = arith.index_cast %scan3A_197 : i32 to index
      %get3A_392 = arith.constant 272 : index
      %get3A_393 = tpu.vector_load %arg9[%get3A_391, %get3A_392] {strides = array<i32>} : memref<48x512xf32, #tpu.memory_space<vmem>>, vector<1x16xf32>,
      %get3A_394 = vector.shape_cast %get3A_393 : vector<1x16xf32> to vector<16xf32>
      %sub3A_395 = arith.subf %get3A_390, %get3A_394 : vector<16xf32>
      %mul3A_396 = arith.mulf %sub3A_395, %sub3A_395 : vector<16xf32>
      %add3A_397 = arith.addf %add3A_353, %mul3A_396 : vector<16xf32>
      %get3A_398 = arith.index_cast %scan3A_197 : i32 to index
      %get3A_399 = arith.constant 288 : index
      %get3A_400 = tpu.vector_load %arg7[%get3A_398, %get3A_399] {strides = array<i32>} : memref<48x512xf32, #tpu.memory_space<vmem>>, vector<1x16xf32>,
      %get3A_401 = vector.shape_cast %get3A_400 : vector<1x16xf32> to vector<16xf32>
      %get3A_402 = arith.index_cast %scan3A_197 : i32 to index
      %get3A_403 = arith.constant 288 : index
      %get3A_404 = tpu.vector_load %arg9[%get3A_402, %get3A_403] {strides = array<i32>} : memref<48x512xf32, #tpu.memory_space<vmem>>, vector<1x16xf32>,
      %get3A_405 = vector.shape_cast %get3A_404 : vector<1x16xf32> to vector<16xf32>
      %sub3A_406 = arith.subf %get3A_401, %get3A_405 : vector<16xf32>
      %mul3A_407 = arith.mulf %sub3A_406, %sub3A_406 : vector<16xf32>
      %add3A_408 = arith.addf %add3A_364, %mul3A_407 : vector<16xf32>
      %get3A_409 = arith.index_cast %scan3A_197 : i32 to index
      %get3A_410 = arith.constant 304 : index
      %get3A_411 = tpu.vector_load %arg7[%get3A_409, %get3A_410] {strides = array<i32>} : memref<48x512xf32, #tpu.memory_space<vmem>>, vector<1x16xf32>,
      %get3A_412 = vector.shape_cast %get3A_411 : vector<1x16xf32> to vector<16xf32>
      %get3A_413 = arith.index_cast %scan3A_197 : i32 to index
      %get3A_414 = arith.constant 304 : index
      %get3A_415 = tpu.vector_load %arg9[%get3A_413, %get3A_414] {strides = array<i32>} : memref<48x512xf32, #tpu.memory_space<vmem>>, vector<1x16xf32>,
      %get3A_416 = vector.shape_cast %get3A_415 : vector<1x16xf32> to vector<16xf32>
      %sub3A_417 = arith.subf %get3A_412, %get3A_416 : vector<16xf32>
      %mul3A_418 = arith.mulf %sub3A_417, %sub3A_417 : vector<16xf32>
      %add3A_419 = arith.addf %add3A_375, %mul3A_418 : vector<16xf32>
      %get3A_420 = arith.index_cast %scan3A_197 : i32 to index
      %get3A_421 = arith.constant 320 : index
      %get3A_422 = tpu.vector_load %arg7[%get3A_420, %get3A_421] {strides = array<i32>} : memref<48x512xf32, #tpu.memory_space<vmem>>, vector<1x16xf32>,
      %get3A_423 = vector.shape_cast %get3A_422 : vector<1x16xf32> to vector<16xf32>
      %get3A_424 = arith.index_cast %scan3A_197 : i32 to index
      %get3A_425 = arith.constant 320 : index
      %get3A_426 = tpu.vector_load %arg9[%get3A_424, %get3A_425] {strides = array<i32>} : memref<48x512xf32, #tpu.memory_space<vmem>>, vector<1x16xf32>,
      %get3A_427 = vector.shape_cast %get3A_426 : vector<1x16xf32> to vector<16xf32>
      %sub3A_428 = arith.subf %get3A_423, %get3A_427 : vector<16xf32>
      %mul3A_429 = arith.mulf %sub3A_428, %sub3A_428 : vector<16xf32>
      %add3A_430 = arith.addf %add3A_386, %mul3A_429 : vector<16xf32>
      %get3A_431 = arith.index_cast %scan3A_197 : i32 to index
      %get3A_432 = arith.constant 336 : index
      %get3A_433 = tpu.vector_load %arg7[%get3A_431, %get3A_432] {strides = array<i32>} : memref<48x512xf32, #tpu.memory_space<vmem>>, vector<1x16xf32>,
      %get3A_434 = vector.shape_cast %get3A_433 : vector<1x16xf32> to vector<16xf32>
      %get3A_435 = arith.index_cast %scan3A_197 : i32 to index
      %get3A_436 = arith.constant 336 : index
      %get3A_437 = tpu.vector_load %arg9[%get3A_435, %get3A_436] {strides = array<i32>} : memref<48x512xf32, #tpu.memory_space<vmem>>, vector<1x16xf32>,
      %get3A_438 = vector.shape_cast %get3A_437 : vector<1x16xf32> to vector<16xf32>
      %sub3A_439 = arith.subf %get3A_434, %get3A_438 : vector<16xf32>
      %mul3A_440 = arith.mulf %sub3A_439, %sub3A_439 : vector<16xf32>
      %add3A_441 = arith.addf %add3A_397, %mul3A_440 : vector<16xf32>
      %get3A_442 = arith.index_cast %scan3A_197 : i32 to index
      %get3A_443 = arith.constant 352 : index
      %get3A_444 = tpu.vector_load %arg7[%get3A_442, %get3A_443] {strides = array<i32>} : memref<48x512xf32, #tpu.memory_space<vmem>>, vector<1x16xf32>,
      %get3A_445 = vector.shape_cast %get3A_444 : vector<1x16xf32> to vector<16xf32>
      %get3A_446 = arith.index_cast %scan3A_197 : i32 to index
      %get3A_447 = arith.constant 352 : index
      %get3A_448 = tpu.vector_load %arg9[%get3A_446, %get3A_447] {strides = array<i32>} : memref<48x512xf32, #tpu.memory_space<vmem>>, vector<1x16xf32>,
      %get3A_449 = vector.shape_cast %get3A_448 : vector<1x16xf32> to vector<16xf32>
      %sub3A_450 = arith.subf %get3A_445, %get3A_449 : vector<16xf32>
      %mul3A_451 = arith.mulf %sub3A_450, %sub3A_450 : vector<16xf32>
      %add3A_452 = arith.addf %add3A_408, %mul3A_451 : vector<16xf32>
      %get3A_453 = arith.index_cast %scan3A_197 : i32 to index
      %get3A_454 = arith.constant 368 : index
      %get3A_455 = tpu.vector_load %arg7[%get3A_453, %get3A_454] {strides = array<i32>} : memref<48x512xf32, #tpu.memory_space<vmem>>, vector<1x16xf32>,
      %get3A_456 = vector.shape_cast %get3A_455 : vector<1x16xf32> to vector<16xf32>
      %get3A_457 = arith.index_cast %scan3A_197 : i32 to index
      %get3A_458 = arith.constant 368 : index
      %get3A_459 = tpu.vector_load %arg9[%get3A_457, %get3A_458] {strides = array<i32>} : memref<48x512xf32, #tpu.memory_space<vmem>>, vector<1x16xf32>,
      %get3A_460 = vector.shape_cast %get3A_459 : vector<1x16xf32> to vector<16xf32>
      %sub3A_461 = arith.subf %get3A_456, %get3A_460 : vector<16xf32>
      %mul3A_462 = arith.mulf %sub3A_461, %sub3A_461 : vector<16xf32>
      %add3A_463 = arith.addf %add3A_419, %mul3A_462 : vector<16xf32>
      %get3A_464 = arith.index_cast %scan3A_197 : i32 to index
      %get3A_465 = arith.constant 384 : index
      %get3A_466 = tpu.vector_load %arg7[%get3A_464, %get3A_465] {strides = array<i32>} : memref<48x512xf32, #tpu.memory_space<vmem>>, vector<1x16xf32>,
      %get3A_467 = vector.shape_cast %get3A_466 : vector<1x16xf32> to vector<16xf32>
      %get3A_468 = arith.index_cast %scan3A_197 : i32 to index
      %get3A_469 = arith.constant 384 : index
      %get3A_470 = tpu.vector_load %arg9[%get3A_468, %get3A_469] {strides = array<i32>} : memref<48x512xf32, #tpu.memory_space<vmem>>, vector<1x16xf32>,
      %get3A_471 = vector.shape_cast %get3A_470 : vector<1x16xf32> to vector<16xf32>
      %sub3A_472 = arith.subf %get3A_467, %get3A_471 : vector<16xf32>
      %mul3A_473 = arith.mulf %sub3A_472, %sub3A_472 : vector<16xf32>
      %add3A_474 = arith.addf %add3A_430, %mul3A_473 : vector<16xf32>
      %get3A_475 = arith.index_cast %scan3A_197 : i32 to index
      %get3A_476 = arith.constant 400 : index
      %get3A_477 = tpu.vector_load %arg7[%get3A_475, %get3A_476] {strides = array<i32>} : memref<48x512xf32, #tpu.memory_space<vmem>>, vector<1x16xf32>,
      %get3A_478 = vector.shape_cast %get3A_477 : vector<1x16xf32> to vector<16xf32>
      %get3A_479 = arith.index_cast %scan3A_197 : i32 to index
      %get3A_480 = arith.constant 400 : index
      %get3A_481 = tpu.vector_load %arg9[%get3A_479, %get3A_480] {strides = array<i32>} : memref<48x512xf32, #tpu.memory_space<vmem>>, vector<1x16xf32>,
      %get3A_482 = vector.shape_cast %get3A_481 : vector<1x16xf32> to vector<16xf32>
      %sub3A_483 = arith.subf %get3A_478, %get3A_482 : vector<16xf32>
      %mul3A_484 = arith.mulf %sub3A_483, %sub3A_483 : vector<16xf32>
      %add3A_485 = arith.addf %add3A_441, %mul3A_484 : vector<16xf32>
      %get3A_486 = arith.index_cast %scan3A_197 : i32 to index
      %get3A_487 = arith.constant 416 : index
      %get3A_488 = tpu.vector_load %arg7[%get3A_486, %get3A_487] {strides = array<i32>} : memref<48x512xf32, #tpu.memory_space<vmem>>, vector<1x16xf32>,
      %get3A_489 = vector.shape_cast %get3A_488 : vector<1x16xf32> to vector<16xf32>
      %get3A_490 = arith.index_cast %scan3A_197 : i32 to index
      %get3A_491 = arith.constant 416 : index
      %get3A_492 = tpu.vector_load %arg9[%get3A_490, %get3A_491] {strides = array<i32>} : memref<48x512xf32, #tpu.memory_space<vmem>>, vector<1x16xf32>,
      %get3A_493 = vector.shape_cast %get3A_492 : vector<1x16xf32> to vector<16xf32>
      %sub3A_494 = arith.subf %get3A_489, %get3A_493 : vector<16xf32>
      %mul3A_495 = arith.mulf %sub3A_494, %sub3A_494 : vector<16xf32>
      %add3A_496 = arith.addf %add3A_452, %mul3A_495 : vector<16xf32>
      %get3A_497 = arith.index_cast %scan3A_197 : i32 to index
      %get3A_498 = arith.constant 432 : index
      %get3A_499 = tpu.vector_load %arg7[%get3A_497, %get3A_498] {strides = array<i32>} : memref<48x512xf32, #tpu.memory_space<vmem>>, vector<1x16xf32>,
      %get3A_500 = vector.shape_cast %get3A_499 : vector<1x16xf32> to vector<16xf32>
      %get3A_501 = arith.index_cast %scan3A_197 : i32 to index
      %get3A_502 = arith.constant 432 : index
      %get3A_503 = tpu.vector_load %arg9[%get3A_501, %get3A_502] {strides = array<i32>} : memref<48x512xf32, #tpu.memory_space<vmem>>, vector<1x16xf32>,
      %get3A_504 = vector.shape_cast %get3A_503 : vector<1x16xf32> to vector<16xf32>
      %sub3A_505 = arith.subf %get3A_500, %get3A_504 : vector<16xf32>
      %mul3A_506 = arith.mulf %sub3A_505, %sub3A_505 : vector<16xf32>
      %add3A_507 = arith.addf %add3A_463, %mul3A_506 : vector<16xf32>
      %get3A_508 = arith.index_cast %scan3A_197 : i32 to index
      %get3A_509 = arith.constant 448 : index
      %get3A_510 = tpu.vector_load %arg7[%get3A_508, %get3A_509] {strides = array<i32>} : memref<48x512xf32, #tpu.memory_space<vmem>>, vector<1x16xf32>,
      %get3A_511 = vector.shape_cast %get3A_510 : vector<1x16xf32> to vector<16xf32>
      %get3A_512 = arith.index_cast %scan3A_197 : i32 to index
      %get3A_513 = arith.constant 448 : index
      %get3A_514 = tpu.vector_load %arg9[%get3A_512, %get3A_513] {strides = array<i32>} : memref<48x512xf32, #tpu.memory_space<vmem>>, vector<1x16xf32>,
      %get3A_515 = vector.shape_cast %get3A_514 : vector<1x16xf32> to vector<16xf32>
      %sub3A_516 = arith.subf %get3A_511, %get3A_515 : vector<16xf32>
      %mul3A_517 = arith.mulf %sub3A_516, %sub3A_516 : vector<16xf32>
      %add3A_518 = arith.addf %add3A_474, %mul3A_517 : vector<16xf32>
      %get3A_519 = arith.index_cast %scan3A_197 : i32 to index
      %get3A_520 = arith.constant 464 : index
      %get3A_521 = tpu.vector_load %arg7[%get3A_519, %get3A_520] {strides = array<i32>} : memref<48x512xf32, #tpu.memory_space<vmem>>, vector<1x16xf32>,
      %get3A_522 = vector.shape_cast %get3A_521 : vector<1x16xf32> to vector<16xf32>
      %get3A_523 = arith.index_cast %scan3A_197 : i32 to index
      %get3A_524 = arith.constant 464 : index
      %get3A_525 = tpu.vector_load %arg9[%get3A_523, %get3A_524] {strides = array<i32>} : memref<48x512xf32, #tpu.memory_space<vmem>>, vector<1x16xf32>,
      %get3A_526 = vector.shape_cast %get3A_525 : vector<1x16xf32> to vector<16xf32>
      %sub3A_527 = arith.subf %get3A_522, %get3A_526 : vector<16xf32>
      %mul3A_528 = arith.mulf %sub3A_527, %sub3A_527 : vector<16xf32>
      %add3A_529 = arith.addf %add3A_485, %mul3A_528 : vector<16xf32>
      %get3A_530 = arith.index_cast %scan3A_197 : i32 to index
      %get3A_531 = arith.constant 480 : index
      %get3A_532 = tpu.vector_load %arg7[%get3A_530, %get3A_531] {strides = array<i32>} : memref<48x512xf32, #tpu.memory_space<vmem>>, vector<1x16xf32>,
      %get3A_533 = vector.shape_cast %get3A_532 : vector<1x16xf32> to vector<16xf32>
      %get3A_534 = arith.index_cast %scan3A_197 : i32 to index
      %get3A_535 = arith.constant 480 : index
      %get3A_536 = tpu.vector_load %arg9[%get3A_534, %get3A_535] {strides = array<i32>} : memref<48x512xf32, #tpu.memory_space<vmem>>, vector<1x16xf32>,
      %get3A_537 = vector.shape_cast %get3A_536 : vector<1x16xf32> to vector<16xf32>
      %sub3A_538 = arith.subf %get3A_533, %get3A_537 : vector<16xf32>
      %mul3A_539 = arith.mulf %sub3A_538, %sub3A_538 : vector<16xf32>
      %add3A_540 = arith.addf %add3A_496, %mul3A_539 : vector<16xf32>
      %get3A_541 = arith.index_cast %scan3A_197 : i32 to index
      %get3A_542 = arith.constant 496 : index
      %get3A_543 = tpu.vector_load %arg7[%get3A_541, %get3A_542] {strides = array<i32>} : memref<48x512xf32, #tpu.memory_space<vmem>>, vector<1x16xf32>,
      %get3A_544 = vector.shape_cast %get3A_543 : vector<1x16xf32> to vector<16xf32>
      %get3A_545 = arith.index_cast %scan3A_197 : i32 to index
      %get3A_546 = arith.constant 496 : index
      %get3A_547 = tpu.vector_load %arg9[%get3A_545, %get3A_546] {strides = array<i32>} : memref<48x512xf32, #tpu.memory_space<vmem>>, vector<1x16xf32>,
      %get3A_548 = vector.shape_cast %get3A_547 : vector<1x16xf32> to vector<16xf32>
      %sub3A_549 = arith.subf %get3A_544, %get3A_548 : vector<16xf32>
      %mul3A_550 = arith.mulf %sub3A_549, %sub3A_549 : vector<16xf32>
      %add3A_551 = arith.addf %add3A_507, %mul3A_550 : vector<16xf32>
      scf.yield %add3A_518, %add3A_529, %add3A_540, %add3A_551 : vector<16xf32>, vector<16xf32>, vector<16xf32>, vector<16xf32>
    }
    %scan3A_43 = arith.constant 48 : i32
    %add3A_44 = arith.constant 96 : i32
    %add3A_45 = arith.addi %mul3A_2, %add3A_44 : i32
    %dma_start3A_46 = arith.constant 0 : i32
    %dma_start3A_47 = tpu.memref_slice %arg2[%add3A_45, %dma_start3A_46] : memref<16384x512xf32, #tpu.memory_space<hbm>> -> memref<48x512xf32, #tpu.memory_space<hbm>>
    %dma_start3A_48 = arith.constant 0 : i32
    %dma_start3A_49 = tpu.memref_slice %arg2[%add3A_45, %dma_start3A_48] : memref<16384x512xf32, #tpu.memory_space<hbm>> -> memref<48x512xf32, #tpu.memory_space<hbm>>
    tpu.enqueue_dma source(%dma_start3A_49 : memref<48x512xf32, #tpu.memory_space<hbm>>) target(%arg7 : memref<48x512xf32, #tpu.memory_space<vmem>>) target_semaphore(%arg12 : memref<!tpu.dma_semaphore, #tpu.memory_space<semaphore_mem>>)
    %dma_start3A_50 = arith.constant 96 : i32
    %dma_start3A_51 = tpu.memref_slice %arg6[%dma_start3A_50] : memref<336xi32, #tpu.memory_space<vmem>> -> memref<48xi32, #tpu.memory_space<vmem>>
    %dma_start3A_52 = arith.constant 0 : i32
    %dma_start3A_53 = arith.constant 0 : i32
    %dma_start3A_54 = tpu.memref_slice %arg4[%dma_start3A_52, %dma_start3A_53] : memref<10000x512xf32, #tpu.memory_space<hbm>> -> memref<10000x512xf32, #tpu.memory_space<hbm>>
    tpu.enqueue_indirect_dma source(%dma_start3A_54 : memref<10000x512xf32, #tpu.memory_space<hbm>>) target(%arg9 : memref<48x512xf32, #tpu.memory_space<vmem>>) offsets(%dma_start3A_51 : memref<48xi32, #tpu.memory_space<vmem>>) semaphore(%arg14 : memref<!tpu.dma_semaphore, #tpu.memory_space<semaphore_mem>>)
    %dma_wait3A_55 = arith.constant 0 : i32
    %dma_wait3A_56 = tpu.memref_slice %arg2[%add3A_21, %dma_wait3A_55] : memref<16384x512xf32, #tpu.memory_space<hbm>> -> memref<48x512xf32, #tpu.memory_space<hbm>>
    %dma_wait3A_57 = arith.constant 0 : i32
    %dma_wait3A_58 = tpu.memref_slice %arg2[%add3A_21, %dma_wait3A_57] : memref<16384x512xf32, #tpu.memory_space<hbm>> -> memref<48x512xf32, #tpu.memory_space<hbm>>
    tpu.wait_dma2 semaphore(%arg13 : memref<!tpu.dma_semaphore, #tpu.memory_space<semaphore_mem>>) src(%dma_wait3A_58 : memref<48x512xf32, #tpu.memory_space<hbm>>) dst(%arg8 : memref<48x512xf32, #tpu.memory_space<vmem>>)
    %dma_wait3A_59 = arith.constant 48 : i32
    %dma_wait3A_60 = tpu.memref_slice %arg6[%dma_wait3A_59] : memref<336xi32, #tpu.memory_space<vmem>> -> memref<48xi32, #tpu.memory_space<vmem>>
    %dma_wait3A_61 = arith.constant 0 : i32
    %dma_wait3A_62 = arith.constant 0 : i32
    %dma_wait3A_63 = tpu.memref_slice %arg4[%dma_wait3A_61, %dma_wait3A_62] : memref<10000x512xf32, #tpu.memory_space<hbm>> -> memref<10000x512xf32, #tpu.memory_space<hbm>>
    tpu.wait_indirect_dma semaphore(%arg15 : memref<!tpu.dma_semaphore, #tpu.memory_space<semaphore_mem>>) src(%dma_wait3A_63 : memref<10000x512xf32, #tpu.memory_space<hbm>>) dst(%arg10 : memref<48x512xf32, #tpu.memory_space<vmem>>)
    %scan3A_64 = arith.constant 0 : i32
    %scan3A_65 = arith.constant 48 : i32
    %scan3A_66 = arith.addi %scan3A_64, %scan3A_65 : i32
    %scan3A_67 = arith.constant 1 : i32
    %scan3A_68:4 = scf.for %scan3A_197 = %scan3A_64 to %scan3A_66 step %scan3A_67 iter_args(%scan3A_198 = %scan3A_42#0, %scan3A_199 = %scan3A_42#1, %scan3A_200 = %scan3A_42#2, %scan3A_201 = %scan3A_42#3) -> (vector<16xf32>, vector<16xf32>, vector<16xf32>, vector<16xf32>)  : i32 {
      %get3A = arith.index_cast %scan3A_197 : i32 to index
      %get3A_202 = arith.constant 0 : index
      %get3A_203 = tpu.vector_load %arg8[%get3A, %get3A_202] {strides = array<i32>} : memref<48x512xf32, #tpu.memory_space<vmem>>, vector<1x16xf32>,
      %get3A_204 = vector.shape_cast %get3A_203 : vector<1x16xf32> to vector<16xf32>
      %get3A_205 = arith.index_cast %scan3A_197 : i32 to index
      %get3A_206 = arith.constant 0 : index
      %get3A_207 = tpu.vector_load %arg10[%get3A_205, %get3A_206] {strides = array<i32>} : memref<48x512xf32, #tpu.memory_space<vmem>>, vector<1x16xf32>,
      %get3A_208 = vector.shape_cast %get3A_207 : vector<1x16xf32> to vector<16xf32>
      %sub3A = arith.subf %get3A_204, %get3A_208 : vector<16xf32>
      %mul3A_209 = arith.mulf %sub3A, %sub3A : vector<16xf32>
      %add3A_210 = arith.addf %scan3A_198, %mul3A_209 : vector<16xf32>
      %get3A_211 = arith.index_cast %scan3A_197 : i32 to index
      %get3A_212 = arith.constant 16 : index
      %get3A_213 = tpu.vector_load %arg8[%get3A_211, %get3A_212] {strides = array<i32>} : memref<48x512xf32, #tpu.memory_space<vmem>>, vector<1x16xf32>,
      %get3A_214 = vector.shape_cast %get3A_213 : vector<1x16xf32> to vector<16xf32>
      %get3A_215 = arith.index_cast %scan3A_197 : i32 to index
      %get3A_216 = arith.constant 16 : index
      %get3A_217 = tpu.vector_load %arg10[%get3A_215, %get3A_216] {strides = array<i32>} : memref<48x512xf32, #tpu.memory_space<vmem>>, vector<1x16xf32>,
      %get3A_218 = vector.shape_cast %get3A_217 : vector<1x16xf32> to vector<16xf32>
      %sub3A_219 = arith.subf %get3A_214, %get3A_218 : vector<16xf32>
      %mul3A_220 = arith.mulf %sub3A_219, %sub3A_219 : vector<16xf32>
      %add3A_221 = arith.addf %scan3A_199, %mul3A_220 : vector<16xf32>
      %get3A_222 = arith.index_cast %scan3A_197 : i32 to index
      %get3A_223 = arith.constant 32 : index
      %get3A_224 = tpu.vector_load %arg8[%get3A_222, %get3A_223] {strides = array<i32>} : memref<48x512xf32, #tpu.memory_space<vmem>>, vector<1x16xf32>,
      %get3A_225 = vector.shape_cast %get3A_224 : vector<1x16xf32> to vector<16xf32>
      %get3A_226 = arith.index_cast %scan3A_197 : i32 to index
      %get3A_227 = arith.constant 32 : index
      %get3A_228 = tpu.vector_load %arg10[%get3A_226, %get3A_227] {strides = array<i32>} : memref<48x512xf32, #tpu.memory_space<vmem>>, vector<1x16xf32>,
      %get3A_229 = vector.shape_cast %get3A_228 : vector<1x16xf32> to vector<16xf32>
      %sub3A_230 = arith.subf %get3A_225, %get3A_229 : vector<16xf32>
      %mul3A_231 = arith.mulf %sub3A_230, %sub3A_230 : vector<16xf32>
      %add3A_232 = arith.addf %scan3A_200, %mul3A_231 : vector<16xf32>
      %get3A_233 = arith.index_cast %scan3A_197 : i32 to index
      %get3A_234 = arith.constant 48 : index
      %get3A_235 = tpu.vector_load %arg8[%get3A_233, %get3A_234] {strides = array<i32>} : memref<48x512xf32, #tpu.memory_space<vmem>>, vector<1x16xf32>,
      %get3A_236 = vector.shape_cast %get3A_235 : vector<1x16xf32> to vector<16xf32>
      %get3A_237 = arith.index_cast %scan3A_197 : i32 to index
      %get3A_238 = arith.constant 48 : index
      %get3A_239 = tpu.vector_load %arg10[%get3A_237, %get3A_238] {strides = array<i32>} : memref<48x512xf32, #tpu.memory_space<vmem>>, vector<1x16xf32>,
      %get3A_240 = vector.shape_cast %get3A_239 : vector<1x16xf32> to vector<16xf32>
      %sub3A_241 = arith.subf %get3A_236, %get3A_240 : vector<16xf32>
      %mul3A_242 = arith.mulf %sub3A_241, %sub3A_241 : vector<16xf32>
      %add3A_243 = arith.addf %scan3A_201, %mul3A_242 : vector<16xf32>
      %get3A_244 = arith.index_cast %scan3A_197 : i32 to index
      %get3A_245 = arith.constant 64 : index
      %get3A_246 = tpu.vector_load %arg8[%get3A_244, %get3A_245] {strides = array<i32>} : memref<48x512xf32, #tpu.memory_space<vmem>>, vector<1x16xf32>,
      %get3A_247 = vector.shape_cast %get3A_246 : vector<1x16xf32> to vector<16xf32>
      %get3A_248 = arith.index_cast %scan3A_197 : i32 to index
      %get3A_249 = arith.constant 64 : index
      %get3A_250 = tpu.vector_load %arg10[%get3A_248, %get3A_249] {strides = array<i32>} : memref<48x512xf32, #tpu.memory_space<vmem>>, vector<1x16xf32>,
      %get3A_251 = vector.shape_cast %get3A_250 : vector<1x16xf32> to vector<16xf32>
      %sub3A_252 = arith.subf %get3A_247, %get3A_251 : vector<16xf32>
      %mul3A_253 = arith.mulf %sub3A_252, %sub3A_252 : vector<16xf32>
      %add3A_254 = arith.addf %add3A_210, %mul3A_253 : vector<16xf32>
      %get3A_255 = arith.index_cast %scan3A_197 : i32 to index
      %get3A_256 = arith.constant 80 : index
      %get3A_257 = tpu.vector_load %arg8[%get3A_255, %get3A_256] {strides = array<i32>} : memref<48x512xf32, #tpu.memory_space<vmem>>, vector<1x16xf32>,
      %get3A_258 = vector.shape_cast %get3A_257 : vector<1x16xf32> to vector<16xf32>
      %get3A_259 = arith.index_cast %scan3A_197 : i32 to index
      %get3A_260 = arith.constant 80 : index
      %get3A_261 = tpu.vector_load %arg10[%get3A_259, %get3A_260] {strides = array<i32>} : memref<48x512xf32, #tpu.memory_space<vmem>>, vector<1x16xf32>,
      %get3A_262 = vector.shape_cast %get3A_261 : vector<1x16xf32> to vector<16xf32>
      %sub3A_263 = arith.subf %get3A_258, %get3A_262 : vector<16xf32>
      %mul3A_264 = arith.mulf %sub3A_263, %sub3A_263 : vector<16xf32>
      %add3A_265 = arith.addf %add3A_221, %mul3A_264 : vector<16xf32>
      %get3A_266 = arith.index_cast %scan3A_197 : i32 to index
      %get3A_267 = arith.constant 96 : index
      %get3A_268 = tpu.vector_load %arg8[%get3A_266, %get3A_267] {strides = array<i32>} : memref<48x512xf32, #tpu.memory_space<vmem>>, vector<1x16xf32>,
      %get3A_269 = vector.shape_cast %get3A_268 : vector<1x16xf32> to vector<16xf32>
      %get3A_270 = arith.index_cast %scan3A_197 : i32 to index
      %get3A_271 = arith.constant 96 : index
      %get3A_272 = tpu.vector_load %arg10[%get3A_270, %get3A_271] {strides = array<i32>} : memref<48x512xf32, #tpu.memory_space<vmem>>, vector<1x16xf32>,
      %get3A_273 = vector.shape_cast %get3A_272 : vector<1x16xf32> to vector<16xf32>
      %sub3A_274 = arith.subf %get3A_269, %get3A_273 : vector<16xf32>
      %mul3A_275 = arith.mulf %sub3A_274, %sub3A_274 : vector<16xf32>
      %add3A_276 = arith.addf %add3A_232, %mul3A_275 : vector<16xf32>
      %get3A_277 = arith.index_cast %scan3A_197 : i32 to index
      %get3A_278 = arith.constant 112 : index
      %get3A_279 = tpu.vector_load %arg8[%get3A_277, %get3A_278] {strides = array<i32>} : memref<48x512xf32, #tpu.memory_space<vmem>>, vector<1x16xf32>,
      %get3A_280 = vector.shape_cast %get3A_279 : vector<1x16xf32> to vector<16xf32>
      %get3A_281 = arith.index_cast %scan3A_197 : i32 to index
      %get3A_282 = arith.constant 112 : index
      %get3A_283 = tpu.vector_load %arg10[%get3A_281, %get3A_282] {strides = array<i32>} : memref<48x512xf32, #tpu.memory_space<vmem>>, vector<1x16xf32>,
      %get3A_284 = vector.shape_cast %get3A_283 : vector<1x16xf32> to vector<16xf32>
      %sub3A_285 = arith.subf %get3A_280, %get3A_284 : vector<16xf32>
      %mul3A_286 = arith.mulf %sub3A_285, %sub3A_285 : vector<16xf32>
      %add3A_287 = arith.addf %add3A_243, %mul3A_286 : vector<16xf32>
      %get3A_288 = arith.index_cast %scan3A_197 : i32 to index
      %get3A_289 = arith.constant 128 : index
      %get3A_290 = tpu.vector_load %arg8[%get3A_288, %get3A_289] {strides = array<i32>} : memref<48x512xf32, #tpu.memory_space<vmem>>, vector<1x16xf32>,
      %get3A_291 = vector.shape_cast %get3A_290 : vector<1x16xf32> to vector<16xf32>
      %get3A_292 = arith.index_cast %scan3A_197 : i32 to index
      %get3A_293 = arith.constant 128 : index
      %get3A_294 = tpu.vector_load %arg10[%get3A_292, %get3A_293] {strides = array<i32>} : memref<48x512xf32, #tpu.memory_space<vmem>>, vector<1x16xf32>,
      %get3A_295 = vector.shape_cast %get3A_294 : vector<1x16xf32> to vector<16xf32>
      %sub3A_296 = arith.subf %get3A_291, %get3A_295 : vector<16xf32>
      %mul3A_297 = arith.mulf %sub3A_296, %sub3A_296 : vector<16xf32>
      %add3A_298 = arith.addf %add3A_254, %mul3A_297 : vector<16xf32>
      %get3A_299 = arith.index_cast %scan3A_197 : i32 to index
      %get3A_300 = arith.constant 144 : index
      %get3A_301 = tpu.vector_load %arg8[%get3A_299, %get3A_300] {strides = array<i32>} : memref<48x512xf32, #tpu.memory_space<vmem>>, vector<1x16xf32>,
      %get3A_302 = vector.shape_cast %get3A_301 : vector<1x16xf32> to vector<16xf32>
      %get3A_303 = arith.index_cast %scan3A_197 : i32 to index
      %get3A_304 = arith.constant 144 : index
      %get3A_305 = tpu.vector_load %arg10[%get3A_303, %get3A_304] {strides = array<i32>} : memref<48x512xf32, #tpu.memory_space<vmem>>, vector<1x16xf32>,
      %get3A_306 = vector.shape_cast %get3A_305 : vector<1x16xf32> to vector<16xf32>
      %sub3A_307 = arith.subf %get3A_302, %get3A_306 : vector<16xf32>
      %mul3A_308 = arith.mulf %sub3A_307, %sub3A_307 : vector<16xf32>
      %add3A_309 = arith.addf %add3A_265, %mul3A_308 : vector<16xf32>
      %get3A_310 = arith.index_cast %scan3A_197 : i32 to index
      %get3A_311 = arith.constant 160 : index
      %get3A_312 = tpu.vector_load %arg8[%get3A_310, %get3A_311] {strides = array<i32>} : memref<48x512xf32, #tpu.memory_space<vmem>>, vector<1x16xf32>,
      %get3A_313 = vector.shape_cast %get3A_312 : vector<1x16xf32> to vector<16xf32>
      %get3A_314 = arith.index_cast %scan3A_197 : i32 to index
      %get3A_315 = arith.constant 160 : index
      %get3A_316 = tpu.vector_load %arg10[%get3A_314, %get3A_315] {strides = array<i32>} : memref<48x512xf32, #tpu.memory_space<vmem>>, vector<1x16xf32>,
      %get3A_317 = vector.shape_cast %get3A_316 : vector<1x16xf32> to vector<16xf32>
      %sub3A_318 = arith.subf %get3A_313, %get3A_317 : vector<16xf32>
      %mul3A_319 = arith.mulf %sub3A_318, %sub3A_318 : vector<16xf32>
      %add3A_320 = arith.addf %add3A_276, %mul3A_319 : vector<16xf32>
      %get3A_321 = arith.index_cast %scan3A_197 : i32 to index
      %get3A_322 = arith.constant 176 : index
      %get3A_323 = tpu.vector_load %arg8[%get3A_321, %get3A_322] {strides = array<i32>} : memref<48x512xf32, #tpu.memory_space<vmem>>, vector<1x16xf32>,
      %get3A_324 = vector.shape_cast %get3A_323 : vector<1x16xf32> to vector<16xf32>
      %get3A_325 = arith.index_cast %scan3A_197 : i32 to index
      %get3A_326 = arith.constant 176 : index
      %get3A_327 = tpu.vector_load %arg10[%get3A_325, %get3A_326] {strides = array<i32>} : memref<48x512xf32, #tpu.memory_space<vmem>>, vector<1x16xf32>,
      %get3A_328 = vector.shape_cast %get3A_327 : vector<1x16xf32> to vector<16xf32>
      %sub3A_329 = arith.subf %get3A_324, %get3A_328 : vector<16xf32>
      %mul3A_330 = arith.mulf %sub3A_329, %sub3A_329 : vector<16xf32>
      %add3A_331 = arith.addf %add3A_287, %mul3A_330 : vector<16xf32>
      %get3A_332 = arith.index_cast %scan3A_197 : i32 to index
      %get3A_333 = arith.constant 192 : index
      %get3A_334 = tpu.vector_load %arg8[%get3A_332, %get3A_333] {strides = array<i32>} : memref<48x512xf32, #tpu.memory_space<vmem>>, vector<1x16xf32>,
      %get3A_335 = vector.shape_cast %get3A_334 : vector<1x16xf32> to vector<16xf32>
      %get3A_336 = arith.index_cast %scan3A_197 : i32 to index
      %get3A_337 = arith.constant 192 : index
      %get3A_338 = tpu.vector_load %arg10[%get3A_336, %get3A_337] {strides = array<i32>} : memref<48x512xf32, #tpu.memory_space<vmem>>, vector<1x16xf32>,
      %get3A_339 = vector.shape_cast %get3A_338 : vector<1x16xf32> to vector<16xf32>
      %sub3A_340 = arith.subf %get3A_335, %get3A_339 : vector<16xf32>
      %mul3A_341 = arith.mulf %sub3A_340, %sub3A_340 : vector<16xf32>
      %add3A_342 = arith.addf %add3A_298, %mul3A_341 : vector<16xf32>
      %get3A_343 = arith.index_cast %scan3A_197 : i32 to index
      %get3A_344 = arith.constant 208 : index
      %get3A_345 = tpu.vector_load %arg8[%get3A_343, %get3A_344] {strides = array<i32>} : memref<48x512xf32, #tpu.memory_space<vmem>>, vector<1x16xf32>,
      %get3A_346 = vector.shape_cast %get3A_345 : vector<1x16xf32> to vector<16xf32>
      %get3A_347 = arith.index_cast %scan3A_197 : i32 to index
      %get3A_348 = arith.constant 208 : index
      %get3A_349 = tpu.vector_load %arg10[%get3A_347, %get3A_348] {strides = array<i32>} : memref<48x512xf32, #tpu.memory_space<vmem>>, vector<1x16xf32>,
      %get3A_350 = vector.shape_cast %get3A_349 : vector<1x16xf32> to vector<16xf32>
      %sub3A_351 = arith.subf %get3A_346, %get3A_350 : vector<16xf32>
      %mul3A_352 = arith.mulf %sub3A_351, %sub3A_351 : vector<16xf32>
      %add3A_353 = arith.addf %add3A_309, %mul3A_352 : vector<16xf32>
      %get3A_354 = arith.index_cast %scan3A_197 : i32 to index
      %get3A_355 = arith.constant 224 : index
      %get3A_356 = tpu.vector_load %arg8[%get3A_354, %get3A_355] {strides = array<i32>} : memref<48x512xf32, #tpu.memory_space<vmem>>, vector<1x16xf32>,
      %get3A_357 = vector.shape_cast %get3A_356 : vector<1x16xf32> to vector<16xf32>
      %get3A_358 = arith.index_cast %scan3A_197 : i32 to index
      %get3A_359 = arith.constant 224 : index
      %get3A_360 = tpu.vector_load %arg10[%get3A_358, %get3A_359] {strides = array<i32>} : memref<48x512xf32, #tpu.memory_space<vmem>>, vector<1x16xf32>,
      %get3A_361 = vector.shape_cast %get3A_360 : vector<1x16xf32> to vector<16xf32>
      %sub3A_362 = arith.subf %get3A_357, %get3A_361 : vector<16xf32>
      %mul3A_363 = arith.mulf %sub3A_362, %sub3A_362 : vector<16xf32>
      %add3A_364 = arith.addf %add3A_320, %mul3A_363 : vector<16xf32>
      %get3A_365 = arith.index_cast %scan3A_197 : i32 to index
      %get3A_366 = arith.constant 240 : index
      %get3A_367 = tpu.vector_load %arg8[%get3A_365, %get3A_366] {strides = array<i32>} : memref<48x512xf32, #tpu.memory_space<vmem>>, vector<1x16xf32>,
      %get3A_368 = vector.shape_cast %get3A_367 : vector<1x16xf32> to vector<16xf32>
      %get3A_369 = arith.index_cast %scan3A_197 : i32 to index
      %get3A_370 = arith.constant 240 : index
      %get3A_371 = tpu.vector_load %arg10[%get3A_369, %get3A_370] {strides = array<i32>} : memref<48x512xf32, #tpu.memory_space<vmem>>, vector<1x16xf32>,
      %get3A_372 = vector.shape_cast %get3A_371 : vector<1x16xf32> to vector<16xf32>
      %sub3A_373 = arith.subf %get3A_368, %get3A_372 : vector<16xf32>
      %mul3A_374 = arith.mulf %sub3A_373, %sub3A_373 : vector<16xf32>
      %add3A_375 = arith.addf %add3A_331, %mul3A_374 : vector<16xf32>
      %get3A_376 = arith.index_cast %scan3A_197 : i32 to index
      %get3A_377 = arith.constant 256 : index
      %get3A_378 = tpu.vector_load %arg8[%get3A_376, %get3A_377] {strides = array<i32>} : memref<48x512xf32, #tpu.memory_space<vmem>>, vector<1x16xf32>,
      %get3A_379 = vector.shape_cast %get3A_378 : vector<1x16xf32> to vector<16xf32>
      %get3A_380 = arith.index_cast %scan3A_197 : i32 to index
      %get3A_381 = arith.constant 256 : index
      %get3A_382 = tpu.vector_load %arg10[%get3A_380, %get3A_381] {strides = array<i32>} : memref<48x512xf32, #tpu.memory_space<vmem>>, vector<1x16xf32>,
      %get3A_383 = vector.shape_cast %get3A_382 : vector<1x16xf32> to vector<16xf32>
      %sub3A_384 = arith.subf %get3A_379, %get3A_383 : vector<16xf32>
      %mul3A_385 = arith.mulf %sub3A_384, %sub3A_384 : vector<16xf32>
      %add3A_386 = arith.addf %add3A_342, %mul3A_385 : vector<16xf32>
      %get3A_387 = arith.index_cast %scan3A_197 : i32 to index
      %get3A_388 = arith.constant 272 : index
      %get3A_389 = tpu.vector_load %arg8[%get3A_387, %get3A_388] {strides = array<i32>} : memref<48x512xf32, #tpu.memory_space<vmem>>, vector<1x16xf32>,
      %get3A_390 = vector.shape_cast %get3A_389 : vector<1x16xf32> to vector<16xf32>
      %get3A_391 = arith.index_cast %scan3A_197 : i32 to index
      %get3A_392 = arith.constant 272 : index
      %get3A_393 = tpu.vector_load %arg10[%get3A_391, %get3A_392] {strides = array<i32>} : memref<48x512xf32, #tpu.memory_space<vmem>>, vector<1x16xf32>,
      %get3A_394 = vector.shape_cast %get3A_393 : vector<1x16xf32> to vector<16xf32>
      %sub3A_395 = arith.subf %get3A_390, %get3A_394 : vector<16xf32>
      %mul3A_396 = arith.mulf %sub3A_395, %sub3A_395 : vector<16xf32>
      %add3A_397 = arith.addf %add3A_353, %mul3A_396 : vector<16xf32>
      %get3A_398 = arith.index_cast %scan3A_197 : i32 to index
      %get3A_399 = arith.constant 288 : index
      %get3A_400 = tpu.vector_load %arg8[%get3A_398, %get3A_399] {strides = array<i32>} : memref<48x512xf32, #tpu.memory_space<vmem>>, vector<1x16xf32>,
      %get3A_401 = vector.shape_cast %get3A_400 : vector<1x16xf32> to vector<16xf32>
      %get3A_402 = arith.index_cast %scan3A_197 : i32 to index
      %get3A_403 = arith.constant 288 : index
      %get3A_404 = tpu.vector_load %arg10[%get3A_402, %get3A_403] {strides = array<i32>} : memref<48x512xf32, #tpu.memory_space<vmem>>, vector<1x16xf32>,
      %get3A_405 = vector.shape_cast %get3A_404 : vector<1x16xf32> to vector<16xf32>
      %sub3A_406 = arith.subf %get3A_401, %get3A_405 : vector<16xf32>
      %mul3A_407 = arith.mulf %sub3A_406, %sub3A_406 : vector<16xf32>
      %add3A_408 = arith.addf %add3A_364, %mul3A_407 : vector<16xf32>
      %get3A_409 = arith.index_cast %scan3A_197 : i32 to index
      %get3A_410 = arith.constant 304 : index
      %get3A_411 = tpu.vector_load %arg8[%get3A_409, %get3A_410] {strides = array<i32>} : memref<48x512xf32, #tpu.memory_space<vmem>>, vector<1x16xf32>,
      %get3A_412 = vector.shape_cast %get3A_411 : vector<1x16xf32> to vector<16xf32>
      %get3A_413 = arith.index_cast %scan3A_197 : i32 to index
      %get3A_414 = arith.constant 304 : index
      %get3A_415 = tpu.vector_load %arg10[%get3A_413, %get3A_414] {strides = array<i32>} : memref<48x512xf32, #tpu.memory_space<vmem>>, vector<1x16xf32>,
      %get3A_416 = vector.shape_cast %get3A_415 : vector<1x16xf32> to vector<16xf32>
      %sub3A_417 = arith.subf %get3A_412, %get3A_416 : vector<16xf32>
      %mul3A_418 = arith.mulf %sub3A_417, %sub3A_417 : vector<16xf32>
      %add3A_419 = arith.addf %add3A_375, %mul3A_418 : vector<16xf32>
      %get3A_420 = arith.index_cast %scan3A_197 : i32 to index
      %get3A_421 = arith.constant 320 : index
      %get3A_422 = tpu.vector_load %arg8[%get3A_420, %get3A_421] {strides = array<i32>} : memref<48x512xf32, #tpu.memory_space<vmem>>, vector<1x16xf32>,
      %get3A_423 = vector.shape_cast %get3A_422 : vector<1x16xf32> to vector<16xf32>
      %get3A_424 = arith.index_cast %scan3A_197 : i32 to index
      %get3A_425 = arith.constant 320 : index
      %get3A_426 = tpu.vector_load %arg10[%get3A_424, %get3A_425] {strides = array<i32>} : memref<48x512xf32, #tpu.memory_space<vmem>>, vector<1x16xf32>,
      %get3A_427 = vector.shape_cast %get3A_426 : vector<1x16xf32> to vector<16xf32>
      %sub3A_428 = arith.subf %get3A_423, %get3A_427 : vector<16xf32>
      %mul3A_429 = arith.mulf %sub3A_428, %sub3A_428 : vector<16xf32>
      %add3A_430 = arith.addf %add3A_386, %mul3A_429 : vector<16xf32>
      %get3A_431 = arith.index_cast %scan3A_197 : i32 to index
      %get3A_432 = arith.constant 336 : index
      %get3A_433 = tpu.vector_load %arg8[%get3A_431, %get3A_432] {strides = array<i32>} : memref<48x512xf32, #tpu.memory_space<vmem>>, vector<1x16xf32>,
      %get3A_434 = vector.shape_cast %get3A_433 : vector<1x16xf32> to vector<16xf32>
      %get3A_435 = arith.index_cast %scan3A_197 : i32 to index
      %get3A_436 = arith.constant 336 : index
      %get3A_437 = tpu.vector_load %arg10[%get3A_435, %get3A_436] {strides = array<i32>} : memref<48x512xf32, #tpu.memory_space<vmem>>, vector<1x16xf32>,
      %get3A_438 = vector.shape_cast %get3A_437 : vector<1x16xf32> to vector<16xf32>
      %sub3A_439 = arith.subf %get3A_434, %get3A_438 : vector<16xf32>
      %mul3A_440 = arith.mulf %sub3A_439, %sub3A_439 : vector<16xf32>
      %add3A_441 = arith.addf %add3A_397, %mul3A_440 : vector<16xf32>
      %get3A_442 = arith.index_cast %scan3A_197 : i32 to index
      %get3A_443 = arith.constant 352 : index
      %get3A_444 = tpu.vector_load %arg8[%get3A_442, %get3A_443] {strides = array<i32>} : memref<48x512xf32, #tpu.memory_space<vmem>>, vector<1x16xf32>,
      %get3A_445 = vector.shape_cast %get3A_444 : vector<1x16xf32> to vector<16xf32>
      %get3A_446 = arith.index_cast %scan3A_197 : i32 to index
      %get3A_447 = arith.constant 352 : index
      %get3A_448 = tpu.vector_load %arg10[%get3A_446, %get3A_447] {strides = array<i32>} : memref<48x512xf32, #tpu.memory_space<vmem>>, vector<1x16xf32>,
      %get3A_449 = vector.shape_cast %get3A_448 : vector<1x16xf32> to vector<16xf32>
      %sub3A_450 = arith.subf %get3A_445, %get3A_449 : vector<16xf32>
      %mul3A_451 = arith.mulf %sub3A_450, %sub3A_450 : vector<16xf32>
      %add3A_452 = arith.addf %add3A_408, %mul3A_451 : vector<16xf32>
      %get3A_453 = arith.index_cast %scan3A_197 : i32 to index
      %get3A_454 = arith.constant 368 : index
      %get3A_455 = tpu.vector_load %arg8[%get3A_453, %get3A_454] {strides = array<i32>} : memref<48x512xf32, #tpu.memory_space<vmem>>, vector<1x16xf32>,
      %get3A_456 = vector.shape_cast %get3A_455 : vector<1x16xf32> to vector<16xf32>
      %get3A_457 = arith.index_cast %scan3A_197 : i32 to index
      %get3A_458 = arith.constant 368 : index
      %get3A_459 = tpu.vector_load %arg10[%get3A_457, %get3A_458] {strides = array<i32>} : memref<48x512xf32, #tpu.memory_space<vmem>>, vector<1x16xf32>,
      %get3A_460 = vector.shape_cast %get3A_459 : vector<1x16xf32> to vector<16xf32>
      %sub3A_461 = arith.subf %get3A_456, %get3A_460 : vector<16xf32>
      %mul3A_462 = arith.mulf %sub3A_461, %sub3A_461 : vector<16xf32>
      %add3A_463 = arith.addf %add3A_419, %mul3A_462 : vector<16xf32>
      %get3A_464 = arith.index_cast %scan3A_197 : i32 to index
      %get3A_465 = arith.constant 384 : index
      %get3A_466 = tpu.vector_load %arg8[%get3A_464, %get3A_465] {strides = array<i32>} : memref<48x512xf32, #tpu.memory_space<vmem>>, vector<1x16xf32>,
      %get3A_467 = vector.shape_cast %get3A_466 : vector<1x16xf32> to vector<16xf32>
      %get3A_468 = arith.index_cast %scan3A_197 : i32 to index
      %get3A_469 = arith.constant 384 : index
      %get3A_470 = tpu.vector_load %arg10[%get3A_468, %get3A_469] {strides = array<i32>} : memref<48x512xf32, #tpu.memory_space<vmem>>, vector<1x16xf32>,
      %get3A_471 = vector.shape_cast %get3A_470 : vector<1x16xf32> to vector<16xf32>
      %sub3A_472 = arith.subf %get3A_467, %get3A_471 : vector<16xf32>
      %mul3A_473 = arith.mulf %sub3A_472, %sub3A_472 : vector<16xf32>
      %add3A_474 = arith.addf %add3A_430, %mul3A_473 : vector<16xf32>
      %get3A_475 = arith.index_cast %scan3A_197 : i32 to index
      %get3A_476 = arith.constant 400 : index
      %get3A_477 = tpu.vector_load %arg8[%get3A_475, %get3A_476] {strides = array<i32>} : memref<48x512xf32, #tpu.memory_space<vmem>>, vector<1x16xf32>,
      %get3A_478 = vector.shape_cast %get3A_477 : vector<1x16xf32> to vector<16xf32>
      %get3A_479 = arith.index_cast %scan3A_197 : i32 to index
      %get3A_480 = arith.constant 400 : index
      %get3A_481 = tpu.vector_load %arg10[%get3A_479, %get3A_480] {strides = array<i32>} : memref<48x512xf32, #tpu.memory_space<vmem>>, vector<1x16xf32>,
      %get3A_482 = vector.shape_cast %get3A_481 : vector<1x16xf32> to vector<16xf32>
      %sub3A_483 = arith.subf %get3A_478, %get3A_482 : vector<16xf32>
      %mul3A_484 = arith.mulf %sub3A_483, %sub3A_483 : vector<16xf32>
      %add3A_485 = arith.addf %add3A_441, %mul3A_484 : vector<16xf32>
      %get3A_486 = arith.index_cast %scan3A_197 : i32 to index
      %get3A_487 = arith.constant 416 : index
      %get3A_488 = tpu.vector_load %arg8[%get3A_486, %get3A_487] {strides = array<i32>} : memref<48x512xf32, #tpu.memory_space<vmem>>, vector<1x16xf32>,
      %get3A_489 = vector.shape_cast %get3A_488 : vector<1x16xf32> to vector<16xf32>
      %get3A_490 = arith.index_cast %scan3A_197 : i32 to index
      %get3A_491 = arith.constant 416 : index
      %get3A_492 = tpu.vector_load %arg10[%get3A_490, %get3A_491] {strides = array<i32>} : memref<48x512xf32, #tpu.memory_space<vmem>>, vector<1x16xf32>,
      %get3A_493 = vector.shape_cast %get3A_492 : vector<1x16xf32> to vector<16xf32>
      %sub3A_494 = arith.subf %get3A_489, %get3A_493 : vector<16xf32>
      %mul3A_495 = arith.mulf %sub3A_494, %sub3A_494 : vector<16xf32>
      %add3A_496 = arith.addf %add3A_452, %mul3A_495 : vector<16xf32>
      %get3A_497 = arith.index_cast %scan3A_197 : i32 to index
      %get3A_498 = arith.constant 432 : index
      %get3A_499 = tpu.vector_load %arg8[%get3A_497, %get3A_498] {strides = array<i32>} : memref<48x512xf32, #tpu.memory_space<vmem>>, vector<1x16xf32>,
      %get3A_500 = vector.shape_cast %get3A_499 : vector<1x16xf32> to vector<16xf32>
      %get3A_501 = arith.index_cast %scan3A_197 : i32 to index
      %get3A_502 = arith.constant 432 : index
      %get3A_503 = tpu.vector_load %arg10[%get3A_501, %get3A_502] {strides = array<i32>} : memref<48x512xf32, #tpu.memory_space<vmem>>, vector<1x16xf32>,
      %get3A_504 = vector.shape_cast %get3A_503 : vector<1x16xf32> to vector<16xf32>
      %sub3A_505 = arith.subf %get3A_500, %get3A_504 : vector<16xf32>
      %mul3A_506 = arith.mulf %sub3A_505, %sub3A_505 : vector<16xf32>
      %add3A_507 = arith.addf %add3A_463, %mul3A_506 : vector<16xf32>
      %get3A_508 = arith.index_cast %scan3A_197 : i32 to index
      %get3A_509 = arith.constant 448 : index
      %get3A_510 = tpu.vector_load %arg8[%get3A_508, %get3A_509] {strides = array<i32>} : memref<48x512xf32, #tpu.memory_space<vmem>>, vector<1x16xf32>,
      %get3A_511 = vector.shape_cast %get3A_510 : vector<1x16xf32> to vector<16xf32>
      %get3A_512 = arith.index_cast %scan3A_197 : i32 to index
      %get3A_513 = arith.constant 448 : index
      %get3A_514 = tpu.vector_load %arg10[%get3A_512, %get3A_513] {strides = array<i32>} : memref<48x512xf32, #tpu.memory_space<vmem>>, vector<1x16xf32>,
      %get3A_515 = vector.shape_cast %get3A_514 : vector<1x16xf32> to vector<16xf32>
      %sub3A_516 = arith.subf %get3A_511, %get3A_515 : vector<16xf32>
      %mul3A_517 = arith.mulf %sub3A_516, %sub3A_516 : vector<16xf32>
      %add3A_518 = arith.addf %add3A_474, %mul3A_517 : vector<16xf32>
      %get3A_519 = arith.index_cast %scan3A_197 : i32 to index
      %get3A_520 = arith.constant 464 : index
      %get3A_521 = tpu.vector_load %arg8[%get3A_519, %get3A_520] {strides = array<i32>} : memref<48x512xf32, #tpu.memory_space<vmem>>, vector<1x16xf32>,
      %get3A_522 = vector.shape_cast %get3A_521 : vector<1x16xf32> to vector<16xf32>
      %get3A_523 = arith.index_cast %scan3A_197 : i32 to index
      %get3A_524 = arith.constant 464 : index
      %get3A_525 = tpu.vector_load %arg10[%get3A_523, %get3A_524] {strides = array<i32>} : memref<48x512xf32, #tpu.memory_space<vmem>>, vector<1x16xf32>,
      %get3A_526 = vector.shape_cast %get3A_525 : vector<1x16xf32> to vector<16xf32>
      %sub3A_527 = arith.subf %get3A_522, %get3A_526 : vector<16xf32>
      %mul3A_528 = arith.mulf %sub3A_527, %sub3A_527 : vector<16xf32>
      %add3A_529 = arith.addf %add3A_485, %mul3A_528 : vector<16xf32>
      %get3A_530 = arith.index_cast %scan3A_197 : i32 to index
      %get3A_531 = arith.constant 480 : index
      %get3A_532 = tpu.vector_load %arg8[%get3A_530, %get3A_531] {strides = array<i32>} : memref<48x512xf32, #tpu.memory_space<vmem>>, vector<1x16xf32>,
      %get3A_533 = vector.shape_cast %get3A_532 : vector<1x16xf32> to vector<16xf32>
      %get3A_534 = arith.index_cast %scan3A_197 : i32 to index
      %get3A_535 = arith.constant 480 : index
      %get3A_536 = tpu.vector_load %arg10[%get3A_534, %get3A_535] {strides = array<i32>} : memref<48x512xf32, #tpu.memory_space<vmem>>, vector<1x16xf32>,
      %get3A_537 = vector.shape_cast %get3A_536 : vector<1x16xf32> to vector<16xf32>
      %sub3A_538 = arith.subf %get3A_533, %get3A_537 : vector<16xf32>
      %mul3A_539 = arith.mulf %sub3A_538, %sub3A_538 : vector<16xf32>
      %add3A_540 = arith.addf %add3A_496, %mul3A_539 : vector<16xf32>
      %get3A_541 = arith.index_cast %scan3A_197 : i32 to index
      %get3A_542 = arith.constant 496 : index
      %get3A_543 = tpu.vector_load %arg8[%get3A_541, %get3A_542] {strides = array<i32>} : memref<48x512xf32, #tpu.memory_space<vmem>>, vector<1x16xf32>,
      %get3A_544 = vector.shape_cast %get3A_543 : vector<1x16xf32> to vector<16xf32>
      %get3A_545 = arith.index_cast %scan3A_197 : i32 to index
      %get3A_546 = arith.constant 496 : index
      %get3A_547 = tpu.vector_load %arg10[%get3A_545, %get3A_546] {strides = array<i32>} : memref<48x512xf32, #tpu.memory_space<vmem>>, vector<1x16xf32>,
      %get3A_548 = vector.shape_cast %get3A_547 : vector<1x16xf32> to vector<16xf32>
      %sub3A_549 = arith.subf %get3A_544, %get3A_548 : vector<16xf32>
      %mul3A_550 = arith.mulf %sub3A_549, %sub3A_549 : vector<16xf32>
      %add3A_551 = arith.addf %add3A_507, %mul3A_550 : vector<16xf32>
      scf.yield %add3A_518, %add3A_529, %add3A_540, %add3A_551 : vector<16xf32>, vector<16xf32>, vector<16xf32>, vector<16xf32>
    }
    %scan3A_69 = arith.constant 48 : i32
    %add3A_70 = arith.constant 144 : i32
    %add3A_71 = arith.addi %mul3A_2, %add3A_70 : i32
    %dma_start3A_72 = arith.constant 0 : i32
    %dma_start3A_73 = tpu.memref_slice %arg2[%add3A_71, %dma_start3A_72] : memref<16384x512xf32, #tpu.memory_space<hbm>> -> memref<48x512xf32, #tpu.memory_space<hbm>>
    %dma_start3A_74 = arith.constant 0 : i32
    %dma_start3A_75 = tpu.memref_slice %arg2[%add3A_71, %dma_start3A_74] : memref<16384x512xf32, #tpu.memory_space<hbm>> -> memref<48x512xf32, #tpu.memory_space<hbm>>
    tpu.enqueue_dma source(%dma_start3A_75 : memref<48x512xf32, #tpu.memory_space<hbm>>) target(%arg8 : memref<48x512xf32, #tpu.memory_space<vmem>>) target_semaphore(%arg13 : memref<!tpu.dma_semaphore, #tpu.memory_space<semaphore_mem>>)
    %dma_start3A_76 = arith.constant 144 : i32
    %dma_start3A_77 = tpu.memref_slice %arg6[%dma_start3A_76] : memref<336xi32, #tpu.memory_space<vmem>> -> memref<48xi32, #tpu.memory_space<vmem>>
    %dma_start3A_78 = arith.constant 0 : i32
    %dma_start3A_79 = arith.constant 0 : i32
    %dma_start3A_80 = tpu.memref_slice %arg4[%dma_start3A_78, %dma_start3A_79] : memref<10000x512xf32, #tpu.memory_space<hbm>> -> memref<10000x512xf32, #tpu.memory_space<hbm>>
    tpu.enqueue_indirect_dma source(%dma_start3A_80 : memref<10000x512xf32, #tpu.memory_space<hbm>>) target(%arg10 : memref<48x512xf32, #tpu.memory_space<vmem>>) offsets(%dma_start3A_77 : memref<48xi32, #tpu.memory_space<vmem>>) semaphore(%arg15 : memref<!tpu.dma_semaphore, #tpu.memory_space<semaphore_mem>>)
    %dma_wait3A_81 = arith.constant 0 : i32
    %dma_wait3A_82 = tpu.memref_slice %arg2[%add3A_45, %dma_wait3A_81] : memref<16384x512xf32, #tpu.memory_space<hbm>> -> memref<48x512xf32, #tpu.memory_space<hbm>>
    %dma_wait3A_83 = arith.constant 0 : i32
    %dma_wait3A_84 = tpu.memref_slice %arg2[%add3A_45, %dma_wait3A_83] : memref<16384x512xf32, #tpu.memory_space<hbm>> -> memref<48x512xf32, #tpu.memory_space<hbm>>
    tpu.wait_dma2 semaphore(%arg12 : memref<!tpu.dma_semaphore, #tpu.memory_space<semaphore_mem>>) src(%dma_wait3A_84 : memref<48x512xf32, #tpu.memory_space<hbm>>) dst(%arg7 : memref<48x512xf32, #tpu.memory_space<vmem>>)
    %dma_wait3A_85 = arith.constant 96 : i32
    %dma_wait3A_86 = tpu.memref_slice %arg6[%dma_wait3A_85] : memref<336xi32, #tpu.memory_space<vmem>> -> memref<48xi32, #tpu.memory_space<vmem>>
    %dma_wait3A_87 = arith.constant 0 : i32
    %dma_wait3A_88 = arith.constant 0 : i32
    %dma_wait3A_89 = tpu.memref_slice %arg4[%dma_wait3A_87, %dma_wait3A_88] : memref<10000x512xf32, #tpu.memory_space<hbm>> -> memref<10000x512xf32, #tpu.memory_space<hbm>>
    tpu.wait_indirect_dma semaphore(%arg14 : memref<!tpu.dma_semaphore, #tpu.memory_space<semaphore_mem>>) src(%dma_wait3A_89 : memref<10000x512xf32, #tpu.memory_space<hbm>>) dst(%arg9 : memref<48x512xf32, #tpu.memory_space<vmem>>)
    %scan3A_90 = arith.constant 0 : i32
    %scan3A_91 = arith.constant 48 : i32
    %scan3A_92 = arith.addi %scan3A_90, %scan3A_91 : i32
    %scan3A_93 = arith.constant 1 : i32
    %scan3A_94:4 = scf.for %scan3A_197 = %scan3A_90 to %scan3A_92 step %scan3A_93 iter_args(%scan3A_198 = %scan3A_68#0, %scan3A_199 = %scan3A_68#1, %scan3A_200 = %scan3A_68#2, %scan3A_201 = %scan3A_68#3) -> (vector<16xf32>, vector<16xf32>, vector<16xf32>, vector<16xf32>)  : i32 {
      %get3A = arith.index_cast %scan3A_197 : i32 to index
      %get3A_202 = arith.constant 0 : index
      %get3A_203 = tpu.vector_load %arg7[%get3A, %get3A_202] {strides = array<i32>} : memref<48x512xf32, #tpu.memory_space<vmem>>, vector<1x16xf32>,
      %get3A_204 = vector.shape_cast %get3A_203 : vector<1x16xf32> to vector<16xf32>
      %get3A_205 = arith.index_cast %scan3A_197 : i32 to index
      %get3A_206 = arith.constant 0 : index
      %get3A_207 = tpu.vector_load %arg9[%get3A_205, %get3A_206] {strides = array<i32>} : memref<48x512xf32, #tpu.memory_space<vmem>>, vector<1x16xf32>,
      %get3A_208 = vector.shape_cast %get3A_207 : vector<1x16xf32> to vector<16xf32>
      %sub3A = arith.subf %get3A_204, %get3A_208 : vector<16xf32>
      %mul3A_209 = arith.mulf %sub3A, %sub3A : vector<16xf32>
      %add3A_210 = arith.addf %scan3A_198, %mul3A_209 : vector<16xf32>
      %get3A_211 = arith.index_cast %scan3A_197 : i32 to index
      %get3A_212 = arith.constant 16 : index
      %get3A_213 = tpu.vector_load %arg7[%get3A_211, %get3A_212] {strides = array<i32>} : memref<48x512xf32, #tpu.memory_space<vmem>>, vector<1x16xf32>,
      %get3A_214 = vector.shape_cast %get3A_213 : vector<1x16xf32> to vector<16xf32>
      %get3A_215 = arith.index_cast %scan3A_197 : i32 to index
      %get3A_216 = arith.constant 16 : index
      %get3A_217 = tpu.vector_load %arg9[%get3A_215, %get3A_216] {strides = array<i32>} : memref<48x512xf32, #tpu.memory_space<vmem>>, vector<1x16xf32>,
      %get3A_218 = vector.shape_cast %get3A_217 : vector<1x16xf32> to vector<16xf32>
      %sub3A_219 = arith.subf %get3A_214, %get3A_218 : vector<16xf32>
      %mul3A_220 = arith.mulf %sub3A_219, %sub3A_219 : vector<16xf32>
      %add3A_221 = arith.addf %scan3A_199, %mul3A_220 : vector<16xf32>
      %get3A_222 = arith.index_cast %scan3A_197 : i32 to index
      %get3A_223 = arith.constant 32 : index
      %get3A_224 = tpu.vector_load %arg7[%get3A_222, %get3A_223] {strides = array<i32>} : memref<48x512xf32, #tpu.memory_space<vmem>>, vector<1x16xf32>,
      %get3A_225 = vector.shape_cast %get3A_224 : vector<1x16xf32> to vector<16xf32>
      %get3A_226 = arith.index_cast %scan3A_197 : i32 to index
      %get3A_227 = arith.constant 32 : index
      %get3A_228 = tpu.vector_load %arg9[%get3A_226, %get3A_227] {strides = array<i32>} : memref<48x512xf32, #tpu.memory_space<vmem>>, vector<1x16xf32>,
      %get3A_229 = vector.shape_cast %get3A_228 : vector<1x16xf32> to vector<16xf32>
      %sub3A_230 = arith.subf %get3A_225, %get3A_229 : vector<16xf32>
      %mul3A_231 = arith.mulf %sub3A_230, %sub3A_230 : vector<16xf32>
      %add3A_232 = arith.addf %scan3A_200, %mul3A_231 : vector<16xf32>
      %get3A_233 = arith.index_cast %scan3A_197 : i32 to index
      %get3A_234 = arith.constant 48 : index
      %get3A_235 = tpu.vector_load %arg7[%get3A_233, %get3A_234] {strides = array<i32>} : memref<48x512xf32, #tpu.memory_space<vmem>>, vector<1x16xf32>,
      %get3A_236 = vector.shape_cast %get3A_235 : vector<1x16xf32> to vector<16xf32>
      %get3A_237 = arith.index_cast %scan3A_197 : i32 to index
      %get3A_238 = arith.constant 48 : index
      %get3A_239 = tpu.vector_load %arg9[%get3A_237, %get3A_238] {strides = array<i32>} : memref<48x512xf32, #tpu.memory_space<vmem>>, vector<1x16xf32>,
      %get3A_240 = vector.shape_cast %get3A_239 : vector<1x16xf32> to vector<16xf32>
      %sub3A_241 = arith.subf %get3A_236, %get3A_240 : vector<16xf32>
      %mul3A_242 = arith.mulf %sub3A_241, %sub3A_241 : vector<16xf32>
      %add3A_243 = arith.addf %scan3A_201, %mul3A_242 : vector<16xf32>
      %get3A_244 = arith.index_cast %scan3A_197 : i32 to index
      %get3A_245 = arith.constant 64 : index
      %get3A_246 = tpu.vector_load %arg7[%get3A_244, %get3A_245] {strides = array<i32>} : memref<48x512xf32, #tpu.memory_space<vmem>>, vector<1x16xf32>,
      %get3A_247 = vector.shape_cast %get3A_246 : vector<1x16xf32> to vector<16xf32>
      %get3A_248 = arith.index_cast %scan3A_197 : i32 to index
      %get3A_249 = arith.constant 64 : index
      %get3A_250 = tpu.vector_load %arg9[%get3A_248, %get3A_249] {strides = array<i32>} : memref<48x512xf32, #tpu.memory_space<vmem>>, vector<1x16xf32>,
      %get3A_251 = vector.shape_cast %get3A_250 : vector<1x16xf32> to vector<16xf32>
      %sub3A_252 = arith.subf %get3A_247, %get3A_251 : vector<16xf32>
      %mul3A_253 = arith.mulf %sub3A_252, %sub3A_252 : vector<16xf32>
      %add3A_254 = arith.addf %add3A_210, %mul3A_253 : vector<16xf32>
      %get3A_255 = arith.index_cast %scan3A_197 : i32 to index
      %get3A_256 = arith.constant 80 : index
      %get3A_257 = tpu.vector_load %arg7[%get3A_255, %get3A_256] {strides = array<i32>} : memref<48x512xf32, #tpu.memory_space<vmem>>, vector<1x16xf32>,
      %get3A_258 = vector.shape_cast %get3A_257 : vector<1x16xf32> to vector<16xf32>
      %get3A_259 = arith.index_cast %scan3A_197 : i32 to index
      %get3A_260 = arith.constant 80 : index
      %get3A_261 = tpu.vector_load %arg9[%get3A_259, %get3A_260] {strides = array<i32>} : memref<48x512xf32, #tpu.memory_space<vmem>>, vector<1x16xf32>,
      %get3A_262 = vector.shape_cast %get3A_261 : vector<1x16xf32> to vector<16xf32>
      %sub3A_263 = arith.subf %get3A_258, %get3A_262 : vector<16xf32>
      %mul3A_264 = arith.mulf %sub3A_263, %sub3A_263 : vector<16xf32>
      %add3A_265 = arith.addf %add3A_221, %mul3A_264 : vector<16xf32>
      %get3A_266 = arith.index_cast %scan3A_197 : i32 to index
      %get3A_267 = arith.constant 96 : index
      %get3A_268 = tpu.vector_load %arg7[%get3A_266, %get3A_267] {strides = array<i32>} : memref<48x512xf32, #tpu.memory_space<vmem>>, vector<1x16xf32>,
      %get3A_269 = vector.shape_cast %get3A_268 : vector<1x16xf32> to vector<16xf32>
      %get3A_270 = arith.index_cast %scan3A_197 : i32 to index
      %get3A_271 = arith.constant 96 : index
      %get3A_272 = tpu.vector_load %arg9[%get3A_270, %get3A_271] {strides = array<i32>} : memref<48x512xf32, #tpu.memory_space<vmem>>, vector<1x16xf32>,
      %get3A_273 = vector.shape_cast %get3A_272 : vector<1x16xf32> to vector<16xf32>
      %sub3A_274 = arith.subf %get3A_269, %get3A_273 : vector<16xf32>
      %mul3A_275 = arith.mulf %sub3A_274, %sub3A_274 : vector<16xf32>
      %add3A_276 = arith.addf %add3A_232, %mul3A_275 : vector<16xf32>
      %get3A_277 = arith.index_cast %scan3A_197 : i32 to index
      %get3A_278 = arith.constant 112 : index
      %get3A_279 = tpu.vector_load %arg7[%get3A_277, %get3A_278] {strides = array<i32>} : memref<48x512xf32, #tpu.memory_space<vmem>>, vector<1x16xf32>,
      %get3A_280 = vector.shape_cast %get3A_279 : vector<1x16xf32> to vector<16xf32>
      %get3A_281 = arith.index_cast %scan3A_197 : i32 to index
      %get3A_282 = arith.constant 112 : index
      %get3A_283 = tpu.vector_load %arg9[%get3A_281, %get3A_282] {strides = array<i32>} : memref<48x512xf32, #tpu.memory_space<vmem>>, vector<1x16xf32>,
      %get3A_284 = vector.shape_cast %get3A_283 : vector<1x16xf32> to vector<16xf32>
      %sub3A_285 = arith.subf %get3A_280, %get3A_284 : vector<16xf32>
      %mul3A_286 = arith.mulf %sub3A_285, %sub3A_285 : vector<16xf32>
      %add3A_287 = arith.addf %add3A_243, %mul3A_286 : vector<16xf32>
      %get3A_288 = arith.index_cast %scan3A_197 : i32 to index
      %get3A_289 = arith.constant 128 : index
      %get3A_290 = tpu.vector_load %arg7[%get3A_288, %get3A_289] {strides = array<i32>} : memref<48x512xf32, #tpu.memory_space<vmem>>, vector<1x16xf32>,
      %get3A_291 = vector.shape_cast %get3A_290 : vector<1x16xf32> to vector<16xf32>
      %get3A_292 = arith.index_cast %scan3A_197 : i32 to index
      %get3A_293 = arith.constant 128 : index
      %get3A_294 = tpu.vector_load %arg9[%get3A_292, %get3A_293] {strides = array<i32>} : memref<48x512xf32, #tpu.memory_space<vmem>>, vector<1x16xf32>,
      %get3A_295 = vector.shape_cast %get3A_294 : vector<1x16xf32> to vector<16xf32>
      %sub3A_296 = arith.subf %get3A_291, %get3A_295 : vector<16xf32>
      %mul3A_297 = arith.mulf %sub3A_296, %sub3A_296 : vector<16xf32>
      %add3A_298 = arith.addf %add3A_254, %mul3A_297 : vector<16xf32>
      %get3A_299 = arith.index_cast %scan3A_197 : i32 to index
      %get3A_300 = arith.constant 144 : index
      %get3A_301 = tpu.vector_load %arg7[%get3A_299, %get3A_300] {strides = array<i32>} : memref<48x512xf32, #tpu.memory_space<vmem>>, vector<1x16xf32>,
      %get3A_302 = vector.shape_cast %get3A_301 : vector<1x16xf32> to vector<16xf32>
      %get3A_303 = arith.index_cast %scan3A_197 : i32 to index
      %get3A_304 = arith.constant 144 : index
      %get3A_305 = tpu.vector_load %arg9[%get3A_303, %get3A_304] {strides = array<i32>} : memref<48x512xf32, #tpu.memory_space<vmem>>, vector<1x16xf32>,
      %get3A_306 = vector.shape_cast %get3A_305 : vector<1x16xf32> to vector<16xf32>
      %sub3A_307 = arith.subf %get3A_302, %get3A_306 : vector<16xf32>
      %mul3A_308 = arith.mulf %sub3A_307, %sub3A_307 : vector<16xf32>
      %add3A_309 = arith.addf %add3A_265, %mul3A_308 : vector<16xf32>
      %get3A_310 = arith.index_cast %scan3A_197 : i32 to index
      %get3A_311 = arith.constant 160 : index
      %get3A_312 = tpu.vector_load %arg7[%get3A_310, %get3A_311] {strides = array<i32>} : memref<48x512xf32, #tpu.memory_space<vmem>>, vector<1x16xf32>,
      %get3A_313 = vector.shape_cast %get3A_312 : vector<1x16xf32> to vector<16xf32>
      %get3A_314 = arith.index_cast %scan3A_197 : i32 to index
      %get3A_315 = arith.constant 160 : index
      %get3A_316 = tpu.vector_load %arg9[%get3A_314, %get3A_315] {strides = array<i32>} : memref<48x512xf32, #tpu.memory_space<vmem>>, vector<1x16xf32>,
      %get3A_317 = vector.shape_cast %get3A_316 : vector<1x16xf32> to vector<16xf32>
      %sub3A_318 = arith.subf %get3A_313, %get3A_317 : vector<16xf32>
      %mul3A_319 = arith.mulf %sub3A_318, %sub3A_318 : vector<16xf32>
      %add3A_320 = arith.addf %add3A_276, %mul3A_319 : vector<16xf32>
      %get3A_321 = arith.index_cast %scan3A_197 : i32 to index
      %get3A_322 = arith.constant 176 : index
      %get3A_323 = tpu.vector_load %arg7[%get3A_321, %get3A_322] {strides = array<i32>} : memref<48x512xf32, #tpu.memory_space<vmem>>, vector<1x16xf32>,
      %get3A_324 = vector.shape_cast %get3A_323 : vector<1x16xf32> to vector<16xf32>
      %get3A_325 = arith.index_cast %scan3A_197 : i32 to index
      %get3A_326 = arith.constant 176 : index
      %get3A_327 = tpu.vector_load %arg9[%get3A_325, %get3A_326] {strides = array<i32>} : memref<48x512xf32, #tpu.memory_space<vmem>>, vector<1x16xf32>,
      %get3A_328 = vector.shape_cast %get3A_327 : vector<1x16xf32> to vector<16xf32>
      %sub3A_329 = arith.subf %get3A_324, %get3A_328 : vector<16xf32>
      %mul3A_330 = arith.mulf %sub3A_329, %sub3A_329 : vector<16xf32>
      %add3A_331 = arith.addf %add3A_287, %mul3A_330 : vector<16xf32>
      %get3A_332 = arith.index_cast %scan3A_197 : i32 to index
      %get3A_333 = arith.constant 192 : index
      %get3A_334 = tpu.vector_load %arg7[%get3A_332, %get3A_333] {strides = array<i32>} : memref<48x512xf32, #tpu.memory_space<vmem>>, vector<1x16xf32>,
      %get3A_335 = vector.shape_cast %get3A_334 : vector<1x16xf32> to vector<16xf32>
      %get3A_336 = arith.index_cast %scan3A_197 : i32 to index
      %get3A_337 = arith.constant 192 : index
      %get3A_338 = tpu.vector_load %arg9[%get3A_336, %get3A_337] {strides = array<i32>} : memref<48x512xf32, #tpu.memory_space<vmem>>, vector<1x16xf32>,
      %get3A_339 = vector.shape_cast %get3A_338 : vector<1x16xf32> to vector<16xf32>
      %sub3A_340 = arith.subf %get3A_335, %get3A_339 : vector<16xf32>
      %mul3A_341 = arith.mulf %sub3A_340, %sub3A_340 : vector<16xf32>
      %add3A_342 = arith.addf %add3A_298, %mul3A_341 : vector<16xf32>
      %get3A_343 = arith.index_cast %scan3A_197 : i32 to index
      %get3A_344 = arith.constant 208 : index
      %get3A_345 = tpu.vector_load %arg7[%get3A_343, %get3A_344] {strides = array<i32>} : memref<48x512xf32, #tpu.memory_space<vmem>>, vector<1x16xf32>,
      %get3A_346 = vector.shape_cast %get3A_345 : vector<1x16xf32> to vector<16xf32>
      %get3A_347 = arith.index_cast %scan3A_197 : i32 to index
      %get3A_348 = arith.constant 208 : index
      %get3A_349 = tpu.vector_load %arg9[%get3A_347, %get3A_348] {strides = array<i32>} : memref<48x512xf32, #tpu.memory_space<vmem>>, vector<1x16xf32>,
      %get3A_350 = vector.shape_cast %get3A_349 : vector<1x16xf32> to vector<16xf32>
      %sub3A_351 = arith.subf %get3A_346, %get3A_350 : vector<16xf32>
      %mul3A_352 = arith.mulf %sub3A_351, %sub3A_351 : vector<16xf32>
      %add3A_353 = arith.addf %add3A_309, %mul3A_352 : vector<16xf32>
      %get3A_354 = arith.index_cast %scan3A_197 : i32 to index
      %get3A_355 = arith.constant 224 : index
      %get3A_356 = tpu.vector_load %arg7[%get3A_354, %get3A_355] {strides = array<i32>} : memref<48x512xf32, #tpu.memory_space<vmem>>, vector<1x16xf32>,
      %get3A_357 = vector.shape_cast %get3A_356 : vector<1x16xf32> to vector<16xf32>
      %get3A_358 = arith.index_cast %scan3A_197 : i32 to index
      %get3A_359 = arith.constant 224 : index
      %get3A_360 = tpu.vector_load %arg9[%get3A_358, %get3A_359] {strides = array<i32>} : memref<48x512xf32, #tpu.memory_space<vmem>>, vector<1x16xf32>,
      %get3A_361 = vector.shape_cast %get3A_360 : vector<1x16xf32> to vector<16xf32>
      %sub3A_362 = arith.subf %get3A_357, %get3A_361 : vector<16xf32>
      %mul3A_363 = arith.mulf %sub3A_362, %sub3A_362 : vector<16xf32>
      %add3A_364 = arith.addf %add3A_320, %mul3A_363 : vector<16xf32>
      %get3A_365 = arith.index_cast %scan3A_197 : i32 to index
      %get3A_366 = arith.constant 240 : index
      %get3A_367 = tpu.vector_load %arg7[%get3A_365, %get3A_366] {strides = array<i32>} : memref<48x512xf32, #tpu.memory_space<vmem>>, vector<1x16xf32>,
      %get3A_368 = vector.shape_cast %get3A_367 : vector<1x16xf32> to vector<16xf32>
      %get3A_369 = arith.index_cast %scan3A_197 : i32 to index
      %get3A_370 = arith.constant 240 : index
      %get3A_371 = tpu.vector_load %arg9[%get3A_369, %get3A_370] {strides = array<i32>} : memref<48x512xf32, #tpu.memory_space<vmem>>, vector<1x16xf32>,
      %get3A_372 = vector.shape_cast %get3A_371 : vector<1x16xf32> to vector<16xf32>
      %sub3A_373 = arith.subf %get3A_368, %get3A_372 : vector<16xf32>
      %mul3A_374 = arith.mulf %sub3A_373, %sub3A_373 : vector<16xf32>
      %add3A_375 = arith.addf %add3A_331, %mul3A_374 : vector<16xf32>
      %get3A_376 = arith.index_cast %scan3A_197 : i32 to index
      %get3A_377 = arith.constant 256 : index
      %get3A_378 = tpu.vector_load %arg7[%get3A_376, %get3A_377] {strides = array<i32>} : memref<48x512xf32, #tpu.memory_space<vmem>>, vector<1x16xf32>,
      %get3A_379 = vector.shape_cast %get3A_378 : vector<1x16xf32> to vector<16xf32>
      %get3A_380 = arith.index_cast %scan3A_197 : i32 to index
      %get3A_381 = arith.constant 256 : index
      %get3A_382 = tpu.vector_load %arg9[%get3A_380, %get3A_381] {strides = array<i32>} : memref<48x512xf32, #tpu.memory_space<vmem>>, vector<1x16xf32>,
      %get3A_383 = vector.shape_cast %get3A_382 : vector<1x16xf32> to vector<16xf32>
      %sub3A_384 = arith.subf %get3A_379, %get3A_383 : vector<16xf32>
      %mul3A_385 = arith.mulf %sub3A_384, %sub3A_384 : vector<16xf32>
      %add3A_386 = arith.addf %add3A_342, %mul3A_385 : vector<16xf32>
      %get3A_387 = arith.index_cast %scan3A_197 : i32 to index
      %get3A_388 = arith.constant 272 : index
      %get3A_389 = tpu.vector_load %arg7[%get3A_387, %get3A_388] {strides = array<i32>} : memref<48x512xf32, #tpu.memory_space<vmem>>, vector<1x16xf32>,
      %get3A_390 = vector.shape_cast %get3A_389 : vector<1x16xf32> to vector<16xf32>
      %get3A_391 = arith.index_cast %scan3A_197 : i32 to index
      %get3A_392 = arith.constant 272 : index
      %get3A_393 = tpu.vector_load %arg9[%get3A_391, %get3A_392] {strides = array<i32>} : memref<48x512xf32, #tpu.memory_space<vmem>>, vector<1x16xf32>,
      %get3A_394 = vector.shape_cast %get3A_393 : vector<1x16xf32> to vector<16xf32>
      %sub3A_395 = arith.subf %get3A_390, %get3A_394 : vector<16xf32>
      %mul3A_396 = arith.mulf %sub3A_395, %sub3A_395 : vector<16xf32>
      %add3A_397 = arith.addf %add3A_353, %mul3A_396 : vector<16xf32>
      %get3A_398 = arith.index_cast %scan3A_197 : i32 to index
      %get3A_399 = arith.constant 288 : index
      %get3A_400 = tpu.vector_load %arg7[%get3A_398, %get3A_399] {strides = array<i32>} : memref<48x512xf32, #tpu.memory_space<vmem>>, vector<1x16xf32>,
      %get3A_401 = vector.shape_cast %get3A_400 : vector<1x16xf32> to vector<16xf32>
      %get3A_402 = arith.index_cast %scan3A_197 : i32 to index
      %get3A_403 = arith.constant 288 : index
      %get3A_404 = tpu.vector_load %arg9[%get3A_402, %get3A_403] {strides = array<i32>} : memref<48x512xf32, #tpu.memory_space<vmem>>, vector<1x16xf32>,
      %get3A_405 = vector.shape_cast %get3A_404 : vector<1x16xf32> to vector<16xf32>
      %sub3A_406 = arith.subf %get3A_401, %get3A_405 : vector<16xf32>
      %mul3A_407 = arith.mulf %sub3A_406, %sub3A_406 : vector<16xf32>
      %add3A_408 = arith.addf %add3A_364, %mul3A_407 : vector<16xf32>
      %get3A_409 = arith.index_cast %scan3A_197 : i32 to index
      %get3A_410 = arith.constant 304 : index
      %get3A_411 = tpu.vector_load %arg7[%get3A_409, %get3A_410] {strides = array<i32>} : memref<48x512xf32, #tpu.memory_space<vmem>>, vector<1x16xf32>,
      %get3A_412 = vector.shape_cast %get3A_411 : vector<1x16xf32> to vector<16xf32>
      %get3A_413 = arith.index_cast %scan3A_197 : i32 to index
      %get3A_414 = arith.constant 304 : index
      %get3A_415 = tpu.vector_load %arg9[%get3A_413, %get3A_414] {strides = array<i32>} : memref<48x512xf32, #tpu.memory_space<vmem>>, vector<1x16xf32>,
      %get3A_416 = vector.shape_cast %get3A_415 : vector<1x16xf32> to vector<16xf32>
      %sub3A_417 = arith.subf %get3A_412, %get3A_416 : vector<16xf32>
      %mul3A_418 = arith.mulf %sub3A_417, %sub3A_417 : vector<16xf32>
      %add3A_419 = arith.addf %add3A_375, %mul3A_418 : vector<16xf32>
      %get3A_420 = arith.index_cast %scan3A_197 : i32 to index
      %get3A_421 = arith.constant 320 : index
      %get3A_422 = tpu.vector_load %arg7[%get3A_420, %get3A_421] {strides = array<i32>} : memref<48x512xf32, #tpu.memory_space<vmem>>, vector<1x16xf32>,
      %get3A_423 = vector.shape_cast %get3A_422 : vector<1x16xf32> to vector<16xf32>
      %get3A_424 = arith.index_cast %scan3A_197 : i32 to index
      %get3A_425 = arith.constant 320 : index
      %get3A_426 = tpu.vector_load %arg9[%get3A_424, %get3A_425] {strides = array<i32>} : memref<48x512xf32, #tpu.memory_space<vmem>>, vector<1x16xf32>,
      %get3A_427 = vector.shape_cast %get3A_426 : vector<1x16xf32> to vector<16xf32>
      %sub3A_428 = arith.subf %get3A_423, %get3A_427 : vector<16xf32>
      %mul3A_429 = arith.mulf %sub3A_428, %sub3A_428 : vector<16xf32>
      %add3A_430 = arith.addf %add3A_386, %mul3A_429 : vector<16xf32>
      %get3A_431 = arith.index_cast %scan3A_197 : i32 to index
      %get3A_432 = arith.constant 336 : index
      %get3A_433 = tpu.vector_load %arg7[%get3A_431, %get3A_432] {strides = array<i32>} : memref<48x512xf32, #tpu.memory_space<vmem>>, vector<1x16xf32>,
      %get3A_434 = vector.shape_cast %get3A_433 : vector<1x16xf32> to vector<16xf32>
      %get3A_435 = arith.index_cast %scan3A_197 : i32 to index
      %get3A_436 = arith.constant 336 : index
      %get3A_437 = tpu.vector_load %arg9[%get3A_435, %get3A_436] {strides = array<i32>} : memref<48x512xf32, #tpu.memory_space<vmem>>, vector<1x16xf32>,
      %get3A_438 = vector.shape_cast %get3A_437 : vector<1x16xf32> to vector<16xf32>
      %sub3A_439 = arith.subf %get3A_434, %get3A_438 : vector<16xf32>
      %mul3A_440 = arith.mulf %sub3A_439, %sub3A_439 : vector<16xf32>
      %add3A_441 = arith.addf %add3A_397, %mul3A_440 : vector<16xf32>
      %get3A_442 = arith.index_cast %scan3A_197 : i32 to index
      %get3A_443 = arith.constant 352 : index
      %get3A_444 = tpu.vector_load %arg7[%get3A_442, %get3A_443] {strides = array<i32>} : memref<48x512xf32, #tpu.memory_space<vmem>>, vector<1x16xf32>,
      %get3A_445 = vector.shape_cast %get3A_444 : vector<1x16xf32> to vector<16xf32>
      %get3A_446 = arith.index_cast %scan3A_197 : i32 to index
      %get3A_447 = arith.constant 352 : index
      %get3A_448 = tpu.vector_load %arg9[%get3A_446, %get3A_447] {strides = array<i32>} : memref<48x512xf32, #tpu.memory_space<vmem>>, vector<1x16xf32>,
      %get3A_449 = vector.shape_cast %get3A_448 : vector<1x16xf32> to vector<16xf32>
      %sub3A_450 = arith.subf %get3A_445, %get3A_449 : vector<16xf32>
      %mul3A_451 = arith.mulf %sub3A_450, %sub3A_450 : vector<16xf32>
      %add3A_452 = arith.addf %add3A_408, %mul3A_451 : vector<16xf32>
      %get3A_453 = arith.index_cast %scan3A_197 : i32 to index
      %get3A_454 = arith.constant 368 : index
      %get3A_455 = tpu.vector_load %arg7[%get3A_453, %get3A_454] {strides = array<i32>} : memref<48x512xf32, #tpu.memory_space<vmem>>, vector<1x16xf32>,
      %get3A_456 = vector.shape_cast %get3A_455 : vector<1x16xf32> to vector<16xf32>
      %get3A_457 = arith.index_cast %scan3A_197 : i32 to index
      %get3A_458 = arith.constant 368 : index
      %get3A_459 = tpu.vector_load %arg9[%get3A_457, %get3A_458] {strides = array<i32>} : memref<48x512xf32, #tpu.memory_space<vmem>>, vector<1x16xf32>,
      %get3A_460 = vector.shape_cast %get3A_459 : vector<1x16xf32> to vector<16xf32>
      %sub3A_461 = arith.subf %get3A_456, %get3A_460 : vector<16xf32>
      %mul3A_462 = arith.mulf %sub3A_461, %sub3A_461 : vector<16xf32>
      %add3A_463 = arith.addf %add3A_419, %mul3A_462 : vector<16xf32>
      %get3A_464 = arith.index_cast %scan3A_197 : i32 to index
      %get3A_465 = arith.constant 384 : index
      %get3A_466 = tpu.vector_load %arg7[%get3A_464, %get3A_465] {strides = array<i32>} : memref<48x512xf32, #tpu.memory_space<vmem>>, vector<1x16xf32>,
      %get3A_467 = vector.shape_cast %get3A_466 : vector<1x16xf32> to vector<16xf32>
      %get3A_468 = arith.index_cast %scan3A_197 : i32 to index
      %get3A_469 = arith.constant 384 : index
      %get3A_470 = tpu.vector_load %arg9[%get3A_468, %get3A_469] {strides = array<i32>} : memref<48x512xf32, #tpu.memory_space<vmem>>, vector<1x16xf32>,
      %get3A_471 = vector.shape_cast %get3A_470 : vector<1x16xf32> to vector<16xf32>
      %sub3A_472 = arith.subf %get3A_467, %get3A_471 : vector<16xf32>
      %mul3A_473 = arith.mulf %sub3A_472, %sub3A_472 : vector<16xf32>
      %add3A_474 = arith.addf %add3A_430, %mul3A_473 : vector<16xf32>
      %get3A_475 = arith.index_cast %scan3A_197 : i32 to index
      %get3A_476 = arith.constant 400 : index
      %get3A_477 = tpu.vector_load %arg7[%get3A_475, %get3A_476] {strides = array<i32>} : memref<48x512xf32, #tpu.memory_space<vmem>>, vector<1x16xf32>,
      %get3A_478 = vector.shape_cast %get3A_477 : vector<1x16xf32> to vector<16xf32>
      %get3A_479 = arith.index_cast %scan3A_197 : i32 to index
      %get3A_480 = arith.constant 400 : index
      %get3A_481 = tpu.vector_load %arg9[%get3A_479, %get3A_480] {strides = array<i32>} : memref<48x512xf32, #tpu.memory_space<vmem>>, vector<1x16xf32>,
      %get3A_482 = vector.shape_cast %get3A_481 : vector<1x16xf32> to vector<16xf32>
      %sub3A_483 = arith.subf %get3A_478, %get3A_482 : vector<16xf32>
      %mul3A_484 = arith.mulf %sub3A_483, %sub3A_483 : vector<16xf32>
      %add3A_485 = arith.addf %add3A_441, %mul3A_484 : vector<16xf32>
      %get3A_486 = arith.index_cast %scan3A_197 : i32 to index
      %get3A_487 = arith.constant 416 : index
      %get3A_488 = tpu.vector_load %arg7[%get3A_486, %get3A_487] {strides = array<i32>} : memref<48x512xf32, #tpu.memory_space<vmem>>, vector<1x16xf32>,
      %get3A_489 = vector.shape_cast %get3A_488 : vector<1x16xf32> to vector<16xf32>
      %get3A_490 = arith.index_cast %scan3A_197 : i32 to index
      %get3A_491 = arith.constant 416 : index
      %get3A_492 = tpu.vector_load %arg9[%get3A_490, %get3A_491] {strides = array<i32>} : memref<48x512xf32, #tpu.memory_space<vmem>>, vector<1x16xf32>,
      %get3A_493 = vector.shape_cast %get3A_492 : vector<1x16xf32> to vector<16xf32>
      %sub3A_494 = arith.subf %get3A_489, %get3A_493 : vector<16xf32>
      %mul3A_495 = arith.mulf %sub3A_494, %sub3A_494 : vector<16xf32>
      %add3A_496 = arith.addf %add3A_452, %mul3A_495 : vector<16xf32>
      %get3A_497 = arith.index_cast %scan3A_197 : i32 to index
      %get3A_498 = arith.constant 432 : index
      %get3A_499 = tpu.vector_load %arg7[%get3A_497, %get3A_498] {strides = array<i32>} : memref<48x512xf32, #tpu.memory_space<vmem>>, vector<1x16xf32>,
      %get3A_500 = vector.shape_cast %get3A_499 : vector<1x16xf32> to vector<16xf32>
      %get3A_501 = arith.index_cast %scan3A_197 : i32 to index
      %get3A_502 = arith.constant 432 : index
      %get3A_503 = tpu.vector_load %arg9[%get3A_501, %get3A_502] {strides = array<i32>} : memref<48x512xf32, #tpu.memory_space<vmem>>, vector<1x16xf32>,
      %get3A_504 = vector.shape_cast %get3A_503 : vector<1x16xf32> to vector<16xf32>
      %sub3A_505 = arith.subf %get3A_500, %get3A_504 : vector<16xf32>
      %mul3A_506 = arith.mulf %sub3A_505, %sub3A_505 : vector<16xf32>
      %add3A_507 = arith.addf %add3A_463, %mul3A_506 : vector<16xf32>
      %get3A_508 = arith.index_cast %scan3A_197 : i32 to index
      %get3A_509 = arith.constant 448 : index
      %get3A_510 = tpu.vector_load %arg7[%get3A_508, %get3A_509] {strides = array<i32>} : memref<48x512xf32, #tpu.memory_space<vmem>>, vector<1x16xf32>,
      %get3A_511 = vector.shape_cast %get3A_510 : vector<1x16xf32> to vector<16xf32>
      %get3A_512 = arith.index_cast %scan3A_197 : i32 to index
      %get3A_513 = arith.constant 448 : index
      %get3A_514 = tpu.vector_load %arg9[%get3A_512, %get3A_513] {strides = array<i32>} : memref<48x512xf32, #tpu.memory_space<vmem>>, vector<1x16xf32>,
      %get3A_515 = vector.shape_cast %get3A_514 : vector<1x16xf32> to vector<16xf32>
      %sub3A_516 = arith.subf %get3A_511, %get3A_515 : vector<16xf32>
      %mul3A_517 = arith.mulf %sub3A_516, %sub3A_516 : vector<16xf32>
      %add3A_518 = arith.addf %add3A_474, %mul3A_517 : vector<16xf32>
      %get3A_519 = arith.index_cast %scan3A_197 : i32 to index
      %get3A_520 = arith.constant 464 : index
      %get3A_521 = tpu.vector_load %arg7[%get3A_519, %get3A_520] {strides = array<i32>} : memref<48x512xf32, #tpu.memory_space<vmem>>, vector<1x16xf32>,
      %get3A_522 = vector.shape_cast %get3A_521 : vector<1x16xf32> to vector<16xf32>
      %get3A_523 = arith.index_cast %scan3A_197 : i32 to index
      %get3A_524 = arith.constant 464 : index
      %get3A_525 = tpu.vector_load %arg9[%get3A_523, %get3A_524] {strides = array<i32>} : memref<48x512xf32, #tpu.memory_space<vmem>>, vector<1x16xf32>,
      %get3A_526 = vector.shape_cast %get3A_525 : vector<1x16xf32> to vector<16xf32>
      %sub3A_527 = arith.subf %get3A_522, %get3A_526 : vector<16xf32>
      %mul3A_528 = arith.mulf %sub3A_527, %sub3A_527 : vector<16xf32>
      %add3A_529 = arith.addf %add3A_485, %mul3A_528 : vector<16xf32>
      %get3A_530 = arith.index_cast %scan3A_197 : i32 to index
      %get3A_531 = arith.constant 480 : index
      %get3A_532 = tpu.vector_load %arg7[%get3A_530, %get3A_531] {strides = array<i32>} : memref<48x512xf32, #tpu.memory_space<vmem>>, vector<1x16xf32>,
      %get3A_533 = vector.shape_cast %get3A_532 : vector<1x16xf32> to vector<16xf32>
      %get3A_534 = arith.index_cast %scan3A_197 : i32 to index
      %get3A_535 = arith.constant 480 : index
      %get3A_536 = tpu.vector_load %arg9[%get3A_534, %get3A_535] {strides = array<i32>} : memref<48x512xf32, #tpu.memory_space<vmem>>, vector<1x16xf32>,
      %get3A_537 = vector.shape_cast %get3A_536 : vector<1x16xf32> to vector<16xf32>
      %sub3A_538 = arith.subf %get3A_533, %get3A_537 : vector<16xf32>
      %mul3A_539 = arith.mulf %sub3A_538, %sub3A_538 : vector<16xf32>
      %add3A_540 = arith.addf %add3A_496, %mul3A_539 : vector<16xf32>
      %get3A_541 = arith.index_cast %scan3A_197 : i32 to index
      %get3A_542 = arith.constant 496 : index
      %get3A_543 = tpu.vector_load %arg7[%get3A_541, %get3A_542] {strides = array<i32>} : memref<48x512xf32, #tpu.memory_space<vmem>>, vector<1x16xf32>,
      %get3A_544 = vector.shape_cast %get3A_543 : vector<1x16xf32> to vector<16xf32>
      %get3A_545 = arith.index_cast %scan3A_197 : i32 to index
      %get3A_546 = arith.constant 496 : index
      %get3A_547 = tpu.vector_load %arg9[%get3A_545, %get3A_546] {strides = array<i32>} : memref<48x512xf32, #tpu.memory_space<vmem>>, vector<1x16xf32>,
      %get3A_548 = vector.shape_cast %get3A_547 : vector<1x16xf32> to vector<16xf32>
      %sub3A_549 = arith.subf %get3A_544, %get3A_548 : vector<16xf32>
      %mul3A_550 = arith.mulf %sub3A_549, %sub3A_549 : vector<16xf32>
      %add3A_551 = arith.addf %add3A_507, %mul3A_550 : vector<16xf32>
      scf.yield %add3A_518, %add3A_529, %add3A_540, %add3A_551 : vector<16xf32>, vector<16xf32>, vector<16xf32>, vector<16xf32>
    }
    %scan3A_95 = arith.constant 48 : i32
    %add3A_96 = arith.constant 192 : i32
    %add3A_97 = arith.addi %mul3A_2, %add3A_96 : i32
    %dma_start3A_98 = arith.constant 0 : i32
    %dma_start3A_99 = tpu.memref_slice %arg2[%add3A_97, %dma_start3A_98] : memref<16384x512xf32, #tpu.memory_space<hbm>> -> memref<48x512xf32, #tpu.memory_space<hbm>>
    %dma_start3A_100 = arith.constant 0 : i32
    %dma_start3A_101 = tpu.memref_slice %arg2[%add3A_97, %dma_start3A_100] : memref<16384x512xf32, #tpu.memory_space<hbm>> -> memref<48x512xf32, #tpu.memory_space<hbm>>
    tpu.enqueue_dma source(%dma_start3A_101 : memref<48x512xf32, #tpu.memory_space<hbm>>) target(%arg7 : memref<48x512xf32, #tpu.memory_space<vmem>>) target_semaphore(%arg12 : memref<!tpu.dma_semaphore, #tpu.memory_space<semaphore_mem>>)
    %dma_start3A_102 = arith.constant 192 : i32
    %dma_start3A_103 = tpu.memref_slice %arg6[%dma_start3A_102] : memref<336xi32, #tpu.memory_space<vmem>> -> memref<48xi32, #tpu.memory_space<vmem>>
    %dma_start3A_104 = arith.constant 0 : i32
    %dma_start3A_105 = arith.constant 0 : i32
    %dma_start3A_106 = tpu.memref_slice %arg4[%dma_start3A_104, %dma_start3A_105] : memref<10000x512xf32, #tpu.memory_space<hbm>> -> memref<10000x512xf32, #tpu.memory_space<hbm>>
    tpu.enqueue_indirect_dma source(%dma_start3A_106 : memref<10000x512xf32, #tpu.memory_space<hbm>>) target(%arg9 : memref<48x512xf32, #tpu.memory_space<vmem>>) offsets(%dma_start3A_103 : memref<48xi32, #tpu.memory_space<vmem>>) semaphore(%arg14 : memref<!tpu.dma_semaphore, #tpu.memory_space<semaphore_mem>>)
    %dma_wait3A_107 = arith.constant 0 : i32
    %dma_wait3A_108 = tpu.memref_slice %arg2[%add3A_71, %dma_wait3A_107] : memref<16384x512xf32, #tpu.memory_space<hbm>> -> memref<48x512xf32, #tpu.memory_space<hbm>>
    %dma_wait3A_109 = arith.constant 0 : i32
    %dma_wait3A_110 = tpu.memref_slice %arg2[%add3A_71, %dma_wait3A_109] : memref<16384x512xf32, #tpu.memory_space<hbm>> -> memref<48x512xf32, #tpu.memory_space<hbm>>
    tpu.wait_dma2 semaphore(%arg13 : memref<!tpu.dma_semaphore, #tpu.memory_space<semaphore_mem>>) src(%dma_wait3A_110 : memref<48x512xf32, #tpu.memory_space<hbm>>) dst(%arg8 : memref<48x512xf32, #tpu.memory_space<vmem>>)
    %dma_wait3A_111 = arith.constant 144 : i32
    %dma_wait3A_112 = tpu.memref_slice %arg6[%dma_wait3A_111] : memref<336xi32, #tpu.memory_space<vmem>> -> memref<48xi32, #tpu.memory_space<vmem>>
    %dma_wait3A_113 = arith.constant 0 : i32
    %dma_wait3A_114 = arith.constant 0 : i32
    %dma_wait3A_115 = tpu.memref_slice %arg4[%dma_wait3A_113, %dma_wait3A_114] : memref<10000x512xf32, #tpu.memory_space<hbm>> -> memref<10000x512xf32, #tpu.memory_space<hbm>>
    tpu.wait_indirect_dma semaphore(%arg15 : memref<!tpu.dma_semaphore, #tpu.memory_space<semaphore_mem>>) src(%dma_wait3A_115 : memref<10000x512xf32, #tpu.memory_space<hbm>>) dst(%arg10 : memref<48x512xf32, #tpu.memory_space<vmem>>)
    %scan3A_116 = arith.constant 0 : i32
    %scan3A_117 = arith.constant 48 : i32
    %scan3A_118 = arith.addi %scan3A_116, %scan3A_117 : i32
    %scan3A_119 = arith.constant 1 : i32
    %scan3A_120:4 = scf.for %scan3A_197 = %scan3A_116 to %scan3A_118 step %scan3A_119 iter_args(%scan3A_198 = %scan3A_94#0, %scan3A_199 = %scan3A_94#1, %scan3A_200 = %scan3A_94#2, %scan3A_201 = %scan3A_94#3) -> (vector<16xf32>, vector<16xf32>, vector<16xf32>, vector<16xf32>)  : i32 {
      %get3A = arith.index_cast %scan3A_197 : i32 to index
      %get3A_202 = arith.constant 0 : index
      %get3A_203 = tpu.vector_load %arg8[%get3A, %get3A_202] {strides = array<i32>} : memref<48x512xf32, #tpu.memory_space<vmem>>, vector<1x16xf32>,
      %get3A_204 = vector.shape_cast %get3A_203 : vector<1x16xf32> to vector<16xf32>
      %get3A_205 = arith.index_cast %scan3A_197 : i32 to index
      %get3A_206 = arith.constant 0 : index
      %get3A_207 = tpu.vector_load %arg10[%get3A_205, %get3A_206] {strides = array<i32>} : memref<48x512xf32, #tpu.memory_space<vmem>>, vector<1x16xf32>,
      %get3A_208 = vector.shape_cast %get3A_207 : vector<1x16xf32> to vector<16xf32>
      %sub3A = arith.subf %get3A_204, %get3A_208 : vector<16xf32>
      %mul3A_209 = arith.mulf %sub3A, %sub3A : vector<16xf32>
      %add3A_210 = arith.addf %scan3A_198, %mul3A_209 : vector<16xf32>
      %get3A_211 = arith.index_cast %scan3A_197 : i32 to index
      %get3A_212 = arith.constant 16 : index
      %get3A_213 = tpu.vector_load %arg8[%get3A_211, %get3A_212] {strides = array<i32>} : memref<48x512xf32, #tpu.memory_space<vmem>>, vector<1x16xf32>,
      %get3A_214 = vector.shape_cast %get3A_213 : vector<1x16xf32> to vector<16xf32>
      %get3A_215 = arith.index_cast %scan3A_197 : i32 to index
      %get3A_216 = arith.constant 16 : index
      %get3A_217 = tpu.vector_load %arg10[%get3A_215, %get3A_216] {strides = array<i32>} : memref<48x512xf32, #tpu.memory_space<vmem>>, vector<1x16xf32>,
      %get3A_218 = vector.shape_cast %get3A_217 : vector<1x16xf32> to vector<16xf32>
      %sub3A_219 = arith.subf %get3A_214, %get3A_218 : vector<16xf32>
      %mul3A_220 = arith.mulf %sub3A_219, %sub3A_219 : vector<16xf32>
      %add3A_221 = arith.addf %scan3A_199, %mul3A_220 : vector<16xf32>
      %get3A_222 = arith.index_cast %scan3A_197 : i32 to index
      %get3A_223 = arith.constant 32 : index
      %get3A_224 = tpu.vector_load %arg8[%get3A_222, %get3A_223] {strides = array<i32>} : memref<48x512xf32, #tpu.memory_space<vmem>>, vector<1x16xf32>,
      %get3A_225 = vector.shape_cast %get3A_224 : vector<1x16xf32> to vector<16xf32>
      %get3A_226 = arith.index_cast %scan3A_197 : i32 to index
      %get3A_227 = arith.constant 32 : index
      %get3A_228 = tpu.vector_load %arg10[%get3A_226, %get3A_227] {strides = array<i32>} : memref<48x512xf32, #tpu.memory_space<vmem>>, vector<1x16xf32>,
      %get3A_229 = vector.shape_cast %get3A_228 : vector<1x16xf32> to vector<16xf32>
      %sub3A_230 = arith.subf %get3A_225, %get3A_229 : vector<16xf32>
      %mul3A_231 = arith.mulf %sub3A_230, %sub3A_230 : vector<16xf32>
      %add3A_232 = arith.addf %scan3A_200, %mul3A_231 : vector<16xf32>
      %get3A_233 = arith.index_cast %scan3A_197 : i32 to index
      %get3A_234 = arith.constant 48 : index
      %get3A_235 = tpu.vector_load %arg8[%get3A_233, %get3A_234] {strides = array<i32>} : memref<48x512xf32, #tpu.memory_space<vmem>>, vector<1x16xf32>,
      %get3A_236 = vector.shape_cast %get3A_235 : vector<1x16xf32> to vector<16xf32>
      %get3A_237 = arith.index_cast %scan3A_197 : i32 to index
      %get3A_238 = arith.constant 48 : index
      %get3A_239 = tpu.vector_load %arg10[%get3A_237, %get3A_238] {strides = array<i32>} : memref<48x512xf32, #tpu.memory_space<vmem>>, vector<1x16xf32>,
      %get3A_240 = vector.shape_cast %get3A_239 : vector<1x16xf32> to vector<16xf32>
      %sub3A_241 = arith.subf %get3A_236, %get3A_240 : vector<16xf32>
      %mul3A_242 = arith.mulf %sub3A_241, %sub3A_241 : vector<16xf32>
      %add3A_243 = arith.addf %scan3A_201, %mul3A_242 : vector<16xf32>
      %get3A_244 = arith.index_cast %scan3A_197 : i32 to index
      %get3A_245 = arith.constant 64 : index
      %get3A_246 = tpu.vector_load %arg8[%get3A_244, %get3A_245] {strides = array<i32>} : memref<48x512xf32, #tpu.memory_space<vmem>>, vector<1x16xf32>,
      %get3A_247 = vector.shape_cast %get3A_246 : vector<1x16xf32> to vector<16xf32>
      %get3A_248 = arith.index_cast %scan3A_197 : i32 to index
      %get3A_249 = arith.constant 64 : index
      %get3A_250 = tpu.vector_load %arg10[%get3A_248, %get3A_249] {strides = array<i32>} : memref<48x512xf32, #tpu.memory_space<vmem>>, vector<1x16xf32>,
      %get3A_251 = vector.shape_cast %get3A_250 : vector<1x16xf32> to vector<16xf32>
      %sub3A_252 = arith.subf %get3A_247, %get3A_251 : vector<16xf32>
      %mul3A_253 = arith.mulf %sub3A_252, %sub3A_252 : vector<16xf32>
      %add3A_254 = arith.addf %add3A_210, %mul3A_253 : vector<16xf32>
      %get3A_255 = arith.index_cast %scan3A_197 : i32 to index
      %get3A_256 = arith.constant 80 : index
      %get3A_257 = tpu.vector_load %arg8[%get3A_255, %get3A_256] {strides = array<i32>} : memref<48x512xf32, #tpu.memory_space<vmem>>, vector<1x16xf32>,
      %get3A_258 = vector.shape_cast %get3A_257 : vector<1x16xf32> to vector<16xf32>
      %get3A_259 = arith.index_cast %scan3A_197 : i32 to index
      %get3A_260 = arith.constant 80 : index
      %get3A_261 = tpu.vector_load %arg10[%get3A_259, %get3A_260] {strides = array<i32>} : memref<48x512xf32, #tpu.memory_space<vmem>>, vector<1x16xf32>,
      %get3A_262 = vector.shape_cast %get3A_261 : vector<1x16xf32> to vector<16xf32>
      %sub3A_263 = arith.subf %get3A_258, %get3A_262 : vector<16xf32>
      %mul3A_264 = arith.mulf %sub3A_263, %sub3A_263 : vector<16xf32>
      %add3A_265 = arith.addf %add3A_221, %mul3A_264 : vector<16xf32>
      %get3A_266 = arith.index_cast %scan3A_197 : i32 to index
      %get3A_267 = arith.constant 96 : index
      %get3A_268 = tpu.vector_load %arg8[%get3A_266, %get3A_267] {strides = array<i32>} : memref<48x512xf32, #tpu.memory_space<vmem>>, vector<1x16xf32>,
      %get3A_269 = vector.shape_cast %get3A_268 : vector<1x16xf32> to vector<16xf32>
      %get3A_270 = arith.index_cast %scan3A_197 : i32 to index
      %get3A_271 = arith.constant 96 : index
      %get3A_272 = tpu.vector_load %arg10[%get3A_270, %get3A_271] {strides = array<i32>} : memref<48x512xf32, #tpu.memory_space<vmem>>, vector<1x16xf32>,
      %get3A_273 = vector.shape_cast %get3A_272 : vector<1x16xf32> to vector<16xf32>
      %sub3A_274 = arith.subf %get3A_269, %get3A_273 : vector<16xf32>
      %mul3A_275 = arith.mulf %sub3A_274, %sub3A_274 : vector<16xf32>
      %add3A_276 = arith.addf %add3A_232, %mul3A_275 : vector<16xf32>
      %get3A_277 = arith.index_cast %scan3A_197 : i32 to index
      %get3A_278 = arith.constant 112 : index
      %get3A_279 = tpu.vector_load %arg8[%get3A_277, %get3A_278] {strides = array<i32>} : memref<48x512xf32, #tpu.memory_space<vmem>>, vector<1x16xf32>,
      %get3A_280 = vector.shape_cast %get3A_279 : vector<1x16xf32> to vector<16xf32>
      %get3A_281 = arith.index_cast %scan3A_197 : i32 to index
      %get3A_282 = arith.constant 112 : index
      %get3A_283 = tpu.vector_load %arg10[%get3A_281, %get3A_282] {strides = array<i32>} : memref<48x512xf32, #tpu.memory_space<vmem>>, vector<1x16xf32>,
      %get3A_284 = vector.shape_cast %get3A_283 : vector<1x16xf32> to vector<16xf32>
      %sub3A_285 = arith.subf %get3A_280, %get3A_284 : vector<16xf32>
      %mul3A_286 = arith.mulf %sub3A_285, %sub3A_285 : vector<16xf32>
      %add3A_287 = arith.addf %add3A_243, %mul3A_286 : vector<16xf32>
      %get3A_288 = arith.index_cast %scan3A_197 : i32 to index
      %get3A_289 = arith.constant 128 : index
      %get3A_290 = tpu.vector_load %arg8[%get3A_288, %get3A_289] {strides = array<i32>} : memref<48x512xf32, #tpu.memory_space<vmem>>, vector<1x16xf32>,
      %get3A_291 = vector.shape_cast %get3A_290 : vector<1x16xf32> to vector<16xf32>
      %get3A_292 = arith.index_cast %scan3A_197 : i32 to index
      %get3A_293 = arith.constant 128 : index
      %get3A_294 = tpu.vector_load %arg10[%get3A_292, %get3A_293] {strides = array<i32>} : memref<48x512xf32, #tpu.memory_space<vmem>>, vector<1x16xf32>,
      %get3A_295 = vector.shape_cast %get3A_294 : vector<1x16xf32> to vector<16xf32>
      %sub3A_296 = arith.subf %get3A_291, %get3A_295 : vector<16xf32>
      %mul3A_297 = arith.mulf %sub3A_296, %sub3A_296 : vector<16xf32>
      %add3A_298 = arith.addf %add3A_254, %mul3A_297 : vector<16xf32>
      %get3A_299 = arith.index_cast %scan3A_197 : i32 to index
      %get3A_300 = arith.constant 144 : index
      %get3A_301 = tpu.vector_load %arg8[%get3A_299, %get3A_300] {strides = array<i32>} : memref<48x512xf32, #tpu.memory_space<vmem>>, vector<1x16xf32>,
      %get3A_302 = vector.shape_cast %get3A_301 : vector<1x16xf32> to vector<16xf32>
      %get3A_303 = arith.index_cast %scan3A_197 : i32 to index
      %get3A_304 = arith.constant 144 : index
      %get3A_305 = tpu.vector_load %arg10[%get3A_303, %get3A_304] {strides = array<i32>} : memref<48x512xf32, #tpu.memory_space<vmem>>, vector<1x16xf32>,
      %get3A_306 = vector.shape_cast %get3A_305 : vector<1x16xf32> to vector<16xf32>
      %sub3A_307 = arith.subf %get3A_302, %get3A_306 : vector<16xf32>
      %mul3A_308 = arith.mulf %sub3A_307, %sub3A_307 : vector<16xf32>
      %add3A_309 = arith.addf %add3A_265, %mul3A_308 : vector<16xf32>
      %get3A_310 = arith.index_cast %scan3A_197 : i32 to index
      %get3A_311 = arith.constant 160 : index
      %get3A_312 = tpu.vector_load %arg8[%get3A_310, %get3A_311] {strides = array<i32>} : memref<48x512xf32, #tpu.memory_space<vmem>>, vector<1x16xf32>,
      %get3A_313 = vector.shape_cast %get3A_312 : vector<1x16xf32> to vector<16xf32>
      %get3A_314 = arith.index_cast %scan3A_197 : i32 to index
      %get3A_315 = arith.constant 160 : index
      %get3A_316 = tpu.vector_load %arg10[%get3A_314, %get3A_315] {strides = array<i32>} : memref<48x512xf32, #tpu.memory_space<vmem>>, vector<1x16xf32>,
      %get3A_317 = vector.shape_cast %get3A_316 : vector<1x16xf32> to vector<16xf32>
      %sub3A_318 = arith.subf %get3A_313, %get3A_317 : vector<16xf32>
      %mul3A_319 = arith.mulf %sub3A_318, %sub3A_318 : vector<16xf32>
      %add3A_320 = arith.addf %add3A_276, %mul3A_319 : vector<16xf32>
      %get3A_321 = arith.index_cast %scan3A_197 : i32 to index
      %get3A_322 = arith.constant 176 : index
      %get3A_323 = tpu.vector_load %arg8[%get3A_321, %get3A_322] {strides = array<i32>} : memref<48x512xf32, #tpu.memory_space<vmem>>, vector<1x16xf32>,
      %get3A_324 = vector.shape_cast %get3A_323 : vector<1x16xf32> to vector<16xf32>
      %get3A_325 = arith.index_cast %scan3A_197 : i32 to index
      %get3A_326 = arith.constant 176 : index
      %get3A_327 = tpu.vector_load %arg10[%get3A_325, %get3A_326] {strides = array<i32>} : memref<48x512xf32, #tpu.memory_space<vmem>>, vector<1x16xf32>,
      %get3A_328 = vector.shape_cast %get3A_327 : vector<1x16xf32> to vector<16xf32>
      %sub3A_329 = arith.subf %get3A_324, %get3A_328 : vector<16xf32>
      %mul3A_330 = arith.mulf %sub3A_329, %sub3A_329 : vector<16xf32>
      %add3A_331 = arith.addf %add3A_287, %mul3A_330 : vector<16xf32>
      %get3A_332 = arith.index_cast %scan3A_197 : i32 to index
      %get3A_333 = arith.constant 192 : index
      %get3A_334 = tpu.vector_load %arg8[%get3A_332, %get3A_333] {strides = array<i32>} : memref<48x512xf32, #tpu.memory_space<vmem>>, vector<1x16xf32>,
      %get3A_335 = vector.shape_cast %get3A_334 : vector<1x16xf32> to vector<16xf32>
      %get3A_336 = arith.index_cast %scan3A_197 : i32 to index
      %get3A_337 = arith.constant 192 : index
      %get3A_338 = tpu.vector_load %arg10[%get3A_336, %get3A_337] {strides = array<i32>} : memref<48x512xf32, #tpu.memory_space<vmem>>, vector<1x16xf32>,
      %get3A_339 = vector.shape_cast %get3A_338 : vector<1x16xf32> to vector<16xf32>
      %sub3A_340 = arith.subf %get3A_335, %get3A_339 : vector<16xf32>
      %mul3A_341 = arith.mulf %sub3A_340, %sub3A_340 : vector<16xf32>
      %add3A_342 = arith.addf %add3A_298, %mul3A_341 : vector<16xf32>
      %get3A_343 = arith.index_cast %scan3A_197 : i32 to index
      %get3A_344 = arith.constant 208 : index
      %get3A_345 = tpu.vector_load %arg8[%get3A_343, %get3A_344] {strides = array<i32>} : memref<48x512xf32, #tpu.memory_space<vmem>>, vector<1x16xf32>,
      %get3A_346 = vector.shape_cast %get3A_345 : vector<1x16xf32> to vector<16xf32>
      %get3A_347 = arith.index_cast %scan3A_197 : i32 to index
      %get3A_348 = arith.constant 208 : index
      %get3A_349 = tpu.vector_load %arg10[%get3A_347, %get3A_348] {strides = array<i32>} : memref<48x512xf32, #tpu.memory_space<vmem>>, vector<1x16xf32>,
      %get3A_350 = vector.shape_cast %get3A_349 : vector<1x16xf32> to vector<16xf32>
      %sub3A_351 = arith.subf %get3A_346, %get3A_350 : vector<16xf32>
      %mul3A_352 = arith.mulf %sub3A_351, %sub3A_351 : vector<16xf32>
      %add3A_353 = arith.addf %add3A_309, %mul3A_352 : vector<16xf32>
      %get3A_354 = arith.index_cast %scan3A_197 : i32 to index
      %get3A_355 = arith.constant 224 : index
      %get3A_356 = tpu.vector_load %arg8[%get3A_354, %get3A_355] {strides = array<i32>} : memref<48x512xf32, #tpu.memory_space<vmem>>, vector<1x16xf32>,
      %get3A_357 = vector.shape_cast %get3A_356 : vector<1x16xf32> to vector<16xf32>
      %get3A_358 = arith.index_cast %scan3A_197 : i32 to index
      %get3A_359 = arith.constant 224 : index
      %get3A_360 = tpu.vector_load %arg10[%get3A_358, %get3A_359] {strides = array<i32>} : memref<48x512xf32, #tpu.memory_space<vmem>>, vector<1x16xf32>,
      %get3A_361 = vector.shape_cast %get3A_360 : vector<1x16xf32> to vector<16xf32>
      %sub3A_362 = arith.subf %get3A_357, %get3A_361 : vector<16xf32>
      %mul3A_363 = arith.mulf %sub3A_362, %sub3A_362 : vector<16xf32>
      %add3A_364 = arith.addf %add3A_320, %mul3A_363 : vector<16xf32>
      %get3A_365 = arith.index_cast %scan3A_197 : i32 to index
      %get3A_366 = arith.constant 240 : index
      %get3A_367 = tpu.vector_load %arg8[%get3A_365, %get3A_366] {strides = array<i32>} : memref<48x512xf32, #tpu.memory_space<vmem>>, vector<1x16xf32>,
      %get3A_368 = vector.shape_cast %get3A_367 : vector<1x16xf32> to vector<16xf32>
      %get3A_369 = arith.index_cast %scan3A_197 : i32 to index
      %get3A_370 = arith.constant 240 : index
      %get3A_371 = tpu.vector_load %arg10[%get3A_369, %get3A_370] {strides = array<i32>} : memref<48x512xf32, #tpu.memory_space<vmem>>, vector<1x16xf32>,
      %get3A_372 = vector.shape_cast %get3A_371 : vector<1x16xf32> to vector<16xf32>
      %sub3A_373 = arith.subf %get3A_368, %get3A_372 : vector<16xf32>
      %mul3A_374 = arith.mulf %sub3A_373, %sub3A_373 : vector<16xf32>
      %add3A_375 = arith.addf %add3A_331, %mul3A_374 : vector<16xf32>
      %get3A_376 = arith.index_cast %scan3A_197 : i32 to index
      %get3A_377 = arith.constant 256 : index
      %get3A_378 = tpu.vector_load %arg8[%get3A_376, %get3A_377] {strides = array<i32>} : memref<48x512xf32, #tpu.memory_space<vmem>>, vector<1x16xf32>,
      %get3A_379 = vector.shape_cast %get3A_378 : vector<1x16xf32> to vector<16xf32>
      %get3A_380 = arith.index_cast %scan3A_197 : i32 to index
      %get3A_381 = arith.constant 256 : index
      %get3A_382 = tpu.vector_load %arg10[%get3A_380, %get3A_381] {strides = array<i32>} : memref<48x512xf32, #tpu.memory_space<vmem>>, vector<1x16xf32>,
      %get3A_383 = vector.shape_cast %get3A_382 : vector<1x16xf32> to vector<16xf32>
      %sub3A_384 = arith.subf %get3A_379, %get3A_383 : vector<16xf32>
      %mul3A_385 = arith.mulf %sub3A_384, %sub3A_384 : vector<16xf32>
      %add3A_386 = arith.addf %add3A_342, %mul3A_385 : vector<16xf32>
      %get3A_387 = arith.index_cast %scan3A_197 : i32 to index
      %get3A_388 = arith.constant 272 : index
      %get3A_389 = tpu.vector_load %arg8[%get3A_387, %get3A_388] {strides = array<i32>} : memref<48x512xf32, #tpu.memory_space<vmem>>, vector<1x16xf32>,
      %get3A_390 = vector.shape_cast %get3A_389 : vector<1x16xf32> to vector<16xf32>
      %get3A_391 = arith.index_cast %scan3A_197 : i32 to index
      %get3A_392 = arith.constant 272 : index
      %get3A_393 = tpu.vector_load %arg10[%get3A_391, %get3A_392] {strides = array<i32>} : memref<48x512xf32, #tpu.memory_space<vmem>>, vector<1x16xf32>,
      %get3A_394 = vector.shape_cast %get3A_393 : vector<1x16xf32> to vector<16xf32>
      %sub3A_395 = arith.subf %get3A_390, %get3A_394 : vector<16xf32>
      %mul3A_396 = arith.mulf %sub3A_395, %sub3A_395 : vector<16xf32>
      %add3A_397 = arith.addf %add3A_353, %mul3A_396 : vector<16xf32>
      %get3A_398 = arith.index_cast %scan3A_197 : i32 to index
      %get3A_399 = arith.constant 288 : index
      %get3A_400 = tpu.vector_load %arg8[%get3A_398, %get3A_399] {strides = array<i32>} : memref<48x512xf32, #tpu.memory_space<vmem>>, vector<1x16xf32>,
      %get3A_401 = vector.shape_cast %get3A_400 : vector<1x16xf32> to vector<16xf32>
      %get3A_402 = arith.index_cast %scan3A_197 : i32 to index
      %get3A_403 = arith.constant 288 : index
      %get3A_404 = tpu.vector_load %arg10[%get3A_402, %get3A_403] {strides = array<i32>} : memref<48x512xf32, #tpu.memory_space<vmem>>, vector<1x16xf32>,
      %get3A_405 = vector.shape_cast %get3A_404 : vector<1x16xf32> to vector<16xf32>
      %sub3A_406 = arith.subf %get3A_401, %get3A_405 : vector<16xf32>
      %mul3A_407 = arith.mulf %sub3A_406, %sub3A_406 : vector<16xf32>
      %add3A_408 = arith.addf %add3A_364, %mul3A_407 : vector<16xf32>
      %get3A_409 = arith.index_cast %scan3A_197 : i32 to index
      %get3A_410 = arith.constant 304 : index
      %get3A_411 = tpu.vector_load %arg8[%get3A_409, %get3A_410] {strides = array<i32>} : memref<48x512xf32, #tpu.memory_space<vmem>>, vector<1x16xf32>,
      %get3A_412 = vector.shape_cast %get3A_411 : vector<1x16xf32> to vector<16xf32>
      %get3A_413 = arith.index_cast %scan3A_197 : i32 to index
      %get3A_414 = arith.constant 304 : index
      %get3A_415 = tpu.vector_load %arg10[%get3A_413, %get3A_414] {strides = array<i32>} : memref<48x512xf32, #tpu.memory_space<vmem>>, vector<1x16xf32>,
      %get3A_416 = vector.shape_cast %get3A_415 : vector<1x16xf32> to vector<16xf32>
      %sub3A_417 = arith.subf %get3A_412, %get3A_416 : vector<16xf32>
      %mul3A_418 = arith.mulf %sub3A_417, %sub3A_417 : vector<16xf32>
      %add3A_419 = arith.addf %add3A_375, %mul3A_418 : vector<16xf32>
      %get3A_420 = arith.index_cast %scan3A_197 : i32 to index
      %get3A_421 = arith.constant 320 : index
      %get3A_422 = tpu.vector_load %arg8[%get3A_420, %get3A_421] {strides = array<i32>} : memref<48x512xf32, #tpu.memory_space<vmem>>, vector<1x16xf32>,
      %get3A_423 = vector.shape_cast %get3A_422 : vector<1x16xf32> to vector<16xf32>
      %get3A_424 = arith.index_cast %scan3A_197 : i32 to index
      %get3A_425 = arith.constant 320 : index
      %get3A_426 = tpu.vector_load %arg10[%get3A_424, %get3A_425] {strides = array<i32>} : memref<48x512xf32, #tpu.memory_space<vmem>>, vector<1x16xf32>,
      %get3A_427 = vector.shape_cast %get3A_426 : vector<1x16xf32> to vector<16xf32>
      %sub3A_428 = arith.subf %get3A_423, %get3A_427 : vector<16xf32>
      %mul3A_429 = arith.mulf %sub3A_428, %sub3A_428 : vector<16xf32>
      %add3A_430 = arith.addf %add3A_386, %mul3A_429 : vector<16xf32>
      %get3A_431 = arith.index_cast %scan3A_197 : i32 to index
      %get3A_432 = arith.constant 336 : index
      %get3A_433 = tpu.vector_load %arg8[%get3A_431, %get3A_432] {strides = array<i32>} : memref<48x512xf32, #tpu.memory_space<vmem>>, vector<1x16xf32>,
      %get3A_434 = vector.shape_cast %get3A_433 : vector<1x16xf32> to vector<16xf32>
      %get3A_435 = arith.index_cast %scan3A_197 : i32 to index
      %get3A_436 = arith.constant 336 : index
      %get3A_437 = tpu.vector_load %arg10[%get3A_435, %get3A_436] {strides = array<i32>} : memref<48x512xf32, #tpu.memory_space<vmem>>, vector<1x16xf32>,
      %get3A_438 = vector.shape_cast %get3A_437 : vector<1x16xf32> to vector<16xf32>
      %sub3A_439 = arith.subf %get3A_434, %get3A_438 : vector<16xf32>
      %mul3A_440 = arith.mulf %sub3A_439, %sub3A_439 : vector<16xf32>
      %add3A_441 = arith.addf %add3A_397, %mul3A_440 : vector<16xf32>
      %get3A_442 = arith.index_cast %scan3A_197 : i32 to index
      %get3A_443 = arith.constant 352 : index
      %get3A_444 = tpu.vector_load %arg8[%get3A_442, %get3A_443] {strides = array<i32>} : memref<48x512xf32, #tpu.memory_space<vmem>>, vector<1x16xf32>,
      %get3A_445 = vector.shape_cast %get3A_444 : vector<1x16xf32> to vector<16xf32>
      %get3A_446 = arith.index_cast %scan3A_197 : i32 to index
      %get3A_447 = arith.constant 352 : index
      %get3A_448 = tpu.vector_load %arg10[%get3A_446, %get3A_447] {strides = array<i32>} : memref<48x512xf32, #tpu.memory_space<vmem>>, vector<1x16xf32>,
      %get3A_449 = vector.shape_cast %get3A_448 : vector<1x16xf32> to vector<16xf32>
      %sub3A_450 = arith.subf %get3A_445, %get3A_449 : vector<16xf32>
      %mul3A_451 = arith.mulf %sub3A_450, %sub3A_450 : vector<16xf32>
      %add3A_452 = arith.addf %add3A_408, %mul3A_451 : vector<16xf32>
      %get3A_453 = arith.index_cast %scan3A_197 : i32 to index
      %get3A_454 = arith.constant 368 : index
      %get3A_455 = tpu.vector_load %arg8[%get3A_453, %get3A_454] {strides = array<i32>} : memref<48x512xf32, #tpu.memory_space<vmem>>, vector<1x16xf32>,
      %get3A_456 = vector.shape_cast %get3A_455 : vector<1x16xf32> to vector<16xf32>
      %get3A_457 = arith.index_cast %scan3A_197 : i32 to index
      %get3A_458 = arith.constant 368 : index
      %get3A_459 = tpu.vector_load %arg10[%get3A_457, %get3A_458] {strides = array<i32>} : memref<48x512xf32, #tpu.memory_space<vmem>>, vector<1x16xf32>,
      %get3A_460 = vector.shape_cast %get3A_459 : vector<1x16xf32> to vector<16xf32>
      %sub3A_461 = arith.subf %get3A_456, %get3A_460 : vector<16xf32>
      %mul3A_462 = arith.mulf %sub3A_461, %sub3A_461 : vector<16xf32>
      %add3A_463 = arith.addf %add3A_419, %mul3A_462 : vector<16xf32>
      %get3A_464 = arith.index_cast %scan3A_197 : i32 to index
      %get3A_465 = arith.constant 384 : index
      %get3A_466 = tpu.vector_load %arg8[%get3A_464, %get3A_465] {strides = array<i32>} : memref<48x512xf32, #tpu.memory_space<vmem>>, vector<1x16xf32>,
      %get3A_467 = vector.shape_cast %get3A_466 : vector<1x16xf32> to vector<16xf32>
      %get3A_468 = arith.index_cast %scan3A_197 : i32 to index
      %get3A_469 = arith.constant 384 : index
      %get3A_470 = tpu.vector_load %arg10[%get3A_468, %get3A_469] {strides = array<i32>} : memref<48x512xf32, #tpu.memory_space<vmem>>, vector<1x16xf32>,
      %get3A_471 = vector.shape_cast %get3A_470 : vector<1x16xf32> to vector<16xf32>
      %sub3A_472 = arith.subf %get3A_467, %get3A_471 : vector<16xf32>
      %mul3A_473 = arith.mulf %sub3A_472, %sub3A_472 : vector<16xf32>
      %add3A_474 = arith.addf %add3A_430, %mul3A_473 : vector<16xf32>
      %get3A_475 = arith.index_cast %scan3A_197 : i32 to index
      %get3A_476 = arith.constant 400 : index
      %get3A_477 = tpu.vector_load %arg8[%get3A_475, %get3A_476] {strides = array<i32>} : memref<48x512xf32, #tpu.memory_space<vmem>>, vector<1x16xf32>,
      %get3A_478 = vector.shape_cast %get3A_477 : vector<1x16xf32> to vector<16xf32>
      %get3A_479 = arith.index_cast %scan3A_197 : i32 to index
      %get3A_480 = arith.constant 400 : index
      %get3A_481 = tpu.vector_load %arg10[%get3A_479, %get3A_480] {strides = array<i32>} : memref<48x512xf32, #tpu.memory_space<vmem>>, vector<1x16xf32>,
      %get3A_482 = vector.shape_cast %get3A_481 : vector<1x16xf32> to vector<16xf32>
      %sub3A_483 = arith.subf %get3A_478, %get3A_482 : vector<16xf32>
      %mul3A_484 = arith.mulf %sub3A_483, %sub3A_483 : vector<16xf32>
      %add3A_485 = arith.addf %add3A_441, %mul3A_484 : vector<16xf32>
      %get3A_486 = arith.index_cast %scan3A_197 : i32 to index
      %get3A_487 = arith.constant 416 : index
      %get3A_488 = tpu.vector_load %arg8[%get3A_486, %get3A_487] {strides = array<i32>} : memref<48x512xf32, #tpu.memory_space<vmem>>, vector<1x16xf32>,
      %get3A_489 = vector.shape_cast %get3A_488 : vector<1x16xf32> to vector<16xf32>
      %get3A_490 = arith.index_cast %scan3A_197 : i32 to index
      %get3A_491 = arith.constant 416 : index
      %get3A_492 = tpu.vector_load %arg10[%get3A_490, %get3A_491] {strides = array<i32>} : memref<48x512xf32, #tpu.memory_space<vmem>>, vector<1x16xf32>,
      %get3A_493 = vector.shape_cast %get3A_492 : vector<1x16xf32> to vector<16xf32>
      %sub3A_494 = arith.subf %get3A_489, %get3A_493 : vector<16xf32>
      %mul3A_495 = arith.mulf %sub3A_494, %sub3A_494 : vector<16xf32>
      %add3A_496 = arith.addf %add3A_452, %mul3A_495 : vector<16xf32>
      %get3A_497 = arith.index_cast %scan3A_197 : i32 to index
      %get3A_498 = arith.constant 432 : index
      %get3A_499 = tpu.vector_load %arg8[%get3A_497, %get3A_498] {strides = array<i32>} : memref<48x512xf32, #tpu.memory_space<vmem>>, vector<1x16xf32>,
      %get3A_500 = vector.shape_cast %get3A_499 : vector<1x16xf32> to vector<16xf32>
      %get3A_501 = arith.index_cast %scan3A_197 : i32 to index
      %get3A_502 = arith.constant 432 : index
      %get3A_503 = tpu.vector_load %arg10[%get3A_501, %get3A_502] {strides = array<i32>} : memref<48x512xf32, #tpu.memory_space<vmem>>, vector<1x16xf32>,
      %get3A_504 = vector.shape_cast %get3A_503 : vector<1x16xf32> to vector<16xf32>
      %sub3A_505 = arith.subf %get3A_500, %get3A_504 : vector<16xf32>
      %mul3A_506 = arith.mulf %sub3A_505, %sub3A_505 : vector<16xf32>
      %add3A_507 = arith.addf %add3A_463, %mul3A_506 : vector<16xf32>
      %get3A_508 = arith.index_cast %scan3A_197 : i32 to index
      %get3A_509 = arith.constant 448 : index
      %get3A_510 = tpu.vector_load %arg8[%get3A_508, %get3A_509] {strides = array<i32>} : memref<48x512xf32, #tpu.memory_space<vmem>>, vector<1x16xf32>,
      %get3A_511 = vector.shape_cast %get3A_510 : vector<1x16xf32> to vector<16xf32>
      %get3A_512 = arith.index_cast %scan3A_197 : i32 to index
      %get3A_513 = arith.constant 448 : index
      %get3A_514 = tpu.vector_load %arg10[%get3A_512, %get3A_513] {strides = array<i32>} : memref<48x512xf32, #tpu.memory_space<vmem>>, vector<1x16xf32>,
      %get3A_515 = vector.shape_cast %get3A_514 : vector<1x16xf32> to vector<16xf32>
      %sub3A_516 = arith.subf %get3A_511, %get3A_515 : vector<16xf32>
      %mul3A_517 = arith.mulf %sub3A_516, %sub3A_516 : vector<16xf32>
      %add3A_518 = arith.addf %add3A_474, %mul3A_517 : vector<16xf32>
      %get3A_519 = arith.index_cast %scan3A_197 : i32 to index
      %get3A_520 = arith.constant 464 : index
      %get3A_521 = tpu.vector_load %arg8[%get3A_519, %get3A_520] {strides = array<i32>} : memref<48x512xf32, #tpu.memory_space<vmem>>, vector<1x16xf32>,
      %get3A_522 = vector.shape_cast %get3A_521 : vector<1x16xf32> to vector<16xf32>
      %get3A_523 = arith.index_cast %scan3A_197 : i32 to index
      %get3A_524 = arith.constant 464 : index
      %get3A_525 = tpu.vector_load %arg10[%get3A_523, %get3A_524] {strides = array<i32>} : memref<48x512xf32, #tpu.memory_space<vmem>>, vector<1x16xf32>,
      %get3A_526 = vector.shape_cast %get3A_525 : vector<1x16xf32> to vector<16xf32>
      %sub3A_527 = arith.subf %get3A_522, %get3A_526 : vector<16xf32>
      %mul3A_528 = arith.mulf %sub3A_527, %sub3A_527 : vector<16xf32>
      %add3A_529 = arith.addf %add3A_485, %mul3A_528 : vector<16xf32>
      %get3A_530 = arith.index_cast %scan3A_197 : i32 to index
      %get3A_531 = arith.constant 480 : index
      %get3A_532 = tpu.vector_load %arg8[%get3A_530, %get3A_531] {strides = array<i32>} : memref<48x512xf32, #tpu.memory_space<vmem>>, vector<1x16xf32>,
      %get3A_533 = vector.shape_cast %get3A_532 : vector<1x16xf32> to vector<16xf32>
      %get3A_534 = arith.index_cast %scan3A_197 : i32 to index
      %get3A_535 = arith.constant 480 : index
      %get3A_536 = tpu.vector_load %arg10[%get3A_534, %get3A_535] {strides = array<i32>} : memref<48x512xf32, #tpu.memory_space<vmem>>, vector<1x16xf32>,
      %get3A_537 = vector.shape_cast %get3A_536 : vector<1x16xf32> to vector<16xf32>
      %sub3A_538 = arith.subf %get3A_533, %get3A_537 : vector<16xf32>
      %mul3A_539 = arith.mulf %sub3A_538, %sub3A_538 : vector<16xf32>
      %add3A_540 = arith.addf %add3A_496, %mul3A_539 : vector<16xf32>
      %get3A_541 = arith.index_cast %scan3A_197 : i32 to index
      %get3A_542 = arith.constant 496 : index
      %get3A_543 = tpu.vector_load %arg8[%get3A_541, %get3A_542] {strides = array<i32>} : memref<48x512xf32, #tpu.memory_space<vmem>>, vector<1x16xf32>,
      %get3A_544 = vector.shape_cast %get3A_543 : vector<1x16xf32> to vector<16xf32>
      %get3A_545 = arith.index_cast %scan3A_197 : i32 to index
      %get3A_546 = arith.constant 496 : index
      %get3A_547 = tpu.vector_load %arg10[%get3A_545, %get3A_546] {strides = array<i32>} : memref<48x512xf32, #tpu.memory_space<vmem>>, vector<1x16xf32>,
      %get3A_548 = vector.shape_cast %get3A_547 : vector<1x16xf32> to vector<16xf32>
      %sub3A_549 = arith.subf %get3A_544, %get3A_548 : vector<16xf32>
      %mul3A_550 = arith.mulf %sub3A_549, %sub3A_549 : vector<16xf32>
      %add3A_551 = arith.addf %add3A_507, %mul3A_550 : vector<16xf32>
      scf.yield %add3A_518, %add3A_529, %add3A_540, %add3A_551 : vector<16xf32>, vector<16xf32>, vector<16xf32>, vector<16xf32>
    }
    %scan3A_121 = arith.constant 48 : i32
    %add3A_122 = arith.constant 240 : i32
    %add3A_123 = arith.addi %mul3A_2, %add3A_122 : i32
    %dma_start3A_124 = arith.constant 0 : i32
    %dma_start3A_125 = tpu.memref_slice %arg2[%add3A_123, %dma_start3A_124] : memref<16384x512xf32, #tpu.memory_space<hbm>> -> memref<48x512xf32, #tpu.memory_space<hbm>>
    %dma_start3A_126 = arith.constant 0 : i32
    %dma_start3A_127 = tpu.memref_slice %arg2[%add3A_123, %dma_start3A_126] : memref<16384x512xf32, #tpu.memory_space<hbm>> -> memref<48x512xf32, #tpu.memory_space<hbm>>
    tpu.enqueue_dma source(%dma_start3A_127 : memref<48x512xf32, #tpu.memory_space<hbm>>) target(%arg8 : memref<48x512xf32, #tpu.memory_space<vmem>>) target_semaphore(%arg13 : memref<!tpu.dma_semaphore, #tpu.memory_space<semaphore_mem>>)
    %dma_start3A_128 = arith.constant 240 : i32
    %dma_start3A_129 = tpu.memref_slice %arg6[%dma_start3A_128] : memref<336xi32, #tpu.memory_space<vmem>> -> memref<48xi32, #tpu.memory_space<vmem>>
    %dma_start3A_130 = arith.constant 0 : i32
    %dma_start3A_131 = arith.constant 0 : i32
    %dma_start3A_132 = tpu.memref_slice %arg4[%dma_start3A_130, %dma_start3A_131] : memref<10000x512xf32, #tpu.memory_space<hbm>> -> memref<10000x512xf32, #tpu.memory_space<hbm>>
    tpu.enqueue_indirect_dma source(%dma_start3A_132 : memref<10000x512xf32, #tpu.memory_space<hbm>>) target(%arg10 : memref<48x512xf32, #tpu.memory_space<vmem>>) offsets(%dma_start3A_129 : memref<48xi32, #tpu.memory_space<vmem>>) semaphore(%arg15 : memref<!tpu.dma_semaphore, #tpu.memory_space<semaphore_mem>>)
    %dma_wait3A_133 = arith.constant 0 : i32
    %dma_wait3A_134 = tpu.memref_slice %arg2[%add3A_97, %dma_wait3A_133] : memref<16384x512xf32, #tpu.memory_space<hbm>> -> memref<48x512xf32, #tpu.memory_space<hbm>>
    %dma_wait3A_135 = arith.constant 0 : i32
    %dma_wait3A_136 = tpu.memref_slice %arg2[%add3A_97, %dma_wait3A_135] : memref<16384x512xf32, #tpu.memory_space<hbm>> -> memref<48x512xf32, #tpu.memory_space<hbm>>
    tpu.wait_dma2 semaphore(%arg12 : memref<!tpu.dma_semaphore, #tpu.memory_space<semaphore_mem>>) src(%dma_wait3A_136 : memref<48x512xf32, #tpu.memory_space<hbm>>) dst(%arg7 : memref<48x512xf32, #tpu.memory_space<vmem>>)
    %dma_wait3A_137 = arith.constant 192 : i32
    %dma_wait3A_138 = tpu.memref_slice %arg6[%dma_wait3A_137] : memref<336xi32, #tpu.memory_space<vmem>> -> memref<48xi32, #tpu.memory_space<vmem>>
    %dma_wait3A_139 = arith.constant 0 : i32
    %dma_wait3A_140 = arith.constant 0 : i32
    %dma_wait3A_141 = tpu.memref_slice %arg4[%dma_wait3A_139, %dma_wait3A_140] : memref<10000x512xf32, #tpu.memory_space<hbm>> -> memref<10000x512xf32, #tpu.memory_space<hbm>>
    tpu.wait_indirect_dma semaphore(%arg14 : memref<!tpu.dma_semaphore, #tpu.memory_space<semaphore_mem>>) src(%dma_wait3A_141 : memref<10000x512xf32, #tpu.memory_space<hbm>>) dst(%arg9 : memref<48x512xf32, #tpu.memory_space<vmem>>)
    %scan3A_142 = arith.constant 0 : i32
    %scan3A_143 = arith.constant 48 : i32
    %scan3A_144 = arith.addi %scan3A_142, %scan3A_143 : i32
    %scan3A_145 = arith.constant 1 : i32
    %scan3A_146:4 = scf.for %scan3A_197 = %scan3A_142 to %scan3A_144 step %scan3A_145 iter_args(%scan3A_198 = %scan3A_120#0, %scan3A_199 = %scan3A_120#1, %scan3A_200 = %scan3A_120#2, %scan3A_201 = %scan3A_120#3) -> (vector<16xf32>, vector<16xf32>, vector<16xf32>, vector<16xf32>)  : i32 {
      %get3A = arith.index_cast %scan3A_197 : i32 to index
      %get3A_202 = arith.constant 0 : index
      %get3A_203 = tpu.vector_load %arg7[%get3A, %get3A_202] {strides = array<i32>} : memref<48x512xf32, #tpu.memory_space<vmem>>, vector<1x16xf32>,
      %get3A_204 = vector.shape_cast %get3A_203 : vector<1x16xf32> to vector<16xf32>
      %get3A_205 = arith.index_cast %scan3A_197 : i32 to index
      %get3A_206 = arith.constant 0 : index
      %get3A_207 = tpu.vector_load %arg9[%get3A_205, %get3A_206] {strides = array<i32>} : memref<48x512xf32, #tpu.memory_space<vmem>>, vector<1x16xf32>,
      %get3A_208 = vector.shape_cast %get3A_207 : vector<1x16xf32> to vector<16xf32>
      %sub3A = arith.subf %get3A_204, %get3A_208 : vector<16xf32>
      %mul3A_209 = arith.mulf %sub3A, %sub3A : vector<16xf32>
      %add3A_210 = arith.addf %scan3A_198, %mul3A_209 : vector<16xf32>
      %get3A_211 = arith.index_cast %scan3A_197 : i32 to index
      %get3A_212 = arith.constant 16 : index
      %get3A_213 = tpu.vector_load %arg7[%get3A_211, %get3A_212] {strides = array<i32>} : memref<48x512xf32, #tpu.memory_space<vmem>>, vector<1x16xf32>,
      %get3A_214 = vector.shape_cast %get3A_213 : vector<1x16xf32> to vector<16xf32>
      %get3A_215 = arith.index_cast %scan3A_197 : i32 to index
      %get3A_216 = arith.constant 16 : index
      %get3A_217 = tpu.vector_load %arg9[%get3A_215, %get3A_216] {strides = array<i32>} : memref<48x512xf32, #tpu.memory_space<vmem>>, vector<1x16xf32>,
      %get3A_218 = vector.shape_cast %get3A_217 : vector<1x16xf32> to vector<16xf32>
      %sub3A_219 = arith.subf %get3A_214, %get3A_218 : vector<16xf32>
      %mul3A_220 = arith.mulf %sub3A_219, %sub3A_219 : vector<16xf32>
      %add3A_221 = arith.addf %scan3A_199, %mul3A_220 : vector<16xf32>
      %get3A_222 = arith.index_cast %scan3A_197 : i32 to index
      %get3A_223 = arith.constant 32 : index
      %get3A_224 = tpu.vector_load %arg7[%get3A_222, %get3A_223] {strides = array<i32>} : memref<48x512xf32, #tpu.memory_space<vmem>>, vector<1x16xf32>,
      %get3A_225 = vector.shape_cast %get3A_224 : vector<1x16xf32> to vector<16xf32>
      %get3A_226 = arith.index_cast %scan3A_197 : i32 to index
      %get3A_227 = arith.constant 32 : index
      %get3A_228 = tpu.vector_load %arg9[%get3A_226, %get3A_227] {strides = array<i32>} : memref<48x512xf32, #tpu.memory_space<vmem>>, vector<1x16xf32>,
      %get3A_229 = vector.shape_cast %get3A_228 : vector<1x16xf32> to vector<16xf32>
      %sub3A_230 = arith.subf %get3A_225, %get3A_229 : vector<16xf32>
      %mul3A_231 = arith.mulf %sub3A_230, %sub3A_230 : vector<16xf32>
      %add3A_232 = arith.addf %scan3A_200, %mul3A_231 : vector<16xf32>
      %get3A_233 = arith.index_cast %scan3A_197 : i32 to index
      %get3A_234 = arith.constant 48 : index
      %get3A_235 = tpu.vector_load %arg7[%get3A_233, %get3A_234] {strides = array<i32>} : memref<48x512xf32, #tpu.memory_space<vmem>>, vector<1x16xf32>,
      %get3A_236 = vector.shape_cast %get3A_235 : vector<1x16xf32> to vector<16xf32>
      %get3A_237 = arith.index_cast %scan3A_197 : i32 to index
      %get3A_238 = arith.constant 48 : index
      %get3A_239 = tpu.vector_load %arg9[%get3A_237, %get3A_238] {strides = array<i32>} : memref<48x512xf32, #tpu.memory_space<vmem>>, vector<1x16xf32>,
      %get3A_240 = vector.shape_cast %get3A_239 : vector<1x16xf32> to vector<16xf32>
      %sub3A_241 = arith.subf %get3A_236, %get3A_240 : vector<16xf32>
      %mul3A_242 = arith.mulf %sub3A_241, %sub3A_241 : vector<16xf32>
      %add3A_243 = arith.addf %scan3A_201, %mul3A_242 : vector<16xf32>
      %get3A_244 = arith.index_cast %scan3A_197 : i32 to index
      %get3A_245 = arith.constant 64 : index
      %get3A_246 = tpu.vector_load %arg7[%get3A_244, %get3A_245] {strides = array<i32>} : memref<48x512xf32, #tpu.memory_space<vmem>>, vector<1x16xf32>,
      %get3A_247 = vector.shape_cast %get3A_246 : vector<1x16xf32> to vector<16xf32>
      %get3A_248 = arith.index_cast %scan3A_197 : i32 to index
      %get3A_249 = arith.constant 64 : index
      %get3A_250 = tpu.vector_load %arg9[%get3A_248, %get3A_249] {strides = array<i32>} : memref<48x512xf32, #tpu.memory_space<vmem>>, vector<1x16xf32>,
      %get3A_251 = vector.shape_cast %get3A_250 : vector<1x16xf32> to vector<16xf32>
      %sub3A_252 = arith.subf %get3A_247, %get3A_251 : vector<16xf32>
      %mul3A_253 = arith.mulf %sub3A_252, %sub3A_252 : vector<16xf32>
      %add3A_254 = arith.addf %add3A_210, %mul3A_253 : vector<16xf32>
      %get3A_255 = arith.index_cast %scan3A_197 : i32 to index
      %get3A_256 = arith.constant 80 : index
      %get3A_257 = tpu.vector_load %arg7[%get3A_255, %get3A_256] {strides = array<i32>} : memref<48x512xf32, #tpu.memory_space<vmem>>, vector<1x16xf32>,
      %get3A_258 = vector.shape_cast %get3A_257 : vector<1x16xf32> to vector<16xf32>
      %get3A_259 = arith.index_cast %scan3A_197 : i32 to index
      %get3A_260 = arith.constant 80 : index
      %get3A_261 = tpu.vector_load %arg9[%get3A_259, %get3A_260] {strides = array<i32>} : memref<48x512xf32, #tpu.memory_space<vmem>>, vector<1x16xf32>,
      %get3A_262 = vector.shape_cast %get3A_261 : vector<1x16xf32> to vector<16xf32>
      %sub3A_263 = arith.subf %get3A_258, %get3A_262 : vector<16xf32>
      %mul3A_264 = arith.mulf %sub3A_263, %sub3A_263 : vector<16xf32>
      %add3A_265 = arith.addf %add3A_221, %mul3A_264 : vector<16xf32>
      %get3A_266 = arith.index_cast %scan3A_197 : i32 to index
      %get3A_267 = arith.constant 96 : index
      %get3A_268 = tpu.vector_load %arg7[%get3A_266, %get3A_267] {strides = array<i32>} : memref<48x512xf32, #tpu.memory_space<vmem>>, vector<1x16xf32>,
      %get3A_269 = vector.shape_cast %get3A_268 : vector<1x16xf32> to vector<16xf32>
      %get3A_270 = arith.index_cast %scan3A_197 : i32 to index
      %get3A_271 = arith.constant 96 : index
      %get3A_272 = tpu.vector_load %arg9[%get3A_270, %get3A_271] {strides = array<i32>} : memref<48x512xf32, #tpu.memory_space<vmem>>, vector<1x16xf32>,
      %get3A_273 = vector.shape_cast %get3A_272 : vector<1x16xf32> to vector<16xf32>
      %sub3A_274 = arith.subf %get3A_269, %get3A_273 : vector<16xf32>
      %mul3A_275 = arith.mulf %sub3A_274, %sub3A_274 : vector<16xf32>
      %add3A_276 = arith.addf %add3A_232, %mul3A_275 : vector<16xf32>
      %get3A_277 = arith.index_cast %scan3A_197 : i32 to index
      %get3A_278 = arith.constant 112 : index
      %get3A_279 = tpu.vector_load %arg7[%get3A_277, %get3A_278] {strides = array<i32>} : memref<48x512xf32, #tpu.memory_space<vmem>>, vector<1x16xf32>,
      %get3A_280 = vector.shape_cast %get3A_279 : vector<1x16xf32> to vector<16xf32>
      %get3A_281 = arith.index_cast %scan3A_197 : i32 to index
      %get3A_282 = arith.constant 112 : index
      %get3A_283 = tpu.vector_load %arg9[%get3A_281, %get3A_282] {strides = array<i32>} : memref<48x512xf32, #tpu.memory_space<vmem>>, vector<1x16xf32>,
      %get3A_284 = vector.shape_cast %get3A_283 : vector<1x16xf32> to vector<16xf32>
      %sub3A_285 = arith.subf %get3A_280, %get3A_284 : vector<16xf32>
      %mul3A_286 = arith.mulf %sub3A_285, %sub3A_285 : vector<16xf32>
      %add3A_287 = arith.addf %add3A_243, %mul3A_286 : vector<16xf32>
      %get3A_288 = arith.index_cast %scan3A_197 : i32 to index
      %get3A_289 = arith.constant 128 : index
      %get3A_290 = tpu.vector_load %arg7[%get3A_288, %get3A_289] {strides = array<i32>} : memref<48x512xf32, #tpu.memory_space<vmem>>, vector<1x16xf32>,
      %get3A_291 = vector.shape_cast %get3A_290 : vector<1x16xf32> to vector<16xf32>
      %get3A_292 = arith.index_cast %scan3A_197 : i32 to index
      %get3A_293 = arith.constant 128 : index
      %get3A_294 = tpu.vector_load %arg9[%get3A_292, %get3A_293] {strides = array<i32>} : memref<48x512xf32, #tpu.memory_space<vmem>>, vector<1x16xf32>,
      %get3A_295 = vector.shape_cast %get3A_294 : vector<1x16xf32> to vector<16xf32>
      %sub3A_296 = arith.subf %get3A_291, %get3A_295 : vector<16xf32>
      %mul3A_297 = arith.mulf %sub3A_296, %sub3A_296 : vector<16xf32>
      %add3A_298 = arith.addf %add3A_254, %mul3A_297 : vector<16xf32>
      %get3A_299 = arith.index_cast %scan3A_197 : i32 to index
      %get3A_300 = arith.constant 144 : index
      %get3A_301 = tpu.vector_load %arg7[%get3A_299, %get3A_300] {strides = array<i32>} : memref<48x512xf32, #tpu.memory_space<vmem>>, vector<1x16xf32>,
      %get3A_302 = vector.shape_cast %get3A_301 : vector<1x16xf32> to vector<16xf32>
      %get3A_303 = arith.index_cast %scan3A_197 : i32 to index
      %get3A_304 = arith.constant 144 : index
      %get3A_305 = tpu.vector_load %arg9[%get3A_303, %get3A_304] {strides = array<i32>} : memref<48x512xf32, #tpu.memory_space<vmem>>, vector<1x16xf32>,
      %get3A_306 = vector.shape_cast %get3A_305 : vector<1x16xf32> to vector<16xf32>
      %sub3A_307 = arith.subf %get3A_302, %get3A_306 : vector<16xf32>
      %mul3A_308 = arith.mulf %sub3A_307, %sub3A_307 : vector<16xf32>
      %add3A_309 = arith.addf %add3A_265, %mul3A_308 : vector<16xf32>
      %get3A_310 = arith.index_cast %scan3A_197 : i32 to index
      %get3A_311 = arith.constant 160 : index
      %get3A_312 = tpu.vector_load %arg7[%get3A_310, %get3A_311] {strides = array<i32>} : memref<48x512xf32, #tpu.memory_space<vmem>>, vector<1x16xf32>,
      %get3A_313 = vector.shape_cast %get3A_312 : vector<1x16xf32> to vector<16xf32>
      %get3A_314 = arith.index_cast %scan3A_197 : i32 to index
      %get3A_315 = arith.constant 160 : index
      %get3A_316 = tpu.vector_load %arg9[%get3A_314, %get3A_315] {strides = array<i32>} : memref<48x512xf32, #tpu.memory_space<vmem>>, vector<1x16xf32>,
      %get3A_317 = vector.shape_cast %get3A_316 : vector<1x16xf32> to vector<16xf32>
      %sub3A_318 = arith.subf %get3A_313, %get3A_317 : vector<16xf32>
      %mul3A_319 = arith.mulf %sub3A_318, %sub3A_318 : vector<16xf32>
      %add3A_320 = arith.addf %add3A_276, %mul3A_319 : vector<16xf32>
      %get3A_321 = arith.index_cast %scan3A_197 : i32 to index
      %get3A_322 = arith.constant 176 : index
      %get3A_323 = tpu.vector_load %arg7[%get3A_321, %get3A_322] {strides = array<i32>} : memref<48x512xf32, #tpu.memory_space<vmem>>, vector<1x16xf32>,
      %get3A_324 = vector.shape_cast %get3A_323 : vector<1x16xf32> to vector<16xf32>
      %get3A_325 = arith.index_cast %scan3A_197 : i32 to index
      %get3A_326 = arith.constant 176 : index
      %get3A_327 = tpu.vector_load %arg9[%get3A_325, %get3A_326] {strides = array<i32>} : memref<48x512xf32, #tpu.memory_space<vmem>>, vector<1x16xf32>,
      %get3A_328 = vector.shape_cast %get3A_327 : vector<1x16xf32> to vector<16xf32>
      %sub3A_329 = arith.subf %get3A_324, %get3A_328 : vector<16xf32>
      %mul3A_330 = arith.mulf %sub3A_329, %sub3A_329 : vector<16xf32>
      %add3A_331 = arith.addf %add3A_287, %mul3A_330 : vector<16xf32>
      %get3A_332 = arith.index_cast %scan3A_197 : i32 to index
      %get3A_333 = arith.constant 192 : index
      %get3A_334 = tpu.vector_load %arg7[%get3A_332, %get3A_333] {strides = array<i32>} : memref<48x512xf32, #tpu.memory_space<vmem>>, vector<1x16xf32>,
      %get3A_335 = vector.shape_cast %get3A_334 : vector<1x16xf32> to vector<16xf32>
      %get3A_336 = arith.index_cast %scan3A_197 : i32 to index
      %get3A_337 = arith.constant 192 : index
      %get3A_338 = tpu.vector_load %arg9[%get3A_336, %get3A_337] {strides = array<i32>} : memref<48x512xf32, #tpu.memory_space<vmem>>, vector<1x16xf32>,
      %get3A_339 = vector.shape_cast %get3A_338 : vector<1x16xf32> to vector<16xf32>
      %sub3A_340 = arith.subf %get3A_335, %get3A_339 : vector<16xf32>
      %mul3A_341 = arith.mulf %sub3A_340, %sub3A_340 : vector<16xf32>
      %add3A_342 = arith.addf %add3A_298, %mul3A_341 : vector<16xf32>
      %get3A_343 = arith.index_cast %scan3A_197 : i32 to index
      %get3A_344 = arith.constant 208 : index
      %get3A_345 = tpu.vector_load %arg7[%get3A_343, %get3A_344] {strides = array<i32>} : memref<48x512xf32, #tpu.memory_space<vmem>>, vector<1x16xf32>,
      %get3A_346 = vector.shape_cast %get3A_345 : vector<1x16xf32> to vector<16xf32>
      %get3A_347 = arith.index_cast %scan3A_197 : i32 to index
      %get3A_348 = arith.constant 208 : index
      %get3A_349 = tpu.vector_load %arg9[%get3A_347, %get3A_348] {strides = array<i32>} : memref<48x512xf32, #tpu.memory_space<vmem>>, vector<1x16xf32>,
      %get3A_350 = vector.shape_cast %get3A_349 : vector<1x16xf32> to vector<16xf32>
      %sub3A_351 = arith.subf %get3A_346, %get3A_350 : vector<16xf32>
      %mul3A_352 = arith.mulf %sub3A_351, %sub3A_351 : vector<16xf32>
      %add3A_353 = arith.addf %add3A_309, %mul3A_352 : vector<16xf32>
      %get3A_354 = arith.index_cast %scan3A_197 : i32 to index
      %get3A_355 = arith.constant 224 : index
      %get3A_356 = tpu.vector_load %arg7[%get3A_354, %get3A_355] {strides = array<i32>} : memref<48x512xf32, #tpu.memory_space<vmem>>, vector<1x16xf32>,
      %get3A_357 = vector.shape_cast %get3A_356 : vector<1x16xf32> to vector<16xf32>
      %get3A_358 = arith.index_cast %scan3A_197 : i32 to index
      %get3A_359 = arith.constant 224 : index
      %get3A_360 = tpu.vector_load %arg9[%get3A_358, %get3A_359] {strides = array<i32>} : memref<48x512xf32, #tpu.memory_space<vmem>>, vector<1x16xf32>,
      %get3A_361 = vector.shape_cast %get3A_360 : vector<1x16xf32> to vector<16xf32>
      %sub3A_362 = arith.subf %get3A_357, %get3A_361 : vector<16xf32>
      %mul3A_363 = arith.mulf %sub3A_362, %sub3A_362 : vector<16xf32>
      %add3A_364 = arith.addf %add3A_320, %mul3A_363 : vector<16xf32>
      %get3A_365 = arith.index_cast %scan3A_197 : i32 to index
      %get3A_366 = arith.constant 240 : index
      %get3A_367 = tpu.vector_load %arg7[%get3A_365, %get3A_366] {strides = array<i32>} : memref<48x512xf32, #tpu.memory_space<vmem>>, vector<1x16xf32>,
      %get3A_368 = vector.shape_cast %get3A_367 : vector<1x16xf32> to vector<16xf32>
      %get3A_369 = arith.index_cast %scan3A_197 : i32 to index
      %get3A_370 = arith.constant 240 : index
      %get3A_371 = tpu.vector_load %arg9[%get3A_369, %get3A_370] {strides = array<i32>} : memref<48x512xf32, #tpu.memory_space<vmem>>, vector<1x16xf32>,
      %get3A_372 = vector.shape_cast %get3A_371 : vector<1x16xf32> to vector<16xf32>
      %sub3A_373 = arith.subf %get3A_368, %get3A_372 : vector<16xf32>
      %mul3A_374 = arith.mulf %sub3A_373, %sub3A_373 : vector<16xf32>
      %add3A_375 = arith.addf %add3A_331, %mul3A_374 : vector<16xf32>
      %get3A_376 = arith.index_cast %scan3A_197 : i32 to index
      %get3A_377 = arith.constant 256 : index
      %get3A_378 = tpu.vector_load %arg7[%get3A_376, %get3A_377] {strides = array<i32>} : memref<48x512xf32, #tpu.memory_space<vmem>>, vector<1x16xf32>,
      %get3A_379 = vector.shape_cast %get3A_378 : vector<1x16xf32> to vector<16xf32>
      %get3A_380 = arith.index_cast %scan3A_197 : i32 to index
      %get3A_381 = arith.constant 256 : index
      %get3A_382 = tpu.vector_load %arg9[%get3A_380, %get3A_381] {strides = array<i32>} : memref<48x512xf32, #tpu.memory_space<vmem>>, vector<1x16xf32>,
      %get3A_383 = vector.shape_cast %get3A_382 : vector<1x16xf32> to vector<16xf32>
      %sub3A_384 = arith.subf %get3A_379, %get3A_383 : vector<16xf32>
      %mul3A_385 = arith.mulf %sub3A_384, %sub3A_384 : vector<16xf32>
      %add3A_386 = arith.addf %add3A_342, %mul3A_385 : vector<16xf32>
      %get3A_387 = arith.index_cast %scan3A_197 : i32 to index
      %get3A_388 = arith.constant 272 : index
      %get3A_389 = tpu.vector_load %arg7[%get3A_387, %get3A_388] {strides = array<i32>} : memref<48x512xf32, #tpu.memory_space<vmem>>, vector<1x16xf32>,
      %get3A_390 = vector.shape_cast %get3A_389 : vector<1x16xf32> to vector<16xf32>
      %get3A_391 = arith.index_cast %scan3A_197 : i32 to index
      %get3A_392 = arith.constant 272 : index
      %get3A_393 = tpu.vector_load %arg9[%get3A_391, %get3A_392] {strides = array<i32>} : memref<48x512xf32, #tpu.memory_space<vmem>>, vector<1x16xf32>,
      %get3A_394 = vector.shape_cast %get3A_393 : vector<1x16xf32> to vector<16xf32>
      %sub3A_395 = arith.subf %get3A_390, %get3A_394 : vector<16xf32>
      %mul3A_396 = arith.mulf %sub3A_395, %sub3A_395 : vector<16xf32>
      %add3A_397 = arith.addf %add3A_353, %mul3A_396 : vector<16xf32>
      %get3A_398 = arith.index_cast %scan3A_197 : i32 to index
      %get3A_399 = arith.constant 288 : index
      %get3A_400 = tpu.vector_load %arg7[%get3A_398, %get3A_399] {strides = array<i32>} : memref<48x512xf32, #tpu.memory_space<vmem>>, vector<1x16xf32>,
      %get3A_401 = vector.shape_cast %get3A_400 : vector<1x16xf32> to vector<16xf32>
      %get3A_402 = arith.index_cast %scan3A_197 : i32 to index
      %get3A_403 = arith.constant 288 : index
      %get3A_404 = tpu.vector_load %arg9[%get3A_402, %get3A_403] {strides = array<i32>} : memref<48x512xf32, #tpu.memory_space<vmem>>, vector<1x16xf32>,
      %get3A_405 = vector.shape_cast %get3A_404 : vector<1x16xf32> to vector<16xf32>
      %sub3A_406 = arith.subf %get3A_401, %get3A_405 : vector<16xf32>
      %mul3A_407 = arith.mulf %sub3A_406, %sub3A_406 : vector<16xf32>
      %add3A_408 = arith.addf %add3A_364, %mul3A_407 : vector<16xf32>
      %get3A_409 = arith.index_cast %scan3A_197 : i32 to index
      %get3A_410 = arith.constant 304 : index
      %get3A_411 = tpu.vector_load %arg7[%get3A_409, %get3A_410] {strides = array<i32>} : memref<48x512xf32, #tpu.memory_space<vmem>>, vector<1x16xf32>,
      %get3A_412 = vector.shape_cast %get3A_411 : vector<1x16xf32> to vector<16xf32>
      %get3A_413 = arith.index_cast %scan3A_197 : i32 to index
      %get3A_414 = arith.constant 304 : index
      %get3A_415 = tpu.vector_load %arg9[%get3A_413, %get3A_414] {strides = array<i32>} : memref<48x512xf32, #tpu.memory_space<vmem>>, vector<1x16xf32>,
      %get3A_416 = vector.shape_cast %get3A_415 : vector<1x16xf32> to vector<16xf32>
      %sub3A_417 = arith.subf %get3A_412, %get3A_416 : vector<16xf32>
      %mul3A_418 = arith.mulf %sub3A_417, %sub3A_417 : vector<16xf32>
      %add3A_419 = arith.addf %add3A_375, %mul3A_418 : vector<16xf32>
      %get3A_420 = arith.index_cast %scan3A_197 : i32 to index
      %get3A_421 = arith.constant 320 : index
      %get3A_422 = tpu.vector_load %arg7[%get3A_420, %get3A_421] {strides = array<i32>} : memref<48x512xf32, #tpu.memory_space<vmem>>, vector<1x16xf32>,
      %get3A_423 = vector.shape_cast %get3A_422 : vector<1x16xf32> to vector<16xf32>
      %get3A_424 = arith.index_cast %scan3A_197 : i32 to index
      %get3A_425 = arith.constant 320 : index
      %get3A_426 = tpu.vector_load %arg9[%get3A_424, %get3A_425] {strides = array<i32>} : memref<48x512xf32, #tpu.memory_space<vmem>>, vector<1x16xf32>,
      %get3A_427 = vector.shape_cast %get3A_426 : vector<1x16xf32> to vector<16xf32>
      %sub3A_428 = arith.subf %get3A_423, %get3A_427 : vector<16xf32>
      %mul3A_429 = arith.mulf %sub3A_428, %sub3A_428 : vector<16xf32>
      %add3A_430 = arith.addf %add3A_386, %mul3A_429 : vector<16xf32>
      %get3A_431 = arith.index_cast %scan3A_197 : i32 to index
      %get3A_432 = arith.constant 336 : index
      %get3A_433 = tpu.vector_load %arg7[%get3A_431, %get3A_432] {strides = array<i32>} : memref<48x512xf32, #tpu.memory_space<vmem>>, vector<1x16xf32>,
      %get3A_434 = vector.shape_cast %get3A_433 : vector<1x16xf32> to vector<16xf32>
      %get3A_435 = arith.index_cast %scan3A_197 : i32 to index
      %get3A_436 = arith.constant 336 : index
      %get3A_437 = tpu.vector_load %arg9[%get3A_435, %get3A_436] {strides = array<i32>} : memref<48x512xf32, #tpu.memory_space<vmem>>, vector<1x16xf32>,
      %get3A_438 = vector.shape_cast %get3A_437 : vector<1x16xf32> to vector<16xf32>
      %sub3A_439 = arith.subf %get3A_434, %get3A_438 : vector<16xf32>
      %mul3A_440 = arith.mulf %sub3A_439, %sub3A_439 : vector<16xf32>
      %add3A_441 = arith.addf %add3A_397, %mul3A_440 : vector<16xf32>
      %get3A_442 = arith.index_cast %scan3A_197 : i32 to index
      %get3A_443 = arith.constant 352 : index
      %get3A_444 = tpu.vector_load %arg7[%get3A_442, %get3A_443] {strides = array<i32>} : memref<48x512xf32, #tpu.memory_space<vmem>>, vector<1x16xf32>,
      %get3A_445 = vector.shape_cast %get3A_444 : vector<1x16xf32> to vector<16xf32>
      %get3A_446 = arith.index_cast %scan3A_197 : i32 to index
      %get3A_447 = arith.constant 352 : index
      %get3A_448 = tpu.vector_load %arg9[%get3A_446, %get3A_447] {strides = array<i32>} : memref<48x512xf32, #tpu.memory_space<vmem>>, vector<1x16xf32>,
      %get3A_449 = vector.shape_cast %get3A_448 : vector<1x16xf32> to vector<16xf32>
      %sub3A_450 = arith.subf %get3A_445, %get3A_449 : vector<16xf32>
      %mul3A_451 = arith.mulf %sub3A_450, %sub3A_450 : vector<16xf32>
      %add3A_452 = arith.addf %add3A_408, %mul3A_451 : vector<16xf32>
      %get3A_453 = arith.index_cast %scan3A_197 : i32 to index
      %get3A_454 = arith.constant 368 : index
      %get3A_455 = tpu.vector_load %arg7[%get3A_453, %get3A_454] {strides = array<i32>} : memref<48x512xf32, #tpu.memory_space<vmem>>, vector<1x16xf32>,
      %get3A_456 = vector.shape_cast %get3A_455 : vector<1x16xf32> to vector<16xf32>
      %get3A_457 = arith.index_cast %scan3A_197 : i32 to index
      %get3A_458 = arith.constant 368 : index
      %get3A_459 = tpu.vector_load %arg9[%get3A_457, %get3A_458] {strides = array<i32>} : memref<48x512xf32, #tpu.memory_space<vmem>>, vector<1x16xf32>,
      %get3A_460 = vector.shape_cast %get3A_459 : vector<1x16xf32> to vector<16xf32>
      %sub3A_461 = arith.subf %get3A_456, %get3A_460 : vector<16xf32>
      %mul3A_462 = arith.mulf %sub3A_461, %sub3A_461 : vector<16xf32>
      %add3A_463 = arith.addf %add3A_419, %mul3A_462 : vector<16xf32>
      %get3A_464 = arith.index_cast %scan3A_197 : i32 to index
      %get3A_465 = arith.constant 384 : index
      %get3A_466 = tpu.vector_load %arg7[%get3A_464, %get3A_465] {strides = array<i32>} : memref<48x512xf32, #tpu.memory_space<vmem>>, vector<1x16xf32>,
      %get3A_467 = vector.shape_cast %get3A_466 : vector<1x16xf32> to vector<16xf32>
      %get3A_468 = arith.index_cast %scan3A_197 : i32 to index
      %get3A_469 = arith.constant 384 : index
      %get3A_470 = tpu.vector_load %arg9[%get3A_468, %get3A_469] {strides = array<i32>} : memref<48x512xf32, #tpu.memory_space<vmem>>, vector<1x16xf32>,
      %get3A_471 = vector.shape_cast %get3A_470 : vector<1x16xf32> to vector<16xf32>
      %sub3A_472 = arith.subf %get3A_467, %get3A_471 : vector<16xf32>
      %mul3A_473 = arith.mulf %sub3A_472, %sub3A_472 : vector<16xf32>
      %add3A_474 = arith.addf %add3A_430, %mul3A_473 : vector<16xf32>
      %get3A_475 = arith.index_cast %scan3A_197 : i32 to index
      %get3A_476 = arith.constant 400 : index
      %get3A_477 = tpu.vector_load %arg7[%get3A_475, %get3A_476] {strides = array<i32>} : memref<48x512xf32, #tpu.memory_space<vmem>>, vector<1x16xf32>,
      %get3A_478 = vector.shape_cast %get3A_477 : vector<1x16xf32> to vector<16xf32>
      %get3A_479 = arith.index_cast %scan3A_197 : i32 to index
      %get3A_480 = arith.constant 400 : index
      %get3A_481 = tpu.vector_load %arg9[%get3A_479, %get3A_480] {strides = array<i32>} : memref<48x512xf32, #tpu.memory_space<vmem>>, vector<1x16xf32>,
      %get3A_482 = vector.shape_cast %get3A_481 : vector<1x16xf32> to vector<16xf32>
      %sub3A_483 = arith.subf %get3A_478, %get3A_482 : vector<16xf32>
      %mul3A_484 = arith.mulf %sub3A_483, %sub3A_483 : vector<16xf32>
      %add3A_485 = arith.addf %add3A_441, %mul3A_484 : vector<16xf32>
      %get3A_486 = arith.index_cast %scan3A_197 : i32 to index
      %get3A_487 = arith.constant 416 : index
      %get3A_488 = tpu.vector_load %arg7[%get3A_486, %get3A_487] {strides = array<i32>} : memref<48x512xf32, #tpu.memory_space<vmem>>, vector<1x16xf32>,
      %get3A_489 = vector.shape_cast %get3A_488 : vector<1x16xf32> to vector<16xf32>
      %get3A_490 = arith.index_cast %scan3A_197 : i32 to index
      %get3A_491 = arith.constant 416 : index
      %get3A_492 = tpu.vector_load %arg9[%get3A_490, %get3A_491] {strides = array<i32>} : memref<48x512xf32, #tpu.memory_space<vmem>>, vector<1x16xf32>,
      %get3A_493 = vector.shape_cast %get3A_492 : vector<1x16xf32> to vector<16xf32>
      %sub3A_494 = arith.subf %get3A_489, %get3A_493 : vector<16xf32>
      %mul3A_495 = arith.mulf %sub3A_494, %sub3A_494 : vector<16xf32>
      %add3A_496 = arith.addf %add3A_452, %mul3A_495 : vector<16xf32>
      %get3A_497 = arith.index_cast %scan3A_197 : i32 to index
      %get3A_498 = arith.constant 432 : index
      %get3A_499 = tpu.vector_load %arg7[%get3A_497, %get3A_498] {strides = array<i32>} : memref<48x512xf32, #tpu.memory_space<vmem>>, vector<1x16xf32>,
      %get3A_500 = vector.shape_cast %get3A_499 : vector<1x16xf32> to vector<16xf32>
      %get3A_501 = arith.index_cast %scan3A_197 : i32 to index
      %get3A_502 = arith.constant 432 : index
      %get3A_503 = tpu.vector_load %arg9[%get3A_501, %get3A_502] {strides = array<i32>} : memref<48x512xf32, #tpu.memory_space<vmem>>, vector<1x16xf32>,
      %get3A_504 = vector.shape_cast %get3A_503 : vector<1x16xf32> to vector<16xf32>
      %sub3A_505 = arith.subf %get3A_500, %get3A_504 : vector<16xf32>
      %mul3A_506 = arith.mulf %sub3A_505, %sub3A_505 : vector<16xf32>
      %add3A_507 = arith.addf %add3A_463, %mul3A_506 : vector<16xf32>
      %get3A_508 = arith.index_cast %scan3A_197 : i32 to index
      %get3A_509 = arith.constant 448 : index
      %get3A_510 = tpu.vector_load %arg7[%get3A_508, %get3A_509] {strides = array<i32>} : memref<48x512xf32, #tpu.memory_space<vmem>>, vector<1x16xf32>,
      %get3A_511 = vector.shape_cast %get3A_510 : vector<1x16xf32> to vector<16xf32>
      %get3A_512 = arith.index_cast %scan3A_197 : i32 to index
      %get3A_513 = arith.constant 448 : index
      %get3A_514 = tpu.vector_load %arg9[%get3A_512, %get3A_513] {strides = array<i32>} : memref<48x512xf32, #tpu.memory_space<vmem>>, vector<1x16xf32>,
      %get3A_515 = vector.shape_cast %get3A_514 : vector<1x16xf32> to vector<16xf32>
      %sub3A_516 = arith.subf %get3A_511, %get3A_515 : vector<16xf32>
      %mul3A_517 = arith.mulf %sub3A_516, %sub3A_516 : vector<16xf32>
      %add3A_518 = arith.addf %add3A_474, %mul3A_517 : vector<16xf32>
      %get3A_519 = arith.index_cast %scan3A_197 : i32 to index
      %get3A_520 = arith.constant 464 : index
      %get3A_521 = tpu.vector_load %arg7[%get3A_519, %get3A_520] {strides = array<i32>} : memref<48x512xf32, #tpu.memory_space<vmem>>, vector<1x16xf32>,
      %get3A_522 = vector.shape_cast %get3A_521 : vector<1x16xf32> to vector<16xf32>
      %get3A_523 = arith.index_cast %scan3A_197 : i32 to index
      %get3A_524 = arith.constant 464 : index
      %get3A_525 = tpu.vector_load %arg9[%get3A_523, %get3A_524] {strides = array<i32>} : memref<48x512xf32, #tpu.memory_space<vmem>>, vector<1x16xf32>,
      %get3A_526 = vector.shape_cast %get3A_525 : vector<1x16xf32> to vector<16xf32>
      %sub3A_527 = arith.subf %get3A_522, %get3A_526 : vector<16xf32>
      %mul3A_528 = arith.mulf %sub3A_527, %sub3A_527 : vector<16xf32>
      %add3A_529 = arith.addf %add3A_485, %mul3A_528 : vector<16xf32>
      %get3A_530 = arith.index_cast %scan3A_197 : i32 to index
      %get3A_531 = arith.constant 480 : index
      %get3A_532 = tpu.vector_load %arg7[%get3A_530, %get3A_531] {strides = array<i32>} : memref<48x512xf32, #tpu.memory_space<vmem>>, vector<1x16xf32>,
      %get3A_533 = vector.shape_cast %get3A_532 : vector<1x16xf32> to vector<16xf32>
      %get3A_534 = arith.index_cast %scan3A_197 : i32 to index
      %get3A_535 = arith.constant 480 : index
      %get3A_536 = tpu.vector_load %arg9[%get3A_534, %get3A_535] {strides = array<i32>} : memref<48x512xf32, #tpu.memory_space<vmem>>, vector<1x16xf32>,
      %get3A_537 = vector.shape_cast %get3A_536 : vector<1x16xf32> to vector<16xf32>
      %sub3A_538 = arith.subf %get3A_533, %get3A_537 : vector<16xf32>
      %mul3A_539 = arith.mulf %sub3A_538, %sub3A_538 : vector<16xf32>
      %add3A_540 = arith.addf %add3A_496, %mul3A_539 : vector<16xf32>
      %get3A_541 = arith.index_cast %scan3A_197 : i32 to index
      %get3A_542 = arith.constant 496 : index
      %get3A_543 = tpu.vector_load %arg7[%get3A_541, %get3A_542] {strides = array<i32>} : memref<48x512xf32, #tpu.memory_space<vmem>>, vector<1x16xf32>,
      %get3A_544 = vector.shape_cast %get3A_543 : vector<1x16xf32> to vector<16xf32>
      %get3A_545 = arith.index_cast %scan3A_197 : i32 to index
      %get3A_546 = arith.constant 496 : index
      %get3A_547 = tpu.vector_load %arg9[%get3A_545, %get3A_546] {strides = array<i32>} : memref<48x512xf32, #tpu.memory_space<vmem>>, vector<1x16xf32>,
      %get3A_548 = vector.shape_cast %get3A_547 : vector<1x16xf32> to vector<16xf32>
      %sub3A_549 = arith.subf %get3A_544, %get3A_548 : vector<16xf32>
      %mul3A_550 = arith.mulf %sub3A_549, %sub3A_549 : vector<16xf32>
      %add3A_551 = arith.addf %add3A_507, %mul3A_550 : vector<16xf32>
      scf.yield %add3A_518, %add3A_529, %add3A_540, %add3A_551 : vector<16xf32>, vector<16xf32>, vector<16xf32>, vector<16xf32>
    }
    %scan3A_147 = arith.constant 48 : i32
    %add3A_148 = arith.constant 288 : i32
    %add3A_149 = arith.addi %mul3A_2, %add3A_148 : i32
    %dma_start3A_150 = arith.constant 0 : i32
    %dma_start3A_151 = tpu.memref_slice %arg2[%add3A_149, %dma_start3A_150] : memref<16384x512xf32, #tpu.memory_space<hbm>> -> memref<48x512xf32, #tpu.memory_space<hbm>>
    %dma_start3A_152 = arith.constant 0 : i32
    %dma_start3A_153 = tpu.memref_slice %arg2[%add3A_149, %dma_start3A_152] : memref<16384x512xf32, #tpu.memory_space<hbm>> -> memref<48x512xf32, #tpu.memory_space<hbm>>
    tpu.enqueue_dma source(%dma_start3A_153 : memref<48x512xf32, #tpu.memory_space<hbm>>) target(%arg7 : memref<48x512xf32, #tpu.memory_space<vmem>>) target_semaphore(%arg12 : memref<!tpu.dma_semaphore, #tpu.memory_space<semaphore_mem>>)
    %dma_start3A_154 = arith.constant 288 : i32
    %dma_start3A_155 = tpu.memref_slice %arg6[%dma_start3A_154] : memref<336xi32, #tpu.memory_space<vmem>> -> memref<48xi32, #tpu.memory_space<vmem>>
    %dma_start3A_156 = arith.constant 0 : i32
    %dma_start3A_157 = arith.constant 0 : i32
    %dma_start3A_158 = tpu.memref_slice %arg4[%dma_start3A_156, %dma_start3A_157] : memref<10000x512xf32, #tpu.memory_space<hbm>> -> memref<10000x512xf32, #tpu.memory_space<hbm>>
    tpu.enqueue_indirect_dma source(%dma_start3A_158 : memref<10000x512xf32, #tpu.memory_space<hbm>>) target(%arg9 : memref<48x512xf32, #tpu.memory_space<vmem>>) offsets(%dma_start3A_155 : memref<48xi32, #tpu.memory_space<vmem>>) semaphore(%arg14 : memref<!tpu.dma_semaphore, #tpu.memory_space<semaphore_mem>>)
    %dma_wait3A_159 = arith.constant 0 : i32
    %dma_wait3A_160 = tpu.memref_slice %arg2[%add3A_123, %dma_wait3A_159] : memref<16384x512xf32, #tpu.memory_space<hbm>> -> memref<48x512xf32, #tpu.memory_space<hbm>>
    %dma_wait3A_161 = arith.constant 0 : i32
    %dma_wait3A_162 = tpu.memref_slice %arg2[%add3A_123, %dma_wait3A_161] : memref<16384x512xf32, #tpu.memory_space<hbm>> -> memref<48x512xf32, #tpu.memory_space<hbm>>
    tpu.wait_dma2 semaphore(%arg13 : memref<!tpu.dma_semaphore, #tpu.memory_space<semaphore_mem>>) src(%dma_wait3A_162 : memref<48x512xf32, #tpu.memory_space<hbm>>) dst(%arg8 : memref<48x512xf32, #tpu.memory_space<vmem>>)
    %dma_wait3A_163 = arith.constant 240 : i32
    %dma_wait3A_164 = tpu.memref_slice %arg6[%dma_wait3A_163] : memref<336xi32, #tpu.memory_space<vmem>> -> memref<48xi32, #tpu.memory_space<vmem>>
    %dma_wait3A_165 = arith.constant 0 : i32
    %dma_wait3A_166 = arith.constant 0 : i32
    %dma_wait3A_167 = tpu.memref_slice %arg4[%dma_wait3A_165, %dma_wait3A_166] : memref<10000x512xf32, #tpu.memory_space<hbm>> -> memref<10000x512xf32, #tpu.memory_space<hbm>>
    tpu.wait_indirect_dma semaphore(%arg15 : memref<!tpu.dma_semaphore, #tpu.memory_space<semaphore_mem>>) src(%dma_wait3A_167 : memref<10000x512xf32, #tpu.memory_space<hbm>>) dst(%arg10 : memref<48x512xf32, #tpu.memory_space<vmem>>)
    %scan3A_168 = arith.constant 0 : i32
    %scan3A_169 = arith.constant 48 : i32
    %scan3A_170 = arith.addi %scan3A_168, %scan3A_169 : i32
    %scan3A_171 = arith.constant 1 : i32
    %scan3A_172:4 = scf.for %scan3A_197 = %scan3A_168 to %scan3A_170 step %scan3A_171 iter_args(%scan3A_198 = %scan3A_146#0, %scan3A_199 = %scan3A_146#1, %scan3A_200 = %scan3A_146#2, %scan3A_201 = %scan3A_146#3) -> (vector<16xf32>, vector<16xf32>, vector<16xf32>, vector<16xf32>)  : i32 {
      %get3A = arith.index_cast %scan3A_197 : i32 to index
      %get3A_202 = arith.constant 0 : index
      %get3A_203 = tpu.vector_load %arg8[%get3A, %get3A_202] {strides = array<i32>} : memref<48x512xf32, #tpu.memory_space<vmem>>, vector<1x16xf32>,
      %get3A_204 = vector.shape_cast %get3A_203 : vector<1x16xf32> to vector<16xf32>
      %get3A_205 = arith.index_cast %scan3A_197 : i32 to index
      %get3A_206 = arith.constant 0 : index
      %get3A_207 = tpu.vector_load %arg10[%get3A_205, %get3A_206] {strides = array<i32>} : memref<48x512xf32, #tpu.memory_space<vmem>>, vector<1x16xf32>,
      %get3A_208 = vector.shape_cast %get3A_207 : vector<1x16xf32> to vector<16xf32>
      %sub3A = arith.subf %get3A_204, %get3A_208 : vector<16xf32>
      %mul3A_209 = arith.mulf %sub3A, %sub3A : vector<16xf32>
      %add3A_210 = arith.addf %scan3A_198, %mul3A_209 : vector<16xf32>
      %get3A_211 = arith.index_cast %scan3A_197 : i32 to index
      %get3A_212 = arith.constant 16 : index
      %get3A_213 = tpu.vector_load %arg8[%get3A_211, %get3A_212] {strides = array<i32>} : memref<48x512xf32, #tpu.memory_space<vmem>>, vector<1x16xf32>,
      %get3A_214 = vector.shape_cast %get3A_213 : vector<1x16xf32> to vector<16xf32>
      %get3A_215 = arith.index_cast %scan3A_197 : i32 to index
      %get3A_216 = arith.constant 16 : index
      %get3A_217 = tpu.vector_load %arg10[%get3A_215, %get3A_216] {strides = array<i32>} : memref<48x512xf32, #tpu.memory_space<vmem>>, vector<1x16xf32>,
      %get3A_218 = vector.shape_cast %get3A_217 : vector<1x16xf32> to vector<16xf32>
      %sub3A_219 = arith.subf %get3A_214, %get3A_218 : vector<16xf32>
      %mul3A_220 = arith.mulf %sub3A_219, %sub3A_219 : vector<16xf32>
      %add3A_221 = arith.addf %scan3A_199, %mul3A_220 : vector<16xf32>
      %get3A_222 = arith.index_cast %scan3A_197 : i32 to index
      %get3A_223 = arith.constant 32 : index
      %get3A_224 = tpu.vector_load %arg8[%get3A_222, %get3A_223] {strides = array<i32>} : memref<48x512xf32, #tpu.memory_space<vmem>>, vector<1x16xf32>,
      %get3A_225 = vector.shape_cast %get3A_224 : vector<1x16xf32> to vector<16xf32>
      %get3A_226 = arith.index_cast %scan3A_197 : i32 to index
      %get3A_227 = arith.constant 32 : index
      %get3A_228 = tpu.vector_load %arg10[%get3A_226, %get3A_227] {strides = array<i32>} : memref<48x512xf32, #tpu.memory_space<vmem>>, vector<1x16xf32>,
      %get3A_229 = vector.shape_cast %get3A_228 : vector<1x16xf32> to vector<16xf32>
      %sub3A_230 = arith.subf %get3A_225, %get3A_229 : vector<16xf32>
      %mul3A_231 = arith.mulf %sub3A_230, %sub3A_230 : vector<16xf32>
      %add3A_232 = arith.addf %scan3A_200, %mul3A_231 : vector<16xf32>
      %get3A_233 = arith.index_cast %scan3A_197 : i32 to index
      %get3A_234 = arith.constant 48 : index
      %get3A_235 = tpu.vector_load %arg8[%get3A_233, %get3A_234] {strides = array<i32>} : memref<48x512xf32, #tpu.memory_space<vmem>>, vector<1x16xf32>,
      %get3A_236 = vector.shape_cast %get3A_235 : vector<1x16xf32> to vector<16xf32>
      %get3A_237 = arith.index_cast %scan3A_197 : i32 to index
      %get3A_238 = arith.constant 48 : index
      %get3A_239 = tpu.vector_load %arg10[%get3A_237, %get3A_238] {strides = array<i32>} : memref<48x512xf32, #tpu.memory_space<vmem>>, vector<1x16xf32>,
      %get3A_240 = vector.shape_cast %get3A_239 : vector<1x16xf32> to vector<16xf32>
      %sub3A_241 = arith.subf %get3A_236, %get3A_240 : vector<16xf32>
      %mul3A_242 = arith.mulf %sub3A_241, %sub3A_241 : vector<16xf32>
      %add3A_243 = arith.addf %scan3A_201, %mul3A_242 : vector<16xf32>
      %get3A_244 = arith.index_cast %scan3A_197 : i32 to index
      %get3A_245 = arith.constant 64 : index
      %get3A_246 = tpu.vector_load %arg8[%get3A_244, %get3A_245] {strides = array<i32>} : memref<48x512xf32, #tpu.memory_space<vmem>>, vector<1x16xf32>,
      %get3A_247 = vector.shape_cast %get3A_246 : vector<1x16xf32> to vector<16xf32>
      %get3A_248 = arith.index_cast %scan3A_197 : i32 to index
      %get3A_249 = arith.constant 64 : index
      %get3A_250 = tpu.vector_load %arg10[%get3A_248, %get3A_249] {strides = array<i32>} : memref<48x512xf32, #tpu.memory_space<vmem>>, vector<1x16xf32>,
      %get3A_251 = vector.shape_cast %get3A_250 : vector<1x16xf32> to vector<16xf32>
      %sub3A_252 = arith.subf %get3A_247, %get3A_251 : vector<16xf32>
      %mul3A_253 = arith.mulf %sub3A_252, %sub3A_252 : vector<16xf32>
      %add3A_254 = arith.addf %add3A_210, %mul3A_253 : vector<16xf32>
      %get3A_255 = arith.index_cast %scan3A_197 : i32 to index
      %get3A_256 = arith.constant 80 : index
      %get3A_257 = tpu.vector_load %arg8[%get3A_255, %get3A_256] {strides = array<i32>} : memref<48x512xf32, #tpu.memory_space<vmem>>, vector<1x16xf32>,
      %get3A_258 = vector.shape_cast %get3A_257 : vector<1x16xf32> to vector<16xf32>
      %get3A_259 = arith.index_cast %scan3A_197 : i32 to index
      %get3A_260 = arith.constant 80 : index
      %get3A_261 = tpu.vector_load %arg10[%get3A_259, %get3A_260] {strides = array<i32>} : memref<48x512xf32, #tpu.memory_space<vmem>>, vector<1x16xf32>,
      %get3A_262 = vector.shape_cast %get3A_261 : vector<1x16xf32> to vector<16xf32>
      %sub3A_263 = arith.subf %get3A_258, %get3A_262 : vector<16xf32>
      %mul3A_264 = arith.mulf %sub3A_263, %sub3A_263 : vector<16xf32>
      %add3A_265 = arith.addf %add3A_221, %mul3A_264 : vector<16xf32>
      %get3A_266 = arith.index_cast %scan3A_197 : i32 to index
      %get3A_267 = arith.constant 96 : index
      %get3A_268 = tpu.vector_load %arg8[%get3A_266, %get3A_267] {strides = array<i32>} : memref<48x512xf32, #tpu.memory_space<vmem>>, vector<1x16xf32>,
      %get3A_269 = vector.shape_cast %get3A_268 : vector<1x16xf32> to vector<16xf32>
      %get3A_270 = arith.index_cast %scan3A_197 : i32 to index
      %get3A_271 = arith.constant 96 : index
      %get3A_272 = tpu.vector_load %arg10[%get3A_270, %get3A_271] {strides = array<i32>} : memref<48x512xf32, #tpu.memory_space<vmem>>, vector<1x16xf32>,
      %get3A_273 = vector.shape_cast %get3A_272 : vector<1x16xf32> to vector<16xf32>
      %sub3A_274 = arith.subf %get3A_269, %get3A_273 : vector<16xf32>
      %mul3A_275 = arith.mulf %sub3A_274, %sub3A_274 : vector<16xf32>
      %add3A_276 = arith.addf %add3A_232, %mul3A_275 : vector<16xf32>
      %get3A_277 = arith.index_cast %scan3A_197 : i32 to index
      %get3A_278 = arith.constant 112 : index
      %get3A_279 = tpu.vector_load %arg8[%get3A_277, %get3A_278] {strides = array<i32>} : memref<48x512xf32, #tpu.memory_space<vmem>>, vector<1x16xf32>,
      %get3A_280 = vector.shape_cast %get3A_279 : vector<1x16xf32> to vector<16xf32>
      %get3A_281 = arith.index_cast %scan3A_197 : i32 to index
      %get3A_282 = arith.constant 112 : index
      %get3A_283 = tpu.vector_load %arg10[%get3A_281, %get3A_282] {strides = array<i32>} : memref<48x512xf32, #tpu.memory_space<vmem>>, vector<1x16xf32>,
      %get3A_284 = vector.shape_cast %get3A_283 : vector<1x16xf32> to vector<16xf32>
      %sub3A_285 = arith.subf %get3A_280, %get3A_284 : vector<16xf32>
      %mul3A_286 = arith.mulf %sub3A_285, %sub3A_285 : vector<16xf32>
      %add3A_287 = arith.addf %add3A_243, %mul3A_286 : vector<16xf32>
      %get3A_288 = arith.index_cast %scan3A_197 : i32 to index
      %get3A_289 = arith.constant 128 : index
      %get3A_290 = tpu.vector_load %arg8[%get3A_288, %get3A_289] {strides = array<i32>} : memref<48x512xf32, #tpu.memory_space<vmem>>, vector<1x16xf32>,
      %get3A_291 = vector.shape_cast %get3A_290 : vector<1x16xf32> to vector<16xf32>
      %get3A_292 = arith.index_cast %scan3A_197 : i32 to index
      %get3A_293 = arith.constant 128 : index
      %get3A_294 = tpu.vector_load %arg10[%get3A_292, %get3A_293] {strides = array<i32>} : memref<48x512xf32, #tpu.memory_space<vmem>>, vector<1x16xf32>,
      %get3A_295 = vector.shape_cast %get3A_294 : vector<1x16xf32> to vector<16xf32>
      %sub3A_296 = arith.subf %get3A_291, %get3A_295 : vector<16xf32>
      %mul3A_297 = arith.mulf %sub3A_296, %sub3A_296 : vector<16xf32>
      %add3A_298 = arith.addf %add3A_254, %mul3A_297 : vector<16xf32>
      %get3A_299 = arith.index_cast %scan3A_197 : i32 to index
      %get3A_300 = arith.constant 144 : index
      %get3A_301 = tpu.vector_load %arg8[%get3A_299, %get3A_300] {strides = array<i32>} : memref<48x512xf32, #tpu.memory_space<vmem>>, vector<1x16xf32>,
      %get3A_302 = vector.shape_cast %get3A_301 : vector<1x16xf32> to vector<16xf32>
      %get3A_303 = arith.index_cast %scan3A_197 : i32 to index
      %get3A_304 = arith.constant 144 : index
      %get3A_305 = tpu.vector_load %arg10[%get3A_303, %get3A_304] {strides = array<i32>} : memref<48x512xf32, #tpu.memory_space<vmem>>, vector<1x16xf32>,
      %get3A_306 = vector.shape_cast %get3A_305 : vector<1x16xf32> to vector<16xf32>
      %sub3A_307 = arith.subf %get3A_302, %get3A_306 : vector<16xf32>
      %mul3A_308 = arith.mulf %sub3A_307, %sub3A_307 : vector<16xf32>
      %add3A_309 = arith.addf %add3A_265, %mul3A_308 : vector<16xf32>
      %get3A_310 = arith.index_cast %scan3A_197 : i32 to index
      %get3A_311 = arith.constant 160 : index
      %get3A_312 = tpu.vector_load %arg8[%get3A_310, %get3A_311] {strides = array<i32>} : memref<48x512xf32, #tpu.memory_space<vmem>>, vector<1x16xf32>,
      %get3A_313 = vector.shape_cast %get3A_312 : vector<1x16xf32> to vector<16xf32>
      %get3A_314 = arith.index_cast %scan3A_197 : i32 to index
      %get3A_315 = arith.constant 160 : index
      %get3A_316 = tpu.vector_load %arg10[%get3A_314, %get3A_315] {strides = array<i32>} : memref<48x512xf32, #tpu.memory_space<vmem>>, vector<1x16xf32>,
      %get3A_317 = vector.shape_cast %get3A_316 : vector<1x16xf32> to vector<16xf32>
      %sub3A_318 = arith.subf %get3A_313, %get3A_317 : vector<16xf32>
      %mul3A_319 = arith.mulf %sub3A_318, %sub3A_318 : vector<16xf32>
      %add3A_320 = arith.addf %add3A_276, %mul3A_319 : vector<16xf32>
      %get3A_321 = arith.index_cast %scan3A_197 : i32 to index
      %get3A_322 = arith.constant 176 : index
      %get3A_323 = tpu.vector_load %arg8[%get3A_321, %get3A_322] {strides = array<i32>} : memref<48x512xf32, #tpu.memory_space<vmem>>, vector<1x16xf32>,
      %get3A_324 = vector.shape_cast %get3A_323 : vector<1x16xf32> to vector<16xf32>
      %get3A_325 = arith.index_cast %scan3A_197 : i32 to index
      %get3A_326 = arith.constant 176 : index
      %get3A_327 = tpu.vector_load %arg10[%get3A_325, %get3A_326] {strides = array<i32>} : memref<48x512xf32, #tpu.memory_space<vmem>>, vector<1x16xf32>,
      %get3A_328 = vector.shape_cast %get3A_327 : vector<1x16xf32> to vector<16xf32>
      %sub3A_329 = arith.subf %get3A_324, %get3A_328 : vector<16xf32>
      %mul3A_330 = arith.mulf %sub3A_329, %sub3A_329 : vector<16xf32>
      %add3A_331 = arith.addf %add3A_287, %mul3A_330 : vector<16xf32>
      %get3A_332 = arith.index_cast %scan3A_197 : i32 to index
      %get3A_333 = arith.constant 192 : index
      %get3A_334 = tpu.vector_load %arg8[%get3A_332, %get3A_333] {strides = array<i32>} : memref<48x512xf32, #tpu.memory_space<vmem>>, vector<1x16xf32>,
      %get3A_335 = vector.shape_cast %get3A_334 : vector<1x16xf32> to vector<16xf32>
      %get3A_336 = arith.index_cast %scan3A_197 : i32 to index
      %get3A_337 = arith.constant 192 : index
      %get3A_338 = tpu.vector_load %arg10[%get3A_336, %get3A_337] {strides = array<i32>} : memref<48x512xf32, #tpu.memory_space<vmem>>, vector<1x16xf32>,
      %get3A_339 = vector.shape_cast %get3A_338 : vector<1x16xf32> to vector<16xf32>
      %sub3A_340 = arith.subf %get3A_335, %get3A_339 : vector<16xf32>
      %mul3A_341 = arith.mulf %sub3A_340, %sub3A_340 : vector<16xf32>
      %add3A_342 = arith.addf %add3A_298, %mul3A_341 : vector<16xf32>
      %get3A_343 = arith.index_cast %scan3A_197 : i32 to index
      %get3A_344 = arith.constant 208 : index
      %get3A_345 = tpu.vector_load %arg8[%get3A_343, %get3A_344] {strides = array<i32>} : memref<48x512xf32, #tpu.memory_space<vmem>>, vector<1x16xf32>,
      %get3A_346 = vector.shape_cast %get3A_345 : vector<1x16xf32> to vector<16xf32>
      %get3A_347 = arith.index_cast %scan3A_197 : i32 to index
      %get3A_348 = arith.constant 208 : index
      %get3A_349 = tpu.vector_load %arg10[%get3A_347, %get3A_348] {strides = array<i32>} : memref<48x512xf32, #tpu.memory_space<vmem>>, vector<1x16xf32>,
      %get3A_350 = vector.shape_cast %get3A_349 : vector<1x16xf32> to vector<16xf32>
      %sub3A_351 = arith.subf %get3A_346, %get3A_350 : vector<16xf32>
      %mul3A_352 = arith.mulf %sub3A_351, %sub3A_351 : vector<16xf32>
      %add3A_353 = arith.addf %add3A_309, %mul3A_352 : vector<16xf32>
      %get3A_354 = arith.index_cast %scan3A_197 : i32 to index
      %get3A_355 = arith.constant 224 : index
      %get3A_356 = tpu.vector_load %arg8[%get3A_354, %get3A_355] {strides = array<i32>} : memref<48x512xf32, #tpu.memory_space<vmem>>, vector<1x16xf32>,
      %get3A_357 = vector.shape_cast %get3A_356 : vector<1x16xf32> to vector<16xf32>
      %get3A_358 = arith.index_cast %scan3A_197 : i32 to index
      %get3A_359 = arith.constant 224 : index
      %get3A_360 = tpu.vector_load %arg10[%get3A_358, %get3A_359] {strides = array<i32>} : memref<48x512xf32, #tpu.memory_space<vmem>>, vector<1x16xf32>,
      %get3A_361 = vector.shape_cast %get3A_360 : vector<1x16xf32> to vector<16xf32>
      %sub3A_362 = arith.subf %get3A_357, %get3A_361 : vector<16xf32>
      %mul3A_363 = arith.mulf %sub3A_362, %sub3A_362 : vector<16xf32>
      %add3A_364 = arith.addf %add3A_320, %mul3A_363 : vector<16xf32>
      %get3A_365 = arith.index_cast %scan3A_197 : i32 to index
      %get3A_366 = arith.constant 240 : index
      %get3A_367 = tpu.vector_load %arg8[%get3A_365, %get3A_366] {strides = array<i32>} : memref<48x512xf32, #tpu.memory_space<vmem>>, vector<1x16xf32>,
      %get3A_368 = vector.shape_cast %get3A_367 : vector<1x16xf32> to vector<16xf32>
      %get3A_369 = arith.index_cast %scan3A_197 : i32 to index
      %get3A_370 = arith.constant 240 : index
      %get3A_371 = tpu.vector_load %arg10[%get3A_369, %get3A_370] {strides = array<i32>} : memref<48x512xf32, #tpu.memory_space<vmem>>, vector<1x16xf32>,
      %get3A_372 = vector.shape_cast %get3A_371 : vector<1x16xf32> to vector<16xf32>
      %sub3A_373 = arith.subf %get3A_368, %get3A_372 : vector<16xf32>
      %mul3A_374 = arith.mulf %sub3A_373, %sub3A_373 : vector<16xf32>
      %add3A_375 = arith.addf %add3A_331, %mul3A_374 : vector<16xf32>
      %get3A_376 = arith.index_cast %scan3A_197 : i32 to index
      %get3A_377 = arith.constant 256 : index
      %get3A_378 = tpu.vector_load %arg8[%get3A_376, %get3A_377] {strides = array<i32>} : memref<48x512xf32, #tpu.memory_space<vmem>>, vector<1x16xf32>,
      %get3A_379 = vector.shape_cast %get3A_378 : vector<1x16xf32> to vector<16xf32>
      %get3A_380 = arith.index_cast %scan3A_197 : i32 to index
      %get3A_381 = arith.constant 256 : index
      %get3A_382 = tpu.vector_load %arg10[%get3A_380, %get3A_381] {strides = array<i32>} : memref<48x512xf32, #tpu.memory_space<vmem>>, vector<1x16xf32>,
      %get3A_383 = vector.shape_cast %get3A_382 : vector<1x16xf32> to vector<16xf32>
      %sub3A_384 = arith.subf %get3A_379, %get3A_383 : vector<16xf32>
      %mul3A_385 = arith.mulf %sub3A_384, %sub3A_384 : vector<16xf32>
      %add3A_386 = arith.addf %add3A_342, %mul3A_385 : vector<16xf32>
      %get3A_387 = arith.index_cast %scan3A_197 : i32 to index
      %get3A_388 = arith.constant 272 : index
      %get3A_389 = tpu.vector_load %arg8[%get3A_387, %get3A_388] {strides = array<i32>} : memref<48x512xf32, #tpu.memory_space<vmem>>, vector<1x16xf32>,
      %get3A_390 = vector.shape_cast %get3A_389 : vector<1x16xf32> to vector<16xf32>
      %get3A_391 = arith.index_cast %scan3A_197 : i32 to index
      %get3A_392 = arith.constant 272 : index
      %get3A_393 = tpu.vector_load %arg10[%get3A_391, %get3A_392] {strides = array<i32>} : memref<48x512xf32, #tpu.memory_space<vmem>>, vector<1x16xf32>,
      %get3A_394 = vector.shape_cast %get3A_393 : vector<1x16xf32> to vector<16xf32>
      %sub3A_395 = arith.subf %get3A_390, %get3A_394 : vector<16xf32>
      %mul3A_396 = arith.mulf %sub3A_395, %sub3A_395 : vector<16xf32>
      %add3A_397 = arith.addf %add3A_353, %mul3A_396 : vector<16xf32>
      %get3A_398 = arith.index_cast %scan3A_197 : i32 to index
      %get3A_399 = arith.constant 288 : index
      %get3A_400 = tpu.vector_load %arg8[%get3A_398, %get3A_399] {strides = array<i32>} : memref<48x512xf32, #tpu.memory_space<vmem>>, vector<1x16xf32>,
      %get3A_401 = vector.shape_cast %get3A_400 : vector<1x16xf32> to vector<16xf32>
      %get3A_402 = arith.index_cast %scan3A_197 : i32 to index
      %get3A_403 = arith.constant 288 : index
      %get3A_404 = tpu.vector_load %arg10[%get3A_402, %get3A_403] {strides = array<i32>} : memref<48x512xf32, #tpu.memory_space<vmem>>, vector<1x16xf32>,
      %get3A_405 = vector.shape_cast %get3A_404 : vector<1x16xf32> to vector<16xf32>
      %sub3A_406 = arith.subf %get3A_401, %get3A_405 : vector<16xf32>
      %mul3A_407 = arith.mulf %sub3A_406, %sub3A_406 : vector<16xf32>
      %add3A_408 = arith.addf %add3A_364, %mul3A_407 : vector<16xf32>
      %get3A_409 = arith.index_cast %scan3A_197 : i32 to index
      %get3A_410 = arith.constant 304 : index
      %get3A_411 = tpu.vector_load %arg8[%get3A_409, %get3A_410] {strides = array<i32>} : memref<48x512xf32, #tpu.memory_space<vmem>>, vector<1x16xf32>,
      %get3A_412 = vector.shape_cast %get3A_411 : vector<1x16xf32> to vector<16xf32>
      %get3A_413 = arith.index_cast %scan3A_197 : i32 to index
      %get3A_414 = arith.constant 304 : index
      %get3A_415 = tpu.vector_load %arg10[%get3A_413, %get3A_414] {strides = array<i32>} : memref<48x512xf32, #tpu.memory_space<vmem>>, vector<1x16xf32>,
      %get3A_416 = vector.shape_cast %get3A_415 : vector<1x16xf32> to vector<16xf32>
      %sub3A_417 = arith.subf %get3A_412, %get3A_416 : vector<16xf32>
      %mul3A_418 = arith.mulf %sub3A_417, %sub3A_417 : vector<16xf32>
      %add3A_419 = arith.addf %add3A_375, %mul3A_418 : vector<16xf32>
      %get3A_420 = arith.index_cast %scan3A_197 : i32 to index
      %get3A_421 = arith.constant 320 : index
      %get3A_422 = tpu.vector_load %arg8[%get3A_420, %get3A_421] {strides = array<i32>} : memref<48x512xf32, #tpu.memory_space<vmem>>, vector<1x16xf32>,
      %get3A_423 = vector.shape_cast %get3A_422 : vector<1x16xf32> to vector<16xf32>
      %get3A_424 = arith.index_cast %scan3A_197 : i32 to index
      %get3A_425 = arith.constant 320 : index
      %get3A_426 = tpu.vector_load %arg10[%get3A_424, %get3A_425] {strides = array<i32>} : memref<48x512xf32, #tpu.memory_space<vmem>>, vector<1x16xf32>,
      %get3A_427 = vector.shape_cast %get3A_426 : vector<1x16xf32> to vector<16xf32>
      %sub3A_428 = arith.subf %get3A_423, %get3A_427 : vector<16xf32>
      %mul3A_429 = arith.mulf %sub3A_428, %sub3A_428 : vector<16xf32>
      %add3A_430 = arith.addf %add3A_386, %mul3A_429 : vector<16xf32>
      %get3A_431 = arith.index_cast %scan3A_197 : i32 to index
      %get3A_432 = arith.constant 336 : index
      %get3A_433 = tpu.vector_load %arg8[%get3A_431, %get3A_432] {strides = array<i32>} : memref<48x512xf32, #tpu.memory_space<vmem>>, vector<1x16xf32>,
      %get3A_434 = vector.shape_cast %get3A_433 : vector<1x16xf32> to vector<16xf32>
      %get3A_435 = arith.index_cast %scan3A_197 : i32 to index
      %get3A_436 = arith.constant 336 : index
      %get3A_437 = tpu.vector_load %arg10[%get3A_435, %get3A_436] {strides = array<i32>} : memref<48x512xf32, #tpu.memory_space<vmem>>, vector<1x16xf32>,
      %get3A_438 = vector.shape_cast %get3A_437 : vector<1x16xf32> to vector<16xf32>
      %sub3A_439 = arith.subf %get3A_434, %get3A_438 : vector<16xf32>
      %mul3A_440 = arith.mulf %sub3A_439, %sub3A_439 : vector<16xf32>
      %add3A_441 = arith.addf %add3A_397, %mul3A_440 : vector<16xf32>
      %get3A_442 = arith.index_cast %scan3A_197 : i32 to index
      %get3A_443 = arith.constant 352 : index
      %get3A_444 = tpu.vector_load %arg8[%get3A_442, %get3A_443] {strides = array<i32>} : memref<48x512xf32, #tpu.memory_space<vmem>>, vector<1x16xf32>,
      %get3A_445 = vector.shape_cast %get3A_444 : vector<1x16xf32> to vector<16xf32>
      %get3A_446 = arith.index_cast %scan3A_197 : i32 to index
      %get3A_447 = arith.constant 352 : index
      %get3A_448 = tpu.vector_load %arg10[%get3A_446, %get3A_447] {strides = array<i32>} : memref<48x512xf32, #tpu.memory_space<vmem>>, vector<1x16xf32>,
      %get3A_449 = vector.shape_cast %get3A_448 : vector<1x16xf32> to vector<16xf32>
      %sub3A_450 = arith.subf %get3A_445, %get3A_449 : vector<16xf32>
      %mul3A_451 = arith.mulf %sub3A_450, %sub3A_450 : vector<16xf32>
      %add3A_452 = arith.addf %add3A_408, %mul3A_451 : vector<16xf32>
      %get3A_453 = arith.index_cast %scan3A_197 : i32 to index
      %get3A_454 = arith.constant 368 : index
      %get3A_455 = tpu.vector_load %arg8[%get3A_453, %get3A_454] {strides = array<i32>} : memref<48x512xf32, #tpu.memory_space<vmem>>, vector<1x16xf32>,
      %get3A_456 = vector.shape_cast %get3A_455 : vector<1x16xf32> to vector<16xf32>
      %get3A_457 = arith.index_cast %scan3A_197 : i32 to index
      %get3A_458 = arith.constant 368 : index
      %get3A_459 = tpu.vector_load %arg10[%get3A_457, %get3A_458] {strides = array<i32>} : memref<48x512xf32, #tpu.memory_space<vmem>>, vector<1x16xf32>,
      %get3A_460 = vector.shape_cast %get3A_459 : vector<1x16xf32> to vector<16xf32>
      %sub3A_461 = arith.subf %get3A_456, %get3A_460 : vector<16xf32>
      %mul3A_462 = arith.mulf %sub3A_461, %sub3A_461 : vector<16xf32>
      %add3A_463 = arith.addf %add3A_419, %mul3A_462 : vector<16xf32>
      %get3A_464 = arith.index_cast %scan3A_197 : i32 to index
      %get3A_465 = arith.constant 384 : index
      %get3A_466 = tpu.vector_load %arg8[%get3A_464, %get3A_465] {strides = array<i32>} : memref<48x512xf32, #tpu.memory_space<vmem>>, vector<1x16xf32>,
      %get3A_467 = vector.shape_cast %get3A_466 : vector<1x16xf32> to vector<16xf32>
      %get3A_468 = arith.index_cast %scan3A_197 : i32 to index
      %get3A_469 = arith.constant 384 : index
      %get3A_470 = tpu.vector_load %arg10[%get3A_468, %get3A_469] {strides = array<i32>} : memref<48x512xf32, #tpu.memory_space<vmem>>, vector<1x16xf32>,
      %get3A_471 = vector.shape_cast %get3A_470 : vector<1x16xf32> to vector<16xf32>
      %sub3A_472 = arith.subf %get3A_467, %get3A_471 : vector<16xf32>
      %mul3A_473 = arith.mulf %sub3A_472, %sub3A_472 : vector<16xf32>
      %add3A_474 = arith.addf %add3A_430, %mul3A_473 : vector<16xf32>
      %get3A_475 = arith.index_cast %scan3A_197 : i32 to index
      %get3A_476 = arith.constant 400 : index
      %get3A_477 = tpu.vector_load %arg8[%get3A_475, %get3A_476] {strides = array<i32>} : memref<48x512xf32, #tpu.memory_space<vmem>>, vector<1x16xf32>,
      %get3A_478 = vector.shape_cast %get3A_477 : vector<1x16xf32> to vector<16xf32>
      %get3A_479 = arith.index_cast %scan3A_197 : i32 to index
      %get3A_480 = arith.constant 400 : index
      %get3A_481 = tpu.vector_load %arg10[%get3A_479, %get3A_480] {strides = array<i32>} : memref<48x512xf32, #tpu.memory_space<vmem>>, vector<1x16xf32>,
      %get3A_482 = vector.shape_cast %get3A_481 : vector<1x16xf32> to vector<16xf32>
      %sub3A_483 = arith.subf %get3A_478, %get3A_482 : vector<16xf32>
      %mul3A_484 = arith.mulf %sub3A_483, %sub3A_483 : vector<16xf32>
      %add3A_485 = arith.addf %add3A_441, %mul3A_484 : vector<16xf32>
      %get3A_486 = arith.index_cast %scan3A_197 : i32 to index
      %get3A_487 = arith.constant 416 : index
      %get3A_488 = tpu.vector_load %arg8[%get3A_486, %get3A_487] {strides = array<i32>} : memref<48x512xf32, #tpu.memory_space<vmem>>, vector<1x16xf32>,
      %get3A_489 = vector.shape_cast %get3A_488 : vector<1x16xf32> to vector<16xf32>
      %get3A_490 = arith.index_cast %scan3A_197 : i32 to index
      %get3A_491 = arith.constant 416 : index
      %get3A_492 = tpu.vector_load %arg10[%get3A_490, %get3A_491] {strides = array<i32>} : memref<48x512xf32, #tpu.memory_space<vmem>>, vector<1x16xf32>,
      %get3A_493 = vector.shape_cast %get3A_492 : vector<1x16xf32> to vector<16xf32>
      %sub3A_494 = arith.subf %get3A_489, %get3A_493 : vector<16xf32>
      %mul3A_495 = arith.mulf %sub3A_494, %sub3A_494 : vector<16xf32>
      %add3A_496 = arith.addf %add3A_452, %mul3A_495 : vector<16xf32>
      %get3A_497 = arith.index_cast %scan3A_197 : i32 to index
      %get3A_498 = arith.constant 432 : index
      %get3A_499 = tpu.vector_load %arg8[%get3A_497, %get3A_498] {strides = array<i32>} : memref<48x512xf32, #tpu.memory_space<vmem>>, vector<1x16xf32>,
      %get3A_500 = vector.shape_cast %get3A_499 : vector<1x16xf32> to vector<16xf32>
      %get3A_501 = arith.index_cast %scan3A_197 : i32 to index
      %get3A_502 = arith.constant 432 : index
      %get3A_503 = tpu.vector_load %arg10[%get3A_501, %get3A_502] {strides = array<i32>} : memref<48x512xf32, #tpu.memory_space<vmem>>, vector<1x16xf32>,
      %get3A_504 = vector.shape_cast %get3A_503 : vector<1x16xf32> to vector<16xf32>
      %sub3A_505 = arith.subf %get3A_500, %get3A_504 : vector<16xf32>
      %mul3A_506 = arith.mulf %sub3A_505, %sub3A_505 : vector<16xf32>
      %add3A_507 = arith.addf %add3A_463, %mul3A_506 : vector<16xf32>
      %get3A_508 = arith.index_cast %scan3A_197 : i32 to index
      %get3A_509 = arith.constant 448 : index
      %get3A_510 = tpu.vector_load %arg8[%get3A_508, %get3A_509] {strides = array<i32>} : memref<48x512xf32, #tpu.memory_space<vmem>>, vector<1x16xf32>,
      %get3A_511 = vector.shape_cast %get3A_510 : vector<1x16xf32> to vector<16xf32>
      %get3A_512 = arith.index_cast %scan3A_197 : i32 to index
      %get3A_513 = arith.constant 448 : index
      %get3A_514 = tpu.vector_load %arg10[%get3A_512, %get3A_513] {strides = array<i32>} : memref<48x512xf32, #tpu.memory_space<vmem>>, vector<1x16xf32>,
      %get3A_515 = vector.shape_cast %get3A_514 : vector<1x16xf32> to vector<16xf32>
      %sub3A_516 = arith.subf %get3A_511, %get3A_515 : vector<16xf32>
      %mul3A_517 = arith.mulf %sub3A_516, %sub3A_516 : vector<16xf32>
      %add3A_518 = arith.addf %add3A_474, %mul3A_517 : vector<16xf32>
      %get3A_519 = arith.index_cast %scan3A_197 : i32 to index
      %get3A_520 = arith.constant 464 : index
      %get3A_521 = tpu.vector_load %arg8[%get3A_519, %get3A_520] {strides = array<i32>} : memref<48x512xf32, #tpu.memory_space<vmem>>, vector<1x16xf32>,
      %get3A_522 = vector.shape_cast %get3A_521 : vector<1x16xf32> to vector<16xf32>
      %get3A_523 = arith.index_cast %scan3A_197 : i32 to index
      %get3A_524 = arith.constant 464 : index
      %get3A_525 = tpu.vector_load %arg10[%get3A_523, %get3A_524] {strides = array<i32>} : memref<48x512xf32, #tpu.memory_space<vmem>>, vector<1x16xf32>,
      %get3A_526 = vector.shape_cast %get3A_525 : vector<1x16xf32> to vector<16xf32>
      %sub3A_527 = arith.subf %get3A_522, %get3A_526 : vector<16xf32>
      %mul3A_528 = arith.mulf %sub3A_527, %sub3A_527 : vector<16xf32>
      %add3A_529 = arith.addf %add3A_485, %mul3A_528 : vector<16xf32>
      %get3A_530 = arith.index_cast %scan3A_197 : i32 to index
      %get3A_531 = arith.constant 480 : index
      %get3A_532 = tpu.vector_load %arg8[%get3A_530, %get3A_531] {strides = array<i32>} : memref<48x512xf32, #tpu.memory_space<vmem>>, vector<1x16xf32>,
      %get3A_533 = vector.shape_cast %get3A_532 : vector<1x16xf32> to vector<16xf32>
      %get3A_534 = arith.index_cast %scan3A_197 : i32 to index
      %get3A_535 = arith.constant 480 : index
      %get3A_536 = tpu.vector_load %arg10[%get3A_534, %get3A_535] {strides = array<i32>} : memref<48x512xf32, #tpu.memory_space<vmem>>, vector<1x16xf32>,
      %get3A_537 = vector.shape_cast %get3A_536 : vector<1x16xf32> to vector<16xf32>
      %sub3A_538 = arith.subf %get3A_533, %get3A_537 : vector<16xf32>
      %mul3A_539 = arith.mulf %sub3A_538, %sub3A_538 : vector<16xf32>
      %add3A_540 = arith.addf %add3A_496, %mul3A_539 : vector<16xf32>
      %get3A_541 = arith.index_cast %scan3A_197 : i32 to index
      %get3A_542 = arith.constant 496 : index
      %get3A_543 = tpu.vector_load %arg8[%get3A_541, %get3A_542] {strides = array<i32>} : memref<48x512xf32, #tpu.memory_space<vmem>>, vector<1x16xf32>,
      %get3A_544 = vector.shape_cast %get3A_543 : vector<1x16xf32> to vector<16xf32>
      %get3A_545 = arith.index_cast %scan3A_197 : i32 to index
      %get3A_546 = arith.constant 496 : index
      %get3A_547 = tpu.vector_load %arg10[%get3A_545, %get3A_546] {strides = array<i32>} : memref<48x512xf32, #tpu.memory_space<vmem>>, vector<1x16xf32>,
      %get3A_548 = vector.shape_cast %get3A_547 : vector<1x16xf32> to vector<16xf32>
      %sub3A_549 = arith.subf %get3A_544, %get3A_548 : vector<16xf32>
      %mul3A_550 = arith.mulf %sub3A_549, %sub3A_549 : vector<16xf32>
      %add3A_551 = arith.addf %add3A_507, %mul3A_550 : vector<16xf32>
      scf.yield %add3A_518, %add3A_529, %add3A_540, %add3A_551 : vector<16xf32>, vector<16xf32>, vector<16xf32>, vector<16xf32>
    }
    %scan3A_173 = arith.constant 48 : i32
    %dma_wait3A_174 = arith.constant 0 : i32
    %dma_wait3A_175 = tpu.memref_slice %arg2[%add3A_149, %dma_wait3A_174] : memref<16384x512xf32, #tpu.memory_space<hbm>> -> memref<48x512xf32, #tpu.memory_space<hbm>>
    %dma_wait3A_176 = arith.constant 0 : i32
    %dma_wait3A_177 = tpu.memref_slice %arg2[%add3A_149, %dma_wait3A_176] : memref<16384x512xf32, #tpu.memory_space<hbm>> -> memref<48x512xf32, #tpu.memory_space<hbm>>
    tpu.wait_dma2 semaphore(%arg12 : memref<!tpu.dma_semaphore, #tpu.memory_space<semaphore_mem>>) src(%dma_wait3A_177 : memref<48x512xf32, #tpu.memory_space<hbm>>) dst(%arg7 : memref<48x512xf32, #tpu.memory_space<vmem>>)
    %dma_wait3A_178 = arith.constant 288 : i32
    %dma_wait3A_179 = tpu.memref_slice %arg6[%dma_wait3A_178] : memref<336xi32, #tpu.memory_space<vmem>> -> memref<48xi32, #tpu.memory_space<vmem>>
    %dma_wait3A_180 = arith.constant 0 : i32
    %dma_wait3A_181 = arith.constant 0 : i32
    %dma_wait3A_182 = tpu.memref_slice %arg4[%dma_wait3A_180, %dma_wait3A_181] : memref<10000x512xf32, #tpu.memory_space<hbm>> -> memref<10000x512xf32, #tpu.memory_space<hbm>>
    tpu.wait_indirect_dma semaphore(%arg14 : memref<!tpu.dma_semaphore, #tpu.memory_space<semaphore_mem>>) src(%dma_wait3A_182 : memref<10000x512xf32, #tpu.memory_space<hbm>>) dst(%arg9 : memref<48x512xf32, #tpu.memory_space<vmem>>)
    %scan3A_183 = arith.constant 0 : i32
    %scan3A_184 = arith.constant 48 : i32
    %scan3A_185 = arith.addi %scan3A_183, %scan3A_184 : i32
    %scan3A_186 = arith.constant 1 : i32
    %scan3A_187:4 = scf.for %scan3A_197 = %scan3A_183 to %scan3A_185 step %scan3A_186 iter_args(%scan3A_198 = %scan3A_172#0, %scan3A_199 = %scan3A_172#1, %scan3A_200 = %scan3A_172#2, %scan3A_201 = %scan3A_172#3) -> (vector<16xf32>, vector<16xf32>, vector<16xf32>, vector<16xf32>)  : i32 {
      %get3A = arith.index_cast %scan3A_197 : i32 to index
      %get3A_202 = arith.constant 0 : index
      %get3A_203 = tpu.vector_load %arg7[%get3A, %get3A_202] {strides = array<i32>} : memref<48x512xf32, #tpu.memory_space<vmem>>, vector<1x16xf32>,
      %get3A_204 = vector.shape_cast %get3A_203 : vector<1x16xf32> to vector<16xf32>
      %get3A_205 = arith.index_cast %scan3A_197 : i32 to index
      %get3A_206 = arith.constant 0 : index
      %get3A_207 = tpu.vector_load %arg9[%get3A_205, %get3A_206] {strides = array<i32>} : memref<48x512xf32, #tpu.memory_space<vmem>>, vector<1x16xf32>,
      %get3A_208 = vector.shape_cast %get3A_207 : vector<1x16xf32> to vector<16xf32>
      %sub3A = arith.subf %get3A_204, %get3A_208 : vector<16xf32>
      %mul3A_209 = arith.mulf %sub3A, %sub3A : vector<16xf32>
      %add3A_210 = arith.addf %scan3A_198, %mul3A_209 : vector<16xf32>
      %get3A_211 = arith.index_cast %scan3A_197 : i32 to index
      %get3A_212 = arith.constant 16 : index
      %get3A_213 = tpu.vector_load %arg7[%get3A_211, %get3A_212] {strides = array<i32>} : memref<48x512xf32, #tpu.memory_space<vmem>>, vector<1x16xf32>,
      %get3A_214 = vector.shape_cast %get3A_213 : vector<1x16xf32> to vector<16xf32>
      %get3A_215 = arith.index_cast %scan3A_197 : i32 to index
      %get3A_216 = arith.constant 16 : index
      %get3A_217 = tpu.vector_load %arg9[%get3A_215, %get3A_216] {strides = array<i32>} : memref<48x512xf32, #tpu.memory_space<vmem>>, vector<1x16xf32>,
      %get3A_218 = vector.shape_cast %get3A_217 : vector<1x16xf32> to vector<16xf32>
      %sub3A_219 = arith.subf %get3A_214, %get3A_218 : vector<16xf32>
      %mul3A_220 = arith.mulf %sub3A_219, %sub3A_219 : vector<16xf32>
      %add3A_221 = arith.addf %scan3A_199, %mul3A_220 : vector<16xf32>
      %get3A_222 = arith.index_cast %scan3A_197 : i32 to index
      %get3A_223 = arith.constant 32 : index
      %get3A_224 = tpu.vector_load %arg7[%get3A_222, %get3A_223] {strides = array<i32>} : memref<48x512xf32, #tpu.memory_space<vmem>>, vector<1x16xf32>,
      %get3A_225 = vector.shape_cast %get3A_224 : vector<1x16xf32> to vector<16xf32>
      %get3A_226 = arith.index_cast %scan3A_197 : i32 to index
      %get3A_227 = arith.constant 32 : index
      %get3A_228 = tpu.vector_load %arg9[%get3A_226, %get3A_227] {strides = array<i32>} : memref<48x512xf32, #tpu.memory_space<vmem>>, vector<1x16xf32>,
      %get3A_229 = vector.shape_cast %get3A_228 : vector<1x16xf32> to vector<16xf32>
      %sub3A_230 = arith.subf %get3A_225, %get3A_229 : vector<16xf32>
      %mul3A_231 = arith.mulf %sub3A_230, %sub3A_230 : vector<16xf32>
      %add3A_232 = arith.addf %scan3A_200, %mul3A_231 : vector<16xf32>
      %get3A_233 = arith.index_cast %scan3A_197 : i32 to index
      %get3A_234 = arith.constant 48 : index
      %get3A_235 = tpu.vector_load %arg7[%get3A_233, %get3A_234] {strides = array<i32>} : memref<48x512xf32, #tpu.memory_space<vmem>>, vector<1x16xf32>,
      %get3A_236 = vector.shape_cast %get3A_235 : vector<1x16xf32> to vector<16xf32>
      %get3A_237 = arith.index_cast %scan3A_197 : i32 to index
      %get3A_238 = arith.constant 48 : index
      %get3A_239 = tpu.vector_load %arg9[%get3A_237, %get3A_238] {strides = array<i32>} : memref<48x512xf32, #tpu.memory_space<vmem>>, vector<1x16xf32>,
      %get3A_240 = vector.shape_cast %get3A_239 : vector<1x16xf32> to vector<16xf32>
      %sub3A_241 = arith.subf %get3A_236, %get3A_240 : vector<16xf32>
      %mul3A_242 = arith.mulf %sub3A_241, %sub3A_241 : vector<16xf32>
      %add3A_243 = arith.addf %scan3A_201, %mul3A_242 : vector<16xf32>
      %get3A_244 = arith.index_cast %scan3A_197 : i32 to index
      %get3A_245 = arith.constant 64 : index
      %get3A_246 = tpu.vector_load %arg7[%get3A_244, %get3A_245] {strides = array<i32>} : memref<48x512xf32, #tpu.memory_space<vmem>>, vector<1x16xf32>,
      %get3A_247 = vector.shape_cast %get3A_246 : vector<1x16xf32> to vector<16xf32>
      %get3A_248 = arith.index_cast %scan3A_197 : i32 to index
      %get3A_249 = arith.constant 64 : index
      %get3A_250 = tpu.vector_load %arg9[%get3A_248, %get3A_249] {strides = array<i32>} : memref<48x512xf32, #tpu.memory_space<vmem>>, vector<1x16xf32>,
      %get3A_251 = vector.shape_cast %get3A_250 : vector<1x16xf32> to vector<16xf32>
      %sub3A_252 = arith.subf %get3A_247, %get3A_251 : vector<16xf32>
      %mul3A_253 = arith.mulf %sub3A_252, %sub3A_252 : vector<16xf32>
      %add3A_254 = arith.addf %add3A_210, %mul3A_253 : vector<16xf32>
      %get3A_255 = arith.index_cast %scan3A_197 : i32 to index
      %get3A_256 = arith.constant 80 : index
      %get3A_257 = tpu.vector_load %arg7[%get3A_255, %get3A_256] {strides = array<i32>} : memref<48x512xf32, #tpu.memory_space<vmem>>, vector<1x16xf32>,
      %get3A_258 = vector.shape_cast %get3A_257 : vector<1x16xf32> to vector<16xf32>
      %get3A_259 = arith.index_cast %scan3A_197 : i32 to index
      %get3A_260 = arith.constant 80 : index
      %get3A_261 = tpu.vector_load %arg9[%get3A_259, %get3A_260] {strides = array<i32>} : memref<48x512xf32, #tpu.memory_space<vmem>>, vector<1x16xf32>,
      %get3A_262 = vector.shape_cast %get3A_261 : vector<1x16xf32> to vector<16xf32>
      %sub3A_263 = arith.subf %get3A_258, %get3A_262 : vector<16xf32>
      %mul3A_264 = arith.mulf %sub3A_263, %sub3A_263 : vector<16xf32>
      %add3A_265 = arith.addf %add3A_221, %mul3A_264 : vector<16xf32>
      %get3A_266 = arith.index_cast %scan3A_197 : i32 to index
      %get3A_267 = arith.constant 96 : index
      %get3A_268 = tpu.vector_load %arg7[%get3A_266, %get3A_267] {strides = array<i32>} : memref<48x512xf32, #tpu.memory_space<vmem>>, vector<1x16xf32>,
      %get3A_269 = vector.shape_cast %get3A_268 : vector<1x16xf32> to vector<16xf32>
      %get3A_270 = arith.index_cast %scan3A_197 : i32 to index
      %get3A_271 = arith.constant 96 : index
      %get3A_272 = tpu.vector_load %arg9[%get3A_270, %get3A_271] {strides = array<i32>} : memref<48x512xf32, #tpu.memory_space<vmem>>, vector<1x16xf32>,
      %get3A_273 = vector.shape_cast %get3A_272 : vector<1x16xf32> to vector<16xf32>
      %sub3A_274 = arith.subf %get3A_269, %get3A_273 : vector<16xf32>
      %mul3A_275 = arith.mulf %sub3A_274, %sub3A_274 : vector<16xf32>
      %add3A_276 = arith.addf %add3A_232, %mul3A_275 : vector<16xf32>
      %get3A_277 = arith.index_cast %scan3A_197 : i32 to index
      %get3A_278 = arith.constant 112 : index
      %get3A_279 = tpu.vector_load %arg7[%get3A_277, %get3A_278] {strides = array<i32>} : memref<48x512xf32, #tpu.memory_space<vmem>>, vector<1x16xf32>,
      %get3A_280 = vector.shape_cast %get3A_279 : vector<1x16xf32> to vector<16xf32>
      %get3A_281 = arith.index_cast %scan3A_197 : i32 to index
      %get3A_282 = arith.constant 112 : index
      %get3A_283 = tpu.vector_load %arg9[%get3A_281, %get3A_282] {strides = array<i32>} : memref<48x512xf32, #tpu.memory_space<vmem>>, vector<1x16xf32>,
      %get3A_284 = vector.shape_cast %get3A_283 : vector<1x16xf32> to vector<16xf32>
      %sub3A_285 = arith.subf %get3A_280, %get3A_284 : vector<16xf32>
      %mul3A_286 = arith.mulf %sub3A_285, %sub3A_285 : vector<16xf32>
      %add3A_287 = arith.addf %add3A_243, %mul3A_286 : vector<16xf32>
      %get3A_288 = arith.index_cast %scan3A_197 : i32 to index
      %get3A_289 = arith.constant 128 : index
      %get3A_290 = tpu.vector_load %arg7[%get3A_288, %get3A_289] {strides = array<i32>} : memref<48x512xf32, #tpu.memory_space<vmem>>, vector<1x16xf32>,
      %get3A_291 = vector.shape_cast %get3A_290 : vector<1x16xf32> to vector<16xf32>
      %get3A_292 = arith.index_cast %scan3A_197 : i32 to index
      %get3A_293 = arith.constant 128 : index
      %get3A_294 = tpu.vector_load %arg9[%get3A_292, %get3A_293] {strides = array<i32>} : memref<48x512xf32, #tpu.memory_space<vmem>>, vector<1x16xf32>,
      %get3A_295 = vector.shape_cast %get3A_294 : vector<1x16xf32> to vector<16xf32>
      %sub3A_296 = arith.subf %get3A_291, %get3A_295 : vector<16xf32>
      %mul3A_297 = arith.mulf %sub3A_296, %sub3A_296 : vector<16xf32>
      %add3A_298 = arith.addf %add3A_254, %mul3A_297 : vector<16xf32>
      %get3A_299 = arith.index_cast %scan3A_197 : i32 to index
      %get3A_300 = arith.constant 144 : index
      %get3A_301 = tpu.vector_load %arg7[%get3A_299, %get3A_300] {strides = array<i32>} : memref<48x512xf32, #tpu.memory_space<vmem>>, vector<1x16xf32>,
      %get3A_302 = vector.shape_cast %get3A_301 : vector<1x16xf32> to vector<16xf32>
      %get3A_303 = arith.index_cast %scan3A_197 : i32 to index
      %get3A_304 = arith.constant 144 : index
      %get3A_305 = tpu.vector_load %arg9[%get3A_303, %get3A_304] {strides = array<i32>} : memref<48x512xf32, #tpu.memory_space<vmem>>, vector<1x16xf32>,
      %get3A_306 = vector.shape_cast %get3A_305 : vector<1x16xf32> to vector<16xf32>
      %sub3A_307 = arith.subf %get3A_302, %get3A_306 : vector<16xf32>
      %mul3A_308 = arith.mulf %sub3A_307, %sub3A_307 : vector<16xf32>
      %add3A_309 = arith.addf %add3A_265, %mul3A_308 : vector<16xf32>
      %get3A_310 = arith.index_cast %scan3A_197 : i32 to index
      %get3A_311 = arith.constant 160 : index
      %get3A_312 = tpu.vector_load %arg7[%get3A_310, %get3A_311] {strides = array<i32>} : memref<48x512xf32, #tpu.memory_space<vmem>>, vector<1x16xf32>,
      %get3A_313 = vector.shape_cast %get3A_312 : vector<1x16xf32> to vector<16xf32>
      %get3A_314 = arith.index_cast %scan3A_197 : i32 to index
      %get3A_315 = arith.constant 160 : index
      %get3A_316 = tpu.vector_load %arg9[%get3A_314, %get3A_315] {strides = array<i32>} : memref<48x512xf32, #tpu.memory_space<vmem>>, vector<1x16xf32>,
      %get3A_317 = vector.shape_cast %get3A_316 : vector<1x16xf32> to vector<16xf32>
      %sub3A_318 = arith.subf %get3A_313, %get3A_317 : vector<16xf32>
      %mul3A_319 = arith.mulf %sub3A_318, %sub3A_318 : vector<16xf32>
      %add3A_320 = arith.addf %add3A_276, %mul3A_319 : vector<16xf32>
      %get3A_321 = arith.index_cast %scan3A_197 : i32 to index
      %get3A_322 = arith.constant 176 : index
      %get3A_323 = tpu.vector_load %arg7[%get3A_321, %get3A_322] {strides = array<i32>} : memref<48x512xf32, #tpu.memory_space<vmem>>, vector<1x16xf32>,
      %get3A_324 = vector.shape_cast %get3A_323 : vector<1x16xf32> to vector<16xf32>
      %get3A_325 = arith.index_cast %scan3A_197 : i32 to index
      %get3A_326 = arith.constant 176 : index
      %get3A_327 = tpu.vector_load %arg9[%get3A_325, %get3A_326] {strides = array<i32>} : memref<48x512xf32, #tpu.memory_space<vmem>>, vector<1x16xf32>,
      %get3A_328 = vector.shape_cast %get3A_327 : vector<1x16xf32> to vector<16xf32>
      %sub3A_329 = arith.subf %get3A_324, %get3A_328 : vector<16xf32>
      %mul3A_330 = arith.mulf %sub3A_329, %sub3A_329 : vector<16xf32>
      %add3A_331 = arith.addf %add3A_287, %mul3A_330 : vector<16xf32>
      %get3A_332 = arith.index_cast %scan3A_197 : i32 to index
      %get3A_333 = arith.constant 192 : index
      %get3A_334 = tpu.vector_load %arg7[%get3A_332, %get3A_333] {strides = array<i32>} : memref<48x512xf32, #tpu.memory_space<vmem>>, vector<1x16xf32>,
      %get3A_335 = vector.shape_cast %get3A_334 : vector<1x16xf32> to vector<16xf32>
      %get3A_336 = arith.index_cast %scan3A_197 : i32 to index
      %get3A_337 = arith.constant 192 : index
      %get3A_338 = tpu.vector_load %arg9[%get3A_336, %get3A_337] {strides = array<i32>} : memref<48x512xf32, #tpu.memory_space<vmem>>, vector<1x16xf32>,
      %get3A_339 = vector.shape_cast %get3A_338 : vector<1x16xf32> to vector<16xf32>
      %sub3A_340 = arith.subf %get3A_335, %get3A_339 : vector<16xf32>
      %mul3A_341 = arith.mulf %sub3A_340, %sub3A_340 : vector<16xf32>
      %add3A_342 = arith.addf %add3A_298, %mul3A_341 : vector<16xf32>
      %get3A_343 = arith.index_cast %scan3A_197 : i32 to index
      %get3A_344 = arith.constant 208 : index
      %get3A_345 = tpu.vector_load %arg7[%get3A_343, %get3A_344] {strides = array<i32>} : memref<48x512xf32, #tpu.memory_space<vmem>>, vector<1x16xf32>,
      %get3A_346 = vector.shape_cast %get3A_345 : vector<1x16xf32> to vector<16xf32>
      %get3A_347 = arith.index_cast %scan3A_197 : i32 to index
      %get3A_348 = arith.constant 208 : index
      %get3A_349 = tpu.vector_load %arg9[%get3A_347, %get3A_348] {strides = array<i32>} : memref<48x512xf32, #tpu.memory_space<vmem>>, vector<1x16xf32>,
      %get3A_350 = vector.shape_cast %get3A_349 : vector<1x16xf32> to vector<16xf32>
      %sub3A_351 = arith.subf %get3A_346, %get3A_350 : vector<16xf32>
      %mul3A_352 = arith.mulf %sub3A_351, %sub3A_351 : vector<16xf32>
      %add3A_353 = arith.addf %add3A_309, %mul3A_352 : vector<16xf32>
      %get3A_354 = arith.index_cast %scan3A_197 : i32 to index
      %get3A_355 = arith.constant 224 : index
      %get3A_356 = tpu.vector_load %arg7[%get3A_354, %get3A_355] {strides = array<i32>} : memref<48x512xf32, #tpu.memory_space<vmem>>, vector<1x16xf32>,
      %get3A_357 = vector.shape_cast %get3A_356 : vector<1x16xf32> to vector<16xf32>
      %get3A_358 = arith.index_cast %scan3A_197 : i32 to index
      %get3A_359 = arith.constant 224 : index
      %get3A_360 = tpu.vector_load %arg9[%get3A_358, %get3A_359] {strides = array<i32>} : memref<48x512xf32, #tpu.memory_space<vmem>>, vector<1x16xf32>,
      %get3A_361 = vector.shape_cast %get3A_360 : vector<1x16xf32> to vector<16xf32>
      %sub3A_362 = arith.subf %get3A_357, %get3A_361 : vector<16xf32>
      %mul3A_363 = arith.mulf %sub3A_362, %sub3A_362 : vector<16xf32>
      %add3A_364 = arith.addf %add3A_320, %mul3A_363 : vector<16xf32>
      %get3A_365 = arith.index_cast %scan3A_197 : i32 to index
      %get3A_366 = arith.constant 240 : index
      %get3A_367 = tpu.vector_load %arg7[%get3A_365, %get3A_366] {strides = array<i32>} : memref<48x512xf32, #tpu.memory_space<vmem>>, vector<1x16xf32>,
      %get3A_368 = vector.shape_cast %get3A_367 : vector<1x16xf32> to vector<16xf32>
      %get3A_369 = arith.index_cast %scan3A_197 : i32 to index
      %get3A_370 = arith.constant 240 : index
      %get3A_371 = tpu.vector_load %arg9[%get3A_369, %get3A_370] {strides = array<i32>} : memref<48x512xf32, #tpu.memory_space<vmem>>, vector<1x16xf32>,
      %get3A_372 = vector.shape_cast %get3A_371 : vector<1x16xf32> to vector<16xf32>
      %sub3A_373 = arith.subf %get3A_368, %get3A_372 : vector<16xf32>
      %mul3A_374 = arith.mulf %sub3A_373, %sub3A_373 : vector<16xf32>
      %add3A_375 = arith.addf %add3A_331, %mul3A_374 : vector<16xf32>
      %get3A_376 = arith.index_cast %scan3A_197 : i32 to index
      %get3A_377 = arith.constant 256 : index
      %get3A_378 = tpu.vector_load %arg7[%get3A_376, %get3A_377] {strides = array<i32>} : memref<48x512xf32, #tpu.memory_space<vmem>>, vector<1x16xf32>,
      %get3A_379 = vector.shape_cast %get3A_378 : vector<1x16xf32> to vector<16xf32>
      %get3A_380 = arith.index_cast %scan3A_197 : i32 to index
      %get3A_381 = arith.constant 256 : index
      %get3A_382 = tpu.vector_load %arg9[%get3A_380, %get3A_381] {strides = array<i32>} : memref<48x512xf32, #tpu.memory_space<vmem>>, vector<1x16xf32>,
      %get3A_383 = vector.shape_cast %get3A_382 : vector<1x16xf32> to vector<16xf32>
      %sub3A_384 = arith.subf %get3A_379, %get3A_383 : vector<16xf32>
      %mul3A_385 = arith.mulf %sub3A_384, %sub3A_384 : vector<16xf32>
      %add3A_386 = arith.addf %add3A_342, %mul3A_385 : vector<16xf32>
      %get3A_387 = arith.index_cast %scan3A_197 : i32 to index
      %get3A_388 = arith.constant 272 : index
      %get3A_389 = tpu.vector_load %arg7[%get3A_387, %get3A_388] {strides = array<i32>} : memref<48x512xf32, #tpu.memory_space<vmem>>, vector<1x16xf32>,
      %get3A_390 = vector.shape_cast %get3A_389 : vector<1x16xf32> to vector<16xf32>
      %get3A_391 = arith.index_cast %scan3A_197 : i32 to index
      %get3A_392 = arith.constant 272 : index
      %get3A_393 = tpu.vector_load %arg9[%get3A_391, %get3A_392] {strides = array<i32>} : memref<48x512xf32, #tpu.memory_space<vmem>>, vector<1x16xf32>,
      %get3A_394 = vector.shape_cast %get3A_393 : vector<1x16xf32> to vector<16xf32>
      %sub3A_395 = arith.subf %get3A_390, %get3A_394 : vector<16xf32>
      %mul3A_396 = arith.mulf %sub3A_395, %sub3A_395 : vector<16xf32>
      %add3A_397 = arith.addf %add3A_353, %mul3A_396 : vector<16xf32>
      %get3A_398 = arith.index_cast %scan3A_197 : i32 to index
      %get3A_399 = arith.constant 288 : index
      %get3A_400 = tpu.vector_load %arg7[%get3A_398, %get3A_399] {strides = array<i32>} : memref<48x512xf32, #tpu.memory_space<vmem>>, vector<1x16xf32>,
      %get3A_401 = vector.shape_cast %get3A_400 : vector<1x16xf32> to vector<16xf32>
      %get3A_402 = arith.index_cast %scan3A_197 : i32 to index
      %get3A_403 = arith.constant 288 : index
      %get3A_404 = tpu.vector_load %arg9[%get3A_402, %get3A_403] {strides = array<i32>} : memref<48x512xf32, #tpu.memory_space<vmem>>, vector<1x16xf32>,
      %get3A_405 = vector.shape_cast %get3A_404 : vector<1x16xf32> to vector<16xf32>
      %sub3A_406 = arith.subf %get3A_401, %get3A_405 : vector<16xf32>
      %mul3A_407 = arith.mulf %sub3A_406, %sub3A_406 : vector<16xf32>
      %add3A_408 = arith.addf %add3A_364, %mul3A_407 : vector<16xf32>
      %get3A_409 = arith.index_cast %scan3A_197 : i32 to index
      %get3A_410 = arith.constant 304 : index
      %get3A_411 = tpu.vector_load %arg7[%get3A_409, %get3A_410] {strides = array<i32>} : memref<48x512xf32, #tpu.memory_space<vmem>>, vector<1x16xf32>,
      %get3A_412 = vector.shape_cast %get3A_411 : vector<1x16xf32> to vector<16xf32>
      %get3A_413 = arith.index_cast %scan3A_197 : i32 to index
      %get3A_414 = arith.constant 304 : index
      %get3A_415 = tpu.vector_load %arg9[%get3A_413, %get3A_414] {strides = array<i32>} : memref<48x512xf32, #tpu.memory_space<vmem>>, vector<1x16xf32>,
      %get3A_416 = vector.shape_cast %get3A_415 : vector<1x16xf32> to vector<16xf32>
      %sub3A_417 = arith.subf %get3A_412, %get3A_416 : vector<16xf32>
      %mul3A_418 = arith.mulf %sub3A_417, %sub3A_417 : vector<16xf32>
      %add3A_419 = arith.addf %add3A_375, %mul3A_418 : vector<16xf32>
      %get3A_420 = arith.index_cast %scan3A_197 : i32 to index
      %get3A_421 = arith.constant 320 : index
      %get3A_422 = tpu.vector_load %arg7[%get3A_420, %get3A_421] {strides = array<i32>} : memref<48x512xf32, #tpu.memory_space<vmem>>, vector<1x16xf32>,
      %get3A_423 = vector.shape_cast %get3A_422 : vector<1x16xf32> to vector<16xf32>
      %get3A_424 = arith.index_cast %scan3A_197 : i32 to index
      %get3A_425 = arith.constant 320 : index
      %get3A_426 = tpu.vector_load %arg9[%get3A_424, %get3A_425] {strides = array<i32>} : memref<48x512xf32, #tpu.memory_space<vmem>>, vector<1x16xf32>,
      %get3A_427 = vector.shape_cast %get3A_426 : vector<1x16xf32> to vector<16xf32>
      %sub3A_428 = arith.subf %get3A_423, %get3A_427 : vector<16xf32>
      %mul3A_429 = arith.mulf %sub3A_428, %sub3A_428 : vector<16xf32>
      %add3A_430 = arith.addf %add3A_386, %mul3A_429 : vector<16xf32>
      %get3A_431 = arith.index_cast %scan3A_197 : i32 to index
      %get3A_432 = arith.constant 336 : index
      %get3A_433 = tpu.vector_load %arg7[%get3A_431, %get3A_432] {strides = array<i32>} : memref<48x512xf32, #tpu.memory_space<vmem>>, vector<1x16xf32>,
      %get3A_434 = vector.shape_cast %get3A_433 : vector<1x16xf32> to vector<16xf32>
      %get3A_435 = arith.index_cast %scan3A_197 : i32 to index
      %get3A_436 = arith.constant 336 : index
      %get3A_437 = tpu.vector_load %arg9[%get3A_435, %get3A_436] {strides = array<i32>} : memref<48x512xf32, #tpu.memory_space<vmem>>, vector<1x16xf32>,
      %get3A_438 = vector.shape_cast %get3A_437 : vector<1x16xf32> to vector<16xf32>
      %sub3A_439 = arith.subf %get3A_434, %get3A_438 : vector<16xf32>
      %mul3A_440 = arith.mulf %sub3A_439, %sub3A_439 : vector<16xf32>
      %add3A_441 = arith.addf %add3A_397, %mul3A_440 : vector<16xf32>
      %get3A_442 = arith.index_cast %scan3A_197 : i32 to index
      %get3A_443 = arith.constant 352 : index
      %get3A_444 = tpu.vector_load %arg7[%get3A_442, %get3A_443] {strides = array<i32>} : memref<48x512xf32, #tpu.memory_space<vmem>>, vector<1x16xf32>,
      %get3A_445 = vector.shape_cast %get3A_444 : vector<1x16xf32> to vector<16xf32>
      %get3A_446 = arith.index_cast %scan3A_197 : i32 to index
      %get3A_447 = arith.constant 352 : index
      %get3A_448 = tpu.vector_load %arg9[%get3A_446, %get3A_447] {strides = array<i32>} : memref<48x512xf32, #tpu.memory_space<vmem>>, vector<1x16xf32>,
      %get3A_449 = vector.shape_cast %get3A_448 : vector<1x16xf32> to vector<16xf32>
      %sub3A_450 = arith.subf %get3A_445, %get3A_449 : vector<16xf32>
      %mul3A_451 = arith.mulf %sub3A_450, %sub3A_450 : vector<16xf32>
      %add3A_452 = arith.addf %add3A_408, %mul3A_451 : vector<16xf32>
      %get3A_453 = arith.index_cast %scan3A_197 : i32 to index
      %get3A_454 = arith.constant 368 : index
      %get3A_455 = tpu.vector_load %arg7[%get3A_453, %get3A_454] {strides = array<i32>} : memref<48x512xf32, #tpu.memory_space<vmem>>, vector<1x16xf32>,
      %get3A_456 = vector.shape_cast %get3A_455 : vector<1x16xf32> to vector<16xf32>
      %get3A_457 = arith.index_cast %scan3A_197 : i32 to index
      %get3A_458 = arith.constant 368 : index
      %get3A_459 = tpu.vector_load %arg9[%get3A_457, %get3A_458] {strides = array<i32>} : memref<48x512xf32, #tpu.memory_space<vmem>>, vector<1x16xf32>,
      %get3A_460 = vector.shape_cast %get3A_459 : vector<1x16xf32> to vector<16xf32>
      %sub3A_461 = arith.subf %get3A_456, %get3A_460 : vector<16xf32>
      %mul3A_462 = arith.mulf %sub3A_461, %sub3A_461 : vector<16xf32>
      %add3A_463 = arith.addf %add3A_419, %mul3A_462 : vector<16xf32>
      %get3A_464 = arith.index_cast %scan3A_197 : i32 to index
      %get3A_465 = arith.constant 384 : index
      %get3A_466 = tpu.vector_load %arg7[%get3A_464, %get3A_465] {strides = array<i32>} : memref<48x512xf32, #tpu.memory_space<vmem>>, vector<1x16xf32>,
      %get3A_467 = vector.shape_cast %get3A_466 : vector<1x16xf32> to vector<16xf32>
      %get3A_468 = arith.index_cast %scan3A_197 : i32 to index
      %get3A_469 = arith.constant 384 : index
      %get3A_470 = tpu.vector_load %arg9[%get3A_468, %get3A_469] {strides = array<i32>} : memref<48x512xf32, #tpu.memory_space<vmem>>, vector<1x16xf32>,
      %get3A_471 = vector.shape_cast %get3A_470 : vector<1x16xf32> to vector<16xf32>
      %sub3A_472 = arith.subf %get3A_467, %get3A_471 : vector<16xf32>
      %mul3A_473 = arith.mulf %sub3A_472, %sub3A_472 : vector<16xf32>
      %add3A_474 = arith.addf %add3A_430, %mul3A_473 : vector<16xf32>
      %get3A_475 = arith.index_cast %scan3A_197 : i32 to index
      %get3A_476 = arith.constant 400 : index
      %get3A_477 = tpu.vector_load %arg7[%get3A_475, %get3A_476] {strides = array<i32>} : memref<48x512xf32, #tpu.memory_space<vmem>>, vector<1x16xf32>,
      %get3A_478 = vector.shape_cast %get3A_477 : vector<1x16xf32> to vector<16xf32>
      %get3A_479 = arith.index_cast %scan3A_197 : i32 to index
      %get3A_480 = arith.constant 400 : index
      %get3A_481 = tpu.vector_load %arg9[%get3A_479, %get3A_480] {strides = array<i32>} : memref<48x512xf32, #tpu.memory_space<vmem>>, vector<1x16xf32>,
      %get3A_482 = vector.shape_cast %get3A_481 : vector<1x16xf32> to vector<16xf32>
      %sub3A_483 = arith.subf %get3A_478, %get3A_482 : vector<16xf32>
      %mul3A_484 = arith.mulf %sub3A_483, %sub3A_483 : vector<16xf32>
      %add3A_485 = arith.addf %add3A_441, %mul3A_484 : vector<16xf32>
      %get3A_486 = arith.index_cast %scan3A_197 : i32 to index
      %get3A_487 = arith.constant 416 : index
      %get3A_488 = tpu.vector_load %arg7[%get3A_486, %get3A_487] {strides = array<i32>} : memref<48x512xf32, #tpu.memory_space<vmem>>, vector<1x16xf32>,
      %get3A_489 = vector.shape_cast %get3A_488 : vector<1x16xf32> to vector<16xf32>
      %get3A_490 = arith.index_cast %scan3A_197 : i32 to index
      %get3A_491 = arith.constant 416 : index
      %get3A_492 = tpu.vector_load %arg9[%get3A_490, %get3A_491] {strides = array<i32>} : memref<48x512xf32, #tpu.memory_space<vmem>>, vector<1x16xf32>,
      %get3A_493 = vector.shape_cast %get3A_492 : vector<1x16xf32> to vector<16xf32>
      %sub3A_494 = arith.subf %get3A_489, %get3A_493 : vector<16xf32>
      %mul3A_495 = arith.mulf %sub3A_494, %sub3A_494 : vector<16xf32>
      %add3A_496 = arith.addf %add3A_452, %mul3A_495 : vector<16xf32>
      %get3A_497 = arith.index_cast %scan3A_197 : i32 to index
      %get3A_498 = arith.constant 432 : index
      %get3A_499 = tpu.vector_load %arg7[%get3A_497, %get3A_498] {strides = array<i32>} : memref<48x512xf32, #tpu.memory_space<vmem>>, vector<1x16xf32>,
      %get3A_500 = vector.shape_cast %get3A_499 : vector<1x16xf32> to vector<16xf32>
      %get3A_501 = arith.index_cast %scan3A_197 : i32 to index
      %get3A_502 = arith.constant 432 : index
      %get3A_503 = tpu.vector_load %arg9[%get3A_501, %get3A_502] {strides = array<i32>} : memref<48x512xf32, #tpu.memory_space<vmem>>, vector<1x16xf32>,
      %get3A_504 = vector.shape_cast %get3A_503 : vector<1x16xf32> to vector<16xf32>
      %sub3A_505 = arith.subf %get3A_500, %get3A_504 : vector<16xf32>
      %mul3A_506 = arith.mulf %sub3A_505, %sub3A_505 : vector<16xf32>
      %add3A_507 = arith.addf %add3A_463, %mul3A_506 : vector<16xf32>
      %get3A_508 = arith.index_cast %scan3A_197 : i32 to index
      %get3A_509 = arith.constant 448 : index
      %get3A_510 = tpu.vector_load %arg7[%get3A_508, %get3A_509] {strides = array<i32>} : memref<48x512xf32, #tpu.memory_space<vmem>>, vector<1x16xf32>,
      %get3A_511 = vector.shape_cast %get3A_510 : vector<1x16xf32> to vector<16xf32>
      %get3A_512 = arith.index_cast %scan3A_197 : i32 to index
      %get3A_513 = arith.constant 448 : index
      %get3A_514 = tpu.vector_load %arg9[%get3A_512, %get3A_513] {strides = array<i32>} : memref<48x512xf32, #tpu.memory_space<vmem>>, vector<1x16xf32>,
      %get3A_515 = vector.shape_cast %get3A_514 : vector<1x16xf32> to vector<16xf32>
      %sub3A_516 = arith.subf %get3A_511, %get3A_515 : vector<16xf32>
      %mul3A_517 = arith.mulf %sub3A_516, %sub3A_516 : vector<16xf32>
      %add3A_518 = arith.addf %add3A_474, %mul3A_517 : vector<16xf32>
      %get3A_519 = arith.index_cast %scan3A_197 : i32 to index
      %get3A_520 = arith.constant 464 : index
      %get3A_521 = tpu.vector_load %arg7[%get3A_519, %get3A_520] {strides = array<i32>} : memref<48x512xf32, #tpu.memory_space<vmem>>, vector<1x16xf32>,
      %get3A_522 = vector.shape_cast %get3A_521 : vector<1x16xf32> to vector<16xf32>
      %get3A_523 = arith.index_cast %scan3A_197 : i32 to index
      %get3A_524 = arith.constant 464 : index
      %get3A_525 = tpu.vector_load %arg9[%get3A_523, %get3A_524] {strides = array<i32>} : memref<48x512xf32, #tpu.memory_space<vmem>>, vector<1x16xf32>,
      %get3A_526 = vector.shape_cast %get3A_525 : vector<1x16xf32> to vector<16xf32>
      %sub3A_527 = arith.subf %get3A_522, %get3A_526 : vector<16xf32>
      %mul3A_528 = arith.mulf %sub3A_527, %sub3A_527 : vector<16xf32>
      %add3A_529 = arith.addf %add3A_485, %mul3A_528 : vector<16xf32>
      %get3A_530 = arith.index_cast %scan3A_197 : i32 to index
      %get3A_531 = arith.constant 480 : index
      %get3A_532 = tpu.vector_load %arg7[%get3A_530, %get3A_531] {strides = array<i32>} : memref<48x512xf32, #tpu.memory_space<vmem>>, vector<1x16xf32>,
      %get3A_533 = vector.shape_cast %get3A_532 : vector<1x16xf32> to vector<16xf32>
      %get3A_534 = arith.index_cast %scan3A_197 : i32 to index
      %get3A_535 = arith.constant 480 : index
      %get3A_536 = tpu.vector_load %arg9[%get3A_534, %get3A_535] {strides = array<i32>} : memref<48x512xf32, #tpu.memory_space<vmem>>, vector<1x16xf32>,
      %get3A_537 = vector.shape_cast %get3A_536 : vector<1x16xf32> to vector<16xf32>
      %sub3A_538 = arith.subf %get3A_533, %get3A_537 : vector<16xf32>
      %mul3A_539 = arith.mulf %sub3A_538, %sub3A_538 : vector<16xf32>
      %add3A_540 = arith.addf %add3A_496, %mul3A_539 : vector<16xf32>
      %get3A_541 = arith.index_cast %scan3A_197 : i32 to index
      %get3A_542 = arith.constant 496 : index
      %get3A_543 = tpu.vector_load %arg7[%get3A_541, %get3A_542] {strides = array<i32>} : memref<48x512xf32, #tpu.memory_space<vmem>>, vector<1x16xf32>,
      %get3A_544 = vector.shape_cast %get3A_543 : vector<1x16xf32> to vector<16xf32>
      %get3A_545 = arith.index_cast %scan3A_197 : i32 to index
      %get3A_546 = arith.constant 496 : index
      %get3A_547 = tpu.vector_load %arg9[%get3A_545, %get3A_546] {strides = array<i32>} : memref<48x512xf32, #tpu.memory_space<vmem>>, vector<1x16xf32>,
      %get3A_548 = vector.shape_cast %get3A_547 : vector<1x16xf32> to vector<16xf32>
      %sub3A_549 = arith.subf %get3A_544, %get3A_548 : vector<16xf32>
      %mul3A_550 = arith.mulf %sub3A_549, %sub3A_549 : vector<16xf32>
      %add3A_551 = arith.addf %add3A_507, %mul3A_550 : vector<16xf32>
      scf.yield %add3A_518, %add3A_529, %add3A_540, %add3A_551 : vector<16xf32>, vector<16xf32>, vector<16xf32>, vector<16xf32>
    }
    %scan3A_188 = arith.constant 48 : i32
    %add3A_189 = arith.addf %scan3A_187#0, %scan3A_187#1 : vector<16xf32>
    %add3A_190 = arith.addf %add3A_189, %scan3A_187#2 : vector<16xf32>
    %add3A_191 = arith.addf %add3A_190, %scan3A_187#3 : vector<16xf32>
    %swap3A = arith.constant 0 : index
    %swap3A_192 = tpu.vector_load %arg11[%swap3A] {strides = array<i32>} : memref<16xf32, #tpu.memory_space<vmem>>, vector<16xf32>,
    %swap3A_193 = vector.shape_cast %swap3A_192 : vector<16xf32> to vector<16xf32>
    %swap3A_194 = vector.shape_cast %add3A_191 : vector<16xf32> to vector<16xf32>
    tpu.vector_store %arg11[%swap3A], %swap3A_194 {strides = array<i32>} : memref<16xf32, #tpu.memory_space<vmem>>, vector<16xf32>,
    %mul3A_195 = arith.constant 16 : i32
    %mul3A_196 = arith.muli %add3A, %mul3A_195 : i32
    %run_scoped3A = arith.constant 0 : i32
    "tpu.region"() ({
      %run_scoped3A_197 = tpu.sem_alloc : memref<!tpu.dma_semaphore, #tpu.memory_space<semaphore_mem>>
      %dma_start3A_198 = tpu.memref_slice %arg5[%run_scoped3A, %mul3A_196] : memref<1x512xf32, #tpu.memory_space<hbm>> -> memref<1x16xf32, #tpu.memory_space<hbm>>
      %dma_start3A_199 = tpu.memref_squeeze %dma_start3A_198 : memref<1x16xf32, #tpu.memory_space<hbm>> -> memref<16xf32, #tpu.memory_space<hbm>>
      %dma_start3A_200 = tpu.memref_slice %arg5[%run_scoped3A, %mul3A_196] : memref<1x512xf32, #tpu.memory_space<hbm>> -> memref<1x16xf32, #tpu.memory_space<hbm>>
      %dma_start3A_201 = tpu.memref_squeeze %dma_start3A_200 : memref<1x16xf32, #tpu.memory_space<hbm>> -> memref<16xf32, #tpu.memory_space<hbm>>
      tpu.enqueue_dma source(%arg11 : memref<16xf32, #tpu.memory_space<vmem>>) target(%dma_start3A_201 : memref<16xf32, #tpu.memory_space<hbm>>) target_semaphore(%run_scoped3A_197 : memref<!tpu.dma_semaphore, #tpu.memory_space<semaphore_mem>>)
      %dma_wait3A_202 = tpu.memref_slice %arg5[%run_scoped3A, %mul3A_196] : memref<1x512xf32, #tpu.memory_space<hbm>> -> memref<1x16xf32, #tpu.memory_space<hbm>>
      %dma_wait3A_203 = tpu.memref_squeeze %dma_wait3A_202 : memref<1x16xf32, #tpu.memory_space<hbm>> -> memref<16xf32, #tpu.memory_space<hbm>>
      %dma_wait3A_204 = tpu.memref_slice %arg5[%run_scoped3A, %mul3A_196] : memref<1x512xf32, #tpu.memory_space<hbm>> -> memref<1x16xf32, #tpu.memory_space<hbm>>
      %dma_wait3A_205 = tpu.memref_squeeze %dma_wait3A_204 : memref<1x16xf32, #tpu.memory_space<hbm>> -> memref<16xf32, #tpu.memory_space<hbm>>
      tpu.wait_dma2 semaphore(%run_scoped3A_197 : memref<!tpu.dma_semaphore, #tpu.memory_space<semaphore_mem>>) src(%arg11 : memref<16xf32, #tpu.memory_space<vmem>>) dst(%dma_wait3A_205 : memref<16xf32, #tpu.memory_space<hbm>>)
      tpu.yield
    }) : () -> ()
    return
  }
}

module attributes {stable_mosaic.version = 14 : i64} {
  func.func @_tc_body(%arg0: i32, %arg1: memref<16384xi32, #tpu.memory_space<smem>>, %arg2: memref<512x512xf32, #tpu.memory_space<vmem>>, %arg3: memref<10000x512xf32, #tpu.memory_space<vmem>>, %arg4: memref<1x512xf32, #tpu.memory_space<vmem>>, %arg5: memref<512x512xf32, #tpu.memory_space<vmem>>) attributes {dimension_semantics = [#tpu.dimension_semantics<arbitrary>], iteration_bounds = array<i64: 11>, scalar_prefetch = 1 : i64, scratch_operands = 1 : i64, tpu.core_type = #tpu.core_type<tc>, window_params = [{transform_indices = @transform_0, window_bounds = array<i64: 512, 512>}, {pipeline_mode = #tpu.pipeline_mode<synchronous>, transform_indices = @transform_1, window_bounds = array<i64: 10000, 512>}, {pipeline_mode = #tpu.pipeline_mode<synchronous>, transform_indices = @transform_2, window_bounds = array<i64: 1, 512>}]} {
    %eq3A = arith.constant 0 : i32
    %eq3A_0 = arith.cmpi eq, %arg0, %eq3A : i32
    %convert_element_type3A = arith.extui %eq3A_0 : i1 to i32
    %cond3A = arith.constant 0 : i32
    %cond3A_1 = arith.cmpi ne, %convert_element_type3A, %cond3A : i32
    scf.if %cond3A_1 {
      %broadcast_in_dim3A_17 = arith.constant 0.000000e+00 : f32
      %broadcast_in_dim3A_18 = vector.broadcast %broadcast_in_dim3A_17 : f32 to vector<1x512xf32>
      %swap3A_19 = arith.constant 0 : index
      %swap3A_20 = arith.constant 0 : index
      %swap3A_21 = vector.load %arg4[%swap3A_19, %swap3A_20] : memref<1x512xf32, #tpu.memory_space<vmem>>, vector<1x512xf32>
      tpu.vector_store %arg4[%swap3A_19, %swap3A_20], %broadcast_in_dim3A_18 {strides = array<i32>} : memref<1x512xf32, #tpu.memory_space<vmem>>, vector<1x512xf32>,
    } else {
    }
    %scan3A = arith.constant 0 : i32
    %scan3A_2 = arith.constant 16 : i32
    %scan3A_3 = arith.addi %scan3A, %scan3A_2 : i32
    %scan3A_4 = arith.constant 1 : i32
    scf.for %scan3A_17 = %scan3A to %scan3A_3 step %scan3A_4  : i32 {
      %mul3A_18 = arith.constant 32 : i32
      %mul3A_19 = arith.muli %scan3A_17, %mul3A_18 : i32
      %add3A_20 = arith.constant 0 : i32
      %add3A_21 = arith.addi %mul3A_19, %add3A_20 : i32
      %mul3A_22 = arith.constant 512 : i32
      %mul3A_23 = arith.muli %arg0, %mul3A_22 : i32
      %add3A_24 = arith.constant 10752 : i32
      %add3A_25 = arith.addi %add3A_24, %mul3A_23 : i32
      %add3A_26 = arith.addi %add3A_25, %add3A_21 : i32
      %get3A_27 = arith.index_cast %add3A_26 : i32 to index
      %get3A_28 = memref.load %arg1[%get3A_27] : memref<16384xi32, #tpu.memory_space<smem>>
      %get3A_29 = arith.index_cast %get3A_28 : i32 to index
      %get3A_30 = arith.constant 0 : index
      %get3A_31 = vector.load %arg3[%get3A_29, %get3A_30] : memref<10000x512xf32, #tpu.memory_space<vmem>>, vector<1x512xf32>
      %swap3A_32 = arith.index_cast %add3A_21 : i32 to index
      %swap3A_33 = arith.constant 0 : index
      %swap3A_34 = vector.load %arg5[%swap3A_32, %swap3A_33] : memref<512x512xf32, #tpu.memory_space<vmem>>, vector<1x512xf32>
      tpu.vector_store %arg5[%swap3A_32, %swap3A_33], %get3A_31 {strides = array<i32>} : memref<512x512xf32, #tpu.memory_space<vmem>>, vector<1x512xf32>,
      %mul3A_35 = arith.constant 32 : i32
      %mul3A_36 = arith.muli %scan3A_17, %mul3A_35 : i32
      %add3A_37 = arith.constant 1 : i32
      %add3A_38 = arith.addi %mul3A_36, %add3A_37 : i32
      %mul3A_39 = arith.constant 512 : i32
      %mul3A_40 = arith.muli %arg0, %mul3A_39 : i32
      %add3A_41 = arith.constant 10752 : i32
      %add3A_42 = arith.addi %add3A_41, %mul3A_40 : i32
      %add3A_43 = arith.addi %add3A_42, %add3A_38 : i32
      %get3A_44 = arith.index_cast %add3A_43 : i32 to index
      %get3A_45 = memref.load %arg1[%get3A_44] : memref<16384xi32, #tpu.memory_space<smem>>
      %get3A_46 = arith.index_cast %get3A_45 : i32 to index
      %get3A_47 = arith.constant 0 : index
      %get3A_48 = vector.load %arg3[%get3A_46, %get3A_47] : memref<10000x512xf32, #tpu.memory_space<vmem>>, vector<1x512xf32>
      %swap3A_49 = arith.index_cast %add3A_38 : i32 to index
      %swap3A_50 = arith.constant 0 : index
      %swap3A_51 = vector.load %arg5[%swap3A_49, %swap3A_50] : memref<512x512xf32, #tpu.memory_space<vmem>>, vector<1x512xf32>
      tpu.vector_store %arg5[%swap3A_49, %swap3A_50], %get3A_48 {strides = array<i32>} : memref<512x512xf32, #tpu.memory_space<vmem>>, vector<1x512xf32>,
      %mul3A_52 = arith.constant 32 : i32
      %mul3A_53 = arith.muli %scan3A_17, %mul3A_52 : i32
      %add3A_54 = arith.constant 2 : i32
      %add3A_55 = arith.addi %mul3A_53, %add3A_54 : i32
      %mul3A_56 = arith.constant 512 : i32
      %mul3A_57 = arith.muli %arg0, %mul3A_56 : i32
      %add3A_58 = arith.constant 10752 : i32
      %add3A_59 = arith.addi %add3A_58, %mul3A_57 : i32
      %add3A_60 = arith.addi %add3A_59, %add3A_55 : i32
      %get3A_61 = arith.index_cast %add3A_60 : i32 to index
      %get3A_62 = memref.load %arg1[%get3A_61] : memref<16384xi32, #tpu.memory_space<smem>>
      %get3A_63 = arith.index_cast %get3A_62 : i32 to index
      %get3A_64 = arith.constant 0 : index
      %get3A_65 = vector.load %arg3[%get3A_63, %get3A_64] : memref<10000x512xf32, #tpu.memory_space<vmem>>, vector<1x512xf32>
      %swap3A_66 = arith.index_cast %add3A_55 : i32 to index
      %swap3A_67 = arith.constant 0 : index
      %swap3A_68 = vector.load %arg5[%swap3A_66, %swap3A_67] : memref<512x512xf32, #tpu.memory_space<vmem>>, vector<1x512xf32>
      tpu.vector_store %arg5[%swap3A_66, %swap3A_67], %get3A_65 {strides = array<i32>} : memref<512x512xf32, #tpu.memory_space<vmem>>, vector<1x512xf32>,
      %mul3A_69 = arith.constant 32 : i32
      %mul3A_70 = arith.muli %scan3A_17, %mul3A_69 : i32
      %add3A_71 = arith.constant 3 : i32
      %add3A_72 = arith.addi %mul3A_70, %add3A_71 : i32
      %mul3A_73 = arith.constant 512 : i32
      %mul3A_74 = arith.muli %arg0, %mul3A_73 : i32
      %add3A_75 = arith.constant 10752 : i32
      %add3A_76 = arith.addi %add3A_75, %mul3A_74 : i32
      %add3A_77 = arith.addi %add3A_76, %add3A_72 : i32
      %get3A_78 = arith.index_cast %add3A_77 : i32 to index
      %get3A_79 = memref.load %arg1[%get3A_78] : memref<16384xi32, #tpu.memory_space<smem>>
      %get3A_80 = arith.index_cast %get3A_79 : i32 to index
      %get3A_81 = arith.constant 0 : index
      %get3A_82 = vector.load %arg3[%get3A_80, %get3A_81] : memref<10000x512xf32, #tpu.memory_space<vmem>>, vector<1x512xf32>
      %swap3A_83 = arith.index_cast %add3A_72 : i32 to index
      %swap3A_84 = arith.constant 0 : index
      %swap3A_85 = vector.load %arg5[%swap3A_83, %swap3A_84] : memref<512x512xf32, #tpu.memory_space<vmem>>, vector<1x512xf32>
      tpu.vector_store %arg5[%swap3A_83, %swap3A_84], %get3A_82 {strides = array<i32>} : memref<512x512xf32, #tpu.memory_space<vmem>>, vector<1x512xf32>,
      %mul3A_86 = arith.constant 32 : i32
      %mul3A_87 = arith.muli %scan3A_17, %mul3A_86 : i32
      %add3A_88 = arith.constant 4 : i32
      %add3A_89 = arith.addi %mul3A_87, %add3A_88 : i32
      %mul3A_90 = arith.constant 512 : i32
      %mul3A_91 = arith.muli %arg0, %mul3A_90 : i32
      %add3A_92 = arith.constant 10752 : i32
      %add3A_93 = arith.addi %add3A_92, %mul3A_91 : i32
      %add3A_94 = arith.addi %add3A_93, %add3A_89 : i32
      %get3A_95 = arith.index_cast %add3A_94 : i32 to index
      %get3A_96 = memref.load %arg1[%get3A_95] : memref<16384xi32, #tpu.memory_space<smem>>
      %get3A_97 = arith.index_cast %get3A_96 : i32 to index
      %get3A_98 = arith.constant 0 : index
      %get3A_99 = vector.load %arg3[%get3A_97, %get3A_98] : memref<10000x512xf32, #tpu.memory_space<vmem>>, vector<1x512xf32>
      %swap3A_100 = arith.index_cast %add3A_89 : i32 to index
      %swap3A_101 = arith.constant 0 : index
      %swap3A_102 = vector.load %arg5[%swap3A_100, %swap3A_101] : memref<512x512xf32, #tpu.memory_space<vmem>>, vector<1x512xf32>
      tpu.vector_store %arg5[%swap3A_100, %swap3A_101], %get3A_99 {strides = array<i32>} : memref<512x512xf32, #tpu.memory_space<vmem>>, vector<1x512xf32>,
      %mul3A_103 = arith.constant 32 : i32
      %mul3A_104 = arith.muli %scan3A_17, %mul3A_103 : i32
      %add3A_105 = arith.constant 5 : i32
      %add3A_106 = arith.addi %mul3A_104, %add3A_105 : i32
      %mul3A_107 = arith.constant 512 : i32
      %mul3A_108 = arith.muli %arg0, %mul3A_107 : i32
      %add3A_109 = arith.constant 10752 : i32
      %add3A_110 = arith.addi %add3A_109, %mul3A_108 : i32
      %add3A_111 = arith.addi %add3A_110, %add3A_106 : i32
      %get3A_112 = arith.index_cast %add3A_111 : i32 to index
      %get3A_113 = memref.load %arg1[%get3A_112] : memref<16384xi32, #tpu.memory_space<smem>>
      %get3A_114 = arith.index_cast %get3A_113 : i32 to index
      %get3A_115 = arith.constant 0 : index
      %get3A_116 = vector.load %arg3[%get3A_114, %get3A_115] : memref<10000x512xf32, #tpu.memory_space<vmem>>, vector<1x512xf32>
      %swap3A_117 = arith.index_cast %add3A_106 : i32 to index
      %swap3A_118 = arith.constant 0 : index
      %swap3A_119 = vector.load %arg5[%swap3A_117, %swap3A_118] : memref<512x512xf32, #tpu.memory_space<vmem>>, vector<1x512xf32>
      tpu.vector_store %arg5[%swap3A_117, %swap3A_118], %get3A_116 {strides = array<i32>} : memref<512x512xf32, #tpu.memory_space<vmem>>, vector<1x512xf32>,
      %mul3A_120 = arith.constant 32 : i32
      %mul3A_121 = arith.muli %scan3A_17, %mul3A_120 : i32
      %add3A_122 = arith.constant 6 : i32
      %add3A_123 = arith.addi %mul3A_121, %add3A_122 : i32
      %mul3A_124 = arith.constant 512 : i32
      %mul3A_125 = arith.muli %arg0, %mul3A_124 : i32
      %add3A_126 = arith.constant 10752 : i32
      %add3A_127 = arith.addi %add3A_126, %mul3A_125 : i32
      %add3A_128 = arith.addi %add3A_127, %add3A_123 : i32
      %get3A_129 = arith.index_cast %add3A_128 : i32 to index
      %get3A_130 = memref.load %arg1[%get3A_129] : memref<16384xi32, #tpu.memory_space<smem>>
      %get3A_131 = arith.index_cast %get3A_130 : i32 to index
      %get3A_132 = arith.constant 0 : index
      %get3A_133 = vector.load %arg3[%get3A_131, %get3A_132] : memref<10000x512xf32, #tpu.memory_space<vmem>>, vector<1x512xf32>
      %swap3A_134 = arith.index_cast %add3A_123 : i32 to index
      %swap3A_135 = arith.constant 0 : index
      %swap3A_136 = vector.load %arg5[%swap3A_134, %swap3A_135] : memref<512x512xf32, #tpu.memory_space<vmem>>, vector<1x512xf32>
      tpu.vector_store %arg5[%swap3A_134, %swap3A_135], %get3A_133 {strides = array<i32>} : memref<512x512xf32, #tpu.memory_space<vmem>>, vector<1x512xf32>,
      %mul3A_137 = arith.constant 32 : i32
      %mul3A_138 = arith.muli %scan3A_17, %mul3A_137 : i32
      %add3A_139 = arith.constant 7 : i32
      %add3A_140 = arith.addi %mul3A_138, %add3A_139 : i32
      %mul3A_141 = arith.constant 512 : i32
      %mul3A_142 = arith.muli %arg0, %mul3A_141 : i32
      %add3A_143 = arith.constant 10752 : i32
      %add3A_144 = arith.addi %add3A_143, %mul3A_142 : i32
      %add3A_145 = arith.addi %add3A_144, %add3A_140 : i32
      %get3A_146 = arith.index_cast %add3A_145 : i32 to index
      %get3A_147 = memref.load %arg1[%get3A_146] : memref<16384xi32, #tpu.memory_space<smem>>
      %get3A_148 = arith.index_cast %get3A_147 : i32 to index
      %get3A_149 = arith.constant 0 : index
      %get3A_150 = vector.load %arg3[%get3A_148, %get3A_149] : memref<10000x512xf32, #tpu.memory_space<vmem>>, vector<1x512xf32>
      %swap3A_151 = arith.index_cast %add3A_140 : i32 to index
      %swap3A_152 = arith.constant 0 : index
      %swap3A_153 = vector.load %arg5[%swap3A_151, %swap3A_152] : memref<512x512xf32, #tpu.memory_space<vmem>>, vector<1x512xf32>
      tpu.vector_store %arg5[%swap3A_151, %swap3A_152], %get3A_150 {strides = array<i32>} : memref<512x512xf32, #tpu.memory_space<vmem>>, vector<1x512xf32>,
      %mul3A_154 = arith.constant 32 : i32
      %mul3A_155 = arith.muli %scan3A_17, %mul3A_154 : i32
      %add3A_156 = arith.constant 8 : i32
      %add3A_157 = arith.addi %mul3A_155, %add3A_156 : i32
      %mul3A_158 = arith.constant 512 : i32
      %mul3A_159 = arith.muli %arg0, %mul3A_158 : i32
      %add3A_160 = arith.constant 10752 : i32
      %add3A_161 = arith.addi %add3A_160, %mul3A_159 : i32
      %add3A_162 = arith.addi %add3A_161, %add3A_157 : i32
      %get3A_163 = arith.index_cast %add3A_162 : i32 to index
      %get3A_164 = memref.load %arg1[%get3A_163] : memref<16384xi32, #tpu.memory_space<smem>>
      %get3A_165 = arith.index_cast %get3A_164 : i32 to index
      %get3A_166 = arith.constant 0 : index
      %get3A_167 = vector.load %arg3[%get3A_165, %get3A_166] : memref<10000x512xf32, #tpu.memory_space<vmem>>, vector<1x512xf32>
      %swap3A_168 = arith.index_cast %add3A_157 : i32 to index
      %swap3A_169 = arith.constant 0 : index
      %swap3A_170 = vector.load %arg5[%swap3A_168, %swap3A_169] : memref<512x512xf32, #tpu.memory_space<vmem>>, vector<1x512xf32>
      tpu.vector_store %arg5[%swap3A_168, %swap3A_169], %get3A_167 {strides = array<i32>} : memref<512x512xf32, #tpu.memory_space<vmem>>, vector<1x512xf32>,
      %mul3A_171 = arith.constant 32 : i32
      %mul3A_172 = arith.muli %scan3A_17, %mul3A_171 : i32
      %add3A_173 = arith.constant 9 : i32
      %add3A_174 = arith.addi %mul3A_172, %add3A_173 : i32
      %mul3A_175 = arith.constant 512 : i32
      %mul3A_176 = arith.muli %arg0, %mul3A_175 : i32
      %add3A_177 = arith.constant 10752 : i32
      %add3A_178 = arith.addi %add3A_177, %mul3A_176 : i32
      %add3A_179 = arith.addi %add3A_178, %add3A_174 : i32
      %get3A_180 = arith.index_cast %add3A_179 : i32 to index
      %get3A_181 = memref.load %arg1[%get3A_180] : memref<16384xi32, #tpu.memory_space<smem>>
      %get3A_182 = arith.index_cast %get3A_181 : i32 to index
      %get3A_183 = arith.constant 0 : index
      %get3A_184 = vector.load %arg3[%get3A_182, %get3A_183] : memref<10000x512xf32, #tpu.memory_space<vmem>>, vector<1x512xf32>
      %swap3A_185 = arith.index_cast %add3A_174 : i32 to index
      %swap3A_186 = arith.constant 0 : index
      %swap3A_187 = vector.load %arg5[%swap3A_185, %swap3A_186] : memref<512x512xf32, #tpu.memory_space<vmem>>, vector<1x512xf32>
      tpu.vector_store %arg5[%swap3A_185, %swap3A_186], %get3A_184 {strides = array<i32>} : memref<512x512xf32, #tpu.memory_space<vmem>>, vector<1x512xf32>,
      %mul3A_188 = arith.constant 32 : i32
      %mul3A_189 = arith.muli %scan3A_17, %mul3A_188 : i32
      %add3A_190 = arith.constant 10 : i32
      %add3A_191 = arith.addi %mul3A_189, %add3A_190 : i32
      %mul3A_192 = arith.constant 512 : i32
      %mul3A_193 = arith.muli %arg0, %mul3A_192 : i32
      %add3A_194 = arith.constant 10752 : i32
      %add3A_195 = arith.addi %add3A_194, %mul3A_193 : i32
      %add3A_196 = arith.addi %add3A_195, %add3A_191 : i32
      %get3A_197 = arith.index_cast %add3A_196 : i32 to index
      %get3A_198 = memref.load %arg1[%get3A_197] : memref<16384xi32, #tpu.memory_space<smem>>
      %get3A_199 = arith.index_cast %get3A_198 : i32 to index
      %get3A_200 = arith.constant 0 : index
      %get3A_201 = vector.load %arg3[%get3A_199, %get3A_200] : memref<10000x512xf32, #tpu.memory_space<vmem>>, vector<1x512xf32>
      %swap3A_202 = arith.index_cast %add3A_191 : i32 to index
      %swap3A_203 = arith.constant 0 : index
      %swap3A_204 = vector.load %arg5[%swap3A_202, %swap3A_203] : memref<512x512xf32, #tpu.memory_space<vmem>>, vector<1x512xf32>
      tpu.vector_store %arg5[%swap3A_202, %swap3A_203], %get3A_201 {strides = array<i32>} : memref<512x512xf32, #tpu.memory_space<vmem>>, vector<1x512xf32>,
      %mul3A_205 = arith.constant 32 : i32
      %mul3A_206 = arith.muli %scan3A_17, %mul3A_205 : i32
      %add3A_207 = arith.constant 11 : i32
      %add3A_208 = arith.addi %mul3A_206, %add3A_207 : i32
      %mul3A_209 = arith.constant 512 : i32
      %mul3A_210 = arith.muli %arg0, %mul3A_209 : i32
      %add3A_211 = arith.constant 10752 : i32
      %add3A_212 = arith.addi %add3A_211, %mul3A_210 : i32
      %add3A_213 = arith.addi %add3A_212, %add3A_208 : i32
      %get3A_214 = arith.index_cast %add3A_213 : i32 to index
      %get3A_215 = memref.load %arg1[%get3A_214] : memref<16384xi32, #tpu.memory_space<smem>>
      %get3A_216 = arith.index_cast %get3A_215 : i32 to index
      %get3A_217 = arith.constant 0 : index
      %get3A_218 = vector.load %arg3[%get3A_216, %get3A_217] : memref<10000x512xf32, #tpu.memory_space<vmem>>, vector<1x512xf32>
      %swap3A_219 = arith.index_cast %add3A_208 : i32 to index
      %swap3A_220 = arith.constant 0 : index
      %swap3A_221 = vector.load %arg5[%swap3A_219, %swap3A_220] : memref<512x512xf32, #tpu.memory_space<vmem>>, vector<1x512xf32>
      tpu.vector_store %arg5[%swap3A_219, %swap3A_220], %get3A_218 {strides = array<i32>} : memref<512x512xf32, #tpu.memory_space<vmem>>, vector<1x512xf32>,
      %mul3A_222 = arith.constant 32 : i32
      %mul3A_223 = arith.muli %scan3A_17, %mul3A_222 : i32
      %add3A_224 = arith.constant 12 : i32
      %add3A_225 = arith.addi %mul3A_223, %add3A_224 : i32
      %mul3A_226 = arith.constant 512 : i32
      %mul3A_227 = arith.muli %arg0, %mul3A_226 : i32
      %add3A_228 = arith.constant 10752 : i32
      %add3A_229 = arith.addi %add3A_228, %mul3A_227 : i32
      %add3A_230 = arith.addi %add3A_229, %add3A_225 : i32
      %get3A_231 = arith.index_cast %add3A_230 : i32 to index
      %get3A_232 = memref.load %arg1[%get3A_231] : memref<16384xi32, #tpu.memory_space<smem>>
      %get3A_233 = arith.index_cast %get3A_232 : i32 to index
      %get3A_234 = arith.constant 0 : index
      %get3A_235 = vector.load %arg3[%get3A_233, %get3A_234] : memref<10000x512xf32, #tpu.memory_space<vmem>>, vector<1x512xf32>
      %swap3A_236 = arith.index_cast %add3A_225 : i32 to index
      %swap3A_237 = arith.constant 0 : index
      %swap3A_238 = vector.load %arg5[%swap3A_236, %swap3A_237] : memref<512x512xf32, #tpu.memory_space<vmem>>, vector<1x512xf32>
      tpu.vector_store %arg5[%swap3A_236, %swap3A_237], %get3A_235 {strides = array<i32>} : memref<512x512xf32, #tpu.memory_space<vmem>>, vector<1x512xf32>,
      %mul3A_239 = arith.constant 32 : i32
      %mul3A_240 = arith.muli %scan3A_17, %mul3A_239 : i32
      %add3A_241 = arith.constant 13 : i32
      %add3A_242 = arith.addi %mul3A_240, %add3A_241 : i32
      %mul3A_243 = arith.constant 512 : i32
      %mul3A_244 = arith.muli %arg0, %mul3A_243 : i32
      %add3A_245 = arith.constant 10752 : i32
      %add3A_246 = arith.addi %add3A_245, %mul3A_244 : i32
      %add3A_247 = arith.addi %add3A_246, %add3A_242 : i32
      %get3A_248 = arith.index_cast %add3A_247 : i32 to index
      %get3A_249 = memref.load %arg1[%get3A_248] : memref<16384xi32, #tpu.memory_space<smem>>
      %get3A_250 = arith.index_cast %get3A_249 : i32 to index
      %get3A_251 = arith.constant 0 : index
      %get3A_252 = vector.load %arg3[%get3A_250, %get3A_251] : memref<10000x512xf32, #tpu.memory_space<vmem>>, vector<1x512xf32>
      %swap3A_253 = arith.index_cast %add3A_242 : i32 to index
      %swap3A_254 = arith.constant 0 : index
      %swap3A_255 = vector.load %arg5[%swap3A_253, %swap3A_254] : memref<512x512xf32, #tpu.memory_space<vmem>>, vector<1x512xf32>
      tpu.vector_store %arg5[%swap3A_253, %swap3A_254], %get3A_252 {strides = array<i32>} : memref<512x512xf32, #tpu.memory_space<vmem>>, vector<1x512xf32>,
      %mul3A_256 = arith.constant 32 : i32
      %mul3A_257 = arith.muli %scan3A_17, %mul3A_256 : i32
      %add3A_258 = arith.constant 14 : i32
      %add3A_259 = arith.addi %mul3A_257, %add3A_258 : i32
      %mul3A_260 = arith.constant 512 : i32
      %mul3A_261 = arith.muli %arg0, %mul3A_260 : i32
      %add3A_262 = arith.constant 10752 : i32
      %add3A_263 = arith.addi %add3A_262, %mul3A_261 : i32
      %add3A_264 = arith.addi %add3A_263, %add3A_259 : i32
      %get3A_265 = arith.index_cast %add3A_264 : i32 to index
      %get3A_266 = memref.load %arg1[%get3A_265] : memref<16384xi32, #tpu.memory_space<smem>>
      %get3A_267 = arith.index_cast %get3A_266 : i32 to index
      %get3A_268 = arith.constant 0 : index
      %get3A_269 = vector.load %arg3[%get3A_267, %get3A_268] : memref<10000x512xf32, #tpu.memory_space<vmem>>, vector<1x512xf32>
      %swap3A_270 = arith.index_cast %add3A_259 : i32 to index
      %swap3A_271 = arith.constant 0 : index
      %swap3A_272 = vector.load %arg5[%swap3A_270, %swap3A_271] : memref<512x512xf32, #tpu.memory_space<vmem>>, vector<1x512xf32>
      tpu.vector_store %arg5[%swap3A_270, %swap3A_271], %get3A_269 {strides = array<i32>} : memref<512x512xf32, #tpu.memory_space<vmem>>, vector<1x512xf32>,
      %mul3A_273 = arith.constant 32 : i32
      %mul3A_274 = arith.muli %scan3A_17, %mul3A_273 : i32
      %add3A_275 = arith.constant 15 : i32
      %add3A_276 = arith.addi %mul3A_274, %add3A_275 : i32
      %mul3A_277 = arith.constant 512 : i32
      %mul3A_278 = arith.muli %arg0, %mul3A_277 : i32
      %add3A_279 = arith.constant 10752 : i32
      %add3A_280 = arith.addi %add3A_279, %mul3A_278 : i32
      %add3A_281 = arith.addi %add3A_280, %add3A_276 : i32
      %get3A_282 = arith.index_cast %add3A_281 : i32 to index
      %get3A_283 = memref.load %arg1[%get3A_282] : memref<16384xi32, #tpu.memory_space<smem>>
      %get3A_284 = arith.index_cast %get3A_283 : i32 to index
      %get3A_285 = arith.constant 0 : index
      %get3A_286 = vector.load %arg3[%get3A_284, %get3A_285] : memref<10000x512xf32, #tpu.memory_space<vmem>>, vector<1x512xf32>
      %swap3A_287 = arith.index_cast %add3A_276 : i32 to index
      %swap3A_288 = arith.constant 0 : index
      %swap3A_289 = vector.load %arg5[%swap3A_287, %swap3A_288] : memref<512x512xf32, #tpu.memory_space<vmem>>, vector<1x512xf32>
      tpu.vector_store %arg5[%swap3A_287, %swap3A_288], %get3A_286 {strides = array<i32>} : memref<512x512xf32, #tpu.memory_space<vmem>>, vector<1x512xf32>,
      %mul3A_290 = arith.constant 32 : i32
      %mul3A_291 = arith.muli %scan3A_17, %mul3A_290 : i32
      %add3A_292 = arith.constant 16 : i32
      %add3A_293 = arith.addi %mul3A_291, %add3A_292 : i32
      %mul3A_294 = arith.constant 512 : i32
      %mul3A_295 = arith.muli %arg0, %mul3A_294 : i32
      %add3A_296 = arith.constant 10752 : i32
      %add3A_297 = arith.addi %add3A_296, %mul3A_295 : i32
      %add3A_298 = arith.addi %add3A_297, %add3A_293 : i32
      %get3A_299 = arith.index_cast %add3A_298 : i32 to index
      %get3A_300 = memref.load %arg1[%get3A_299] : memref<16384xi32, #tpu.memory_space<smem>>
      %get3A_301 = arith.index_cast %get3A_300 : i32 to index
      %get3A_302 = arith.constant 0 : index
      %get3A_303 = vector.load %arg3[%get3A_301, %get3A_302] : memref<10000x512xf32, #tpu.memory_space<vmem>>, vector<1x512xf32>
      %swap3A_304 = arith.index_cast %add3A_293 : i32 to index
      %swap3A_305 = arith.constant 0 : index
      %swap3A_306 = vector.load %arg5[%swap3A_304, %swap3A_305] : memref<512x512xf32, #tpu.memory_space<vmem>>, vector<1x512xf32>
      tpu.vector_store %arg5[%swap3A_304, %swap3A_305], %get3A_303 {strides = array<i32>} : memref<512x512xf32, #tpu.memory_space<vmem>>, vector<1x512xf32>,
      %mul3A_307 = arith.constant 32 : i32
      %mul3A_308 = arith.muli %scan3A_17, %mul3A_307 : i32
      %add3A_309 = arith.constant 17 : i32
      %add3A_310 = arith.addi %mul3A_308, %add3A_309 : i32
      %mul3A_311 = arith.constant 512 : i32
      %mul3A_312 = arith.muli %arg0, %mul3A_311 : i32
      %add3A_313 = arith.constant 10752 : i32
      %add3A_314 = arith.addi %add3A_313, %mul3A_312 : i32
      %add3A_315 = arith.addi %add3A_314, %add3A_310 : i32
      %get3A_316 = arith.index_cast %add3A_315 : i32 to index
      %get3A_317 = memref.load %arg1[%get3A_316] : memref<16384xi32, #tpu.memory_space<smem>>
      %get3A_318 = arith.index_cast %get3A_317 : i32 to index
      %get3A_319 = arith.constant 0 : index
      %get3A_320 = vector.load %arg3[%get3A_318, %get3A_319] : memref<10000x512xf32, #tpu.memory_space<vmem>>, vector<1x512xf32>
      %swap3A_321 = arith.index_cast %add3A_310 : i32 to index
      %swap3A_322 = arith.constant 0 : index
      %swap3A_323 = vector.load %arg5[%swap3A_321, %swap3A_322] : memref<512x512xf32, #tpu.memory_space<vmem>>, vector<1x512xf32>
      tpu.vector_store %arg5[%swap3A_321, %swap3A_322], %get3A_320 {strides = array<i32>} : memref<512x512xf32, #tpu.memory_space<vmem>>, vector<1x512xf32>,
      %mul3A_324 = arith.constant 32 : i32
      %mul3A_325 = arith.muli %scan3A_17, %mul3A_324 : i32
      %add3A_326 = arith.constant 18 : i32
      %add3A_327 = arith.addi %mul3A_325, %add3A_326 : i32
      %mul3A_328 = arith.constant 512 : i32
      %mul3A_329 = arith.muli %arg0, %mul3A_328 : i32
      %add3A_330 = arith.constant 10752 : i32
      %add3A_331 = arith.addi %add3A_330, %mul3A_329 : i32
      %add3A_332 = arith.addi %add3A_331, %add3A_327 : i32
      %get3A_333 = arith.index_cast %add3A_332 : i32 to index
      %get3A_334 = memref.load %arg1[%get3A_333] : memref<16384xi32, #tpu.memory_space<smem>>
      %get3A_335 = arith.index_cast %get3A_334 : i32 to index
      %get3A_336 = arith.constant 0 : index
      %get3A_337 = vector.load %arg3[%get3A_335, %get3A_336] : memref<10000x512xf32, #tpu.memory_space<vmem>>, vector<1x512xf32>
      %swap3A_338 = arith.index_cast %add3A_327 : i32 to index
      %swap3A_339 = arith.constant 0 : index
      %swap3A_340 = vector.load %arg5[%swap3A_338, %swap3A_339] : memref<512x512xf32, #tpu.memory_space<vmem>>, vector<1x512xf32>
      tpu.vector_store %arg5[%swap3A_338, %swap3A_339], %get3A_337 {strides = array<i32>} : memref<512x512xf32, #tpu.memory_space<vmem>>, vector<1x512xf32>,
      %mul3A_341 = arith.constant 32 : i32
      %mul3A_342 = arith.muli %scan3A_17, %mul3A_341 : i32
      %add3A_343 = arith.constant 19 : i32
      %add3A_344 = arith.addi %mul3A_342, %add3A_343 : i32
      %mul3A_345 = arith.constant 512 : i32
      %mul3A_346 = arith.muli %arg0, %mul3A_345 : i32
      %add3A_347 = arith.constant 10752 : i32
      %add3A_348 = arith.addi %add3A_347, %mul3A_346 : i32
      %add3A_349 = arith.addi %add3A_348, %add3A_344 : i32
      %get3A_350 = arith.index_cast %add3A_349 : i32 to index
      %get3A_351 = memref.load %arg1[%get3A_350] : memref<16384xi32, #tpu.memory_space<smem>>
      %get3A_352 = arith.index_cast %get3A_351 : i32 to index
      %get3A_353 = arith.constant 0 : index
      %get3A_354 = vector.load %arg3[%get3A_352, %get3A_353] : memref<10000x512xf32, #tpu.memory_space<vmem>>, vector<1x512xf32>
      %swap3A_355 = arith.index_cast %add3A_344 : i32 to index
      %swap3A_356 = arith.constant 0 : index
      %swap3A_357 = vector.load %arg5[%swap3A_355, %swap3A_356] : memref<512x512xf32, #tpu.memory_space<vmem>>, vector<1x512xf32>
      tpu.vector_store %arg5[%swap3A_355, %swap3A_356], %get3A_354 {strides = array<i32>} : memref<512x512xf32, #tpu.memory_space<vmem>>, vector<1x512xf32>,
      %mul3A_358 = arith.constant 32 : i32
      %mul3A_359 = arith.muli %scan3A_17, %mul3A_358 : i32
      %add3A_360 = arith.constant 20 : i32
      %add3A_361 = arith.addi %mul3A_359, %add3A_360 : i32
      %mul3A_362 = arith.constant 512 : i32
      %mul3A_363 = arith.muli %arg0, %mul3A_362 : i32
      %add3A_364 = arith.constant 10752 : i32
      %add3A_365 = arith.addi %add3A_364, %mul3A_363 : i32
      %add3A_366 = arith.addi %add3A_365, %add3A_361 : i32
      %get3A_367 = arith.index_cast %add3A_366 : i32 to index
      %get3A_368 = memref.load %arg1[%get3A_367] : memref<16384xi32, #tpu.memory_space<smem>>
      %get3A_369 = arith.index_cast %get3A_368 : i32 to index
      %get3A_370 = arith.constant 0 : index
      %get3A_371 = vector.load %arg3[%get3A_369, %get3A_370] : memref<10000x512xf32, #tpu.memory_space<vmem>>, vector<1x512xf32>
      %swap3A_372 = arith.index_cast %add3A_361 : i32 to index
      %swap3A_373 = arith.constant 0 : index
      %swap3A_374 = vector.load %arg5[%swap3A_372, %swap3A_373] : memref<512x512xf32, #tpu.memory_space<vmem>>, vector<1x512xf32>
      tpu.vector_store %arg5[%swap3A_372, %swap3A_373], %get3A_371 {strides = array<i32>} : memref<512x512xf32, #tpu.memory_space<vmem>>, vector<1x512xf32>,
      %mul3A_375 = arith.constant 32 : i32
      %mul3A_376 = arith.muli %scan3A_17, %mul3A_375 : i32
      %add3A_377 = arith.constant 21 : i32
      %add3A_378 = arith.addi %mul3A_376, %add3A_377 : i32
      %mul3A_379 = arith.constant 512 : i32
      %mul3A_380 = arith.muli %arg0, %mul3A_379 : i32
      %add3A_381 = arith.constant 10752 : i32
      %add3A_382 = arith.addi %add3A_381, %mul3A_380 : i32
      %add3A_383 = arith.addi %add3A_382, %add3A_378 : i32
      %get3A_384 = arith.index_cast %add3A_383 : i32 to index
      %get3A_385 = memref.load %arg1[%get3A_384] : memref<16384xi32, #tpu.memory_space<smem>>
      %get3A_386 = arith.index_cast %get3A_385 : i32 to index
      %get3A_387 = arith.constant 0 : index
      %get3A_388 = vector.load %arg3[%get3A_386, %get3A_387] : memref<10000x512xf32, #tpu.memory_space<vmem>>, vector<1x512xf32>
      %swap3A_389 = arith.index_cast %add3A_378 : i32 to index
      %swap3A_390 = arith.constant 0 : index
      %swap3A_391 = vector.load %arg5[%swap3A_389, %swap3A_390] : memref<512x512xf32, #tpu.memory_space<vmem>>, vector<1x512xf32>
      tpu.vector_store %arg5[%swap3A_389, %swap3A_390], %get3A_388 {strides = array<i32>} : memref<512x512xf32, #tpu.memory_space<vmem>>, vector<1x512xf32>,
      %mul3A_392 = arith.constant 32 : i32
      %mul3A_393 = arith.muli %scan3A_17, %mul3A_392 : i32
      %add3A_394 = arith.constant 22 : i32
      %add3A_395 = arith.addi %mul3A_393, %add3A_394 : i32
      %mul3A_396 = arith.constant 512 : i32
      %mul3A_397 = arith.muli %arg0, %mul3A_396 : i32
      %add3A_398 = arith.constant 10752 : i32
      %add3A_399 = arith.addi %add3A_398, %mul3A_397 : i32
      %add3A_400 = arith.addi %add3A_399, %add3A_395 : i32
      %get3A_401 = arith.index_cast %add3A_400 : i32 to index
      %get3A_402 = memref.load %arg1[%get3A_401] : memref<16384xi32, #tpu.memory_space<smem>>
      %get3A_403 = arith.index_cast %get3A_402 : i32 to index
      %get3A_404 = arith.constant 0 : index
      %get3A_405 = vector.load %arg3[%get3A_403, %get3A_404] : memref<10000x512xf32, #tpu.memory_space<vmem>>, vector<1x512xf32>
      %swap3A_406 = arith.index_cast %add3A_395 : i32 to index
      %swap3A_407 = arith.constant 0 : index
      %swap3A_408 = vector.load %arg5[%swap3A_406, %swap3A_407] : memref<512x512xf32, #tpu.memory_space<vmem>>, vector<1x512xf32>
      tpu.vector_store %arg5[%swap3A_406, %swap3A_407], %get3A_405 {strides = array<i32>} : memref<512x512xf32, #tpu.memory_space<vmem>>, vector<1x512xf32>,
      %mul3A_409 = arith.constant 32 : i32
      %mul3A_410 = arith.muli %scan3A_17, %mul3A_409 : i32
      %add3A_411 = arith.constant 23 : i32
      %add3A_412 = arith.addi %mul3A_410, %add3A_411 : i32
      %mul3A_413 = arith.constant 512 : i32
      %mul3A_414 = arith.muli %arg0, %mul3A_413 : i32
      %add3A_415 = arith.constant 10752 : i32
      %add3A_416 = arith.addi %add3A_415, %mul3A_414 : i32
      %add3A_417 = arith.addi %add3A_416, %add3A_412 : i32
      %get3A_418 = arith.index_cast %add3A_417 : i32 to index
      %get3A_419 = memref.load %arg1[%get3A_418] : memref<16384xi32, #tpu.memory_space<smem>>
      %get3A_420 = arith.index_cast %get3A_419 : i32 to index
      %get3A_421 = arith.constant 0 : index
      %get3A_422 = vector.load %arg3[%get3A_420, %get3A_421] : memref<10000x512xf32, #tpu.memory_space<vmem>>, vector<1x512xf32>
      %swap3A_423 = arith.index_cast %add3A_412 : i32 to index
      %swap3A_424 = arith.constant 0 : index
      %swap3A_425 = vector.load %arg5[%swap3A_423, %swap3A_424] : memref<512x512xf32, #tpu.memory_space<vmem>>, vector<1x512xf32>
      tpu.vector_store %arg5[%swap3A_423, %swap3A_424], %get3A_422 {strides = array<i32>} : memref<512x512xf32, #tpu.memory_space<vmem>>, vector<1x512xf32>,
      %mul3A_426 = arith.constant 32 : i32
      %mul3A_427 = arith.muli %scan3A_17, %mul3A_426 : i32
      %add3A_428 = arith.constant 24 : i32
      %add3A_429 = arith.addi %mul3A_427, %add3A_428 : i32
      %mul3A_430 = arith.constant 512 : i32
      %mul3A_431 = arith.muli %arg0, %mul3A_430 : i32
      %add3A_432 = arith.constant 10752 : i32
      %add3A_433 = arith.addi %add3A_432, %mul3A_431 : i32
      %add3A_434 = arith.addi %add3A_433, %add3A_429 : i32
      %get3A_435 = arith.index_cast %add3A_434 : i32 to index
      %get3A_436 = memref.load %arg1[%get3A_435] : memref<16384xi32, #tpu.memory_space<smem>>
      %get3A_437 = arith.index_cast %get3A_436 : i32 to index
      %get3A_438 = arith.constant 0 : index
      %get3A_439 = vector.load %arg3[%get3A_437, %get3A_438] : memref<10000x512xf32, #tpu.memory_space<vmem>>, vector<1x512xf32>
      %swap3A_440 = arith.index_cast %add3A_429 : i32 to index
      %swap3A_441 = arith.constant 0 : index
      %swap3A_442 = vector.load %arg5[%swap3A_440, %swap3A_441] : memref<512x512xf32, #tpu.memory_space<vmem>>, vector<1x512xf32>
      tpu.vector_store %arg5[%swap3A_440, %swap3A_441], %get3A_439 {strides = array<i32>} : memref<512x512xf32, #tpu.memory_space<vmem>>, vector<1x512xf32>,
      %mul3A_443 = arith.constant 32 : i32
      %mul3A_444 = arith.muli %scan3A_17, %mul3A_443 : i32
      %add3A_445 = arith.constant 25 : i32
      %add3A_446 = arith.addi %mul3A_444, %add3A_445 : i32
      %mul3A_447 = arith.constant 512 : i32
      %mul3A_448 = arith.muli %arg0, %mul3A_447 : i32
      %add3A_449 = arith.constant 10752 : i32
      %add3A_450 = arith.addi %add3A_449, %mul3A_448 : i32
      %add3A_451 = arith.addi %add3A_450, %add3A_446 : i32
      %get3A_452 = arith.index_cast %add3A_451 : i32 to index
      %get3A_453 = memref.load %arg1[%get3A_452] : memref<16384xi32, #tpu.memory_space<smem>>
      %get3A_454 = arith.index_cast %get3A_453 : i32 to index
      %get3A_455 = arith.constant 0 : index
      %get3A_456 = vector.load %arg3[%get3A_454, %get3A_455] : memref<10000x512xf32, #tpu.memory_space<vmem>>, vector<1x512xf32>
      %swap3A_457 = arith.index_cast %add3A_446 : i32 to index
      %swap3A_458 = arith.constant 0 : index
      %swap3A_459 = vector.load %arg5[%swap3A_457, %swap3A_458] : memref<512x512xf32, #tpu.memory_space<vmem>>, vector<1x512xf32>
      tpu.vector_store %arg5[%swap3A_457, %swap3A_458], %get3A_456 {strides = array<i32>} : memref<512x512xf32, #tpu.memory_space<vmem>>, vector<1x512xf32>,
      %mul3A_460 = arith.constant 32 : i32
      %mul3A_461 = arith.muli %scan3A_17, %mul3A_460 : i32
      %add3A_462 = arith.constant 26 : i32
      %add3A_463 = arith.addi %mul3A_461, %add3A_462 : i32
      %mul3A_464 = arith.constant 512 : i32
      %mul3A_465 = arith.muli %arg0, %mul3A_464 : i32
      %add3A_466 = arith.constant 10752 : i32
      %add3A_467 = arith.addi %add3A_466, %mul3A_465 : i32
      %add3A_468 = arith.addi %add3A_467, %add3A_463 : i32
      %get3A_469 = arith.index_cast %add3A_468 : i32 to index
      %get3A_470 = memref.load %arg1[%get3A_469] : memref<16384xi32, #tpu.memory_space<smem>>
      %get3A_471 = arith.index_cast %get3A_470 : i32 to index
      %get3A_472 = arith.constant 0 : index
      %get3A_473 = vector.load %arg3[%get3A_471, %get3A_472] : memref<10000x512xf32, #tpu.memory_space<vmem>>, vector<1x512xf32>
      %swap3A_474 = arith.index_cast %add3A_463 : i32 to index
      %swap3A_475 = arith.constant 0 : index
      %swap3A_476 = vector.load %arg5[%swap3A_474, %swap3A_475] : memref<512x512xf32, #tpu.memory_space<vmem>>, vector<1x512xf32>
      tpu.vector_store %arg5[%swap3A_474, %swap3A_475], %get3A_473 {strides = array<i32>} : memref<512x512xf32, #tpu.memory_space<vmem>>, vector<1x512xf32>,
      %mul3A_477 = arith.constant 32 : i32
      %mul3A_478 = arith.muli %scan3A_17, %mul3A_477 : i32
      %add3A_479 = arith.constant 27 : i32
      %add3A_480 = arith.addi %mul3A_478, %add3A_479 : i32
      %mul3A_481 = arith.constant 512 : i32
      %mul3A_482 = arith.muli %arg0, %mul3A_481 : i32
      %add3A_483 = arith.constant 10752 : i32
      %add3A_484 = arith.addi %add3A_483, %mul3A_482 : i32
      %add3A_485 = arith.addi %add3A_484, %add3A_480 : i32
      %get3A_486 = arith.index_cast %add3A_485 : i32 to index
      %get3A_487 = memref.load %arg1[%get3A_486] : memref<16384xi32, #tpu.memory_space<smem>>
      %get3A_488 = arith.index_cast %get3A_487 : i32 to index
      %get3A_489 = arith.constant 0 : index
      %get3A_490 = vector.load %arg3[%get3A_488, %get3A_489] : memref<10000x512xf32, #tpu.memory_space<vmem>>, vector<1x512xf32>
      %swap3A_491 = arith.index_cast %add3A_480 : i32 to index
      %swap3A_492 = arith.constant 0 : index
      %swap3A_493 = vector.load %arg5[%swap3A_491, %swap3A_492] : memref<512x512xf32, #tpu.memory_space<vmem>>, vector<1x512xf32>
      tpu.vector_store %arg5[%swap3A_491, %swap3A_492], %get3A_490 {strides = array<i32>} : memref<512x512xf32, #tpu.memory_space<vmem>>, vector<1x512xf32>,
      %mul3A_494 = arith.constant 32 : i32
      %mul3A_495 = arith.muli %scan3A_17, %mul3A_494 : i32
      %add3A_496 = arith.constant 28 : i32
      %add3A_497 = arith.addi %mul3A_495, %add3A_496 : i32
      %mul3A_498 = arith.constant 512 : i32
      %mul3A_499 = arith.muli %arg0, %mul3A_498 : i32
      %add3A_500 = arith.constant 10752 : i32
      %add3A_501 = arith.addi %add3A_500, %mul3A_499 : i32
      %add3A_502 = arith.addi %add3A_501, %add3A_497 : i32
      %get3A_503 = arith.index_cast %add3A_502 : i32 to index
      %get3A_504 = memref.load %arg1[%get3A_503] : memref<16384xi32, #tpu.memory_space<smem>>
      %get3A_505 = arith.index_cast %get3A_504 : i32 to index
      %get3A_506 = arith.constant 0 : index
      %get3A_507 = vector.load %arg3[%get3A_505, %get3A_506] : memref<10000x512xf32, #tpu.memory_space<vmem>>, vector<1x512xf32>
      %swap3A_508 = arith.index_cast %add3A_497 : i32 to index
      %swap3A_509 = arith.constant 0 : index
      %swap3A_510 = vector.load %arg5[%swap3A_508, %swap3A_509] : memref<512x512xf32, #tpu.memory_space<vmem>>, vector<1x512xf32>
      tpu.vector_store %arg5[%swap3A_508, %swap3A_509], %get3A_507 {strides = array<i32>} : memref<512x512xf32, #tpu.memory_space<vmem>>, vector<1x512xf32>,
      %mul3A_511 = arith.constant 32 : i32
      %mul3A_512 = arith.muli %scan3A_17, %mul3A_511 : i32
      %add3A_513 = arith.constant 29 : i32
      %add3A_514 = arith.addi %mul3A_512, %add3A_513 : i32
      %mul3A_515 = arith.constant 512 : i32
      %mul3A_516 = arith.muli %arg0, %mul3A_515 : i32
      %add3A_517 = arith.constant 10752 : i32
      %add3A_518 = arith.addi %add3A_517, %mul3A_516 : i32
      %add3A_519 = arith.addi %add3A_518, %add3A_514 : i32
      %get3A_520 = arith.index_cast %add3A_519 : i32 to index
      %get3A_521 = memref.load %arg1[%get3A_520] : memref<16384xi32, #tpu.memory_space<smem>>
      %get3A_522 = arith.index_cast %get3A_521 : i32 to index
      %get3A_523 = arith.constant 0 : index
      %get3A_524 = vector.load %arg3[%get3A_522, %get3A_523] : memref<10000x512xf32, #tpu.memory_space<vmem>>, vector<1x512xf32>
      %swap3A_525 = arith.index_cast %add3A_514 : i32 to index
      %swap3A_526 = arith.constant 0 : index
      %swap3A_527 = vector.load %arg5[%swap3A_525, %swap3A_526] : memref<512x512xf32, #tpu.memory_space<vmem>>, vector<1x512xf32>
      tpu.vector_store %arg5[%swap3A_525, %swap3A_526], %get3A_524 {strides = array<i32>} : memref<512x512xf32, #tpu.memory_space<vmem>>, vector<1x512xf32>,
      %mul3A_528 = arith.constant 32 : i32
      %mul3A_529 = arith.muli %scan3A_17, %mul3A_528 : i32
      %add3A_530 = arith.constant 30 : i32
      %add3A_531 = arith.addi %mul3A_529, %add3A_530 : i32
      %mul3A_532 = arith.constant 512 : i32
      %mul3A_533 = arith.muli %arg0, %mul3A_532 : i32
      %add3A_534 = arith.constant 10752 : i32
      %add3A_535 = arith.addi %add3A_534, %mul3A_533 : i32
      %add3A_536 = arith.addi %add3A_535, %add3A_531 : i32
      %get3A_537 = arith.index_cast %add3A_536 : i32 to index
      %get3A_538 = memref.load %arg1[%get3A_537] : memref<16384xi32, #tpu.memory_space<smem>>
      %get3A_539 = arith.index_cast %get3A_538 : i32 to index
      %get3A_540 = arith.constant 0 : index
      %get3A_541 = vector.load %arg3[%get3A_539, %get3A_540] : memref<10000x512xf32, #tpu.memory_space<vmem>>, vector<1x512xf32>
      %swap3A_542 = arith.index_cast %add3A_531 : i32 to index
      %swap3A_543 = arith.constant 0 : index
      %swap3A_544 = vector.load %arg5[%swap3A_542, %swap3A_543] : memref<512x512xf32, #tpu.memory_space<vmem>>, vector<1x512xf32>
      tpu.vector_store %arg5[%swap3A_542, %swap3A_543], %get3A_541 {strides = array<i32>} : memref<512x512xf32, #tpu.memory_space<vmem>>, vector<1x512xf32>,
      %mul3A_545 = arith.constant 32 : i32
      %mul3A_546 = arith.muli %scan3A_17, %mul3A_545 : i32
      %add3A_547 = arith.constant 31 : i32
      %add3A_548 = arith.addi %mul3A_546, %add3A_547 : i32
      %mul3A_549 = arith.constant 512 : i32
      %mul3A_550 = arith.muli %arg0, %mul3A_549 : i32
      %add3A_551 = arith.constant 10752 : i32
      %add3A_552 = arith.addi %add3A_551, %mul3A_550 : i32
      %add3A_553 = arith.addi %add3A_552, %add3A_548 : i32
      %get3A_554 = arith.index_cast %add3A_553 : i32 to index
      %get3A_555 = memref.load %arg1[%get3A_554] : memref<16384xi32, #tpu.memory_space<smem>>
      %get3A_556 = arith.index_cast %get3A_555 : i32 to index
      %get3A_557 = arith.constant 0 : index
      %get3A_558 = vector.load %arg3[%get3A_556, %get3A_557] : memref<10000x512xf32, #tpu.memory_space<vmem>>, vector<1x512xf32>
      %swap3A_559 = arith.index_cast %add3A_548 : i32 to index
      %swap3A_560 = arith.constant 0 : index
      %swap3A_561 = vector.load %arg5[%swap3A_559, %swap3A_560] : memref<512x512xf32, #tpu.memory_space<vmem>>, vector<1x512xf32>
      tpu.vector_store %arg5[%swap3A_559, %swap3A_560], %get3A_558 {strides = array<i32>} : memref<512x512xf32, #tpu.memory_space<vmem>>, vector<1x512xf32>,
    }
    %scan3A_5 = arith.constant 16 : i32
    %get3A = arith.constant 0 : index
    %get3A_6 = arith.constant 0 : index
    %get3A_7 = vector.load %arg2[%get3A, %get3A_6] : memref<512x512xf32, #tpu.memory_space<vmem>>, vector<512x512xf32>
    %get3A_8 = arith.constant 0 : index
    %get3A_9 = arith.constant 0 : index
    %get3A_10 = vector.load %arg5[%get3A_8, %get3A_9] : memref<512x512xf32, #tpu.memory_space<vmem>>, vector<512x512xf32>
    %sub3A = arith.subf %get3A_7, %get3A_10 : vector<512x512xf32>
    %get3A_11 = arith.constant 0 : index
    %get3A_12 = arith.constant 0 : index
    %get3A_13 = vector.load %arg4[%get3A_11, %get3A_12] : memref<1x512xf32, #tpu.memory_space<vmem>>, vector<1x512xf32>
    %mul3A = arith.mulf %sub3A, %sub3A : vector<512x512xf32>
    %reduce_sum3A = arith.constant dense<0.000000e+00> : vector<512xf32>
    %reduce_sum3A_14 = vector.multi_reduction <add>, %mul3A, %reduce_sum3A [0] : vector<512x512xf32> to vector<512xf32>
    %broadcast_in_dim3A = vector.shape_cast %reduce_sum3A_14 : vector<512xf32> to vector<1x512xf32>
    %add3A = arith.addf %get3A_13, %broadcast_in_dim3A : vector<1x512xf32>
    %swap3A = arith.constant 0 : index
    %swap3A_15 = arith.constant 0 : index
    %swap3A_16 = vector.load %arg4[%swap3A, %swap3A_15] : memref<1x512xf32, #tpu.memory_space<vmem>>, vector<1x512xf32>
    tpu.vector_store %arg4[%swap3A, %swap3A_15], %add3A {strides = array<i32>} : memref<1x512xf32, #tpu.memory_space<vmem>>, vector<1x512xf32>,
    return
  }
  func.func @transform_0(%arg0: i32, %arg1: memref<16384xi32, #tpu.memory_space<smem>>) -> (i32, i32) {
    %add3A = arith.constant 21 : i32
    %add3A_0 = arith.addi %add3A, %arg0 : i32
    %c0_i32 = arith.constant 0 : i32
    %c0_i32_1 = arith.constant 0 : i32
    return %add3A_0, %c0_i32 : i32, i32
  }
  func.func @transform_1(%arg0: i32, %arg1: memref<16384xi32, #tpu.memory_space<smem>>) -> (i32, i32) {
    %c0_i32 = arith.constant 0 : i32
    %c0_i32_0 = arith.constant 0 : i32
    %c0_i32_1 = arith.constant 0 : i32
    return %c0_i32, %c0_i32_0 : i32, i32
  }
  func.func @transform_2(%arg0: i32, %arg1: memref<16384xi32, #tpu.memory_space<smem>>) -> (i32, i32) {
    %c0_i32 = arith.constant 0 : i32
    %c0_i32_0 = arith.constant 0 : i32
    %c0_i32_1 = arith.constant 0 : i32
    return %c0_i32, %c0_i32_0 : i32, i32
  }
}

</mosaic_0001>

<sc_bundles>
// kernel: kernel.4.cloned.1.call-start
scs
__scs_entry_jumppad:
0x0: {  	(pc) =	sbr.rel $0x88, $3  }
0x1: {  	(tag) =	ssettag $0x0;
	lr =	simm.s32 $0x1  }
0x2: {  	[smem:$0x3F9E] =	sst lr;
	_ =	strace $0xD0000000  }
0x3: {  	_ = 	snop  }
0x4: {  	_ = 	snop  }
0x5: {  	_ = 	snop  }
0x6: {  	_ = 	snop  }
0x7: {  	_ = 	snop  }
__scs_overlays_trampoline_lowered:
0x8: {  	[smem:$0x3FAD] =	sst s0  }
0x9: {  	[smem:$0x3FAE] =	sst s1  }
0xa: {  	[smem:$0x3FAF] =	sst s2  }
0xb: {  	[smem:$0x3FB0] =	sst s3  }
0xc: {  	[smem:$0x3FB1] =	sst s4  }
0xd: {  	[smem:$0x3FB2] =	sst s5  }
0xe: {  	[smem:$0x3FB3] =	sst s6  }
0xf: {  	[smem:$0x3FB4] =	sst s7  }
0x10: {  	[smem:$0x3FB5] =	sst s8  }
0x11: {  	[smem:$0x3FB6] =	sst s9;
	s0 =	simm.s32 @!p0 $0x0  }
0x12: {  	s1 =	sld [smem:$0x3F9C];
	s0 =	simm.s32 @p0 $0x1  }
0x13: {  	[smem:$0x3FB7] =	sst s0;
	s0 =	simm.s32 @!p1 $0x0  }
0x14: {  	s2 =	sld [smem:$0x3F9B];
	s0 =	simm.s32 @p1 $0x1  }
0x15: {  	[smem:$0x3FB8] =	sst s0;
	s0 =	simm.s32 @!p2 $0x0  }
0x16: {  	s3 =	sld [smem:$0x3FDB];
	s0 =	simm.s32 @p2 $0x1  }
0x17: {  	s4 =	simm.s32 $0x1BF5;
	[smem:$0x3FBA] =	sst s0  }
0x18: {  	s0 =	sld [smem:$0x3F9D];
	_ =	swait.ge [sflag:s4], $0x0  }
0x19: {  	s7 =	sld [smem:$0x3F9E]  }
0x1a: {  	s8 =	sadd.s32 $0xFFFFE003, lr  }
0x1b: {  	s9 =	sadd.s32 $0xFFFFFEF7, lr;
	s5 =	simm.s32 $0xFFFFFFFF;
	p2 =	slt.u32 s8, $0xFFFFF086  }
0x1c: {  	p1 =	slt.u32 s9, $0xF7A;
	s5 =	simm.s32 @!p2 $0x0  }
0x1d: {  	s5 =	simm.s32 @p1 $0x1;
	p0 =	seq.s32 s7, s2  }
0x1e: {  	s7 =	smul.u32 @!p0 $0xF7A, s2;
	p2 =	seq.s32 @!p0 s5, $0x0  }
0x1f: {  	s9 =	smul.u32 $0xF7A, s1;
	s8 =	simm.s32 @!p0 $0x1BF5;
	p2 =	por !p2, p0  }
0x20: {  	[sflag:s8] =	ssyncset.s32 @!p0 $0xFFFFF086;
	s6 =	sadd.s32 @!p0 s3, s7;
	s7 =	simm.s32 @!p0 $0x108  }
0x21: {  	s3 =	sadd.s32 s3, s9;
	s6 =	sadd.s32 @!p0 $0x88, s6;
	s7 =	simm.s32 @p2 $0x1082  }
0x22: {  	[simem:s7], [sflag:s8] =	dma.local @!p0 [hbm:s6], $0xF7A  }
0x23: {  	s9 =	sor.u32 $0xD0000000, s2;
	s6 =	simm.s32 $0x108;
	_ =	swait.ge @!p0 [sflag:s8], $0x0  }
0x24: {  	s3 =	sadd.s32 $0x88, s3;
	s6 =	simm.s32 @!p1 $0x1082;
	[sflag:s4] =	ssyncset.s32 $0xFFFFF086  }
0x25: {  	[simem:s6], [sflag:s4] =	dma.local [hbm:s3], $0xF7A  }
0x26: {  	[smem:$0x3F9E] =	sst s1;
	(tag) =	ssettag s2;
	_ =	strace s9  }
0x27: {  	s1 =	sld [smem:$0x3FAE]  }
0x28: {  	s2 =	sld [smem:$0x3FAF]  }
0x29: {  	s4 =	sld [smem:$0x3FB1]  }
0x2a: {  	p0 =	seq.s32 s5, $0x0;
	s5 =	sld [smem:$0x3FB2]  }
0x2b: {  	s6 =	sld [smem:$0x3FB3]  }
0x2c: {  	s7 =	sld [smem:$0x3FB4]  }
0x2d: {  	s3 =	simm.s32 $0x108;
	s8 =	sld [smem:$0x3FB5]  }
0x2e: {  	s3 =	simm.s32 @!p0 $0x1082;
	s9 =	sld [smem:$0x3FB6]  }
0x2f: {  	lr =	sadd.s32 s0, s3;
	s0 =	sld [smem:$0x3FAD]  }
0x30: {  	s3 =	sld [smem:$0x3FB0]  }
0x31: {  	[smem:$0x3FB9] =	sst s10  }
0x32: {  	s10 =	sld [smem:$0x3FB7];
	_ =	sdelay $0x3  }
0x33: {  	p0 =	seq.s32 s10, $0x1;
	s10 =	sld [smem:$0x3FB9];
	_ =	sdelay $0x3  }
0x34: {  	[smem:$0x3FB9] =	sst s10  }
0x35: {  	s10 =	sld [smem:$0x3FB8];
	_ =	sdelay $0x3  }
0x36: {  	p1 =	seq.s32 s10, $0x1;
	s10 =	sld [smem:$0x3FB9];
	_ =	sdelay $0x3  }
0x37: {  	[smem:$0x3FB9] =	sst s10  }
0x38: {  	s10 =	sld [smem:$0x3FBA]  }
0x39: {  	_ = 	snop;
	(pc) =	sbr.ind lr, $3  }
0x3a: {  	_ = 	snop  }
0x3b: {  	_ = 	snop  }
0x3c: {  	p2 =	seq.s32 s10, $0x1;
	s10 =	sld [smem:$0x3FB9]  }
0x3d: {  	_ =	shalt  }
0x3e: {  	_ =	shalt  }
0x3f: {  	_ =	shalt  }
0x40: {  	_ =	shalt  }
0x41: {  	_ =	shalt  }
0x42: {  	_ =	shalt  }
0x43: {  	_ =	shalt  }
0x44: {  	_ =	shalt  }
0x45: {  	_ =	shalt  }
0x46: {  	_ =	shalt  }
0x47: {  	_ =	shalt  }
0x48: {  	_ =	shalt  }
0x49: {  	_ =	shalt  }
0x4a: {  	_ =	shalt  }
0x4b: {  	_ =	shalt  }
0x4c: {  	_ =	shalt  }
0x4d: {  	_ =	shalt  }
0x4e: {  	_ =	shalt  }
0x4f: {  	_ =	shalt  }
0x50: {  	_ =	shalt  }
0x51: {  	_ =	shalt  }
0x52: {  	_ =	shalt  }
0x53: {  	_ =	shalt  }
0x54: {  	_ =	shalt  }
0x55: {  	_ =	shalt  }
0x56: {  	_ =	shalt  }
0x57: {  	_ =	shalt  }
0x58: {  	_ =	shalt  }
0x59: {  	_ =	shalt  }
0x5a: {  	_ =	shalt  }
0x5b: {  	_ =	shalt  }
0x5c: {  	_ =	shalt  }
0x5d: {  	_ =	shalt  }
0x5e: {  	_ =	shalt  }
0x5f: {  	_ =	shalt  }
0x60: {  	_ =	shalt  }
0x61: {  	_ =	shalt  }
0x62: {  	_ =	shalt  }
0x63: {  	_ =	shalt  }
0x64: {  	_ =	shalt  }
0x65: {  	_ =	shalt  }
0x66: {  	_ =	shalt  }
0x67: {  	_ =	shalt  }
0x68: {  	_ =	shalt  }
0x69: {  	_ =	shalt  }
0x6a: {  	_ =	shalt  }
0x6b: {  	_ =	shalt  }
0x6c: {  	_ =	shalt  }
0x6d: {  	_ =	shalt  }
0x6e: {  	_ =	shalt  }
0x6f: {  	_ =	shalt  }
0x70: {  	_ =	shalt  }
0x71: {  	_ =	shalt  }
0x72: {  	_ =	shalt  }
0x73: {  	_ =	shalt  }
0x74: {  	_ =	shalt  }
0x75: {  	_ =	shalt  }
0x76: {  	_ =	shalt  }
0x77: {  	_ =	shalt  }
0x78: {  	_ =	shalt  }
0x79: {  	_ =	shalt  }
0x7a: {  	_ =	shalt  }
0x7b: {  	_ =	shalt  }
0x7c: {  	_ =	shalt  }
0x7d: {  	_ =	shalt  }
0x7e: {  	_ =	shalt  }
0x7f: {  	_ =	shalt  }
0x80: {  	_ =	shalt  }
0x81: {  	_ =	shalt  }
0x82: {  	_ =	shalt  }
0x83: {  	_ =	shalt  }
0x84: {  	_ =	shalt  }
0x85: {  	_ =	shalt  }
0x86: {  	_ =	shalt  }
0x87: {  	_ =	shalt  }
.Lfunc_end0:
.L_simem_size_0:
called_computation_lowered:
.L_overlay_start_0:
0x88: {  	s2 =	sld [smem:$0x3FD9]  }
0x89: {  	s3 =	sld [smem:$0x3FFE];
	_ =	sdelay $0x1  }
0x8a: {  	s1 =	srdreg.scid  }
0x8b: {  	s0 =	sand.u32 $0x1, s1  }
0x8c: {  	s17 =	sshll.u32 s0, $0xA;
	s2 =	sadd.s32 s3, s2  }
0x8d: {  	s2 =	sadd.s32 s2, s17  }
0x8e: {  	[smem:$0x3FC5] =	sst s2  }
0x8f: {  	_ = 	snop  }
0x90: {  	s2 =	sld [smem:$0x3FC9]  }
0x91: {  	s18 =	sld [smem:$0x3FC8]  }
0x92: {  	s4 =	sld [smem:$0x3FC7];
	(tm) =	ssettm $0x1  }
0x93: {  	s5 =	sld [smem:$0x3FFB];
	_ =	sdelay $0x3  }
0x94: {  	_ =	strace s5  }
0x95: {  	s5 =	sld [smem:$0x3FFC];
	_ =	sdelay $0x3  }
0x96: {  	_ =	strace s5  }
0x97: {  	s5 =	sld [smem:$0x3FFD];
	_ =	sdelay $0x3  }
0x98: {  	_ =	strace s5  }
0x99: {  	_ =	strace $0x8FFFFFFF  }
0x9a: {  	s19 =	sld [smem:$0x3FDB];
	_ =	sdelay $0x1  }
0x9b: {  	s6 =	simm.s32 $_scs_section_size  }
0x9c: {  	s7 =	simm.s32 $_size__tile_overlayer_lowered;
	s8 =	simm.s32 $_tile_overlayer_lowered  }
0x9d: {  	s22 =	simm.s32 $0x1BFF;
	s21 =	sshll.u32 s8, $0x1;
	s5 =	sadd.s32 s6, s19  }
0x9e: {  	s9 =	simm.s32 $0x0;
	s20 =	sshll.u32 s7, $0x1;
	s7 =	sadd.s32 s21, s5  }
0x9f: {  	[timem:s9], [sflag:s22] =	dma.local [hbm:s7], s20  }
0xa0: {  	_ =	swait.ge [sflag:s22], s20  }
0xa1: {  	s6 =	ssub.s32 $0x0, s20;
	[sflag:s22] =	ssyncset.done $0x0  }
0xa2: {  	[sflag:s22] =	ssyncadd.s32 s6;
	_ =	sdelay $0x1  }
0xa3: {  	s23 =	simm.s32 $0x1B8B  }
0xa4: {  	_ =	swait.ge [sflag:s23], $0x1  }
0xa5: {  	[sflag:s23] =	ssyncset.done $0x0  }
0xa6: {  	s25 =	simm.s32 $0x1B8E;
	s24 =	sld [smem:$0x3FFE];
	[sflag:s23] =	ssyncadd.s32 $0xFFFFFFFF  }
0xa7: {  	s26 =	simm.s32 $execute0_lowered;
	[smem:$0x3FD2] =	sst s25  }
0xa8: {  	s7 =	sshll.u32 s26, $0x1;
	_ =	strace $0x80000046;
	[dreg:$0x1] =	wrdreg $0xFFFFFFFF  }
0xa9: {  	s28 =	simm.s32 $_size_execute0_lowered;
	s5 =	sadd.s32 s5, s7;
	[dreg:$0x0] =	wrdreg $0x0  }
0xaa: {  	s7 =	sshll.u32 s28, $0x1;
	[dreg:$0x2] =	wrdreg s5  }
0xab: {  	[dreg:$0x3] =	wrdreg s7  }
0xac: {  	[dreg:$0x4] =	wrdreg $0xC0  }
0xad: {  	_ =	task [dreg:s9], $0x5FFFF  }
0xae: {  	[dreg:$0x1] =	wrdreg $0xFFFFFFFF  }
0xaf: {  	[dreg:$0x0] =	wrdreg $0x60  }
0xb0: {  	[dreg:$0x2] =	wrdreg s2  }
0xb1: {  	[dreg:$0x3] =	wrdreg s18  }
0xb2: {  	[dreg:$0x4] =	wrdreg s4  }
0xb3: {  	[dreg:$0x5] =	wrdreg s24  }
0xb4: {  	[dreg:$0x6] =	wrdreg $0x9  }
0xb5: {  	_ =	task.clear_ibuf [dreg:s9], $0x7FFFF;
	_ =	strace $0x90000046  }
0xb6: {  	s29 =	simm.s32 $0x9;
	_ =	strace $0x80000048  }
0xb7: {  	_ =	swait.ge [sflag:s29], $0x1  }
0xb8: {  	[sflag:s29] =	ssyncadd.s32 $0xFFFFFFFF  }
0xb9: {  	_ =	strace $0x90000048  }
0xba: {  	_ =	sfence  }
0xbb: {  	s30 =	sld [smem:$0x0];
	_ =	sdelay $0x2  }
0xbc: {  	s31 =	sshll.u32 s1, $0xD;
	s1 =	sshrl.u32 s1, $0x2  }
0xbd: {  	s3 =	sand.u32 $0x4000, s31;
	s1 =	sadd.s32 s1, s30  }
0xbe: {  	s0 =	sor.u32 s3, s0;
	s1 =	sshll.u32 s1, $0x11  }
0xbf: {  	s0 =	sor.u32 s1, s0  }
0xc0: {  	s0 =	sadd.s32 $0x8F2B, s0  }
0xc1: {  	[sflag:s0] =	ssyncadd.remote.s32 $0x1  }
0xc2: {  	_ =	sfence.sel $0xFFFF  }
0xc3: {  	[dreg:$0x0] =	wrdreg $0xFFFFFFFF;
	(pc) =	sbr.abs _section_cstart, $3  }
0xc4: {  	[dreg:$0x1] =	wrdreg $0xFFFFFFFF  }
0xc5: {  	_ =	task.clear_ibuf [dreg:s9], $0x2FFFF;
	_ =	strace $0x9FFFFFFF  }
0xc6: {  	(tm) =	ssettm $0x7FFFFFFF  }
0xc7: {  	_ =	shalt  }
tec
execute0_lowered:
.L_overlay_start_1:
0x0: {  	(tag) =	ssettag $0x1  }
0x1: {  	s0 =	rddreg [dreg:$0x0]  }
0x2: {  	s1 =	rddreg [dreg:$0x1]  }
0x3: {  	s2 =	rddreg [dreg:$0x2];
	s3 =	srdreg.scid  }
0x4: {  	s6 =	stileid.u32;
	s4 =	rddreg [dreg:$0x3]  }
0x5: {  	s15 =	simm.s32 $0x5;
	s16 =	simm.s32 $0x180;
	s17 =	simm.s32 $0xC180  }
0x6: {  	s18 =	simm.s32 $0xC980;
	s28 =	simm.s32 $0x11180;
	s29 =	simm.s32 $0x11980  }
0x7: {  	s11 =	simm.s32 $0x16980;
	s5 =	sand.u32 $0x1, s3;
	s6 =	sshll.u32 s6, $0x1  }
0x8: {  	s12 =	simm.s32 $0x17180;
	s13 =	simm.s32 $0x17980;
	s6 =	sor.u32 s5, s6  }
0x9: {  	s14 =	simm.s32 $0x1;
	s3 =	simm.s32 $0x0;
	s7 =	smul.u32 $0x2A, s6  }
0xa: {  	[smem:$0x7FF] =	sst s3;
	s5 =	ssub.s32 $0x2, s5;
	s8 =	smul.u32 $0x2A000, s6  }
0xb: {  	_ =	strace $0x80000047;
	s9 =	sshll.u32 s6, $0x1;
	s6 =	smul.u32 $0x5400, s6  }
0xc: {  	s10 =	sshrl.u32 s5, $0x1;
	s4 =	sadd.s32 s9, s4;
	s1 =	sadd.s32 s1, s7  }
0xd: {  	s5 =	ssub.s32 s5, s10;
	s19 =	sadd.s32 s0, s6;
	[dreg:$0x5] =	wrdreg s1  }
0xe: {  	s8 =	sshrl.u32 s8, $0x3;
	s25 =	sadd.s32 $0x400, s4;
	[dreg:$0x6] =	wrdreg s19  }
0xf: {  	s26 =	smax.u32 s5, $0x1;
	s0 =	sadd.s32 s0, s8;
	[dreg:$0xd] =	wrdreg s25  }
0x10: {  	s30 =	simm.s32 $0x3;
	[dreg:$0xe] =	wrdreg s26;
	s20 =	sadd.s32 $0xC00, s0  }
0x11: {  	s31 =	simm.s32 $0x2;
	s21 =	sadd.s32 $0x1800, s0;
	[dreg:$0x7] =	wrdreg s20  }
0x12: {  	s10 =	simm.s32 $0x16180;
	s22 =	sadd.s32 $0x2400, s0;
	[dreg:$0x8] =	wrdreg s21  }
0x13: {  	s6 =	sadd.s32 $0x100, s2;
	s23 =	sadd.s32 $0x3000, s0;
	[dreg:$0x9] =	wrdreg s22  }
0x14: {  	v2 =	vlaneseq.u32;
	s19 =	simm.s32 $0xD180;
	s24 =	sadd.s32 $0x3C00, s0;
	[dreg:$0xa] =	wrdreg s23  }
0x15: {  	v0 =	vand.u32 $0x7, v2;
	v1 =	vshrl.u32 v2, $0x3;
	s25 =	simm.s32 $0x10180;
	s0 =	sadd.s32 $0x4800, s0;
	[dreg:$0xb] =	wrdreg s24  }
0x16: {  	v63 =	vor.u32 $0x8, v2;
	v62 =	vmul.u32 $0x8, v1;
	[tilespmem:$0x1FFD0] =	vst v0;
	s26 =	simm.s32 $0x10980;
	s1 =	simm.s32 $0x4;
	[dreg:$0xc] =	wrdreg s0  }
0x17: {  	[tilespmem:$0x1FFF0] =	vst v63;
	s20 =	simm.s32 $0xD980;
	s21 =	simm.s32 $0xE180;
	s22 =	simm.s32 $0xE980  }
0x18: {  	vm0 =	vmmov $0xffff;
	[tilespmem:$0x1FFE0] =	vst v62;
	s23 =	simm.s32 $0xF180;
	s24 =	simm.s32 $0xF980;
	s0 =	simm.s32 $0x0  }
.LBB2_1:
0x19: {  	s4 =	rddreg [dreg:$0x5]  }
0x1a: {  	[tilespmem:s3], [sflag:$0x5] =	stream.linear.gather [hbm4b:s4+s3], $0x150, $0x38;
	[tilespmem:$0x18200] =	vst v63  }
0x1b: {  	_ =	swait.ge [sflag:s15], $0x150  }
0x1c: {  	[sflag:s15] =	ssyncset.done $0x0  }
0x1d: {  	s5 =	rddreg [dreg:$0x6];
	[sflag:s15] =	ssyncadd.s32 $0xFFFFFEB0  }
0x1e: {  	[tilespmem:s16], [sflag:$0x1] =	stream.linear.gather [hbm4b:s5+s3], $0x6000, $0x38;
	[tilespmem:$0x18200] =	vst v63  }
0x1f: {  	v3 =	vld [tilespmem:$0x0];
	_ =	sdelay $0x2  }
0x20: {  	v0 =	vld [tilespmem:$0x1FFD0];
	_ =	sdelay $0x1  }
0x21: {  	v1 =	vld [tilespmem:$0x1FFE0];
	v4 =	vshll.u32 v3, $0x2  }
0x22: {  	v3 =	vand.u32 $0x7, v3;
	v4 =	vand.u32 $0xFFFFFFE0, v4  }
0x23: {  	v2 =	vld [tilespmem:$0x1FFF0];
	v3 =	vor.u32 v3, v4  }
0x24: {  	v4 =	vperm.xlane v3, v0;
	_ =	sdelay $0x1  }
0x25: {  	v4 =	vadd.s32 v1, v4;
	_ =	sdelay $0x1  }
0x26: {  	v3 =	vperm.xlane v3, v2;
	_ =	sdelay $0x1  }
0x27: {  	v3 =	vadd.s32 v1, v3  }
0x28: {  	[tilespmem:s17], [sflag:$0x3] =	stream.indirect_vreg.gather [hbm4b:s2+s3], $0x80, v4, vm0, $0xb8;
	[tilespmem:$0x18200] =	vst v63  }
0x29: {  	_ = 	snop  }
0x2a: {  	[tilespmem:s18], [sflag:$0x3] =	stream.indirect_vreg.gather [hbm4b:s6+s3], $0x80, v4, vm0, $0xb8;
	[tilespmem:$0x18200] =	vst v63  }
0x2b: {  	_ = 	snop  }
0x2c: {  	[tilespmem:s19], [sflag:$0x3] =	stream.indirect_vreg.gather [hbm4b:s2+s3], $0x80, v3, vm0, $0xb8;
	[tilespmem:$0x18200] =	vst v63  }
0x2d: {  	_ = 	snop  }
0x2e: {  	[tilespmem:s20], [sflag:$0x3] =	stream.indirect_vreg.gather [hbm4b:s6+s3], $0x80, v3, vm0, $0xb8;
	[tilespmem:$0x18200] =	vst v63  }
0x2f: {  	v3 =	vld [tilespmem:$0x10];
	_ =	sdelay $0x4  }
0x30: {  	v4 =	vshll.u32 v3, $0x2  }
0x31: {  	v3 =	vand.u32 $0x7, v3;
	v4 =	vand.u32 $0xFFFFFFE0, v4  }
0x32: {  	v3 =	vor.u32 v3, v4  }
0x33: {  	v4 =	vperm.xlane v3, v0;
	_ =	sdelay $0x1  }
0x34: {  	v4 =	vadd.s32 v1, v4;
	_ =	sdelay $0x1  }
0x35: {  	v3 =	vperm.xlane v3, v2;
	_ =	sdelay $0x1  }
0x36: {  	v3 =	vadd.s32 v1, v3  }
0x37: {  	[tilespmem:s21], [sflag:$0x3] =	stream.indirect_vreg.gather [hbm4b:s2+s3], $0x80, v4, vm0, $0xb8;
	[tilespmem:$0x18200] =	vst v63  }
0x38: {  	_ = 	snop  }
0x39: {  	[tilespmem:s22], [sflag:$0x3] =	stream.indirect_vreg.gather [hbm4b:s6+s3], $0x80, v4, vm0, $0xb8;
	[tilespmem:$0x18200] =	vst v63  }
0x3a: {  	_ = 	snop  }
0x3b: {  	[tilespmem:s23], [sflag:$0x3] =	stream.indirect_vreg.gather [hbm4b:s2+s3], $0x80, v3, vm0, $0xb8;
	[tilespmem:$0x18200] =	vst v63  }
0x3c: {  	_ = 	snop  }
0x3d: {  	[tilespmem:s24], [sflag:$0x3] =	stream.indirect_vreg.gather [hbm4b:s6+s3], $0x80, v3, vm0, $0xb8;
	[tilespmem:$0x18200] =	vst v63  }
0x3e: {  	v3 =	vld [tilespmem:$0x20];
	_ =	sdelay $0x4  }
0x3f: {  	v4 =	vshll.u32 v3, $0x2  }
0x40: {  	v3 =	vand.u32 $0x7, v3;
	v4 =	vand.u32 $0xFFFFFFE0, v4  }
0x41: {  	v3 =	vor.u32 v3, v4  }
0x42: {  	v4 =	vperm.xlane v3, v0;
	_ =	sdelay $0x1  }
0x43: {  	v4 =	vadd.s32 v1, v4;
	_ =	sdelay $0x1  }
0x44: {  	v3 =	vperm.xlane v3, v2;
	_ =	sdelay $0x1  }
0x45: {  	v3 =	vadd.s32 v1, v3  }
0x46: {  	[tilespmem:s25], [sflag:$0x3] =	stream.indirect_vreg.gather [hbm4b:s2+s3], $0x80, v4, vm0, $0xb8;
	[tilespmem:$0x18200] =	vst v63  }
0x47: {  	_ = 	snop  }
0x48: {  	[tilespmem:s26], [sflag:$0x3] =	stream.indirect_vreg.gather [hbm4b:s6+s3], $0x80, v4, vm0, $0xb8;
	[tilespmem:$0x18200] =	vst v63  }
0x49: {  	_ = 	snop  }
0x4a: {  	[tilespmem:s28], [sflag:$0x3] =	stream.indirect_vreg.gather [hbm4b:s2+s3], $0x80, v3, vm0, $0xb8;
	[tilespmem:$0x18200] =	vst v63  }
0x4b: {  	_ = 	snop  }
0x4c: {  	[tilespmem:s29], [sflag:$0x3] =	stream.indirect_vreg.gather [hbm4b:s6+s3], $0x80, v3, vm0, $0xb8;
	[tilespmem:$0x18200] =	vst v63  }
0x4d: {  	s7 =	rddreg [dreg:$0x7];
	s5 =	simm.s32 $0x6180  }
0x4e: {  	[tilespmem:s5], [sflag:$0x2] =	stream.linear.gather [hbm4b:s7+s3], $0x6000, $0x38;
	[tilespmem:$0x18200] =	vst v63  }
0x4f: {  	v3 =	vld [tilespmem:$0x30];
	_ =	sdelay $0x4  }
0x50: {  	v4 =	vshll.u32 v3, $0x2  }
0x51: {  	v3 =	vand.u32 $0x7, v3;
	v4 =	vand.u32 $0xFFFFFFE0, v4  }
0x52: {  	v3 =	vor.u32 v3, v4  }
0x53: {  	v4 =	vperm.xlane v3, v0;
	_ =	sdelay $0x1  }
0x54: {  	v4 =	vadd.s32 v1, v4;
	_ =	sdelay $0x1  }
0x55: {  	v3 =	vperm.xlane v3, v2;
	_ =	sdelay $0x1  }
0x56: {  	s8 =	simm.s32 $0x12180;
	v3 =	vadd.s32 v1, v3  }
0x57: {  	[tilespmem:s8], [sflag:$0x4] =	stream.indirect_vreg.gather [hbm4b:s2+s3], $0x80, v4, vm0, $0xb8;
	[tilespmem:$0x18200] =	vst v63  }
0x58: {  	s9 =	simm.s32 $0x12980  }
0x59: {  	[tilespmem:s9], [sflag:$0x4] =	stream.indirect_vreg.gather [hbm4b:s6+s3], $0x80, v4, vm0, $0xb8;
	[tilespmem:$0x18200] =	vst v63  }
0x5a: {  	s5 =	simm.s32 $0x13180  }
0x5b: {  	[tilespmem:s5], [sflag:$0x4] =	stream.indirect_vreg.gather [hbm4b:s2+s3], $0x80, v3, vm0, $0xb8;
	[tilespmem:$0x18200] =	vst v63  }
0x5c: {  	s7 =	simm.s32 $0x13980  }
0x5d: {  	[tilespmem:s7], [sflag:$0x4] =	stream.indirect_vreg.gather [hbm4b:s6+s3], $0x80, v3, vm0, $0xb8;
	[tilespmem:$0x18200] =	vst v63  }
0x5e: {  	v3 =	vld [tilespmem:$0x40];
	_ =	sdelay $0x4  }
0x5f: {  	v4 =	vshll.u32 v3, $0x2  }
0x60: {  	v3 =	vand.u32 $0x7, v3;
	v4 =	vand.u32 $0xFFFFFFE0, v4  }
0x61: {  	v3 =	vor.u32 v3, v4  }
0x62: {  	v4 =	vperm.xlane v3, v0;
	_ =	sdelay $0x1  }
0x63: {  	v4 =	vadd.s32 v1, v4;
	_ =	sdelay $0x1  }
0x64: {  	v3 =	vperm.xlane v3, v2;
	_ =	sdelay $0x1  }
0x65: {  	s8 =	simm.s32 $0x14180;
	v3 =	vadd.s32 v1, v3  }
0x66: {  	[tilespmem:s8], [sflag:$0x4] =	stream.indirect_vreg.gather [hbm4b:s2+s3], $0x80, v4, vm0, $0xb8;
	[tilespmem:$0x18200] =	vst v63  }
0x67: {  	s9 =	simm.s32 $0x14980  }
0x68: {  	[tilespmem:s9], [sflag:$0x4] =	stream.indirect_vreg.gather [hbm4b:s6+s3], $0x80, v4, vm0, $0xb8;
	[tilespmem:$0x18200] =	vst v63  }
0x69: {  	s5 =	simm.s32 $0x15180  }
0x6a: {  	[tilespmem:s5], [sflag:$0x4] =	stream.indirect_vreg.gather [hbm4b:s2+s3], $0x80, v3, vm0, $0xb8;
	[tilespmem:$0x18200] =	vst v63  }
0x6b: {  	s7 =	simm.s32 $0x15980  }
0x6c: {  	[tilespmem:s7], [sflag:$0x4] =	stream.indirect_vreg.gather [hbm4b:s6+s3], $0x80, v3, vm0, $0xb8;
	[tilespmem:$0x18200] =	vst v63  }
0x6d: {  	v3 =	vld [tilespmem:$0x50];
	_ =	sdelay $0x4  }
0x6e: {  	v4 =	vshll.u32 v3, $0x2  }
0x6f: {  	v3 =	vand.u32 $0x7, v3;
	v4 =	vand.u32 $0xFFFFFFE0, v4  }
0x70: {  	v3 =	vor.u32 v3, v4  }
0x71: {  	v4 =	vperm.xlane v3, v0;
	_ =	sdelay $0x1  }
0x72: {  	v4 =	vadd.s32 v1, v4;
	_ =	sdelay $0x1  }
0x73: {  	v3 =	vperm.xlane v3, v2;
	_ =	sdelay $0x1  }
0x74: {  	v3 =	vadd.s32 v1, v3  }
0x75: {  	[tilespmem:s10], [sflag:$0x4] =	stream.indirect_vreg.gather [hbm4b:s2+s3], $0x80, v4, vm0, $0xb8;
	[tilespmem:$0x18200] =	vst v63  }
0x76: {  	_ = 	snop  }
0x77: {  	[tilespmem:s11], [sflag:$0x4] =	stream.indirect_vreg.gather [hbm4b:s6+s3], $0x80, v4, vm0, $0xb8;
	[tilespmem:$0x18200] =	vst v63  }
0x78: {  	_ = 	snop  }
0x79: {  	[tilespmem:s12], [sflag:$0x4] =	stream.indirect_vreg.gather [hbm4b:s2+s3], $0x80, v3, vm0, $0xb8;
	[tilespmem:$0x18200] =	vst v63  }
0x7a: {  	_ = 	snop  }
0x7b: {  	[tilespmem:s13], [sflag:$0x4] =	stream.indirect_vreg.gather [hbm4b:s6+s3], $0x80, v3, vm0, $0xb8;
	[tilespmem:$0x18200] =	vst v63  }
0x7c: {  	_ =	swait.ge [sflag:s14], $0x6000  }
0x7d: {  	[sflag:s14] =	ssyncset.done $0x0  }
0x7e: {  	[sflag:s14] =	ssyncadd.s32 $0xFFFFA000  }
0x7f: {  	_ =	swait.ge [sflag:s30], $0x6000  }
0x80: {  	s8 =	sand.u32 $0x7000, s3;
	s9 =	sand.u32 $0x380, s3;
	[sflag:s30] =	ssyncset.done $0x0  }
0x81: {  	s4 =	sor.u32 s9, s8;
	[sflag:s30] =	ssyncadd.s32 $0xFFFFA000  }
0x82: {  	v3 =	vld [tilespmem:s4+$0xDC0]  }
0x83: {  	v4 =	vld [tilespmem:s4+$0xCDC0]  }
0x84: {  	v5 =	vld [tilespmem:s4+$0xDD0]  }
0x85: {  	v6 =	vld [tilespmem:s4+$0xCDD0]  }
0x86: {  	v7 =	vld [tilespmem:s4+$0xDE0]  }
0x87: {  	v8 =	vld [tilespmem:s4+$0xCDE0]  }
0x88: {  	v9 =	vld [tilespmem:s4+$0xDF0]  }
0x89: {  	v10 =	vld [tilespmem:s4+$0xCDF0]  }
0x8a: {  	v11 =	vld [tilespmem:s4+$0xD80]  }
0x8b: {  	v12 =	vld [tilespmem:s4+$0xCD80]  }
0x8c: {  	v13 =	vld [tilespmem:s4+$0xD90]  }
0x8d: {  	v14 =	vld [tilespmem:s4+$0xCD90]  }
0x8e: {  	v19 =	vld [tilespmem:s4+$0xDA0]  }
0x8f: {  	v20 =	vld [tilespmem:s4+$0xCDA0]  }
0x90: {  	v22 =	vld [tilespmem:s4+$0xDB0]  }
0x91: {  	v23 =	vld [tilespmem:s4+$0xCDB0]  }
0x92: {  	v21 =	vld [tilespmem:s4+$0x9C0]  }
0x93: {  	v24 =	vld [tilespmem:s4+$0xC9C0]  }
0x94: {  	v26 =	vld [tilespmem:s4+$0x9D0]  }
0x95: {  	v27 =	vld [tilespmem:s4+$0xC9D0]  }
0x96: {  	v28 =	vld [tilespmem:s4+$0x9E0]  }
0x97: {  	v30 =	vld [tilespmem:s4+$0xC9E0]  }
0x98: {  	v36 =	vld [tilespmem:s4+$0x9F0]  }
0x99: {  	v37 =	vld [tilespmem:s4+$0xC9F0]  }
0x9a: {  	v38 =	vld [tilespmem:s4+$0x980]  }
0x9b: {  	v39 =	vld [tilespmem:s4+$0xC980]  }
0x9c: {  	v40 =	vld [tilespmem:s4+$0x990]  }
0x9d: {  	v41 =	vld [tilespmem:s4+$0xC990]  }
0x9e: {  	v42 =	vld [tilespmem:s4+$0x9A0]  }
0x9f: {  	v43 =	vld [tilespmem:s4+$0xC9A0]  }
0xa0: {  	v44 =	vld [tilespmem:s4+$0x9B0]  }
0xa1: {  	v45 =	vld [tilespmem:s4+$0xC9B0]  }
0xa2: {  	v46 =	vld [tilespmem:s4+$0x5C0]  }
0xa3: {  	v47 =	vld [tilespmem:s4+$0xC5C0]  }
0xa4: {  	v48 =	vld [tilespmem:s4+$0x5D0]  }
0xa5: {  	v49 =	vld [tilespmem:s4+$0xC5D0]  }
0xa6: {  	v50 =	vld [tilespmem:s4+$0x5E0]  }
0xa7: {  	v51 =	vld [tilespmem:s4+$0xC5E0]  }
0xa8: {  	v52 =	vld [tilespmem:s4+$0x5F0]  }
0xa9: {  	v53 =	vld [tilespmem:s4+$0xC5F0]  }
0xaa: {  	v54 =	vld [tilespmem:s4+$0x580]  }
0xab: {  	v55 =	vld [tilespmem:s4+$0xC580]  }
0xac: {  	v56 =	vld [tilespmem:s4+$0x590]  }
0xad: {  	v57 =	vld [tilespmem:s4+$0xC590]  }
0xae: {  	v58 =	vld [tilespmem:s4+$0x5A0]  }
0xaf: {  	v59 =	vld [tilespmem:s4+$0xC5A0]  }
0xb0: {  	v31 =	vld [tilespmem:s4+$0x5B0]  }
0xb1: {  	v33 =	vld [tilespmem:s4+$0xC5B0];
	v15 =	vsub.f32 v3, v4  }
0xb2: {  	v29 =	vld [tilespmem:s4+$0x1C0];
	v16 =	vsub.f32 v5, v6;
	v4 =	vsub.f32 v7, v8  }
0xb3: {  	v34 =	vld [tilespmem:s4+$0xC1C0];
	v17 =	vsub.f32 v11, v12;
	v3 =	vsub.f32 v9, v10  }
0xb4: {  	v32 =	vld [tilespmem:s4+$0x1D0];
	v18 =	vsub.f32 v13, v14;
	v6 =	vsub.f32 v19, v20  }
0xb5: {  	v35 =	vld [tilespmem:s4+$0xC1D0];
	v21 =	vsub.f32 v21, v24;
	v5 =	vsub.f32 v22, v23  }
0xb6: {  	v25 =	vld [tilespmem:s4+$0x1E0];
	v22 =	vsub.f32 v26, v27;
	v8 =	vsub.f32 v28, v30  }
0xb7: {  	v26 =	vld [tilespmem:s4+$0xC1E0];
	v23 =	vsub.f32 v38, v39;
	v7 =	vsub.f32 v36, v37  }
0xb8: {  	v38 =	vld [tilespmem:s4+$0x180];
	v24 =	vsub.f32 v40, v41;
	v14 =	vsub.f32 v42, v43  }
0xb9: {  	v40 =	vld [tilespmem:s4+$0xC180];
	v28 =	vsub.f32 v46, v47;
	v13 =	vsub.f32 v44, v45  }
0xba: {  	v39 =	vld [tilespmem:s4+$0x190];
	v30 =	vsub.f32 v48, v49;
	v20 =	vsub.f32 v50, v51  }
0xbb: {  	v41 =	vld [tilespmem:s4+$0xC190];
	v36 =	vsub.f32 v54, v55;
	v19 =	vsub.f32 v52, v53  }
0xbc: {  	v11 =	vimm.f32 $0.0e+00;
	v42 =	vld [tilespmem:s4+$0x1A0];
	v37 =	vsub.f32 v56, v57;
	v27 =	vsub.f32 v58, v59  }
0xbd: {  	s5 =	simm.s32 $0x200;
	s7 =	simm.s32 $0x0;
	v43 =	vld [tilespmem:s4+$0xC1A0];
	v12 =	vimm.f32 $0.0e+00;
	v10 =	vimm.f32 $0.0e+00;
	v9 =	vimm.f32 $0.0e+00  }
.LBB2_2:
0xbe: {  	p0 =	sne.s32 s5, $0x5E00;
	v44 =	vld [tilespmem:s4+$0x1B0];
	v31 =	vsub.f32 v31, v33;
	v33 =	vmul.f32 v15, v15;
	v45 =	vmul.f32 v16, v16  }
0xbf: {  	v29 =	vsub.f32 v29, v34;
	v34 =	vmul.f32 v17, v17;
	v47 =	vmul.f32 v18, v18;
	s7 =	sadd.s32 $0x80, s7;
	v46 =	vld [tilespmem:s4+$0xC1B0]  }
0xc0: {  	s8 =	sand.u32 $0x7000, s5;
	v18 =	vsub.f32 v32, v35;
	v35 =	vmul.f32 v21, v21;
	v48 =	vmul.f32 v22, v22;
	s9 =	sand.u32 $0x380, s7;
	v32 =	vld [tilespmem:s4+$0x1F0]  }
0xc1: {  	v21 =	vsub.f32 v38, v40;
	v38 =	vmul.f32 v23, v23;
	v40 =	vmul.f32 v24, v24;
	v22 =	vld [tilespmem:s4+$0xC1F0];
	s4 =	sor.u32 s9, s8  }
0xc2: {  	v28 =	vmul.f32 v28, v28;
	v30 =	vmul.f32 v30, v30;
	v23 =	vsub.f32 v39, v41;
	v15 =	vld [tilespmem:s4+$0xDC0]  }
0xc3: {  	v36 =	vmul.f32 v36, v36;
	v37 =	vmul.f32 v37, v37;
	v24 =	vsub.f32 v42, v43;
	v16 =	vld [tilespmem:s4+$0xCDC0]  }
0xc4: {  	v29 =	vmul.f32 v29, v29;
	v41 =	vmul.f32 v18, v18;
	v17 =	vld [tilespmem:s4+$0xDD0];
	v39 =	vsub.f32 v44, v46  }
0xc5: {  	v25 =	vsub.f32 v25, v26;
	v42 =	vmul.f32 v21, v21;
	v23 =	vmul.f32 v23, v23;
	v18 =	vld [tilespmem:s4+$0xCDD0]  }
0xc6: {  	v24 =	vmul.f32 v24, v24;
	v21 =	vld [tilespmem:s4+$0xDE0];
	v26 =	vmul.f32 v39, v39;
	v32 =	vsub.f32 v32, v22  }
0xc7: {  	v25 =	vmul.f32 v25, v25;
	v11 =	vadd.f32 v42, v11;
	v12 =	vadd.f32 v23, v12;
	v22 =	vld [tilespmem:s4+$0xCDE0]  }
0xc8: {  	v10 =	vadd.f32 v24, v10;
	v23 =	vld [tilespmem:s4+$0xDF0];
	v9 =	vadd.f32 v26, v9;
	v26 =	vmul.f32 v32, v32  }
0xc9: {  	v27 =	vmul.f32 v27, v27;
	v11 =	vadd.f32 v29, v11;
	v12 =	vadd.f32 v41, v12;
	v24 =	vld [tilespmem:s4+$0xCDF0]  }
0xca: {  	v10 =	vadd.f32 v25, v10;
	v25 =	vmul.f32 v31, v31;
	v39 =	vld [tilespmem:s4+$0xD80];
	v9 =	vadd.f32 v26, v9  }
0xcb: {  	v20 =	vmul.f32 v20, v20;
	v11 =	vadd.f32 v36, v11;
	v12 =	vadd.f32 v37, v12;
	v26 =	vld [tilespmem:s4+$0xCD80]  }
0xcc: {  	v19 =	vmul.f32 v19, v19;
	v10 =	vadd.f32 v27, v10;
	v36 =	vld [tilespmem:s4+$0xD90];
	v9 =	vadd.f32 v25, v9  }
0xcd: {  	v14 =	vmul.f32 v14, v14;
	v11 =	vadd.f32 v28, v11;
	v12 =	vadd.f32 v30, v12;
	v25 =	vld [tilespmem:s4+$0xCD90]  }
0xce: {  	v13 =	vmul.f32 v13, v13;
	v10 =	vadd.f32 v20, v10;
	v27 =	vld [tilespmem:s4+$0xDA0];
	v9 =	vadd.f32 v19, v9  }
0xcf: {  	v8 =	vmul.f32 v8, v8;
	v11 =	vadd.f32 v38, v11;
	v12 =	vadd.f32 v40, v12;
	v19 =	vld [tilespmem:s4+$0xCDA0]  }
0xd0: {  	v7 =	vmul.f32 v7, v7;
	v10 =	vadd.f32 v14, v10;
	v20 =	vld [tilespmem:s4+$0xDB0];
	v9 =	vadd.f32 v13, v9  }
0xd1: {  	v6 =	vmul.f32 v6, v6;
	v11 =	vadd.f32 v35, v11;
	v12 =	vadd.f32 v48, v12;
	v13 =	vld [tilespmem:s4+$0xCDB0]  }
0xd2: {  	v5 =	vmul.f32 v5, v5;
	v8 =	vadd.f32 v8, v10;
	v14 =	vld [tilespmem:s4+$0x9C0];
	v7 =	vadd.f32 v7, v9  }
0xd3: {  	v4 =	vmul.f32 v4, v4;
	v10 =	vadd.f32 v47, v12;
	v9 =	vadd.f32 v34, v11;
	v28 =	vld [tilespmem:s4+$0xC9C0]  }
0xd4: {  	v3 =	vmul.f32 v3, v3;
	v6 =	vadd.f32 v6, v8;
	v30 =	vld [tilespmem:s4+$0x9D0];
	v5 =	vadd.f32 v5, v7  }
0xd5: {  	v12 =	vadd.f32 v45, v10;
	v11 =	vadd.f32 v33, v9;
	v7 =	vld [tilespmem:s4+$0xC9D0]  }
0xd6: {  	v10 =	vadd.f32 v4, v6;
	v8 =	vld [tilespmem:s4+$0x9E0];
	v9 =	vadd.f32 v3, v5  }
0xd7: {  	v37 =	vld [tilespmem:s4+$0xC9E0]  }
0xd8: {  	v40 =	vld [tilespmem:s4+$0x9F0]  }
0xd9: {  	v41 =	vld [tilespmem:s4+$0xC9F0]  }
0xda: {  	v42 =	vld [tilespmem:s4+$0x980]  }
0xdb: {  	v43 =	vld [tilespmem:s4+$0xC980]  }
0xdc: {  	v44 =	vld [tilespmem:s4+$0x990]  }
0xdd: {  	v45 =	vld [tilespmem:s4+$0xC990]  }
0xde: {  	v46 =	vld [tilespmem:s4+$0x9A0]  }
0xdf: {  	v47 =	vld [tilespmem:s4+$0xC9A0]  }
0xe0: {  	v48 =	vld [tilespmem:s4+$0x9B0]  }
0xe1: {  	v49 =	vld [tilespmem:s4+$0xC9B0]  }
0xe2: {  	v50 =	vld [tilespmem:s4+$0x5C0]  }
0xe3: {  	v51 =	vld [tilespmem:s4+$0xC5C0]  }
0xe4: {  	v52 =	vld [tilespmem:s4+$0x5D0]  }
0xe5: {  	v53 =	vld [tilespmem:s4+$0xC5D0]  }
0xe6: {  	v54 =	vld [tilespmem:s4+$0x5E0]  }
0xe7: {  	v55 =	vld [tilespmem:s4+$0xC5E0]  }
0xe8: {  	v56 =	vld [tilespmem:s4+$0x5F0]  }
0xe9: {  	v57 =	vld [tilespmem:s4+$0xC5F0]  }
0xea: {  	v58 =	vld [tilespmem:s4+$0x580]  }
0xeb: {  	v59 =	vld [tilespmem:s4+$0xC580]  }
0xec: {  	v60 =	vld [tilespmem:s4+$0x590]  }
0xed: {  	v61 =	vld [tilespmem:s4+$0xC590]  }
0xee: {  	v62 =	vld [tilespmem:s4+$0x5A0]  }
0xef: {  	v63 =	vld [tilespmem:s4+$0xC5A0]  }
0xf0: {  	v31 =	vld [tilespmem:s4+$0x5B0]  }
0xf1: {  	v33 =	vld [tilespmem:s4+$0xC5B0]  }
0xf2: {  	v15 =	vsub.f32 v15, v16;
	v29 =	vld [tilespmem:s4+$0x1C0]  }
0xf3: {  	v16 =	vsub.f32 v17, v18;
	v4 =	vsub.f32 v21, v22;
	v34 =	vld [tilespmem:s4+$0xC1C0]  }
0xf4: {  	v17 =	vsub.f32 v39, v26;
	v3 =	vsub.f32 v23, v24;
	v32 =	vld [tilespmem:s4+$0x1D0]  }
0xf5: {  	v18 =	vsub.f32 v36, v25;
	v6 =	vsub.f32 v27, v19;
	v35 =	vld [tilespmem:s4+$0xC1D0]  }
0xf6: {  	v5 =	vsub.f32 v20, v13;
	v21 =	vsub.f32 v14, v28;
	v25 =	vld [tilespmem:s4+$0x1E0]  }
0xf7: {  	v22 =	vsub.f32 v30, v7;
	v8 =	vsub.f32 v8, v37;
	v26 =	vld [tilespmem:s4+$0xC1E0]  }
0xf8: {  	v7 =	vsub.f32 v40, v41;
	v23 =	vsub.f32 v42, v43;
	v38 =	vld [tilespmem:s4+$0x180]  }
.Ltmp0:
0xf9: {  	v24 =	vsub.f32 v44, v45;
	v14 =	vsub.f32 v46, v47;
	v40 =	vld [tilespmem:s4+$0xC180];
	(pc) =	sbr.rel @p0 .LBB2_2-.Ltmp0, $4  }
0xfa: {  	v13 =	vsub.f32 v48, v49;
	v28 =	vsub.f32 v50, v51;
	v39 =	vld [tilespmem:s4+$0x190]  }
0xfb: {  	v30 =	vsub.f32 v52, v53;
	v20 =	vsub.f32 v54, v55;
	v41 =	vld [tilespmem:s4+$0xC190]  }
0xfc: {  	v19 =	vsub.f32 v56, v57;
	v36 =	vsub.f32 v58, v59;
	v42 =	vld [tilespmem:s4+$0x1A0]  }
0xfd: {  	s5 =	sadd.s32 $0x200, s5;
	v37 =	vsub.f32 v60, v61;
	v27 =	vsub.f32 v62, v63;
	v43 =	vld [tilespmem:s4+$0xC1A0]  }
0xfe: {  	v44 =	vld [tilespmem:s4+$0x1B0]  }
0xff: {  	v45 =	vld [tilespmem:s4+$0xC1B0]  }
0x100: {  	v46 =	vld [tilespmem:s4+$0x1F0]  }
0x101: {  	v47 =	vld [tilespmem:s4+$0xC1F0];
	s4 =	simm.s32 $0x0;
	s5 =	rddreg [dreg:$0x8]  }
0x102: {  	[tilespmem:s16], [sflag:$0x1] =	stream.linear.gather [hbm4b:s5+s4], $0x6000, $0x38;
	[tilespmem:$0x18200] =	vst v63  }
0x103: {  	v48 =	vld [tilespmem:$0x60];
	_ =	sdelay $0x2  }
0x104: {  	v0 =	vld [tilespmem:$0x1FFD0];
	_ =	sdelay $0x1  }
0x105: {  	v1 =	vld [tilespmem:$0x1FFE0];
	v49 =	vshll.u32 v48, $0x2  }
0x106: {  	v48 =	vand.u32 $0x7, v48;
	v49 =	vand.u32 $0xFFFFFFE0, v49  }
0x107: {  	v2 =	vld [tilespmem:$0x1FFF0];
	v48 =	vor.u32 v48, v49  }
0x108: {  	v49 =	vperm.xlane v48, v0;
	_ =	sdelay $0x1  }
0x109: {  	v49 =	vadd.s32 v1, v49;
	_ =	sdelay $0x1  }
0x10a: {  	v48 =	vperm.xlane v48, v2;
	_ =	sdelay $0x1  }
0x10b: {  	v48 =	vadd.s32 v1, v48  }
0x10c: {  	[tilespmem:s17], [sflag:$0x3] =	stream.indirect_vreg.gather [hbm4b:s2+s4], $0x80, v49, vm0, $0xb8;
	[tilespmem:$0x18200] =	vst v63  }
0x10d: {  	_ = 	snop  }
0x10e: {  	[tilespmem:s18], [sflag:$0x3] =	stream.indirect_vreg.gather [hbm4b:s6+s4], $0x80, v49, vm0, $0xb8;
	[tilespmem:$0x18200] =	vst v63  }
0x10f: {  	_ = 	snop  }
0x110: {  	[tilespmem:s19], [sflag:$0x3] =	stream.indirect_vreg.gather [hbm4b:s2+s4], $0x80, v48, vm0, $0xb8;
	[tilespmem:$0x18200] =	vst v63  }
0x111: {  	_ = 	snop  }
0x112: {  	[tilespmem:s20], [sflag:$0x3] =	stream.indirect_vreg.gather [hbm4b:s6+s4], $0x80, v48, vm0, $0xb8;
	[tilespmem:$0x18200] =	vst v63  }
0x113: {  	v48 =	vld [tilespmem:$0x70];
	_ =	sdelay $0x4  }
0x114: {  	v62 =	vshll.u32 v48, $0x2  }
0x115: {  	v48 =	vand.u32 $0x7, v48;
	v49 =	vand.u32 $0xFFFFFFE0, v62  }
0x116: {  	v48 =	vor.u32 v48, v49  }
0x117: {  	v49 =	vperm.xlane v48, v0;
	_ =	sdelay $0x1  }
0x118: {  	v49 =	vadd.s32 v1, v49;
	_ =	sdelay $0x1  }
0x119: {  	v48 =	vperm.xlane v48, v2;
	_ =	sdelay $0x1  }
0x11a: {  	v48 =	vadd.s32 v1, v48  }
0x11b: {  	[tilespmem:s21], [sflag:$0x3] =	stream.indirect_vreg.gather [hbm4b:s2+s4], $0x80, v49, vm0, $0xb8;
	[tilespmem:$0x18200] =	vst v63  }
0x11c: {  	_ = 	snop  }
0x11d: {  	[tilespmem:s22], [sflag:$0x3] =	stream.indirect_vreg.gather [hbm4b:s6+s4], $0x80, v49, vm0, $0xb8;
	[tilespmem:$0x18200] =	vst v63  }
0x11e: {  	_ = 	snop  }
0x11f: {  	[tilespmem:s23], [sflag:$0x3] =	stream.indirect_vreg.gather [hbm4b:s2+s4], $0x80, v48, vm0, $0xb8;
	[tilespmem:$0x18200] =	vst v63  }
0x120: {  	_ = 	snop  }
0x121: {  	[tilespmem:s24], [sflag:$0x3] =	stream.indirect_vreg.gather [hbm4b:s6+s4], $0x80, v48, vm0, $0xb8;
	[tilespmem:$0x18200] =	vst v63  }
0x122: {  	v48 =	vld [tilespmem:$0x80];
	_ =	sdelay $0x4  }
0x123: {  	v63 =	vshll.u32 v48, $0x2  }
0x124: {  	v48 =	vand.u32 $0x7, v48;
	v49 =	vand.u32 $0xFFFFFFE0, v63  }
0x125: {  	v48 =	vor.u32 v48, v49  }
0x126: {  	v49 =	vperm.xlane v48, v0;
	_ =	sdelay $0x1  }
0x127: {  	v49 =	vadd.s32 v1, v49;
	_ =	sdelay $0x1  }
0x128: {  	v48 =	vperm.xlane v48, v2;
	_ =	sdelay $0x1  }
0x129: {  	v48 =	vadd.s32 v1, v48  }
0x12a: {  	[tilespmem:s25], [sflag:$0x3] =	stream.indirect_vreg.gather [hbm4b:s2+s4], $0x80, v49, vm0, $0xb8;
	[tilespmem:$0x18200] =	vst v63  }
0x12b: {  	_ = 	snop  }
0x12c: {  	[tilespmem:s26], [sflag:$0x3] =	stream.indirect_vreg.gather [hbm4b:s6+s4], $0x80, v49, vm0, $0xb8;
	[tilespmem:$0x18200] =	vst v63  }
0x12d: {  	_ = 	snop  }
0x12e: {  	[tilespmem:s28], [sflag:$0x3] =	stream.indirect_vreg.gather [hbm4b:s2+s4], $0x80, v48, vm0, $0xb8;
	[tilespmem:$0x18200] =	vst v63  }
0x12f: {  	_ = 	snop  }
0x130: {  	[tilespmem:s29], [sflag:$0x3] =	stream.indirect_vreg.gather [hbm4b:s6+s4], $0x80, v48, vm0, $0xb8;
	[tilespmem:$0x18200] =	vst v63  }
0x131: {  	_ =	swait.ge [sflag:s31], $0x6000  }
0x132: {  	[sflag:s31] =	ssyncset.done $0x0  }
0x133: {  	[sflag:s31] =	ssyncadd.s32 $0xFFFFA000  }
0x134: {  	_ =	swait.ge [sflag:s1], $0x6000  }
0x135: {  	s9 =	sand.u32 $0x7000, s4;
	s7 =	sand.u32 $0x380, s4;
	[sflag:s1] =	ssyncset.done $0x0  }
0x136: {  	s5 =	sor.u32 s7, s9;
	[sflag:s1] =	ssyncadd.s32 $0xFFFFA000  }
0x137: {  	v0 =	vld [tilespmem:s5+$0x6DC0]  }
0x138: {  	v62 =	vld [tilespmem:s5+$0x6D80]  }
0x139: {  	v60 =	vld [tilespmem:s5+$0x12D80]  }
0x13a: {  	v61 =	vld [tilespmem:s5+$0x12DA0]  }
0x13b: {  	v63 =	vld [tilespmem:s5+$0x12DB0]  }
0x13c: {  	v55 =	vld [tilespmem:s5+$0x69C0]  }
0x13d: {  	v53 =	vld [tilespmem:s5+$0x129C0]  }
0x13e: {  	v59 =	vld [tilespmem:s5+$0x69D0]  }
0x13f: {  	v56 =	vld [tilespmem:s5+$0x129D0]  }
0x140: {  	v57 =	vld [tilespmem:s5+$0x69E0]  }
0x141: {  	[tilespmem:$0x1FF10] =	vst v0;
	v0 =	vld [tilespmem:s5+$0x12DC0]  }
0x142: {  	v45 =	vsub.f32 v44, v45;
	v54 =	vld [tilespmem:s5+$0x129E0]  }
0x143: {  	v32 =	vsub.f32 v32, v35;
	v35 =	vsub.f32 v42, v43;
	v58 =	vld [tilespmem:s5+$0x69F0]  }
0x144: {  	v25 =	vsub.f32 v25, v26;
	v26 =	vsub.f32 v46, v47;
	v47 =	vmul.f32 v45, v45;
	v52 =	vld [tilespmem:s5+$0x129F0]  }
0x145: {  	v40 =	vsub.f32 v38, v40;
	v35 =	vmul.f32 v35, v35;
	v51 =	vld [tilespmem:s5+$0x6980]  }
0x146: {  	v31 =	vsub.f32 v31, v33;
	v26 =	vmul.f32 v26, v26;
	v9 =	vadd.f32 v47, v9;
	[tilespmem:$0x1FF20] =	vst v0;
	v0 =	vld [tilespmem:s5+$0x6DD0]  }
0x147: {  	v33 =	vmul.f32 v40, v40;
	v25 =	vmul.f32 v25, v25;
	v10 =	vadd.f32 v35, v10;
	v40 =	vld [tilespmem:s5+$0x12980]  }
0x148: {  	v9 =	vadd.f32 v26, v9;
	v26 =	vmul.f32 v28, v28;
	v28 =	vmul.f32 v31, v31;
	v50 =	vld [tilespmem:s5+$0x6990]  }
0x149: {  	v19 =	vmul.f32 v19, v19;
	v49 =	vld [tilespmem:s5+$0x12990]  }
0x14a: {  	v27 =	vmul.f32 v27, v27;
	v10 =	vadd.f32 v25, v10;
	v9 =	vadd.f32 v28, v9;
	v48 =	vld [tilespmem:s5+$0x69A0]  }
0x14b: {  	v29 =	vsub.f32 v29, v34;
	v20 =	vmul.f32 v20, v20;
	v34 =	vsub.f32 v39, v41;
	[tilespmem:$0x1FF30] =	vst v0;
	v0 =	vld [tilespmem:s5+$0x12DD0]  }
0x14c: {  	v13 =	vmul.f32 v13, v13;
	v10 =	vadd.f32 v27, v10;
	v9 =	vadd.f32 v19, v9;
	v39 =	vld [tilespmem:s5+$0x129A0]  }
0x14d: {  	v14 =	vmul.f32 v14, v14;
	v34 =	vmul.f32 v34, v34;
	v46 =	vld [tilespmem:s5+$0x69B0]  }
0x14e: {  	v7 =	vmul.f32 v7, v7;
	v10 =	vadd.f32 v20, v10;
	v9 =	vadd.f32 v13, v9;
	v45 =	vld [tilespmem:s5+$0x129B0]  }
0x14f: {  	v8 =	vmul.f32 v8, v8;
	v32 =	vmul.f32 v32, v32;
	v12 =	vadd.f32 v34, v12;
	v44 =	vld [tilespmem:s5+$0x65C0]  }
0x150: {  	v5 =	vmul.f32 v5, v5;
	v10 =	vadd.f32 v14, v10;
	v7 =	vadd.f32 v7, v9;
	[tilespmem:$0x1FF40] =	vst v0;
	v0 =	vld [tilespmem:s5+$0x6DE0]  }
0x151: {  	v6 =	vmul.f32 v6, v6;
	v12 =	vadd.f32 v32, v12;
	v42 =	vld [tilespmem:s5+$0x125C0]  }
0x152: {  	v3 =	vmul.f32 v3, v3;
	v8 =	vadd.f32 v8, v10;
	v5 =	vadd.f32 v5, v7;
	v32 =	vld [tilespmem:s5+$0x65D0]  }
0x153: {  	v4 =	vmul.f32 v4, v4;
	v11 =	vadd.f32 v33, v11;
	v47 =	vld [tilespmem:s5+$0x125D0]  }
0x154: {  	v29 =	vmul.f32 v29, v29;
	v6 =	vadd.f32 v6, v8;
	v8 =	vadd.f32 v3, v5;
	v3 =	vld [tilespmem:$0x1FF10]  }
0x155: {  	[tilespmem:$0x1FF50] =	vst v0;
	v0 =	vld [tilespmem:s5+$0x12DE0]  }
0x156: {  	v11 =	vadd.f32 v29, v11;
	v29 =	vmul.f32 v36, v36;
	v7 =	vadd.f32 v4, v6;
	v4 =	vld [tilespmem:$0x1FF20]  }
0x157: {  	v25 =	vmul.f32 v37, v37;
	v41 =	vld [tilespmem:s5+$0x65E0]  }
0x158: {  	v11 =	vadd.f32 v29, v11;
	v20 =	vld [tilespmem:s5+$0x125E0]  }
0x159: {  	v12 =	vadd.f32 v25, v12;
	v25 =	vmul.f32 v30, v30;
	v43 =	vld [tilespmem:s5+$0x65F0]  }
0x15a: {  	v23 =	vmul.f32 v23, v23;
	v24 =	vmul.f32 v24, v24;
	v11 =	vadd.f32 v26, v11;
	[tilespmem:$0x1FF60] =	vst v0;
	v0 =	vld [tilespmem:s5+$0x6DF0]  }
0x15b: {  	v12 =	vadd.f32 v25, v12;
	v10 =	vmul.f32 v15, v15;
	v15 =	vsub.f32 v3, v4;
	v3 =	vld [tilespmem:$0x1FF30]  }
0x15c: {  	v21 =	vmul.f32 v21, v21;
	v11 =	vadd.f32 v23, v11;
	v4 =	vld [tilespmem:$0x1FF40]  }
0x15d: {  	v12 =	vadd.f32 v24, v12;
	v14 =	vmul.f32 v22, v22;
	v37 =	vld [tilespmem:s5+$0x125F0]  }
0x15e: {  	v13 =	vmul.f32 v17, v17;
	v11 =	vadd.f32 v21, v11;
	v36 =	vld [tilespmem:s5+$0x6580]  }
0x15f: {  	v12 =	vadd.f32 v14, v12;
	v14 =	vmul.f32 v18, v18;
	[tilespmem:$0x1FF70] =	vst v0;
	v0 =	vld [tilespmem:s5+$0x12DF0]  }
0x160: {  	v9 =	vadd.f32 v13, v11;
	v19 =	vld [tilespmem:s5+$0x12580]  }
0x161: {  	v11 =	vadd.f32 v14, v12;
	v12 =	vmul.f32 v16, v16;
	v16 =	vsub.f32 v3, v4;
	v3 =	vld [tilespmem:$0x1FF50]  }
0x162: {  	v4 =	vld [tilespmem:$0x1FF60]  }
0x163: {  	v27 =	vld [tilespmem:s5+$0x6590]  }
0x164: {  	[tilespmem:$0x1FF80] =	vst v0;
	v0 =	vld [tilespmem:s5+$0x6D90]  }
0x165: {  	v2 =	vld [tilespmem:s5+$0x12590]  }
0x166: {  	v1 =	vld [tilespmem:s5+$0x65A0]  }
0x167: {  	v4 =	vsub.f32 v3, v4;
	v3 =	vld [tilespmem:$0x1FF70]  }
0x168: {  	v5 =	vld [tilespmem:$0x1FF80]  }
0x169: {  	[tilespmem:$0x1FF90] =	vst v0;
	v0 =	vld [tilespmem:s5+$0x12D90]  }
0x16a: {  	v28 =	vld [tilespmem:s5+$0x65B0]  }
0x16b: {  	v33 =	vld [tilespmem:s5+$0x125B0]  }
0x16c: {  	v29 =	vld [tilespmem:s5+$0x61C0]  }
0x16d: {  	v3 =	vsub.f32 v3, v5;
	v5 =	vld [tilespmem:$0x1FF90]  }
0x16e: {  	[tilespmem:$0x1FFA0] =	vst v0;
	v0 =	vld [tilespmem:s5+$0x6DA0]  }
0x16f: {  	v6 =	vld [tilespmem:$0x1FFA0]  }
0x170: {  	v34 =	vld [tilespmem:s5+$0x121C0]  }
0x171: {  	v31 =	vld [tilespmem:s5+$0x61D0]  }
0x172: {  	v35 =	vld [tilespmem:s5+$0x121D0]  }
0x173: {  	[tilespmem:$0x1FFB0] =	vst v0;
	v0 =	vld [tilespmem:s5+$0x6DB0]  }
0x174: {  	v18 =	vsub.f32 v5, v6;
	v5 =	vld [tilespmem:$0x1FFB0]  }
0x175: {  	v10 =	vadd.f32 v10, v9;
	v9 =	vadd.f32 v12, v11;
	v24 =	vld [tilespmem:s5+$0x61E0]  }
0x176: {  	v26 =	vld [tilespmem:s5+$0x121E0];
	v17 =	vsub.f32 v62, v60;
	v21 =	vsub.f32 v55, v53  }
0x177: {  	v38 =	vld [tilespmem:s5+$0x6180];
	v22 =	vsub.f32 v59, v56;
	v12 =	vsub.f32 v57, v54  }
0x178: {  	v23 =	vsub.f32 v51, v40;
	v11 =	vsub.f32 v58, v52;
	[tilespmem:$0x1FFC0] =	vst v0;
	v0 =	vld [tilespmem:s5+$0x125A0]  }
0x179: {  	v25 =	vsub.f32 v50, v49;
	v6 =	vsub.f32 v5, v61;
	v5 =	vld [tilespmem:$0x1FFC0]  }
0x17a: {  	v40 =	vld [tilespmem:s5+$0x12180];
	v14 =	vsub.f32 v48, v39;
	v30 =	vsub.f32 v44, v42  }
0x17b: {  	v39 =	vld [tilespmem:s5+$0x6190];
	v13 =	vsub.f32 v46, v45;
	v32 =	vsub.f32 v32, v47  }
0x17c: {  	v42 =	vld [tilespmem:s5+$0x12190];
	v20 =	vsub.f32 v41, v20;
	v36 =	vsub.f32 v36, v19  }
0x17d: {  	v41 =	vld [tilespmem:s5+$0x61A0];
	v19 =	vsub.f32 v43, v37;
	v37 =	vsub.f32 v27, v2  }
0x17e: {  	s7 =	simm.s32 $0x200;
	v43 =	vld [tilespmem:s5+$0x121A0];
	v27 =	vsub.f32 v1, v0;
	v5 =	vsub.f32 v5, v63  }
.LBB2_4:
0x17f: {  	p0 =	sne.s32 s7, $0x5E00;
	v0 =	vld [tilespmem:s5+$0x61B0];
	v1 =	vsub.f32 v28, v33;
	v2 =	vmul.f32 v15, v15;
	v28 =	vmul.f32 v16, v16  }
0x180: {  	v29 =	vsub.f32 v29, v34;
	v34 =	vmul.f32 v17, v17;
	v44 =	vmul.f32 v18, v18;
	s4 =	sadd.s32 $0x80, s4;
	v33 =	vld [tilespmem:s5+$0x121B0]  }
0x181: {  	s8 =	sand.u32 $0x7000, s7;
	v18 =	vsub.f32 v31, v35;
	v35 =	vmul.f32 v21, v21;
	v45 =	vmul.f32 v22, v22;
	s9 =	sand.u32 $0x380, s4;
	v31 =	vld [tilespmem:s5+$0x61F0]  }
0x182: {  	v21 =	vsub.f32 v38, v40;
	v38 =	vmul.f32 v23, v23;
	v25 =	vmul.f32 v25, v25;
	v22 =	vld [tilespmem:s5+$0x121F0];
	s5 =	sor.u32 s9, s8  }
0x183: {  	v30 =	vmul.f32 v30, v30;
	v32 =	vmul.f32 v32, v32;
	v23 =	vsub.f32 v39, v42;
	v15 =	vld [tilespmem:s5+$0x6DC0]  }
0x184: {  	v36 =	vmul.f32 v36, v36;
	v37 =	vmul.f32 v37, v37;
	v39 =	vsub.f32 v41, v43;
	v16 =	vld [tilespmem:s5+$0x12DC0]  }
0x185: {  	v29 =	vmul.f32 v29, v29;
	v17 =	vld [tilespmem:s5+$0x6DD0];
	v0 =	vsub.f32 v0, v33;
	v33 =	vmul.f32 v18, v18  }
0x186: {  	v24 =	vsub.f32 v24, v26;
	v40 =	vmul.f32 v21, v21;
	v23 =	vmul.f32 v23, v23;
	v18 =	vld [tilespmem:s5+$0x12DD0]  }
0x187: {  	v26 =	vmul.f32 v39, v39;
	v21 =	vld [tilespmem:s5+$0x6DE0];
	v0 =	vmul.f32 v0, v0;
	v31 =	vsub.f32 v31, v22  }
0x188: {  	v10 =	vadd.f32 v40, v10;
	v9 =	vadd.f32 v23, v9;
	v39 =	vmul.f32 v24, v24;
	v22 =	vld [tilespmem:s5+$0x12DE0]  }
0x189: {  	v7 =	vadd.f32 v26, v7;
	v23 =	vld [tilespmem:s5+$0x6DF0];
	v0 =	vadd.f32 v0, v8;
	v8 =	vmul.f32 v31, v31  }
0x18a: {  	v10 =	vadd.f32 v29, v10;
	v9 =	vadd.f32 v33, v9;
	v26 =	vmul.f32 v27, v27;
	v24 =	vld [tilespmem:s5+$0x12DF0]  }
0x18b: {  	v1 =	vmul.f32 v1, v1;
	v7 =	vadd.f32 v39, v7;
	v27 =	vld [tilespmem:s5+$0x6D80];
	v0 =	vadd.f32 v8, v0  }
0x18c: {  	v9 =	vadd.f32 v37, v9;
	v8 =	vadd.f32 v36, v10;
	v10 =	vmul.f32 v20, v20;
	v39 =	vld [tilespmem:s5+$0x12D80]  }
0x18d: {  	v7 =	vadd.f32 v26, v7;
	v20 =	vld [tilespmem:s5+$0x6D90];
	v0 =	vadd.f32 v1, v0;
	v1 =	vmul.f32 v19, v19  }
0x18e: {  	v14 =	vmul.f32 v14, v14;
	v9 =	vadd.f32 v32, v9;
	v8 =	vadd.f32 v30, v8;
	v19 =	vld [tilespmem:s5+$0x12D90]  }
0x18f: {  	v7 =	vadd.f32 v10, v7;
	v26 =	vld [tilespmem:s5+$0x6DA0];
	v0 =	vadd.f32 v1, v0;
	v1 =	vmul.f32 v13, v13  }
0x190: {  	v9 =	vadd.f32 v25, v9;
	v10 =	vmul.f32 v12, v12;
	v8 =	vadd.f32 v38, v8;
	v13 =	vld [tilespmem:s5+$0x12DA0]  }
0x191: {  	v7 =	vadd.f32 v14, v7;
	v12 =	vld [tilespmem:s5+$0x6DB0];
	v0 =	vadd.f32 v1, v0;
	v1 =	vmul.f32 v11, v11  }
0x192: {  	v6 =	vmul.f32 v6, v6;
	v9 =	vadd.f32 v45, v9;
	v8 =	vadd.f32 v35, v8;
	v11 =	vld [tilespmem:s5+$0x12DB0]  }
0x193: {  	v7 =	vadd.f32 v10, v7;
	v14 =	vld [tilespmem:s5+$0x69C0];
	v0 =	vadd.f32 v1, v0;
	v1 =	vmul.f32 v5, v5  }
0x194: {  	v4 =	vmul.f32 v4, v4;
	v9 =	vadd.f32 v44, v9;
	v8 =	vadd.f32 v34, v8;
	v5 =	vld [tilespmem:s5+$0x129C0]  }
0x195: {  	v6 =	vadd.f32 v6, v7;
	v25 =	vld [tilespmem:s5+$0x69D0];
	v0 =	vadd.f32 v1, v0;
	v1 =	vmul.f32 v3, v3  }
0x196: {  	v9 =	vadd.f32 v28, v9;
	v10 =	vadd.f32 v2, v8;
	v30 =	vld [tilespmem:s5+$0x129D0]  }
0x197: {  	v7 =	vadd.f32 v4, v6;
	v2 =	vld [tilespmem:s5+$0x69E0];
	v8 =	vadd.f32 v1, v0  }
0x198: {  	v0 =	vld [tilespmem:s5+$0x129E0]  }
0x199: {  	v1 =	vld [tilespmem:s5+$0x69F0]  }
0x19a: {  	v32 =	vld [tilespmem:s5+$0x129F0]  }
0x19b: {  	v36 =	vld [tilespmem:s5+$0x6980]  }
0x19c: {  	v37 =	vld [tilespmem:s5+$0x12980]  }
0x19d: {  	v41 =	vld [tilespmem:s5+$0x6990]  }
0x19e: {  	v42 =	vld [tilespmem:s5+$0x12990]  }
0x19f: {  	v43 =	vld [tilespmem:s5+$0x69A0]  }
0x1a0: {  	v44 =	vld [tilespmem:s5+$0x129A0]  }
0x1a1: {  	v45 =	vld [tilespmem:s5+$0x69B0]  }
0x1a2: {  	v46 =	vld [tilespmem:s5+$0x129B0]  }
0x1a3: {  	v47 =	vld [tilespmem:s5+$0x65C0]  }
0x1a4: {  	v48 =	vld [tilespmem:s5+$0x125C0]  }
0x1a5: {  	v49 =	vld [tilespmem:s5+$0x65D0]  }
0x1a6: {  	v50 =	vld [tilespmem:s5+$0x125D0]  }
0x1a7: {  	v51 =	vld [tilespmem:s5+$0x65E0]  }
0x1a8: {  	v52 =	vld [tilespmem:s5+$0x125E0]  }
0x1a9: {  	v53 =	vld [tilespmem:s5+$0x65F0]  }
0x1aa: {  	v54 =	vld [tilespmem:s5+$0x125F0]  }
0x1ab: {  	v55 =	vld [tilespmem:s5+$0x6580]  }
0x1ac: {  	v56 =	vld [tilespmem:s5+$0x12580]  }
0x1ad: {  	v57 =	vld [tilespmem:s5+$0x6590]  }
0x1ae: {  	v58 =	vld [tilespmem:s5+$0x12590]  }
0x1af: {  	v59 =	vld [tilespmem:s5+$0x65A0]  }
0x1b0: {  	v60 =	vld [tilespmem:s5+$0x125A0]  }
0x1b1: {  	v28 =	vld [tilespmem:s5+$0x65B0]  }
0x1b2: {  	v33 =	vld [tilespmem:s5+$0x125B0]  }
0x1b3: {  	v15 =	vsub.f32 v15, v16;
	v29 =	vld [tilespmem:s5+$0x61C0]  }
0x1b4: {  	v16 =	vsub.f32 v17, v18;
	v4 =	vsub.f32 v21, v22;
	v34 =	vld [tilespmem:s5+$0x121C0]  }
0x1b5: {  	v17 =	vsub.f32 v27, v39;
	v3 =	vsub.f32 v23, v24;
	v31 =	vld [tilespmem:s5+$0x61D0]  }
0x1b6: {  	v18 =	vsub.f32 v20, v19;
	v6 =	vsub.f32 v26, v13;
	v35 =	vld [tilespmem:s5+$0x121D0]  }
0x1b7: {  	v21 =	vsub.f32 v14, v5;
	v5 =	vsub.f32 v12, v11;
	v24 =	vld [tilespmem:s5+$0x61E0]  }
0x1b8: {  	v22 =	vsub.f32 v25, v30;
	v12 =	vsub.f32 v2, v0;
	v26 =	vld [tilespmem:s5+$0x121E0]  }
0x1b9: {  	v11 =	vsub.f32 v1, v32;
	v23 =	vsub.f32 v36, v37;
	v38 =	vld [tilespmem:s5+$0x6180]  }
.Ltmp1:
0x1ba: {  	v25 =	vsub.f32 v41, v42;
	v14 =	vsub.f32 v43, v44;
	v40 =	vld [tilespmem:s5+$0x12180];
	(pc) =	sbr.rel @p0 .LBB2_4-.Ltmp1, $4  }
0x1bb: {  	v13 =	vsub.f32 v45, v46;
	v30 =	vsub.f32 v47, v48;
	v39 =	vld [tilespmem:s5+$0x6190]  }
0x1bc: {  	v32 =	vsub.f32 v49, v50;
	v20 =	vsub.f32 v51, v52;
	v42 =	vld [tilespmem:s5+$0x12190]  }
0x1bd: {  	v19 =	vsub.f32 v53, v54;
	v36 =	vsub.f32 v55, v56;
	v41 =	vld [tilespmem:s5+$0x61A0]  }
0x1be: {  	s7 =	sadd.s32 $0x200, s7;
	v37 =	vsub.f32 v57, v58;
	v27 =	vsub.f32 v59, v60;
	v43 =	vld [tilespmem:s5+$0x121A0]  }
0x1bf: {  	v0 =	vld [tilespmem:s5+$0x61B0]  }
0x1c0: {  	v1 =	vld [tilespmem:s5+$0x121B0]  }
0x1c1: {  	v2 =	vld [tilespmem:s5+$0x61F0];
	s4 =	simm.s32 $0x0;
	s8 =	rddreg [dreg:$0x9];
	s7 =	simm.s32 $0x6180  }
0x1c2: {  	v44 =	vld [tilespmem:s5+$0x121F0];
	[tilespmem:s7], [sflag:$0x2] =	stream.linear.gather [hbm4b:s8+s4], $0x6000, $0x38  }
0x1c3: {  	v45 =	vld [tilespmem:$0x90];
	_ =	sdelay $0x2  }
0x1c4: {  	v47 =	vld [tilespmem:$0x1FFD0];
	_ =	sdelay $0x1  }
0x1c5: {  	v48 =	vld [tilespmem:$0x1FFE0];
	v46 =	vshll.u32 v45, $0x2  }
0x1c6: {  	v45 =	vand.u32 $0x7, v45;
	v46 =	vand.u32 $0xFFFFFFE0, v46  }
0x1c7: {  	v49 =	vld [tilespmem:$0x1FFF0];
	v45 =	vor.u32 v45, v46  }
0x1c8: {  	v46 =	vperm.xlane v45, v47;
	_ =	sdelay $0x1  }
0x1c9: {  	v46 =	vadd.s32 v48, v46;
	_ =	sdelay $0x1  }
0x1ca: {  	v45 =	vperm.xlane v45, v49;
	_ =	sdelay $0x1  }
0x1cb: {  	s9 =	simm.s32 $0x12180;
	v45 =	vadd.s32 v48, v45  }
0x1cc: {  	[tilespmem:s9], [sflag:$0x4] =	stream.indirect_vreg.gather [hbm4b:s2+s4], $0x80, v46, vm0, $0xb8;
	[tilespmem:$0x18200] =	vst v63  }
0x1cd: {  	s7 =	simm.s32 $0x12980  }
0x1ce: {  	[tilespmem:s7], [sflag:$0x4] =	stream.indirect_vreg.gather [hbm4b:s6+s4], $0x80, v46, vm0, $0xb8;
	[tilespmem:$0x18200] =	vst v63  }
0x1cf: {  	s8 =	simm.s32 $0x13180  }
0x1d0: {  	[tilespmem:s8], [sflag:$0x4] =	stream.indirect_vreg.gather [hbm4b:s2+s4], $0x80, v45, vm0, $0xb8;
	[tilespmem:$0x18200] =	vst v63  }
0x1d1: {  	s9 =	simm.s32 $0x13980  }
0x1d2: {  	[tilespmem:s9], [sflag:$0x4] =	stream.indirect_vreg.gather [hbm4b:s6+s4], $0x80, v45, vm0, $0xb8;
	[tilespmem:$0x18200] =	vst v63  }
0x1d3: {  	v45 =	vld [tilespmem:$0xA0];
	_ =	sdelay $0x4  }
0x1d4: {  	v63 =	vshll.u32 v45, $0x2  }
0x1d5: {  	v45 =	vand.u32 $0x7, v45;
	v46 =	vand.u32 $0xFFFFFFE0, v63  }
0x1d6: {  	v45 =	vor.u32 v45, v46  }
0x1d7: {  	v46 =	vperm.xlane v45, v47;
	_ =	sdelay $0x1  }
0x1d8: {  	v46 =	vadd.s32 v48, v46;
	_ =	sdelay $0x1  }
0x1d9: {  	v45 =	vperm.xlane v45, v49;
	_ =	sdelay $0x1  }
0x1da: {  	s7 =	simm.s32 $0x14180;
	v45 =	vadd.s32 v48, v45  }
0x1db: {  	[tilespmem:s7], [sflag:$0x4] =	stream.indirect_vreg.gather [hbm4b:s2+s4], $0x80, v46, vm0, $0xb8;
	[tilespmem:$0x18200] =	vst v63  }
0x1dc: {  	s8 =	simm.s32 $0x14980  }
0x1dd: {  	[tilespmem:s8], [sflag:$0x4] =	stream.indirect_vreg.gather [hbm4b:s6+s4], $0x80, v46, vm0, $0xb8;
	[tilespmem:$0x18200] =	vst v63  }
0x1de: {  	s9 =	simm.s32 $0x15180  }
0x1df: {  	[tilespmem:s9], [sflag:$0x4] =	stream.indirect_vreg.gather [hbm4b:s2+s4], $0x80, v45, vm0, $0xb8;
	[tilespmem:$0x18200] =	vst v63  }
0x1e0: {  	s7 =	simm.s32 $0x15980  }
0x1e1: {  	[tilespmem:s7], [sflag:$0x4] =	stream.indirect_vreg.gather [hbm4b:s6+s4], $0x80, v45, vm0, $0xb8;
	[tilespmem:$0x18200] =	vst v63  }
0x1e2: {  	v45 =	vld [tilespmem:$0xB0];
	_ =	sdelay $0x4  }
0x1e3: {  	v50 =	vshll.u32 v45, $0x2  }
0x1e4: {  	v45 =	vand.u32 $0x7, v45;
	v46 =	vand.u32 $0xFFFFFFE0, v50  }
0x1e5: {  	v45 =	vor.u32 v45, v46  }
0x1e6: {  	v46 =	vperm.xlane v45, v47;
	_ =	sdelay $0x1  }
0x1e7: {  	v46 =	vadd.s32 v48, v46;
	_ =	sdelay $0x1  }
0x1e8: {  	v45 =	vperm.xlane v45, v49;
	_ =	sdelay $0x1  }
0x1e9: {  	v45 =	vadd.s32 v48, v45  }
0x1ea: {  	[tilespmem:s10], [sflag:$0x4] =	stream.indirect_vreg.gather [hbm4b:s2+s4], $0x80, v46, vm0, $0xb8;
	[tilespmem:$0x18200] =	vst v63  }
0x1eb: {  	_ = 	snop  }
0x1ec: {  	[tilespmem:s11], [sflag:$0x4] =	stream.indirect_vreg.gather [hbm4b:s6+s4], $0x80, v46, vm0, $0xb8;
	[tilespmem:$0x18200] =	vst v63  }
0x1ed: {  	_ = 	snop  }
0x1ee: {  	[tilespmem:s12], [sflag:$0x4] =	stream.indirect_vreg.gather [hbm4b:s2+s4], $0x80, v45, vm0, $0xb8;
	[tilespmem:$0x18200] =	vst v63  }
0x1ef: {  	_ = 	snop  }
0x1f0: {  	[tilespmem:s13], [sflag:$0x4] =	stream.indirect_vreg.gather [hbm4b:s6+s4], $0x80, v45, vm0, $0xb8;
	[tilespmem:$0x18200] =	vst v63  }
0x1f1: {  	_ =	swait.ge [sflag:s14], $0x6000  }
0x1f2: {  	[sflag:s14] =	ssyncset.done $0x0  }
0x1f3: {  	[sflag:s14] =	ssyncadd.s32 $0xFFFFA000  }
0x1f4: {  	_ =	swait.ge [sflag:s30], $0x6000  }
0x1f5: {  	s8 =	sand.u32 $0x7000, s4;
	s9 =	sand.u32 $0x380, s4;
	[sflag:s30] =	ssyncset.done $0x0  }
0x1f6: {  	s5 =	sor.u32 s9, s8;
	[sflag:s30] =	ssyncadd.s32 $0xFFFFA000  }
0x1f7: {  	v51 =	vld [tilespmem:s5+$0xDC0]  }
0x1f8: {  	v52 =	vld [tilespmem:s5+$0xCDC0]  }
0x1f9: {  	v53 =	vld [tilespmem:s5+$0xDD0]  }
0x1fa: {  	v54 =	vld [tilespmem:s5+$0xCDD0]  }
0x1fb: {  	v55 =	vld [tilespmem:s5+$0xDE0]  }
0x1fc: {  	v28 =	vsub.f32 v28, v33;
	v56 =	vld [tilespmem:s5+$0xCDE0]  }
0x1fd: {  	v29 =	vsub.f32 v29, v34;
	v0 =	vsub.f32 v0, v1;
	v57 =	vld [tilespmem:s5+$0xDF0]  }
0x1fe: {  	v31 =	vsub.f32 v31, v35;
	v47 =	vsub.f32 v41, v43;
	v58 =	vld [tilespmem:s5+$0xCDF0]  }
0x1ff: {  	v2 =	vsub.f32 v2, v44;
	v0 =	vmul.f32 v0, v0;
	v46 =	vsub.f32 v39, v42;
	v59 =	vld [tilespmem:s5+$0xD80]  }
0x200: {  	v24 =	vsub.f32 v24, v26;
	v26 =	vmul.f32 v47, v47;
	v45 =	vsub.f32 v38, v40;
	v60 =	vld [tilespmem:s5+$0xD90]  }
0x201: {  	v2 =	vmul.f32 v2, v2;
	v0 =	vadd.f32 v0, v8;
	v1 =	vmul.f32 v46, v46;
	v61 =	vld [tilespmem:s5+$0xCD90]  }
0x202: {  	v24 =	vmul.f32 v24, v24;
	v7 =	vadd.f32 v26, v7;
	v33 =	vmul.f32 v45, v45;
	v62 =	vld [tilespmem:s5+$0xDA0]  }
0x203: {  	v0 =	vadd.f32 v2, v0;
	v1 =	vadd.f32 v1, v9;
	v9 =	vmul.f32 v31, v31;
	v63 =	vld [tilespmem:s5+$0xDB0]  }
0x204: {  	v29 =	vmul.f32 v29, v29;
	v7 =	vadd.f32 v24, v7;
	v10 =	vadd.f32 v33, v10;
	v40 =	vld [tilespmem:s5+$0xC980]  }
0x205: {  	v24 =	vmul.f32 v27, v27;
	v27 =	vmul.f32 v28, v28;
	v1 =	vadd.f32 v9, v1;
	v50 =	vld [tilespmem:s5+$0xC990]  }
0x206: {  	v9 =	vmul.f32 v36, v36;
	v8 =	vadd.f32 v29, v10;
	v10 =	vmul.f32 v37, v37;
	v49 =	vld [tilespmem:s5+$0x9A0]  }
0x207: {  	v19 =	vmul.f32 v19, v19;
	v26 =	vmul.f32 v30, v30;
	v0 =	vadd.f32 v27, v0;
	v39 =	vld [tilespmem:s5+$0xC9A0]  }
0x208: {  	v48 =	vld [tilespmem:s5+$0x9B0];
	v8 =	vadd.f32 v9, v8;
	v1 =	vadd.f32 v10, v1;
	v9 =	vmul.f32 v32, v32  }
0x209: {  	v7 =	vadd.f32 v24, v7;
	v0 =	vadd.f32 v19, v0;
	v47 =	vld [tilespmem:s5+$0xC9B0];
	v10 =	vmul.f32 v20, v20  }
0x20a: {  	v23 =	vmul.f32 v23, v23;
	v42 =	vld [tilespmem:s5+$0x5C0];
	v8 =	vadd.f32 v26, v8;
	v1 =	vadd.f32 v9, v1  }
0x20b: {  	v30 =	vld [tilespmem:s5+$0xC5C0];
	v9 =	vmul.f32 v25, v25;
	v7 =	vadd.f32 v10, v7;
	v10 =	vmul.f32 v13, v13  }
0x20c: {  	v11 =	vmul.f32 v11, v11;
	v46 =	vld [tilespmem:s5+$0x5D0];
	v8 =	vadd.f32 v23, v8  }
0x20d: {  	v41 =	vld [tilespmem:s5+$0x5E0];
	v1 =	vadd.f32 v9, v1;
	v9 =	vmul.f32 v21, v21;
	v0 =	vadd.f32 v10, v0  }
0x20e: {  	v5 =	vmul.f32 v5, v5;
	v45 =	vld [tilespmem:s5+$0x5F0];
	v13 =	vmul.f32 v22, v22  }
0x20f: {  	v43 =	vld [tilespmem:s5+$0xC5F0];
	v10 =	vmul.f32 v17, v17;
	v8 =	vadd.f32 v9, v8;
	v0 =	vadd.f32 v11, v0  }
0x210: {  	v3 =	vmul.f32 v3, v3;
	v36 =	vld [tilespmem:s5+$0x580];
	v1 =	vadd.f32 v13, v1;
	v9 =	vmul.f32 v18, v18  }
0x211: {  	v19 =	vld [tilespmem:s5+$0xC580];
	v8 =	vadd.f32 v10, v8;
	v10 =	vmul.f32 v15, v15;
	v0 =	vadd.f32 v5, v0  }
0x212: {  	v44 =	vld [tilespmem:s5+$0x590];
	[tilespmem:$0x1FE40] =	vst v51;
	v1 =	vadd.f32 v9, v1;
	v9 =	vmul.f32 v16, v16  }
0x213: {  	[tilespmem:$0x1FE50] =	vst v52;
	v10 =	vadd.f32 v10, v8;
	v8 =	vadd.f32 v3, v0;
	v0 =	vld [tilespmem:$0x1FE40]  }
0x214: {  	v9 =	vadd.f32 v9, v1;
	v1 =	vld [tilespmem:$0x1FE50]  }
0x215: {  	v37 =	vld [tilespmem:s5+$0xC590]  }
0x216: {  	v27 =	vld [tilespmem:s5+$0x5A0]  }
0x217: {  	v2 =	vld [tilespmem:s5+$0xC5A0]  }
0x218: {  	v28 =	vld [tilespmem:s5+$0x5B0];
	[tilespmem:$0x1FE60] =	vst v53  }
0x219: {  	[tilespmem:$0x1FE70] =	vst v54;
	v15 =	vsub.f32 v0, v1;
	v0 =	vld [tilespmem:$0x1FE60]  }
0x21a: {  	v1 =	vld [tilespmem:$0x1FE70]  }
0x21b: {  	v33 =	vld [tilespmem:s5+$0xC5B0]  }
0x21c: {  	v29 =	vld [tilespmem:s5+$0x1C0]  }
0x21d: {  	v14 =	vmul.f32 v14, v14;
	v34 =	vld [tilespmem:s5+$0xC1C0]  }
0x21e: {  	v31 =	vld [tilespmem:s5+$0x1D0];
	[tilespmem:$0x1FE80] =	vst v55  }
0x21f: {  	v12 =	vmul.f32 v12, v12;
	[tilespmem:$0x1FE90] =	vst v56;
	v7 =	vadd.f32 v14, v7;
	v16 =	vsub.f32 v0, v1;
	v0 =	vld [tilespmem:$0x1FE80]  }
0x220: {  	v1 =	vld [tilespmem:$0x1FE90]  }
0x221: {  	v6 =	vmul.f32 v6, v6;
	v35 =	vld [tilespmem:s5+$0xC1D0];
	v7 =	vadd.f32 v12, v7  }
0x222: {  	v24 =	vld [tilespmem:s5+$0x1E0]  }
0x223: {  	v4 =	vmul.f32 v4, v4;
	v38 =	vld [tilespmem:s5+$0x180];
	v6 =	vadd.f32 v6, v7  }
0x224: {  	[tilespmem:$0x1FEA0] =	vst v59;
	v59 =	vld [tilespmem:s5+$0xCD80]  }
0x225: {  	v7 =	vadd.f32 v4, v6;
	v4 =	vsub.f32 v0, v1;
	v0 =	vld [tilespmem:$0x1FEA0]  }
0x226: {  	v32 =	vld [tilespmem:s5+$0xC5D0]  }
0x227: {  	v20 =	vld [tilespmem:s5+$0xC5E0]  }
0x228: {  	v26 =	vld [tilespmem:s5+$0xC1E0];
	[tilespmem:$0x1FEC0] =	vst v58  }
0x229: {  	[tilespmem:$0x1FEB0] =	vst v57;
	v1 =	vld [tilespmem:$0x1FEC0]  }
0x22a: {  	v17 =	vsub.f32 v0, v59;
	v0 =	vld [tilespmem:$0x1FEB0]  }
0x22b: {  	v58 =	vld [tilespmem:s5+$0xCDA0]  }
0x22c: {  	[tilespmem:$0x1FED0] =	vst v60;
	v60 =	vld [tilespmem:s5+$0xCDB0]  }
0x22d: {  	[tilespmem:$0x1FEE0] =	vst v61;
	v61 =	vld [tilespmem:s5+$0x9C0]  }
0x22e: {  	[tilespmem:$0x1FEF0] =	vst v62;
	v62 =	vld [tilespmem:s5+$0xC9C0]  }
0x22f: {  	v3 =	vsub.f32 v0, v1;
	v0 =	vld [tilespmem:$0x1FED0]  }
0x230: {  	v1 =	vld [tilespmem:$0x1FEE0]  }
0x231: {  	[tilespmem:$0x1FF00] =	vst v63;
	v63 =	vld [tilespmem:s5+$0x9D0]  }
0x232: {  	v55 =	vld [tilespmem:s5+$0xC9D0]  }
0x233: {  	v56 =	vld [tilespmem:s5+$0x9E0]  }
0x234: {  	v54 =	vld [tilespmem:s5+$0xC9E0]  }
0x235: {  	v18 =	vsub.f32 v0, v1;
	v0 =	vld [tilespmem:$0x1FEF0]  }
0x236: {  	v57 =	vld [tilespmem:s5+$0x9F0]  }
0x237: {  	v53 =	vld [tilespmem:s5+$0xC9F0];
	v14 =	vsub.f32 v49, v39  }
0x238: {  	v52 =	vld [tilespmem:s5+$0x980];
	v30 =	vsub.f32 v42, v30;
	v36 =	vsub.f32 v36, v19  }
0x239: {  	v51 =	vld [tilespmem:s5+$0x990];
	v19 =	vsub.f32 v45, v43;
	v37 =	vsub.f32 v44, v37  }
0x23a: {  	v27 =	vsub.f32 v27, v2;
	v6 =	vsub.f32 v0, v58;
	v0 =	vld [tilespmem:$0x1FF00]  }
0x23b: {  	v39 =	vld [tilespmem:s5+$0x190];
	v32 =	vsub.f32 v46, v32;
	v20 =	vsub.f32 v41, v20  }
0x23c: {  	v42 =	vld [tilespmem:s5+$0xC190];
	v13 =	vsub.f32 v48, v47;
	v21 =	vsub.f32 v61, v62  }
0x23d: {  	v43 =	vld [tilespmem:s5+$0xC1A0];
	v22 =	vsub.f32 v63, v55;
	v12 =	vsub.f32 v56, v54  }
0x23e: {  	v23 =	vsub.f32 v52, v40;
	v11 =	vsub.f32 v57, v53;
	v40 =	vld [tilespmem:s5+$0xC180]  }
0x23f: {  	s7 =	simm.s32 $0x200;
	v41 =	vld [tilespmem:s5+$0x1A0];
	v25 =	vsub.f32 v51, v50;
	v5 =	vsub.f32 v0, v60  }
.LBB2_6:
0x240: {  	p0 =	sne.s32 s7, $0x5E00;
	v0 =	vld [tilespmem:s5+$0x1B0];
	v1 =	vsub.f32 v28, v33;
	v2 =	vmul.f32 v15, v15;
	v28 =	vmul.f32 v16, v16  }
0x241: {  	v29 =	vsub.f32 v29, v34;
	v34 =	vmul.f32 v17, v17;
	v44 =	vmul.f32 v18, v18;
	s4 =	sadd.s32 $0x80, s4;
	v33 =	vld [tilespmem:s5+$0xC1B0]  }
0x242: {  	s8 =	sand.u32 $0x7000, s7;
	v18 =	vsub.f32 v31, v35;
	v35 =	vmul.f32 v21, v21;
	v45 =	vmul.f32 v22, v22;
	s9 =	sand.u32 $0x380, s4;
	v31 =	vld [tilespmem:s5+$0x1F0]  }
0x243: {  	v21 =	vsub.f32 v38, v40;
	v38 =	vmul.f32 v23, v23;
	v25 =	vmul.f32 v25, v25;
	v22 =	vld [tilespmem:s5+$0xC1F0];
	s5 =	sor.u32 s9, s8  }
0x244: {  	v30 =	vmul.f32 v30, v30;
	v32 =	vmul.f32 v32, v32;
	v23 =	vsub.f32 v39, v42;
	v15 =	vld [tilespmem:s5+$0xDC0]  }
0x245: {  	v36 =	vmul.f32 v36, v36;
	v37 =	vmul.f32 v37, v37;
	v39 =	vsub.f32 v41, v43;
	v16 =	vld [tilespmem:s5+$0xCDC0]  }
0x246: {  	v29 =	vmul.f32 v29, v29;
	v17 =	vld [tilespmem:s5+$0xDD0];
	v0 =	vsub.f32 v0, v33;
	v33 =	vmul.f32 v18, v18  }
0x247: {  	v24 =	vsub.f32 v24, v26;
	v40 =	vmul.f32 v21, v21;
	v23 =	vmul.f32 v23, v23;
	v18 =	vld [tilespmem:s5+$0xCDD0]  }
0x248: {  	v26 =	vmul.f32 v39, v39;
	v21 =	vld [tilespmem:s5+$0xDE0];
	v0 =	vmul.f32 v0, v0;
	v31 =	vsub.f32 v31, v22  }
0x249: {  	v10 =	vadd.f32 v40, v10;
	v9 =	vadd.f32 v23, v9;
	v39 =	vmul.f32 v24, v24;
	v22 =	vld [tilespmem:s5+$0xCDE0]  }
0x24a: {  	v7 =	vadd.f32 v26, v7;
	v23 =	vld [tilespmem:s5+$0xDF0];
	v0 =	vadd.f32 v0, v8;
	v8 =	vmul.f32 v31, v31  }
0x24b: {  	v10 =	vadd.f32 v29, v10;
	v9 =	vadd.f32 v33, v9;
	v26 =	vmul.f32 v27, v27;
	v24 =	vld [tilespmem:s5+$0xCDF0]  }
0x24c: {  	v1 =	vmul.f32 v1, v1;
	v7 =	vadd.f32 v39, v7;
	v27 =	vld [tilespmem:s5+$0xD80];
	v0 =	vadd.f32 v8, v0  }
0x24d: {  	v9 =	vadd.f32 v37, v9;
	v8 =	vadd.f32 v36, v10;
	v10 =	vmul.f32 v20, v20;
	v39 =	vld [tilespmem:s5+$0xCD80]  }
0x24e: {  	v7 =	vadd.f32 v26, v7;
	v20 =	vld [tilespmem:s5+$0xD90];
	v0 =	vadd.f32 v1, v0;
	v1 =	vmul.f32 v19, v19  }
0x24f: {  	v14 =	vmul.f32 v14, v14;
	v9 =	vadd.f32 v32, v9;
	v8 =	vadd.f32 v30, v8;
	v19 =	vld [tilespmem:s5+$0xCD90]  }
0x250: {  	v7 =	vadd.f32 v10, v7;
	v26 =	vld [tilespmem:s5+$0xDA0];
	v0 =	vadd.f32 v1, v0;
	v1 =	vmul.f32 v13, v13  }
0x251: {  	v9 =	vadd.f32 v25, v9;
	v10 =	vmul.f32 v12, v12;
	v8 =	vadd.f32 v38, v8;
	v13 =	vld [tilespmem:s5+$0xCDA0]  }
0x252: {  	v7 =	vadd.f32 v14, v7;
	v12 =	vld [tilespmem:s5+$0xDB0];
	v0 =	vadd.f32 v1, v0;
	v1 =	vmul.f32 v11, v11  }
0x253: {  	v6 =	vmul.f32 v6, v6;
	v9 =	vadd.f32 v45, v9;
	v8 =	vadd.f32 v35, v8;
	v11 =	vld [tilespmem:s5+$0xCDB0]  }
0x254: {  	v7 =	vadd.f32 v10, v7;
	v14 =	vld [tilespmem:s5+$0x9C0];
	v0 =	vadd.f32 v1, v0;
	v1 =	vmul.f32 v5, v5  }
0x255: {  	v4 =	vmul.f32 v4, v4;
	v9 =	vadd.f32 v44, v9;
	v8 =	vadd.f32 v34, v8;
	v5 =	vld [tilespmem:s5+$0xC9C0]  }
0x256: {  	v6 =	vadd.f32 v6, v7;
	v25 =	vld [tilespmem:s5+$0x9D0];
	v0 =	vadd.f32 v1, v0;
	v1 =	vmul.f32 v3, v3  }
0x257: {  	v9 =	vadd.f32 v28, v9;
	v10 =	vadd.f32 v2, v8;
	v30 =	vld [tilespmem:s5+$0xC9D0]  }
0x258: {  	v7 =	vadd.f32 v4, v6;
	v2 =	vld [tilespmem:s5+$0x9E0];
	v8 =	vadd.f32 v1, v0  }
0x259: {  	v0 =	vld [tilespmem:s5+$0xC9E0]  }
0x25a: {  	v1 =	vld [tilespmem:s5+$0x9F0]  }
0x25b: {  	v32 =	vld [tilespmem:s5+$0xC9F0]  }
0x25c: {  	v36 =	vld [tilespmem:s5+$0x980]  }
0x25d: {  	v37 =	vld [tilespmem:s5+$0xC980]  }
0x25e: {  	v41 =	vld [tilespmem:s5+$0x990]  }
0x25f: {  	v42 =	vld [tilespmem:s5+$0xC990]  }
0x260: {  	v43 =	vld [tilespmem:s5+$0x9A0]  }
0x261: {  	v44 =	vld [tilespmem:s5+$0xC9A0]  }
0x262: {  	v45 =	vld [tilespmem:s5+$0x9B0]  }
0x263: {  	v46 =	vld [tilespmem:s5+$0xC9B0]  }
0x264: {  	v47 =	vld [tilespmem:s5+$0x5C0]  }
0x265: {  	v48 =	vld [tilespmem:s5+$0xC5C0]  }
0x266: {  	v49 =	vld [tilespmem:s5+$0x5D0]  }
0x267: {  	v50 =	vld [tilespmem:s5+$0xC5D0]  }
0x268: {  	v51 =	vld [tilespmem:s5+$0x5E0]  }
0x269: {  	v52 =	vld [tilespmem:s5+$0xC5E0]  }
0x26a: {  	v53 =	vld [tilespmem:s5+$0x5F0]  }
0x26b: {  	v54 =	vld [tilespmem:s5+$0xC5F0]  }
0x26c: {  	v55 =	vld [tilespmem:s5+$0x580]  }
0x26d: {  	v56 =	vld [tilespmem:s5+$0xC580]  }
0x26e: {  	v57 =	vld [tilespmem:s5+$0x590]  }
0x26f: {  	v58 =	vld [tilespmem:s5+$0xC590]  }
0x270: {  	v59 =	vld [tilespmem:s5+$0x5A0]  }
0x271: {  	v60 =	vld [tilespmem:s5+$0xC5A0]  }
0x272: {  	v28 =	vld [tilespmem:s5+$0x5B0]  }
0x273: {  	v33 =	vld [tilespmem:s5+$0xC5B0]  }
0x274: {  	v15 =	vsub.f32 v15, v16;
	v29 =	vld [tilespmem:s5+$0x1C0]  }
0x275: {  	v16 =	vsub.f32 v17, v18;
	v4 =	vsub.f32 v21, v22;
	v34 =	vld [tilespmem:s5+$0xC1C0]  }
0x276: {  	v17 =	vsub.f32 v27, v39;
	v3 =	vsub.f32 v23, v24;
	v31 =	vld [tilespmem:s5+$0x1D0]  }
0x277: {  	v18 =	vsub.f32 v20, v19;
	v6 =	vsub.f32 v26, v13;
	v35 =	vld [tilespmem:s5+$0xC1D0]  }
0x278: {  	v21 =	vsub.f32 v14, v5;
	v5 =	vsub.f32 v12, v11;
	v24 =	vld [tilespmem:s5+$0x1E0]  }
0x279: {  	v22 =	vsub.f32 v25, v30;
	v12 =	vsub.f32 v2, v0;
	v26 =	vld [tilespmem:s5+$0xC1E0]  }
0x27a: {  	v11 =	vsub.f32 v1, v32;
	v23 =	vsub.f32 v36, v37;
	v38 =	vld [tilespmem:s5+$0x180]  }
.Ltmp2:
0x27b: {  	v25 =	vsub.f32 v41, v42;
	v14 =	vsub.f32 v43, v44;
	v40 =	vld [tilespmem:s5+$0xC180];
	(pc) =	sbr.rel @p0 .LBB2_6-.Ltmp2, $4  }
0x27c: {  	v13 =	vsub.f32 v45, v46;
	v30 =	vsub.f32 v47, v48;
	v39 =	vld [tilespmem:s5+$0x190]  }
0x27d: {  	v32 =	vsub.f32 v49, v50;
	v20 =	vsub.f32 v51, v52;
	v42 =	vld [tilespmem:s5+$0xC190]  }
0x27e: {  	v19 =	vsub.f32 v53, v54;
	v36 =	vsub.f32 v55, v56;
	v41 =	vld [tilespmem:s5+$0x1A0]  }
0x27f: {  	s7 =	sadd.s32 $0x200, s7;
	v37 =	vsub.f32 v57, v58;
	v27 =	vsub.f32 v59, v60;
	v43 =	vld [tilespmem:s5+$0xC1A0]  }
0x280: {  	v0 =	vld [tilespmem:s5+$0x1B0]  }
0x281: {  	v1 =	vld [tilespmem:s5+$0xC1B0]  }
0x282: {  	v2 =	vld [tilespmem:s5+$0x1F0];
	s4 =	simm.s32 $0x0;
	s8 =	rddreg [dreg:$0xa]  }
0x283: {  	v44 =	vld [tilespmem:s5+$0xC1F0];
	[tilespmem:s16], [sflag:$0x1] =	stream.linear.gather [hbm4b:s8+s4], $0x6000, $0x38  }
0x284: {  	v45 =	vld [tilespmem:$0xC0];
	_ =	sdelay $0x2  }
0x285: {  	v47 =	vld [tilespmem:$0x1FFD0];
	_ =	sdelay $0x1  }
0x286: {  	v48 =	vld [tilespmem:$0x1FFE0];
	v46 =	vshll.u32 v45, $0x2  }
0x287: {  	v45 =	vand.u32 $0x7, v45;
	v46 =	vand.u32 $0xFFFFFFE0, v46  }
0x288: {  	v49 =	vld [tilespmem:$0x1FFF0];
	v45 =	vor.u32 v45, v46  }
0x289: {  	v46 =	vperm.xlane v45, v47;
	_ =	sdelay $0x1  }
0x28a: {  	v46 =	vadd.s32 v48, v46;
	_ =	sdelay $0x1  }
0x28b: {  	v45 =	vperm.xlane v45, v49;
	_ =	sdelay $0x1  }
0x28c: {  	v45 =	vadd.s32 v48, v45  }
0x28d: {  	[tilespmem:s17], [sflag:$0x3] =	stream.indirect_vreg.gather [hbm4b:s2+s4], $0x80, v46, vm0, $0xb8;
	[tilespmem:$0x18200] =	vst v63  }
0x28e: {  	_ = 	snop  }
0x28f: {  	[tilespmem:s18], [sflag:$0x3] =	stream.indirect_vreg.gather [hbm4b:s6+s4], $0x80, v46, vm0, $0xb8;
	[tilespmem:$0x18200] =	vst v63  }
0x290: {  	_ = 	snop  }
0x291: {  	[tilespmem:s19], [sflag:$0x3] =	stream.indirect_vreg.gather [hbm4b:s2+s4], $0x80, v45, vm0, $0xb8;
	[tilespmem:$0x18200] =	vst v63  }
0x292: {  	_ = 	snop  }
0x293: {  	[tilespmem:s20], [sflag:$0x3] =	stream.indirect_vreg.gather [hbm4b:s6+s4], $0x80, v45, vm0, $0xb8;
	[tilespmem:$0x18200] =	vst v63  }
0x294: {  	v45 =	vld [tilespmem:$0xD0];
	_ =	sdelay $0x4  }
0x295: {  	v63 =	vshll.u32 v45, $0x2  }
0x296: {  	v45 =	vand.u32 $0x7, v45;
	v46 =	vand.u32 $0xFFFFFFE0, v63  }
0x297: {  	v45 =	vor.u32 v45, v46  }
0x298: {  	v46 =	vperm.xlane v45, v47;
	_ =	sdelay $0x1  }
0x299: {  	v46 =	vadd.s32 v48, v46;
	_ =	sdelay $0x1  }
0x29a: {  	v45 =	vperm.xlane v45, v49;
	_ =	sdelay $0x1  }
0x29b: {  	v45 =	vadd.s32 v48, v45  }
0x29c: {  	[tilespmem:s21], [sflag:$0x3] =	stream.indirect_vreg.gather [hbm4b:s2+s4], $0x80, v46, vm0, $0xb8;
	[tilespmem:$0x18200] =	vst v63  }
0x29d: {  	_ = 	snop  }
0x29e: {  	[tilespmem:s22], [sflag:$0x3] =	stream.indirect_vreg.gather [hbm4b:s6+s4], $0x80, v46, vm0, $0xb8;
	[tilespmem:$0x18200] =	vst v63  }
0x29f: {  	_ = 	snop  }
0x2a0: {  	[tilespmem:s23], [sflag:$0x3] =	stream.indirect_vreg.gather [hbm4b:s2+s4], $0x80, v45, vm0, $0xb8;
	[tilespmem:$0x18200] =	vst v63  }
0x2a1: {  	_ = 	snop  }
0x2a2: {  	[tilespmem:s24], [sflag:$0x3] =	stream.indirect_vreg.gather [hbm4b:s6+s4], $0x80, v45, vm0, $0xb8;
	[tilespmem:$0x18200] =	vst v63  }
0x2a3: {  	v45 =	vld [tilespmem:$0xE0];
	_ =	sdelay $0x4  }
0x2a4: {  	v50 =	vshll.u32 v45, $0x2  }
0x2a5: {  	v45 =	vand.u32 $0x7, v45;
	v46 =	vand.u32 $0xFFFFFFE0, v50  }
0x2a6: {  	v45 =	vor.u32 v45, v46  }
0x2a7: {  	v46 =	vperm.xlane v45, v47;
	_ =	sdelay $0x1  }
0x2a8: {  	v46 =	vadd.s32 v48, v46;
	_ =	sdelay $0x1  }
0x2a9: {  	v45 =	vperm.xlane v45, v49;
	_ =	sdelay $0x1  }
0x2aa: {  	v45 =	vadd.s32 v48, v45  }
0x2ab: {  	[tilespmem:s25], [sflag:$0x3] =	stream.indirect_vreg.gather [hbm4b:s2+s4], $0x80, v46, vm0, $0xb8;
	[tilespmem:$0x18200] =	vst v63  }
0x2ac: {  	_ = 	snop  }
0x2ad: {  	[tilespmem:s26], [sflag:$0x3] =	stream.indirect_vreg.gather [hbm4b:s6+s4], $0x80, v46, vm0, $0xb8;
	[tilespmem:$0x18200] =	vst v63  }
0x2ae: {  	_ = 	snop  }
0x2af: {  	[tilespmem:s28], [sflag:$0x3] =	stream.indirect_vreg.gather [hbm4b:s2+s4], $0x80, v45, vm0, $0xb8;
	[tilespmem:$0x18200] =	vst v63  }
0x2b0: {  	_ = 	snop  }
0x2b1: {  	[tilespmem:s29], [sflag:$0x3] =	stream.indirect_vreg.gather [hbm4b:s6+s4], $0x80, v45, vm0, $0xb8;
	[tilespmem:$0x18200] =	vst v63  }
0x2b2: {  	_ =	swait.ge [sflag:s31], $0x6000  }
0x2b3: {  	[sflag:s31] =	ssyncset.done $0x0  }
0x2b4: {  	[sflag:s31] =	ssyncadd.s32 $0xFFFFA000  }
0x2b5: {  	_ =	swait.ge [sflag:s1], $0x6000  }
0x2b6: {  	s9 =	sand.u32 $0x7000, s4;
	s7 =	sand.u32 $0x380, s4;
	[sflag:s1] =	ssyncset.done $0x0  }
0x2b7: {  	s5 =	sor.u32 s7, s9;
	[sflag:s1] =	ssyncadd.s32 $0xFFFFA000  }
0x2b8: {  	v51 =	vld [tilespmem:s5+$0x6DC0]  }
0x2b9: {  	v52 =	vld [tilespmem:s5+$0x12DC0]  }
0x2ba: {  	v53 =	vld [tilespmem:s5+$0x6DD0]  }
0x2bb: {  	v54 =	vld [tilespmem:s5+$0x12DD0]  }
0x2bc: {  	v55 =	vld [tilespmem:s5+$0x6DE0]  }
0x2bd: {  	v28 =	vsub.f32 v28, v33;
	v56 =	vld [tilespmem:s5+$0x12DE0]  }
0x2be: {  	v29 =	vsub.f32 v29, v34;
	v0 =	vsub.f32 v0, v1;
	v57 =	vld [tilespmem:s5+$0x6DF0]  }
0x2bf: {  	v31 =	vsub.f32 v31, v35;
	v47 =	vsub.f32 v41, v43;
	v58 =	vld [tilespmem:s5+$0x12DF0]  }
0x2c0: {  	v2 =	vsub.f32 v2, v44;
	v0 =	vmul.f32 v0, v0;
	v46 =	vsub.f32 v39, v42;
	v59 =	vld [tilespmem:s5+$0x6D80]  }
0x2c1: {  	v24 =	vsub.f32 v24, v26;
	v26 =	vmul.f32 v47, v47;
	v45 =	vsub.f32 v38, v40;
	v60 =	vld [tilespmem:s5+$0x6D90]  }
0x2c2: {  	v2 =	vmul.f32 v2, v2;
	v0 =	vadd.f32 v0, v8;
	v1 =	vmul.f32 v46, v46;
	v61 =	vld [tilespmem:s5+$0x12D90]  }
0x2c3: {  	v24 =	vmul.f32 v24, v24;
	v7 =	vadd.f32 v26, v7;
	v33 =	vmul.f32 v45, v45;
	v62 =	vld [tilespmem:s5+$0x6DA0]  }
0x2c4: {  	v0 =	vadd.f32 v2, v0;
	v1 =	vadd.f32 v1, v9;
	v9 =	vmul.f32 v31, v31;
	v63 =	vld [tilespmem:s5+$0x6DB0]  }
0x2c5: {  	v29 =	vmul.f32 v29, v29;
	v7 =	vadd.f32 v24, v7;
	v10 =	vadd.f32 v33, v10;
	v40 =	vld [tilespmem:s5+$0x12980]  }
0x2c6: {  	v24 =	vmul.f32 v27, v27;
	v27 =	vmul.f32 v28, v28;
	v1 =	vadd.f32 v9, v1;
	v50 =	vld [tilespmem:s5+$0x12990]  }
0x2c7: {  	v9 =	vmul.f32 v36, v36;
	v8 =	vadd.f32 v29, v10;
	v10 =	vmul.f32 v37, v37;
	v49 =	vld [tilespmem:s5+$0x69A0]  }
0x2c8: {  	v19 =	vmul.f32 v19, v19;
	v26 =	vmul.f32 v30, v30;
	v0 =	vadd.f32 v27, v0;
	v39 =	vld [tilespmem:s5+$0x129A0]  }
0x2c9: {  	v48 =	vld [tilespmem:s5+$0x69B0];
	v8 =	vadd.f32 v9, v8;
	v1 =	vadd.f32 v10, v1;
	v9 =	vmul.f32 v32, v32  }
0x2ca: {  	v7 =	vadd.f32 v24, v7;
	v0 =	vadd.f32 v19, v0;
	v47 =	vld [tilespmem:s5+$0x129B0];
	v10 =	vmul.f32 v20, v20  }
0x2cb: {  	v23 =	vmul.f32 v23, v23;
	v42 =	vld [tilespmem:s5+$0x65C0];
	v8 =	vadd.f32 v26, v8;
	v1 =	vadd.f32 v9, v1  }
0x2cc: {  	v30 =	vld [tilespmem:s5+$0x125C0];
	v9 =	vmul.f32 v25, v25;
	v7 =	vadd.f32 v10, v7;
	v10 =	vmul.f32 v13, v13  }
0x2cd: {  	v11 =	vmul.f32 v11, v11;
	v46 =	vld [tilespmem:s5+$0x65D0];
	v8 =	vadd.f32 v23, v8  }
0x2ce: {  	v41 =	vld [tilespmem:s5+$0x65E0];
	v1 =	vadd.f32 v9, v1;
	v9 =	vmul.f32 v21, v21;
	v0 =	vadd.f32 v10, v0  }
0x2cf: {  	v5 =	vmul.f32 v5, v5;
	v45 =	vld [tilespmem:s5+$0x65F0];
	v13 =	vmul.f32 v22, v22  }
0x2d0: {  	v43 =	vld [tilespmem:s5+$0x125F0];
	v10 =	vmul.f32 v17, v17;
	v8 =	vadd.f32 v9, v8;
	v0 =	vadd.f32 v11, v0  }
0x2d1: {  	v3 =	vmul.f32 v3, v3;
	v36 =	vld [tilespmem:s5+$0x6580];
	v1 =	vadd.f32 v13, v1;
	v9 =	vmul.f32 v18, v18  }
0x2d2: {  	v19 =	vld [tilespmem:s5+$0x12580];
	v8 =	vadd.f32 v10, v8;
	v10 =	vmul.f32 v15, v15;
	v0 =	vadd.f32 v5, v0  }
0x2d3: {  	v44 =	vld [tilespmem:s5+$0x6590];
	[tilespmem:$0x1FD70] =	vst v51;
	v1 =	vadd.f32 v9, v1;
	v9 =	vmul.f32 v16, v16  }
0x2d4: {  	[tilespmem:$0x1FD80] =	vst v52;
	v10 =	vadd.f32 v10, v8;
	v8 =	vadd.f32 v3, v0;
	v0 =	vld [tilespmem:$0x1FD70]  }
0x2d5: {  	v9 =	vadd.f32 v9, v1;
	v1 =	vld [tilespmem:$0x1FD80]  }
0x2d6: {  	v37 =	vld [tilespmem:s5+$0x12590]  }
0x2d7: {  	v27 =	vld [tilespmem:s5+$0x65A0]  }
0x2d8: {  	v2 =	vld [tilespmem:s5+$0x125A0]  }
0x2d9: {  	v28 =	vld [tilespmem:s5+$0x65B0];
	[tilespmem:$0x1FD90] =	vst v53  }
0x2da: {  	[tilespmem:$0x1FDA0] =	vst v54;
	v15 =	vsub.f32 v0, v1;
	v0 =	vld [tilespmem:$0x1FD90]  }
0x2db: {  	v1 =	vld [tilespmem:$0x1FDA0]  }
0x2dc: {  	v33 =	vld [tilespmem:s5+$0x125B0]  }
0x2dd: {  	v29 =	vld [tilespmem:s5+$0x61C0]  }
0x2de: {  	v14 =	vmul.f32 v14, v14;
	v34 =	vld [tilespmem:s5+$0x121C0]  }
0x2df: {  	v31 =	vld [tilespmem:s5+$0x61D0];
	[tilespmem:$0x1FDB0] =	vst v55  }
0x2e0: {  	v12 =	vmul.f32 v12, v12;
	[tilespmem:$0x1FDC0] =	vst v56;
	v7 =	vadd.f32 v14, v7;
	v16 =	vsub.f32 v0, v1;
	v0 =	vld [tilespmem:$0x1FDB0]  }
0x2e1: {  	v1 =	vld [tilespmem:$0x1FDC0]  }
0x2e2: {  	v6 =	vmul.f32 v6, v6;
	v35 =	vld [tilespmem:s5+$0x121D0];
	v7 =	vadd.f32 v12, v7  }
0x2e3: {  	v24 =	vld [tilespmem:s5+$0x61E0]  }
0x2e4: {  	v4 =	vmul.f32 v4, v4;
	v38 =	vld [tilespmem:s5+$0x6180];
	v6 =	vadd.f32 v6, v7  }
0x2e5: {  	[tilespmem:$0x1FDD0] =	vst v59;
	v59 =	vld [tilespmem:s5+$0x12D80]  }
0x2e6: {  	v7 =	vadd.f32 v4, v6;
	v4 =	vsub.f32 v0, v1;
	v0 =	vld [tilespmem:$0x1FDD0]  }
0x2e7: {  	v32 =	vld [tilespmem:s5+$0x125D0]  }
0x2e8: {  	v20 =	vld [tilespmem:s5+$0x125E0]  }
0x2e9: {  	v26 =	vld [tilespmem:s5+$0x121E0];
	[tilespmem:$0x1FDF0] =	vst v58  }
0x2ea: {  	[tilespmem:$0x1FDE0] =	vst v57;
	v1 =	vld [tilespmem:$0x1FDF0]  }
0x2eb: {  	v17 =	vsub.f32 v0, v59;
	v0 =	vld [tilespmem:$0x1FDE0]  }
0x2ec: {  	v58 =	vld [tilespmem:s5+$0x12DA0]  }
0x2ed: {  	[tilespmem:$0x1FE00] =	vst v60;
	v60 =	vld [tilespmem:s5+$0x12DB0]  }
0x2ee: {  	[tilespmem:$0x1FE10] =	vst v61;
	v61 =	vld [tilespmem:s5+$0x69C0]  }
0x2ef: {  	[tilespmem:$0x1FE20] =	vst v62;
	v62 =	vld [tilespmem:s5+$0x129C0]  }
0x2f0: {  	v3 =	vsub.f32 v0, v1;
	v0 =	vld [tilespmem:$0x1FE00]  }
0x2f1: {  	v1 =	vld [tilespmem:$0x1FE10]  }
0x2f2: {  	[tilespmem:$0x1FE30] =	vst v63;
	v63 =	vld [tilespmem:s5+$0x69D0]  }
0x2f3: {  	v55 =	vld [tilespmem:s5+$0x129D0]  }
0x2f4: {  	v56 =	vld [tilespmem:s5+$0x69E0]  }
0x2f5: {  	v54 =	vld [tilespmem:s5+$0x129E0]  }
0x2f6: {  	v18 =	vsub.f32 v0, v1;
	v0 =	vld [tilespmem:$0x1FE20]  }
0x2f7: {  	v57 =	vld [tilespmem:s5+$0x69F0]  }
0x2f8: {  	v53 =	vld [tilespmem:s5+$0x129F0];
	v14 =	vsub.f32 v49, v39  }
0x2f9: {  	v52 =	vld [tilespmem:s5+$0x6980];
	v30 =	vsub.f32 v42, v30;
	v36 =	vsub.f32 v36, v19  }
0x2fa: {  	v51 =	vld [tilespmem:s5+$0x6990];
	v19 =	vsub.f32 v45, v43;
	v37 =	vsub.f32 v44, v37  }
0x2fb: {  	v27 =	vsub.f32 v27, v2;
	v6 =	vsub.f32 v0, v58;
	v0 =	vld [tilespmem:$0x1FE30]  }
0x2fc: {  	v39 =	vld [tilespmem:s5+$0x6190];
	v32 =	vsub.f32 v46, v32;
	v20 =	vsub.f32 v41, v20  }
0x2fd: {  	v42 =	vld [tilespmem:s5+$0x12190];
	v13 =	vsub.f32 v48, v47;
	v21 =	vsub.f32 v61, v62  }
0x2fe: {  	v43 =	vld [tilespmem:s5+$0x121A0];
	v22 =	vsub.f32 v63, v55;
	v12 =	vsub.f32 v56, v54  }
0x2ff: {  	v23 =	vsub.f32 v52, v40;
	v11 =	vsub.f32 v57, v53;
	v40 =	vld [tilespmem:s5+$0x12180]  }
0x300: {  	s7 =	simm.s32 $0x200;
	v41 =	vld [tilespmem:s5+$0x61A0];
	v25 =	vsub.f32 v51, v50;
	v5 =	vsub.f32 v0, v60  }
.LBB2_8:
0x301: {  	p0 =	sne.s32 s7, $0x5E00;
	v0 =	vld [tilespmem:s5+$0x61B0];
	v1 =	vsub.f32 v28, v33;
	v2 =	vmul.f32 v15, v15;
	v28 =	vmul.f32 v16, v16  }
0x302: {  	v29 =	vsub.f32 v29, v34;
	v34 =	vmul.f32 v17, v17;
	v44 =	vmul.f32 v18, v18;
	s4 =	sadd.s32 $0x80, s4;
	v33 =	vld [tilespmem:s5+$0x121B0]  }
0x303: {  	s8 =	sand.u32 $0x7000, s7;
	v18 =	vsub.f32 v31, v35;
	v35 =	vmul.f32 v21, v21;
	v45 =	vmul.f32 v22, v22;
	s9 =	sand.u32 $0x380, s4;
	v31 =	vld [tilespmem:s5+$0x61F0]  }
0x304: {  	v21 =	vsub.f32 v38, v40;
	v38 =	vmul.f32 v23, v23;
	v25 =	vmul.f32 v25, v25;
	v22 =	vld [tilespmem:s5+$0x121F0];
	s5 =	sor.u32 s9, s8  }
0x305: {  	v30 =	vmul.f32 v30, v30;
	v32 =	vmul.f32 v32, v32;
	v23 =	vsub.f32 v39, v42;
	v15 =	vld [tilespmem:s5+$0x6DC0]  }
0x306: {  	v36 =	vmul.f32 v36, v36;
	v37 =	vmul.f32 v37, v37;
	v39 =	vsub.f32 v41, v43;
	v16 =	vld [tilespmem:s5+$0x12DC0]  }
0x307: {  	v29 =	vmul.f32 v29, v29;
	v17 =	vld [tilespmem:s5+$0x6DD0];
	v0 =	vsub.f32 v0, v33;
	v33 =	vmul.f32 v18, v18  }
0x308: {  	v24 =	vsub.f32 v24, v26;
	v40 =	vmul.f32 v21, v21;
	v23 =	vmul.f32 v23, v23;
	v18 =	vld [tilespmem:s5+$0x12DD0]  }
0x309: {  	v26 =	vmul.f32 v39, v39;
	v21 =	vld [tilespmem:s5+$0x6DE0];
	v0 =	vmul.f32 v0, v0;
	v31 =	vsub.f32 v31, v22  }
0x30a: {  	v10 =	vadd.f32 v40, v10;
	v9 =	vadd.f32 v23, v9;
	v39 =	vmul.f32 v24, v24;
	v22 =	vld [tilespmem:s5+$0x12DE0]  }
0x30b: {  	v7 =	vadd.f32 v26, v7;
	v23 =	vld [tilespmem:s5+$0x6DF0];
	v0 =	vadd.f32 v0, v8;
	v8 =	vmul.f32 v31, v31  }
0x30c: {  	v10 =	vadd.f32 v29, v10;
	v9 =	vadd.f32 v33, v9;
	v26 =	vmul.f32 v27, v27;
	v24 =	vld [tilespmem:s5+$0x12DF0]  }
0x30d: {  	v1 =	vmul.f32 v1, v1;
	v7 =	vadd.f32 v39, v7;
	v27 =	vld [tilespmem:s5+$0x6D80];
	v0 =	vadd.f32 v8, v0  }
0x30e: {  	v9 =	vadd.f32 v37, v9;
	v8 =	vadd.f32 v36, v10;
	v10 =	vmul.f32 v20, v20;
	v39 =	vld [tilespmem:s5+$0x12D80]  }
0x30f: {  	v7 =	vadd.f32 v26, v7;
	v20 =	vld [tilespmem:s5+$0x6D90];
	v0 =	vadd.f32 v1, v0;
	v1 =	vmul.f32 v19, v19  }
0x310: {  	v14 =	vmul.f32 v14, v14;
	v9 =	vadd.f32 v32, v9;
	v8 =	vadd.f32 v30, v8;
	v19 =	vld [tilespmem:s5+$0x12D90]  }
0x311: {  	v7 =	vadd.f32 v10, v7;
	v26 =	vld [tilespmem:s5+$0x6DA0];
	v0 =	vadd.f32 v1, v0;
	v1 =	vmul.f32 v13, v13  }
0x312: {  	v9 =	vadd.f32 v25, v9;
	v10 =	vmul.f32 v12, v12;
	v8 =	vadd.f32 v38, v8;
	v13 =	vld [tilespmem:s5+$0x12DA0]  }
0x313: {  	v7 =	vadd.f32 v14, v7;
	v12 =	vld [tilespmem:s5+$0x6DB0];
	v0 =	vadd.f32 v1, v0;
	v1 =	vmul.f32 v11, v11  }
0x314: {  	v6 =	vmul.f32 v6, v6;
	v9 =	vadd.f32 v45, v9;
	v8 =	vadd.f32 v35, v8;
	v11 =	vld [tilespmem:s5+$0x12DB0]  }
0x315: {  	v7 =	vadd.f32 v10, v7;
	v14 =	vld [tilespmem:s5+$0x69C0];
	v0 =	vadd.f32 v1, v0;
	v1 =	vmul.f32 v5, v5  }
0x316: {  	v4 =	vmul.f32 v4, v4;
	v9 =	vadd.f32 v44, v9;
	v8 =	vadd.f32 v34, v8;
	v5 =	vld [tilespmem:s5+$0x129C0]  }
0x317: {  	v6 =	vadd.f32 v6, v7;
	v25 =	vld [tilespmem:s5+$0x69D0];
	v0 =	vadd.f32 v1, v0;
	v1 =	vmul.f32 v3, v3  }
0x318: {  	v9 =	vadd.f32 v28, v9;
	v10 =	vadd.f32 v2, v8;
	v30 =	vld [tilespmem:s5+$0x129D0]  }
0x319: {  	v7 =	vadd.f32 v4, v6;
	v2 =	vld [tilespmem:s5+$0x69E0];
	v8 =	vadd.f32 v1, v0  }
0x31a: {  	v0 =	vld [tilespmem:s5+$0x129E0]  }
0x31b: {  	v1 =	vld [tilespmem:s5+$0x69F0]  }
0x31c: {  	v32 =	vld [tilespmem:s5+$0x129F0]  }
0x31d: {  	v36 =	vld [tilespmem:s5+$0x6980]  }
0x31e: {  	v37 =	vld [tilespmem:s5+$0x12980]  }
0x31f: {  	v41 =	vld [tilespmem:s5+$0x6990]  }
0x320: {  	v42 =	vld [tilespmem:s5+$0x12990]  }
0x321: {  	v43 =	vld [tilespmem:s5+$0x69A0]  }
0x322: {  	v44 =	vld [tilespmem:s5+$0x129A0]  }
0x323: {  	v45 =	vld [tilespmem:s5+$0x69B0]  }
0x324: {  	v46 =	vld [tilespmem:s5+$0x129B0]  }
0x325: {  	v47 =	vld [tilespmem:s5+$0x65C0]  }
0x326: {  	v48 =	vld [tilespmem:s5+$0x125C0]  }
0x327: {  	v49 =	vld [tilespmem:s5+$0x65D0]  }
0x328: {  	v50 =	vld [tilespmem:s5+$0x125D0]  }
0x329: {  	v51 =	vld [tilespmem:s5+$0x65E0]  }
0x32a: {  	v52 =	vld [tilespmem:s5+$0x125E0]  }
0x32b: {  	v53 =	vld [tilespmem:s5+$0x65F0]  }
0x32c: {  	v54 =	vld [tilespmem:s5+$0x125F0]  }
0x32d: {  	v55 =	vld [tilespmem:s5+$0x6580]  }
0x32e: {  	v56 =	vld [tilespmem:s5+$0x12580]  }
0x32f: {  	v57 =	vld [tilespmem:s5+$0x6590]  }
0x330: {  	v58 =	vld [tilespmem:s5+$0x12590]  }
0x331: {  	v59 =	vld [tilespmem:s5+$0x65A0]  }
0x332: {  	v60 =	vld [tilespmem:s5+$0x125A0]  }
0x333: {  	v28 =	vld [tilespmem:s5+$0x65B0]  }
0x334: {  	v33 =	vld [tilespmem:s5+$0x125B0]  }
0x335: {  	v15 =	vsub.f32 v15, v16;
	v29 =	vld [tilespmem:s5+$0x61C0]  }
0x336: {  	v16 =	vsub.f32 v17, v18;
	v4 =	vsub.f32 v21, v22;
	v34 =	vld [tilespmem:s5+$0x121C0]  }
0x337: {  	v17 =	vsub.f32 v27, v39;
	v3 =	vsub.f32 v23, v24;
	v31 =	vld [tilespmem:s5+$0x61D0]  }
0x338: {  	v18 =	vsub.f32 v20, v19;
	v6 =	vsub.f32 v26, v13;
	v35 =	vld [tilespmem:s5+$0x121D0]  }
0x339: {  	v21 =	vsub.f32 v14, v5;
	v5 =	vsub.f32 v12, v11;
	v24 =	vld [tilespmem:s5+$0x61E0]  }
0x33a: {  	v22 =	vsub.f32 v25, v30;
	v12 =	vsub.f32 v2, v0;
	v26 =	vld [tilespmem:s5+$0x121E0]  }
0x33b: {  	v11 =	vsub.f32 v1, v32;
	v23 =	vsub.f32 v36, v37;
	v38 =	vld [tilespmem:s5+$0x6180]  }
.Ltmp3:
0x33c: {  	v25 =	vsub.f32 v41, v42;
	v14 =	vsub.f32 v43, v44;
	v40 =	vld [tilespmem:s5+$0x12180];
	(pc) =	sbr.rel @p0 .LBB2_8-.Ltmp3, $4  }
0x33d: {  	v13 =	vsub.f32 v45, v46;
	v30 =	vsub.f32 v47, v48;
	v39 =	vld [tilespmem:s5+$0x6190]  }
0x33e: {  	v32 =	vsub.f32 v49, v50;
	v20 =	vsub.f32 v51, v52;
	v42 =	vld [tilespmem:s5+$0x12190]  }
0x33f: {  	v19 =	vsub.f32 v53, v54;
	v36 =	vsub.f32 v55, v56;
	v41 =	vld [tilespmem:s5+$0x61A0]  }
0x340: {  	s7 =	sadd.s32 $0x200, s7;
	v37 =	vsub.f32 v57, v58;
	v27 =	vsub.f32 v59, v60;
	v43 =	vld [tilespmem:s5+$0x121A0]  }
0x341: {  	v0 =	vld [tilespmem:s5+$0x61B0]  }
0x342: {  	v1 =	vld [tilespmem:s5+$0x121B0]  }
0x343: {  	v2 =	vld [tilespmem:s5+$0x61F0];
	s4 =	simm.s32 $0x0;
	s8 =	rddreg [dreg:$0xb];
	s7 =	simm.s32 $0x6180  }
0x344: {  	v44 =	vld [tilespmem:s5+$0x121F0];
	[tilespmem:s7], [sflag:$0x2] =	stream.linear.gather [hbm4b:s8+s4], $0x6000, $0x38  }
0x345: {  	v45 =	vld [tilespmem:$0xF0];
	_ =	sdelay $0x2  }
0x346: {  	v47 =	vld [tilespmem:$0x1FFD0];
	_ =	sdelay $0x1  }
0x347: {  	v48 =	vld [tilespmem:$0x1FFE0];
	v46 =	vshll.u32 v45, $0x2  }
0x348: {  	v45 =	vand.u32 $0x7, v45;
	v46 =	vand.u32 $0xFFFFFFE0, v46  }
0x349: {  	v49 =	vld [tilespmem:$0x1FFF0];
	v45 =	vor.u32 v45, v46  }
0x34a: {  	v46 =	vperm.xlane v45, v47;
	_ =	sdelay $0x1  }
0x34b: {  	v46 =	vadd.s32 v48, v46;
	_ =	sdelay $0x1  }
0x34c: {  	v45 =	vperm.xlane v45, v49;
	_ =	sdelay $0x1  }
0x34d: {  	s9 =	simm.s32 $0x12180;
	v45 =	vadd.s32 v48, v45  }
0x34e: {  	[tilespmem:s9], [sflag:$0x4] =	stream.indirect_vreg.gather [hbm4b:s2+s4], $0x80, v46, vm0, $0xb8;
	[tilespmem:$0x18200] =	vst v63  }
0x34f: {  	s7 =	simm.s32 $0x12980  }
0x350: {  	[tilespmem:s7], [sflag:$0x4] =	stream.indirect_vreg.gather [hbm4b:s6+s4], $0x80, v46, vm0, $0xb8;
	[tilespmem:$0x18200] =	vst v63  }
0x351: {  	s8 =	simm.s32 $0x13180  }
0x352: {  	[tilespmem:s8], [sflag:$0x4] =	stream.indirect_vreg.gather [hbm4b:s2+s4], $0x80, v45, vm0, $0xb8;
	[tilespmem:$0x18200] =	vst v63  }
0x353: {  	s9 =	simm.s32 $0x13980  }
0x354: {  	[tilespmem:s9], [sflag:$0x4] =	stream.indirect_vreg.gather [hbm4b:s6+s4], $0x80, v45, vm0, $0xb8;
	[tilespmem:$0x18200] =	vst v63  }
0x355: {  	v45 =	vld [tilespmem:$0x100];
	_ =	sdelay $0x4  }
0x356: {  	v63 =	vshll.u32 v45, $0x2  }
0x357: {  	v45 =	vand.u32 $0x7, v45;
	v46 =	vand.u32 $0xFFFFFFE0, v63  }
0x358: {  	v45 =	vor.u32 v45, v46  }
0x359: {  	v46 =	vperm.xlane v45, v47;
	_ =	sdelay $0x1  }
0x35a: {  	v46 =	vadd.s32 v48, v46;
	_ =	sdelay $0x1  }
0x35b: {  	v45 =	vperm.xlane v45, v49;
	_ =	sdelay $0x1  }
0x35c: {  	s7 =	simm.s32 $0x14180;
	v45 =	vadd.s32 v48, v45  }
0x35d: {  	[tilespmem:s7], [sflag:$0x4] =	stream.indirect_vreg.gather [hbm4b:s2+s4], $0x80, v46, vm0, $0xb8;
	[tilespmem:$0x18200] =	vst v63  }
0x35e: {  	s8 =	simm.s32 $0x14980  }
0x35f: {  	[tilespmem:s8], [sflag:$0x4] =	stream.indirect_vreg.gather [hbm4b:s6+s4], $0x80, v46, vm0, $0xb8;
	[tilespmem:$0x18200] =	vst v63  }
0x360: {  	s9 =	simm.s32 $0x15180  }
0x361: {  	[tilespmem:s9], [sflag:$0x4] =	stream.indirect_vreg.gather [hbm4b:s2+s4], $0x80, v45, vm0, $0xb8;
	[tilespmem:$0x18200] =	vst v63  }
0x362: {  	s7 =	simm.s32 $0x15980  }
0x363: {  	[tilespmem:s7], [sflag:$0x4] =	stream.indirect_vreg.gather [hbm4b:s6+s4], $0x80, v45, vm0, $0xb8;
	[tilespmem:$0x18200] =	vst v63  }
0x364: {  	v45 =	vld [tilespmem:$0x110];
	_ =	sdelay $0x4  }
0x365: {  	v50 =	vshll.u32 v45, $0x2  }
0x366: {  	v45 =	vand.u32 $0x7, v45;
	v46 =	vand.u32 $0xFFFFFFE0, v50  }
0x367: {  	v45 =	vor.u32 v45, v46  }
0x368: {  	v46 =	vperm.xlane v45, v47;
	_ =	sdelay $0x1  }
0x369: {  	v46 =	vadd.s32 v48, v46;
	_ =	sdelay $0x1  }
0x36a: {  	v45 =	vperm.xlane v45, v49;
	_ =	sdelay $0x1  }
0x36b: {  	v45 =	vadd.s32 v48, v45  }
0x36c: {  	[tilespmem:s10], [sflag:$0x4] =	stream.indirect_vreg.gather [hbm4b:s2+s4], $0x80, v46, vm0, $0xb8;
	[tilespmem:$0x18200] =	vst v63  }
0x36d: {  	_ = 	snop  }
0x36e: {  	[tilespmem:s11], [sflag:$0x4] =	stream.indirect_vreg.gather [hbm4b:s6+s4], $0x80, v46, vm0, $0xb8;
	[tilespmem:$0x18200] =	vst v63  }
0x36f: {  	_ = 	snop  }
0x370: {  	[tilespmem:s12], [sflag:$0x4] =	stream.indirect_vreg.gather [hbm4b:s2+s4], $0x80, v45, vm0, $0xb8;
	[tilespmem:$0x18200] =	vst v63  }
0x371: {  	_ = 	snop  }
0x372: {  	[tilespmem:s13], [sflag:$0x4] =	stream.indirect_vreg.gather [hbm4b:s6+s4], $0x80, v45, vm0, $0xb8;
	[tilespmem:$0x18200] =	vst v63  }
0x373: {  	_ =	swait.ge [sflag:s14], $0x6000  }
0x374: {  	[sflag:s14] =	ssyncset.done $0x0  }
0x375: {  	[sflag:s14] =	ssyncadd.s32 $0xFFFFA000  }
0x376: {  	_ =	swait.ge [sflag:s30], $0x6000  }
0x377: {  	s8 =	sand.u32 $0x7000, s4;
	s9 =	sand.u32 $0x380, s4;
	[sflag:s30] =	ssyncset.done $0x0  }
0x378: {  	s5 =	sor.u32 s9, s8;
	[sflag:s30] =	ssyncadd.s32 $0xFFFFA000  }
0x379: {  	v51 =	vld [tilespmem:s5+$0xDC0]  }
0x37a: {  	v52 =	vld [tilespmem:s5+$0xCDC0]  }
0x37b: {  	v53 =	vld [tilespmem:s5+$0xDD0]  }
0x37c: {  	v54 =	vld [tilespmem:s5+$0xCDD0]  }
0x37d: {  	v55 =	vld [tilespmem:s5+$0xDE0]  }
0x37e: {  	v28 =	vsub.f32 v28, v33;
	v56 =	vld [tilespmem:s5+$0xCDE0]  }
0x37f: {  	v29 =	vsub.f32 v29, v34;
	v0 =	vsub.f32 v0, v1;
	v57 =	vld [tilespmem:s5+$0xDF0]  }
0x380: {  	v31 =	vsub.f32 v31, v35;
	v47 =	vsub.f32 v41, v43;
	v58 =	vld [tilespmem:s5+$0xCDF0]  }
0x381: {  	v2 =	vsub.f32 v2, v44;
	v0 =	vmul.f32 v0, v0;
	v46 =	vsub.f32 v39, v42;
	v59 =	vld [tilespmem:s5+$0xD80]  }
0x382: {  	v24 =	vsub.f32 v24, v26;
	v26 =	vmul.f32 v47, v47;
	v45 =	vsub.f32 v38, v40;
	v60 =	vld [tilespmem:s5+$0xD90]  }
0x383: {  	v2 =	vmul.f32 v2, v2;
	v0 =	vadd.f32 v0, v8;
	v1 =	vmul.f32 v46, v46;
	v61 =	vld [tilespmem:s5+$0xCD90]  }
0x384: {  	v24 =	vmul.f32 v24, v24;
	v7 =	vadd.f32 v26, v7;
	v33 =	vmul.f32 v45, v45;
	v62 =	vld [tilespmem:s5+$0xDA0]  }
0x385: {  	v0 =	vadd.f32 v2, v0;
	v1 =	vadd.f32 v1, v9;
	v9 =	vmul.f32 v31, v31;
	v63 =	vld [tilespmem:s5+$0xDB0]  }
0x386: {  	v29 =	vmul.f32 v29, v29;
	v7 =	vadd.f32 v24, v7;
	v10 =	vadd.f32 v33, v10;
	v40 =	vld [tilespmem:s5+$0xC980]  }
0x387: {  	v24 =	vmul.f32 v27, v27;
	v27 =	vmul.f32 v28, v28;
	v1 =	vadd.f32 v9, v1;
	v50 =	vld [tilespmem:s5+$0xC990]  }
0x388: {  	v9 =	vmul.f32 v36, v36;
	v8 =	vadd.f32 v29, v10;
	v10 =	vmul.f32 v37, v37;
	v49 =	vld [tilespmem:s5+$0x9A0]  }
0x389: {  	v19 =	vmul.f32 v19, v19;
	v26 =	vmul.f32 v30, v30;
	v0 =	vadd.f32 v27, v0;
	v39 =	vld [tilespmem:s5+$0xC9A0]  }
0x38a: {  	v48 =	vld [tilespmem:s5+$0x9B0];
	v8 =	vadd.f32 v9, v8;
	v1 =	vadd.f32 v10, v1;
	v9 =	vmul.f32 v32, v32  }
0x38b: {  	v7 =	vadd.f32 v24, v7;
	v0 =	vadd.f32 v19, v0;
	v47 =	vld [tilespmem:s5+$0xC9B0];
	v10 =	vmul.f32 v20, v20  }
0x38c: {  	v23 =	vmul.f32 v23, v23;
	v42 =	vld [tilespmem:s5+$0x5C0];
	v8 =	vadd.f32 v26, v8;
	v1 =	vadd.f32 v9, v1  }
0x38d: {  	v30 =	vld [tilespmem:s5+$0xC5C0];
	v9 =	vmul.f32 v25, v25;
	v7 =	vadd.f32 v10, v7;
	v10 =	vmul.f32 v13, v13  }
0x38e: {  	v11 =	vmul.f32 v11, v11;
	v46 =	vld [tilespmem:s5+$0x5D0];
	v8 =	vadd.f32 v23, v8  }
0x38f: {  	v41 =	vld [tilespmem:s5+$0x5E0];
	v1 =	vadd.f32 v9, v1;
	v9 =	vmul.f32 v21, v21;
	v0 =	vadd.f32 v10, v0  }
0x390: {  	v5 =	vmul.f32 v5, v5;
	v45 =	vld [tilespmem:s5+$0x5F0];
	v13 =	vmul.f32 v22, v22  }
0x391: {  	v43 =	vld [tilespmem:s5+$0xC5F0];
	v10 =	vmul.f32 v17, v17;
	v8 =	vadd.f32 v9, v8;
	v0 =	vadd.f32 v11, v0  }
0x392: {  	v3 =	vmul.f32 v3, v3;
	v36 =	vld [tilespmem:s5+$0x580];
	v1 =	vadd.f32 v13, v1;
	v9 =	vmul.f32 v18, v18  }
0x393: {  	v19 =	vld [tilespmem:s5+$0xC580];
	v8 =	vadd.f32 v10, v8;
	v10 =	vmul.f32 v15, v15;
	v0 =	vadd.f32 v5, v0  }
0x394: {  	v44 =	vld [tilespmem:s5+$0x590];
	[tilespmem:$0x1FCA0] =	vst v51;
	v1 =	vadd.f32 v9, v1;
	v9 =	vmul.f32 v16, v16  }
0x395: {  	[tilespmem:$0x1FCB0] =	vst v52;
	v10 =	vadd.f32 v10, v8;
	v8 =	vadd.f32 v3, v0;
	v0 =	vld [tilespmem:$0x1FCA0]  }
0x396: {  	v9 =	vadd.f32 v9, v1;
	v1 =	vld [tilespmem:$0x1FCB0]  }
0x397: {  	v37 =	vld [tilespmem:s5+$0xC590]  }
0x398: {  	v27 =	vld [tilespmem:s5+$0x5A0]  }
0x399: {  	v2 =	vld [tilespmem:s5+$0xC5A0]  }
0x39a: {  	v28 =	vld [tilespmem:s5+$0x5B0];
	[tilespmem:$0x1FCC0] =	vst v53  }
0x39b: {  	[tilespmem:$0x1FCD0] =	vst v54;
	v15 =	vsub.f32 v0, v1;
	v0 =	vld [tilespmem:$0x1FCC0]  }
0x39c: {  	v1 =	vld [tilespmem:$0x1FCD0]  }
0x39d: {  	v33 =	vld [tilespmem:s5+$0xC5B0]  }
0x39e: {  	v29 =	vld [tilespmem:s5+$0x1C0]  }
0x39f: {  	v14 =	vmul.f32 v14, v14;
	v34 =	vld [tilespmem:s5+$0xC1C0]  }
0x3a0: {  	v31 =	vld [tilespmem:s5+$0x1D0];
	[tilespmem:$0x1FCE0] =	vst v55  }
0x3a1: {  	v12 =	vmul.f32 v12, v12;
	[tilespmem:$0x1FCF0] =	vst v56;
	v7 =	vadd.f32 v14, v7;
	v16 =	vsub.f32 v0, v1;
	v0 =	vld [tilespmem:$0x1FCE0]  }
0x3a2: {  	v1 =	vld [tilespmem:$0x1FCF0]  }
0x3a3: {  	v6 =	vmul.f32 v6, v6;
	v35 =	vld [tilespmem:s5+$0xC1D0];
	v7 =	vadd.f32 v12, v7  }
0x3a4: {  	v24 =	vld [tilespmem:s5+$0x1E0]  }
0x3a5: {  	v4 =	vmul.f32 v4, v4;
	v38 =	vld [tilespmem:s5+$0x180];
	v6 =	vadd.f32 v6, v7  }
0x3a6: {  	[tilespmem:$0x1FD00] =	vst v59;
	v59 =	vld [tilespmem:s5+$0xCD80]  }
0x3a7: {  	v7 =	vadd.f32 v4, v6;
	v4 =	vsub.f32 v0, v1;
	v0 =	vld [tilespmem:$0x1FD00]  }
0x3a8: {  	v32 =	vld [tilespmem:s5+$0xC5D0]  }
0x3a9: {  	v20 =	vld [tilespmem:s5+$0xC5E0]  }
0x3aa: {  	v26 =	vld [tilespmem:s5+$0xC1E0];
	[tilespmem:$0x1FD20] =	vst v58  }
0x3ab: {  	[tilespmem:$0x1FD10] =	vst v57;
	v1 =	vld [tilespmem:$0x1FD20]  }
0x3ac: {  	v17 =	vsub.f32 v0, v59;
	v0 =	vld [tilespmem:$0x1FD10]  }
0x3ad: {  	v58 =	vld [tilespmem:s5+$0xCDA0]  }
0x3ae: {  	[tilespmem:$0x1FD30] =	vst v60;
	v60 =	vld [tilespmem:s5+$0xCDB0]  }
0x3af: {  	[tilespmem:$0x1FD40] =	vst v61;
	v61 =	vld [tilespmem:s5+$0x9C0]  }
0x3b0: {  	[tilespmem:$0x1FD50] =	vst v62;
	v62 =	vld [tilespmem:s5+$0xC9C0]  }
0x3b1: {  	v3 =	vsub.f32 v0, v1;
	v0 =	vld [tilespmem:$0x1FD30]  }
0x3b2: {  	v1 =	vld [tilespmem:$0x1FD40]  }
0x3b3: {  	[tilespmem:$0x1FD60] =	vst v63;
	v63 =	vld [tilespmem:s5+$0x9D0]  }
0x3b4: {  	v55 =	vld [tilespmem:s5+$0xC9D0]  }
0x3b5: {  	v56 =	vld [tilespmem:s5+$0x9E0]  }
0x3b6: {  	v54 =	vld [tilespmem:s5+$0xC9E0]  }
0x3b7: {  	v18 =	vsub.f32 v0, v1;
	v0 =	vld [tilespmem:$0x1FD50]  }
0x3b8: {  	v57 =	vld [tilespmem:s5+$0x9F0]  }
0x3b9: {  	v53 =	vld [tilespmem:s5+$0xC9F0];
	v14 =	vsub.f32 v49, v39  }
0x3ba: {  	v52 =	vld [tilespmem:s5+$0x980];
	v30 =	vsub.f32 v42, v30;
	v36 =	vsub.f32 v36, v19  }
0x3bb: {  	v51 =	vld [tilespmem:s5+$0x990];
	v19 =	vsub.f32 v45, v43;
	v37 =	vsub.f32 v44, v37  }
0x3bc: {  	v27 =	vsub.f32 v27, v2;
	v6 =	vsub.f32 v0, v58;
	v0 =	vld [tilespmem:$0x1FD60]  }
0x3bd: {  	v39 =	vld [tilespmem:s5+$0x190];
	v32 =	vsub.f32 v46, v32;
	v20 =	vsub.f32 v41, v20  }
0x3be: {  	v42 =	vld [tilespmem:s5+$0xC190];
	v13 =	vsub.f32 v48, v47;
	v21 =	vsub.f32 v61, v62  }
0x3bf: {  	v43 =	vld [tilespmem:s5+$0xC1A0];
	v22 =	vsub.f32 v63, v55;
	v12 =	vsub.f32 v56, v54  }
0x3c0: {  	v23 =	vsub.f32 v52, v40;
	v11 =	vsub.f32 v57, v53;
	v40 =	vld [tilespmem:s5+$0xC180]  }
0x3c1: {  	s7 =	simm.s32 $0x200;
	v41 =	vld [tilespmem:s5+$0x1A0];
	v25 =	vsub.f32 v51, v50;
	v5 =	vsub.f32 v0, v60  }
.LBB2_10:
0x3c2: {  	p0 =	sne.s32 s7, $0x5E00;
	v0 =	vld [tilespmem:s5+$0x1B0];
	v1 =	vsub.f32 v28, v33;
	v2 =	vmul.f32 v15, v15;
	v28 =	vmul.f32 v16, v16  }
0x3c3: {  	v29 =	vsub.f32 v29, v34;
	v34 =	vmul.f32 v17, v17;
	v44 =	vmul.f32 v18, v18;
	s4 =	sadd.s32 $0x80, s4;
	v33 =	vld [tilespmem:s5+$0xC1B0]  }
0x3c4: {  	s8 =	sand.u32 $0x7000, s7;
	v18 =	vsub.f32 v31, v35;
	v35 =	vmul.f32 v21, v21;
	v45 =	vmul.f32 v22, v22;
	s9 =	sand.u32 $0x380, s4;
	v31 =	vld [tilespmem:s5+$0x1F0]  }
0x3c5: {  	v21 =	vsub.f32 v38, v40;
	v38 =	vmul.f32 v23, v23;
	v25 =	vmul.f32 v25, v25;
	v22 =	vld [tilespmem:s5+$0xC1F0];
	s5 =	sor.u32 s9, s8  }
0x3c6: {  	v30 =	vmul.f32 v30, v30;
	v32 =	vmul.f32 v32, v32;
	v23 =	vsub.f32 v39, v42;
	v15 =	vld [tilespmem:s5+$0xDC0]  }
0x3c7: {  	v36 =	vmul.f32 v36, v36;
	v37 =	vmul.f32 v37, v37;
	v39 =	vsub.f32 v41, v43;
	v16 =	vld [tilespmem:s5+$0xCDC0]  }
0x3c8: {  	v29 =	vmul.f32 v29, v29;
	v17 =	vld [tilespmem:s5+$0xDD0];
	v0 =	vsub.f32 v0, v33;
	v33 =	vmul.f32 v18, v18  }
0x3c9: {  	v24 =	vsub.f32 v24, v26;
	v40 =	vmul.f32 v21, v21;
	v23 =	vmul.f32 v23, v23;
	v18 =	vld [tilespmem:s5+$0xCDD0]  }
0x3ca: {  	v26 =	vmul.f32 v39, v39;
	v21 =	vld [tilespmem:s5+$0xDE0];
	v0 =	vmul.f32 v0, v0;
	v31 =	vsub.f32 v31, v22  }
0x3cb: {  	v10 =	vadd.f32 v40, v10;
	v9 =	vadd.f32 v23, v9;
	v39 =	vmul.f32 v24, v24;
	v22 =	vld [tilespmem:s5+$0xCDE0]  }
0x3cc: {  	v7 =	vadd.f32 v26, v7;
	v23 =	vld [tilespmem:s5+$0xDF0];
	v0 =	vadd.f32 v0, v8;
	v8 =	vmul.f32 v31, v31  }
0x3cd: {  	v10 =	vadd.f32 v29, v10;
	v9 =	vadd.f32 v33, v9;
	v26 =	vmul.f32 v27, v27;
	v24 =	vld [tilespmem:s5+$0xCDF0]  }
0x3ce: {  	v1 =	vmul.f32 v1, v1;
	v7 =	vadd.f32 v39, v7;
	v27 =	vld [tilespmem:s5+$0xD80];
	v0 =	vadd.f32 v8, v0  }
0x3cf: {  	v9 =	vadd.f32 v37, v9;
	v8 =	vadd.f32 v36, v10;
	v10 =	vmul.f32 v20, v20;
	v39 =	vld [tilespmem:s5+$0xCD80]  }
0x3d0: {  	v7 =	vadd.f32 v26, v7;
	v20 =	vld [tilespmem:s5+$0xD90];
	v0 =	vadd.f32 v1, v0;
	v1 =	vmul.f32 v19, v19  }
0x3d1: {  	v14 =	vmul.f32 v14, v14;
	v9 =	vadd.f32 v32, v9;
	v8 =	vadd.f32 v30, v8;
	v19 =	vld [tilespmem:s5+$0xCD90]  }
0x3d2: {  	v7 =	vadd.f32 v10, v7;
	v26 =	vld [tilespmem:s5+$0xDA0];
	v0 =	vadd.f32 v1, v0;
	v1 =	vmul.f32 v13, v13  }
0x3d3: {  	v9 =	vadd.f32 v25, v9;
	v10 =	vmul.f32 v12, v12;
	v8 =	vadd.f32 v38, v8;
	v13 =	vld [tilespmem:s5+$0xCDA0]  }
0x3d4: {  	v7 =	vadd.f32 v14, v7;
	v12 =	vld [tilespmem:s5+$0xDB0];
	v0 =	vadd.f32 v1, v0;
	v1 =	vmul.f32 v11, v11  }
0x3d5: {  	v6 =	vmul.f32 v6, v6;
	v9 =	vadd.f32 v45, v9;
	v8 =	vadd.f32 v35, v8;
	v11 =	vld [tilespmem:s5+$0xCDB0]  }
0x3d6: {  	v7 =	vadd.f32 v10, v7;
	v14 =	vld [tilespmem:s5+$0x9C0];
	v0 =	vadd.f32 v1, v0;
	v1 =	vmul.f32 v5, v5  }
0x3d7: {  	v4 =	vmul.f32 v4, v4;
	v9 =	vadd.f32 v44, v9;
	v8 =	vadd.f32 v34, v8;
	v5 =	vld [tilespmem:s5+$0xC9C0]  }
0x3d8: {  	v6 =	vadd.f32 v6, v7;
	v25 =	vld [tilespmem:s5+$0x9D0];
	v0 =	vadd.f32 v1, v0;
	v1 =	vmul.f32 v3, v3  }
0x3d9: {  	v9 =	vadd.f32 v28, v9;
	v10 =	vadd.f32 v2, v8;
	v30 =	vld [tilespmem:s5+$0xC9D0]  }
0x3da: {  	v7 =	vadd.f32 v4, v6;
	v2 =	vld [tilespmem:s5+$0x9E0];
	v8 =	vadd.f32 v1, v0  }
0x3db: {  	v0 =	vld [tilespmem:s5+$0xC9E0]  }
0x3dc: {  	v1 =	vld [tilespmem:s5+$0x9F0]  }
0x3dd: {  	v32 =	vld [tilespmem:s5+$0xC9F0]  }
0x3de: {  	v36 =	vld [tilespmem:s5+$0x980]  }
0x3df: {  	v37 =	vld [tilespmem:s5+$0xC980]  }
0x3e0: {  	v41 =	vld [tilespmem:s5+$0x990]  }
0x3e1: {  	v42 =	vld [tilespmem:s5+$0xC990]  }
0x3e2: {  	v43 =	vld [tilespmem:s5+$0x9A0]  }
0x3e3: {  	v44 =	vld [tilespmem:s5+$0xC9A0]  }
0x3e4: {  	v45 =	vld [tilespmem:s5+$0x9B0]  }
0x3e5: {  	v46 =	vld [tilespmem:s5+$0xC9B0]  }
0x3e6: {  	v47 =	vld [tilespmem:s5+$0x5C0]  }
0x3e7: {  	v48 =	vld [tilespmem:s5+$0xC5C0]  }
0x3e8: {  	v49 =	vld [tilespmem:s5+$0x5D0]  }
0x3e9: {  	v50 =	vld [tilespmem:s5+$0xC5D0]  }
0x3ea: {  	v51 =	vld [tilespmem:s5+$0x5E0]  }
0x3eb: {  	v52 =	vld [tilespmem:s5+$0xC5E0]  }
0x3ec: {  	v53 =	vld [tilespmem:s5+$0x5F0]  }
0x3ed: {  	v54 =	vld [tilespmem:s5+$0xC5F0]  }
0x3ee: {  	v55 =	vld [tilespmem:s5+$0x580]  }
0x3ef: {  	v56 =	vld [tilespmem:s5+$0xC580]  }
0x3f0: {  	v57 =	vld [tilespmem:s5+$0x590]  }
0x3f1: {  	v58 =	vld [tilespmem:s5+$0xC590]  }
0x3f2: {  	v59 =	vld [tilespmem:s5+$0x5A0]  }
0x3f3: {  	v60 =	vld [tilespmem:s5+$0xC5A0]  }
0x3f4: {  	v28 =	vld [tilespmem:s5+$0x5B0]  }
0x3f5: {  	v33 =	vld [tilespmem:s5+$0xC5B0]  }
0x3f6: {  	v15 =	vsub.f32 v15, v16;
	v29 =	vld [tilespmem:s5+$0x1C0]  }
0x3f7: {  	v16 =	vsub.f32 v17, v18;
	v4 =	vsub.f32 v21, v22;
	v34 =	vld [tilespmem:s5+$0xC1C0]  }
0x3f8: {  	v17 =	vsub.f32 v27, v39;
	v3 =	vsub.f32 v23, v24;
	v31 =	vld [tilespmem:s5+$0x1D0]  }
0x3f9: {  	v18 =	vsub.f32 v20, v19;
	v6 =	vsub.f32 v26, v13;
	v35 =	vld [tilespmem:s5+$0xC1D0]  }
0x3fa: {  	v21 =	vsub.f32 v14, v5;
	v5 =	vsub.f32 v12, v11;
	v24 =	vld [tilespmem:s5+$0x1E0]  }
0x3fb: {  	v22 =	vsub.f32 v25, v30;
	v12 =	vsub.f32 v2, v0;
	v26 =	vld [tilespmem:s5+$0xC1E0]  }
0x3fc: {  	v11 =	vsub.f32 v1, v32;
	v23 =	vsub.f32 v36, v37;
	v38 =	vld [tilespmem:s5+$0x180]  }
.Ltmp4:
0x3fd: {  	v25 =	vsub.f32 v41, v42;
	v14 =	vsub.f32 v43, v44;
	v40 =	vld [tilespmem:s5+$0xC180];
	(pc) =	sbr.rel @p0 .LBB2_10-.Ltmp4, $4  }
0x3fe: {  	v13 =	vsub.f32 v45, v46;
	v30 =	vsub.f32 v47, v48;
	v39 =	vld [tilespmem:s5+$0x190]  }
0x3ff: {  	v32 =	vsub.f32 v49, v50;
	v20 =	vsub.f32 v51, v52;
	v42 =	vld [tilespmem:s5+$0xC190]  }
0x400: {  	v19 =	vsub.f32 v53, v54;
	v36 =	vsub.f32 v55, v56;
	v41 =	vld [tilespmem:s5+$0x1A0]  }
0x401: {  	s7 =	sadd.s32 $0x200, s7;
	v37 =	vsub.f32 v57, v58;
	v27 =	vsub.f32 v59, v60;
	v43 =	vld [tilespmem:s5+$0xC1A0]  }
0x402: {  	v0 =	vld [tilespmem:s5+$0x1B0]  }
0x403: {  	v1 =	vld [tilespmem:s5+$0xC1B0]  }
0x404: {  	v2 =	vld [tilespmem:s5+$0x1F0];
	s4 =	simm.s32 $0x0;
	s8 =	rddreg [dreg:$0xc]  }
0x405: {  	v44 =	vld [tilespmem:s5+$0xC1F0];
	[tilespmem:s16], [sflag:$0x1] =	stream.linear.gather [hbm4b:s8+s4], $0x6000, $0x38  }
0x406: {  	v45 =	vld [tilespmem:$0x120];
	_ =	sdelay $0x2  }
0x407: {  	v47 =	vld [tilespmem:$0x1FFD0];
	_ =	sdelay $0x1  }
0x408: {  	v48 =	vld [tilespmem:$0x1FFE0];
	v46 =	vshll.u32 v45, $0x2  }
0x409: {  	v45 =	vand.u32 $0x7, v45;
	v46 =	vand.u32 $0xFFFFFFE0, v46  }
0x40a: {  	v49 =	vld [tilespmem:$0x1FFF0];
	v45 =	vor.u32 v45, v46  }
0x40b: {  	v46 =	vperm.xlane v45, v47;
	_ =	sdelay $0x1  }
0x40c: {  	v46 =	vadd.s32 v48, v46;
	_ =	sdelay $0x1  }
0x40d: {  	v45 =	vperm.xlane v45, v49;
	_ =	sdelay $0x1  }
0x40e: {  	v45 =	vadd.s32 v48, v45  }
0x40f: {  	[tilespmem:s17], [sflag:$0x3] =	stream.indirect_vreg.gather [hbm4b:s2+s4], $0x80, v46, vm0, $0xb8;
	[tilespmem:$0x18200] =	vst v63  }
0x410: {  	_ = 	snop  }
0x411: {  	[tilespmem:s18], [sflag:$0x3] =	stream.indirect_vreg.gather [hbm4b:s6+s4], $0x80, v46, vm0, $0xb8;
	[tilespmem:$0x18200] =	vst v63  }
0x412: {  	_ = 	snop  }
0x413: {  	[tilespmem:s19], [sflag:$0x3] =	stream.indirect_vreg.gather [hbm4b:s2+s4], $0x80, v45, vm0, $0xb8;
	[tilespmem:$0x18200] =	vst v63  }
0x414: {  	_ = 	snop  }
0x415: {  	[tilespmem:s20], [sflag:$0x3] =	stream.indirect_vreg.gather [hbm4b:s6+s4], $0x80, v45, vm0, $0xb8;
	[tilespmem:$0x18200] =	vst v63  }
0x416: {  	v45 =	vld [tilespmem:$0x130];
	_ =	sdelay $0x4  }
0x417: {  	v63 =	vshll.u32 v45, $0x2  }
0x418: {  	v45 =	vand.u32 $0x7, v45;
	v46 =	vand.u32 $0xFFFFFFE0, v63  }
0x419: {  	v45 =	vor.u32 v45, v46  }
0x41a: {  	v46 =	vperm.xlane v45, v47;
	_ =	sdelay $0x1  }
0x41b: {  	v46 =	vadd.s32 v48, v46;
	_ =	sdelay $0x1  }
0x41c: {  	v45 =	vperm.xlane v45, v49;
	_ =	sdelay $0x1  }
0x41d: {  	v45 =	vadd.s32 v48, v45  }
0x41e: {  	[tilespmem:s21], [sflag:$0x3] =	stream.indirect_vreg.gather [hbm4b:s2+s4], $0x80, v46, vm0, $0xb8;
	[tilespmem:$0x18200] =	vst v63  }
0x41f: {  	_ = 	snop  }
0x420: {  	[tilespmem:s22], [sflag:$0x3] =	stream.indirect_vreg.gather [hbm4b:s6+s4], $0x80, v46, vm0, $0xb8;
	[tilespmem:$0x18200] =	vst v63  }
0x421: {  	_ = 	snop  }
0x422: {  	[tilespmem:s23], [sflag:$0x3] =	stream.indirect_vreg.gather [hbm4b:s2+s4], $0x80, v45, vm0, $0xb8;
	[tilespmem:$0x18200] =	vst v63  }
0x423: {  	_ = 	snop  }
0x424: {  	[tilespmem:s24], [sflag:$0x3] =	stream.indirect_vreg.gather [hbm4b:s6+s4], $0x80, v45, vm0, $0xb8;
	[tilespmem:$0x18200] =	vst v63  }
0x425: {  	v45 =	vld [tilespmem:$0x140];
	_ =	sdelay $0x4  }
0x426: {  	v50 =	vshll.u32 v45, $0x2  }
0x427: {  	v45 =	vand.u32 $0x7, v45;
	v46 =	vand.u32 $0xFFFFFFE0, v50  }
0x428: {  	v45 =	vor.u32 v45, v46  }
0x429: {  	v46 =	vperm.xlane v45, v47;
	_ =	sdelay $0x1  }
0x42a: {  	v46 =	vadd.s32 v48, v46;
	_ =	sdelay $0x1  }
0x42b: {  	v45 =	vperm.xlane v45, v49;
	_ =	sdelay $0x1  }
0x42c: {  	v45 =	vadd.s32 v48, v45  }
0x42d: {  	[tilespmem:s25], [sflag:$0x3] =	stream.indirect_vreg.gather [hbm4b:s2+s4], $0x80, v46, vm0, $0xb8;
	[tilespmem:$0x18200] =	vst v63  }
0x42e: {  	_ = 	snop  }
0x42f: {  	[tilespmem:s26], [sflag:$0x3] =	stream.indirect_vreg.gather [hbm4b:s6+s4], $0x80, v46, vm0, $0xb8;
	[tilespmem:$0x18200] =	vst v63  }
0x430: {  	_ = 	snop  }
0x431: {  	[tilespmem:s28], [sflag:$0x3] =	stream.indirect_vreg.gather [hbm4b:s2+s4], $0x80, v45, vm0, $0xb8;
	[tilespmem:$0x18200] =	vst v63  }
0x432: {  	_ = 	snop  }
0x433: {  	[tilespmem:s29], [sflag:$0x3] =	stream.indirect_vreg.gather [hbm4b:s6+s4], $0x80, v45, vm0, $0xb8;
	[tilespmem:$0x18200] =	vst v63  }
0x434: {  	_ =	swait.ge [sflag:s31], $0x6000  }
0x435: {  	[sflag:s31] =	ssyncset.done $0x0  }
0x436: {  	[sflag:s31] =	ssyncadd.s32 $0xFFFFA000  }
0x437: {  	_ =	swait.ge [sflag:s1], $0x6000  }
0x438: {  	s9 =	sand.u32 $0x7000, s4;
	s7 =	sand.u32 $0x380, s4;
	[sflag:s1] =	ssyncset.done $0x0  }
0x439: {  	s5 =	sor.u32 s7, s9;
	[sflag:s1] =	ssyncadd.s32 $0xFFFFA000  }
0x43a: {  	v51 =	vld [tilespmem:s5+$0x6DC0]  }
0x43b: {  	v52 =	vld [tilespmem:s5+$0x12DC0]  }
0x43c: {  	v53 =	vld [tilespmem:s5+$0x6DD0]  }
0x43d: {  	v54 =	vld [tilespmem:s5+$0x12DD0]  }
0x43e: {  	v55 =	vld [tilespmem:s5+$0x6DE0]  }
0x43f: {  	v28 =	vsub.f32 v28, v33;
	v56 =	vld [tilespmem:s5+$0x12DE0]  }
0x440: {  	v29 =	vsub.f32 v29, v34;
	v0 =	vsub.f32 v0, v1;
	v57 =	vld [tilespmem:s5+$0x6DF0]  }
0x441: {  	v31 =	vsub.f32 v31, v35;
	v47 =	vsub.f32 v41, v43;
	v58 =	vld [tilespmem:s5+$0x12DF0]  }
0x442: {  	v2 =	vsub.f32 v2, v44;
	v0 =	vmul.f32 v0, v0;
	v46 =	vsub.f32 v39, v42;
	v59 =	vld [tilespmem:s5+$0x6D80]  }
0x443: {  	v24 =	vsub.f32 v24, v26;
	v26 =	vmul.f32 v47, v47;
	v45 =	vsub.f32 v38, v40;
	v60 =	vld [tilespmem:s5+$0x6D90]  }
0x444: {  	v2 =	vmul.f32 v2, v2;
	v0 =	vadd.f32 v0, v8;
	v1 =	vmul.f32 v46, v46;
	v61 =	vld [tilespmem:s5+$0x12D90]  }
0x445: {  	v24 =	vmul.f32 v24, v24;
	v7 =	vadd.f32 v26, v7;
	v33 =	vmul.f32 v45, v45;
	v62 =	vld [tilespmem:s5+$0x6DA0]  }
0x446: {  	v0 =	vadd.f32 v2, v0;
	v1 =	vadd.f32 v1, v9;
	v9 =	vmul.f32 v31, v31;
	v63 =	vld [tilespmem:s5+$0x6DB0]  }
0x447: {  	v29 =	vmul.f32 v29, v29;
	v7 =	vadd.f32 v24, v7;
	v10 =	vadd.f32 v33, v10;
	v40 =	vld [tilespmem:s5+$0x12980]  }
0x448: {  	v24 =	vmul.f32 v27, v27;
	v27 =	vmul.f32 v28, v28;
	v1 =	vadd.f32 v9, v1;
	v50 =	vld [tilespmem:s5+$0x12990]  }
0x449: {  	v9 =	vmul.f32 v36, v36;
	v8 =	vadd.f32 v29, v10;
	v10 =	vmul.f32 v37, v37;
	v49 =	vld [tilespmem:s5+$0x69A0]  }
0x44a: {  	v19 =	vmul.f32 v19, v19;
	v26 =	vmul.f32 v30, v30;
	v0 =	vadd.f32 v27, v0;
	v39 =	vld [tilespmem:s5+$0x129A0]  }
0x44b: {  	v48 =	vld [tilespmem:s5+$0x69B0];
	v8 =	vadd.f32 v9, v8;
	v1 =	vadd.f32 v10, v1;
	v9 =	vmul.f32 v32, v32  }
0x44c: {  	v7 =	vadd.f32 v24, v7;
	v0 =	vadd.f32 v19, v0;
	v47 =	vld [tilespmem:s5+$0x129B0];
	v10 =	vmul.f32 v20, v20  }
0x44d: {  	v23 =	vmul.f32 v23, v23;
	v42 =	vld [tilespmem:s5+$0x65C0];
	v8 =	vadd.f32 v26, v8;
	v1 =	vadd.f32 v9, v1  }
0x44e: {  	v30 =	vld [tilespmem:s5+$0x125C0];
	v9 =	vmul.f32 v25, v25;
	v7 =	vadd.f32 v10, v7;
	v10 =	vmul.f32 v13, v13  }
0x44f: {  	v11 =	vmul.f32 v11, v11;
	v46 =	vld [tilespmem:s5+$0x65D0];
	v8 =	vadd.f32 v23, v8  }
0x450: {  	v41 =	vld [tilespmem:s5+$0x65E0];
	v1 =	vadd.f32 v9, v1;
	v9 =	vmul.f32 v21, v21;
	v0 =	vadd.f32 v10, v0  }
0x451: {  	v5 =	vmul.f32 v5, v5;
	v45 =	vld [tilespmem:s5+$0x65F0];
	v13 =	vmul.f32 v22, v22  }
0x452: {  	v43 =	vld [tilespmem:s5+$0x125F0];
	v10 =	vmul.f32 v17, v17;
	v8 =	vadd.f32 v9, v8;
	v0 =	vadd.f32 v11, v0  }
0x453: {  	v3 =	vmul.f32 v3, v3;
	v36 =	vld [tilespmem:s5+$0x6580];
	v1 =	vadd.f32 v13, v1;
	v9 =	vmul.f32 v18, v18  }
0x454: {  	v19 =	vld [tilespmem:s5+$0x12580];
	v8 =	vadd.f32 v10, v8;
	v10 =	vmul.f32 v15, v15;
	v0 =	vadd.f32 v5, v0  }
0x455: {  	v44 =	vld [tilespmem:s5+$0x6590];
	[tilespmem:$0x1FBD0] =	vst v51;
	v1 =	vadd.f32 v9, v1;
	v9 =	vmul.f32 v16, v16  }
0x456: {  	[tilespmem:$0x1FBE0] =	vst v52;
	v10 =	vadd.f32 v10, v8;
	v8 =	vadd.f32 v3, v0;
	v0 =	vld [tilespmem:$0x1FBD0]  }
0x457: {  	v9 =	vadd.f32 v9, v1;
	v1 =	vld [tilespmem:$0x1FBE0]  }
0x458: {  	v37 =	vld [tilespmem:s5+$0x12590]  }
0x459: {  	v27 =	vld [tilespmem:s5+$0x65A0]  }
0x45a: {  	v2 =	vld [tilespmem:s5+$0x125A0]  }
0x45b: {  	v28 =	vld [tilespmem:s5+$0x65B0];
	[tilespmem:$0x1FBF0] =	vst v53  }
0x45c: {  	[tilespmem:$0x1FC00] =	vst v54;
	v15 =	vsub.f32 v0, v1;
	v0 =	vld [tilespmem:$0x1FBF0]  }
0x45d: {  	v1 =	vld [tilespmem:$0x1FC00]  }
0x45e: {  	v33 =	vld [tilespmem:s5+$0x125B0]  }
0x45f: {  	v29 =	vld [tilespmem:s5+$0x61C0]  }
0x460: {  	v14 =	vmul.f32 v14, v14;
	v34 =	vld [tilespmem:s5+$0x121C0]  }
0x461: {  	v31 =	vld [tilespmem:s5+$0x61D0];
	[tilespmem:$0x1FC10] =	vst v55  }
0x462: {  	v12 =	vmul.f32 v12, v12;
	[tilespmem:$0x1FC20] =	vst v56;
	v7 =	vadd.f32 v14, v7;
	v16 =	vsub.f32 v0, v1;
	v0 =	vld [tilespmem:$0x1FC10]  }
0x463: {  	v1 =	vld [tilespmem:$0x1FC20]  }
0x464: {  	v6 =	vmul.f32 v6, v6;
	v35 =	vld [tilespmem:s5+$0x121D0];
	v7 =	vadd.f32 v12, v7  }
0x465: {  	v24 =	vld [tilespmem:s5+$0x61E0]  }
0x466: {  	v4 =	vmul.f32 v4, v4;
	v38 =	vld [tilespmem:s5+$0x6180];
	v6 =	vadd.f32 v6, v7  }
0x467: {  	[tilespmem:$0x1FC30] =	vst v59;
	v59 =	vld [tilespmem:s5+$0x12D80]  }
0x468: {  	v7 =	vadd.f32 v4, v6;
	v4 =	vsub.f32 v0, v1;
	v0 =	vld [tilespmem:$0x1FC30]  }
0x469: {  	v32 =	vld [tilespmem:s5+$0x125D0]  }
0x46a: {  	v20 =	vld [tilespmem:s5+$0x125E0]  }
0x46b: {  	v26 =	vld [tilespmem:s5+$0x121E0];
	[tilespmem:$0x1FC50] =	vst v58  }
0x46c: {  	[tilespmem:$0x1FC40] =	vst v57;
	v1 =	vld [tilespmem:$0x1FC50]  }
0x46d: {  	v17 =	vsub.f32 v0, v59;
	v0 =	vld [tilespmem:$0x1FC40]  }
0x46e: {  	v58 =	vld [tilespmem:s5+$0x12DA0]  }
0x46f: {  	[tilespmem:$0x1FC60] =	vst v60;
	v60 =	vld [tilespmem:s5+$0x12DB0]  }
0x470: {  	[tilespmem:$0x1FC70] =	vst v61;
	v61 =	vld [tilespmem:s5+$0x69C0]  }
0x471: {  	[tilespmem:$0x1FC80] =	vst v62;
	v62 =	vld [tilespmem:s5+$0x129C0]  }
0x472: {  	v3 =	vsub.f32 v0, v1;
	v0 =	vld [tilespmem:$0x1FC60]  }
0x473: {  	v1 =	vld [tilespmem:$0x1FC70]  }
0x474: {  	[tilespmem:$0x1FC90] =	vst v63;
	v63 =	vld [tilespmem:s5+$0x69D0]  }
0x475: {  	v55 =	vld [tilespmem:s5+$0x129D0]  }
0x476: {  	v56 =	vld [tilespmem:s5+$0x69E0]  }
0x477: {  	v54 =	vld [tilespmem:s5+$0x129E0]  }
0x478: {  	v18 =	vsub.f32 v0, v1;
	v0 =	vld [tilespmem:$0x1FC80]  }
0x479: {  	v57 =	vld [tilespmem:s5+$0x69F0]  }
0x47a: {  	v53 =	vld [tilespmem:s5+$0x129F0];
	v14 =	vsub.f32 v49, v39  }
0x47b: {  	v52 =	vld [tilespmem:s5+$0x6980];
	v30 =	vsub.f32 v42, v30;
	v36 =	vsub.f32 v36, v19  }
0x47c: {  	v51 =	vld [tilespmem:s5+$0x6990];
	v19 =	vsub.f32 v45, v43;
	v37 =	vsub.f32 v44, v37  }
0x47d: {  	v27 =	vsub.f32 v27, v2;
	v6 =	vsub.f32 v0, v58;
	v0 =	vld [tilespmem:$0x1FC90]  }
0x47e: {  	v39 =	vld [tilespmem:s5+$0x6190];
	v32 =	vsub.f32 v46, v32;
	v20 =	vsub.f32 v41, v20  }
0x47f: {  	v42 =	vld [tilespmem:s5+$0x12190];
	v13 =	vsub.f32 v48, v47;
	v21 =	vsub.f32 v61, v62  }
0x480: {  	v43 =	vld [tilespmem:s5+$0x121A0];
	v22 =	vsub.f32 v63, v55;
	v12 =	vsub.f32 v56, v54  }
0x481: {  	v23 =	vsub.f32 v52, v40;
	v11 =	vsub.f32 v57, v53;
	v40 =	vld [tilespmem:s5+$0x12180]  }
0x482: {  	s7 =	simm.s32 $0x200;
	v41 =	vld [tilespmem:s5+$0x61A0];
	v25 =	vsub.f32 v51, v50;
	v5 =	vsub.f32 v0, v60  }
.LBB2_12:
0x483: {  	p0 =	sne.s32 s7, $0x5E00;
	v0 =	vld [tilespmem:s5+$0x61B0];
	v1 =	vsub.f32 v28, v33;
	v2 =	vmul.f32 v15, v15;
	v28 =	vmul.f32 v16, v16  }
0x484: {  	v29 =	vsub.f32 v29, v34;
	v34 =	vmul.f32 v17, v17;
	v44 =	vmul.f32 v18, v18;
	s4 =	sadd.s32 $0x80, s4;
	v33 =	vld [tilespmem:s5+$0x121B0]  }
0x485: {  	s8 =	sand.u32 $0x7000, s7;
	v18 =	vsub.f32 v31, v35;
	v35 =	vmul.f32 v21, v21;
	v45 =	vmul.f32 v22, v22;
	s9 =	sand.u32 $0x380, s4;
	v31 =	vld [tilespmem:s5+$0x61F0]  }
0x486: {  	v21 =	vsub.f32 v38, v40;
	v38 =	vmul.f32 v23, v23;
	v25 =	vmul.f32 v25, v25;
	v22 =	vld [tilespmem:s5+$0x121F0];
	s5 =	sor.u32 s9, s8  }
0x487: {  	v30 =	vmul.f32 v30, v30;
	v32 =	vmul.f32 v32, v32;
	v23 =	vsub.f32 v39, v42;
	v15 =	vld [tilespmem:s5+$0x6DC0]  }
0x488: {  	v36 =	vmul.f32 v36, v36;
	v37 =	vmul.f32 v37, v37;
	v39 =	vsub.f32 v41, v43;
	v16 =	vld [tilespmem:s5+$0x12DC0]  }
0x489: {  	v29 =	vmul.f32 v29, v29;
	v17 =	vld [tilespmem:s5+$0x6DD0];
	v0 =	vsub.f32 v0, v33;
	v33 =	vmul.f32 v18, v18  }
0x48a: {  	v24 =	vsub.f32 v24, v26;
	v40 =	vmul.f32 v21, v21;
	v23 =	vmul.f32 v23, v23;
	v18 =	vld [tilespmem:s5+$0x12DD0]  }
0x48b: {  	v26 =	vmul.f32 v39, v39;
	v21 =	vld [tilespmem:s5+$0x6DE0];
	v0 =	vmul.f32 v0, v0;
	v31 =	vsub.f32 v31, v22  }
0x48c: {  	v10 =	vadd.f32 v40, v10;
	v9 =	vadd.f32 v23, v9;
	v39 =	vmul.f32 v24, v24;
	v22 =	vld [tilespmem:s5+$0x12DE0]  }
0x48d: {  	v7 =	vadd.f32 v26, v7;
	v23 =	vld [tilespmem:s5+$0x6DF0];
	v0 =	vadd.f32 v0, v8;
	v8 =	vmul.f32 v31, v31  }
0x48e: {  	v10 =	vadd.f32 v29, v10;
	v9 =	vadd.f32 v33, v9;
	v26 =	vmul.f32 v27, v27;
	v24 =	vld [tilespmem:s5+$0x12DF0]  }
0x48f: {  	v1 =	vmul.f32 v1, v1;
	v7 =	vadd.f32 v39, v7;
	v27 =	vld [tilespmem:s5+$0x6D80];
	v0 =	vadd.f32 v8, v0  }
0x490: {  	v9 =	vadd.f32 v37, v9;
	v8 =	vadd.f32 v36, v10;
	v10 =	vmul.f32 v20, v20;
	v39 =	vld [tilespmem:s5+$0x12D80]  }
0x491: {  	v7 =	vadd.f32 v26, v7;
	v20 =	vld [tilespmem:s5+$0x6D90];
	v0 =	vadd.f32 v1, v0;
	v1 =	vmul.f32 v19, v19  }
0x492: {  	v14 =	vmul.f32 v14, v14;
	v9 =	vadd.f32 v32, v9;
	v8 =	vadd.f32 v30, v8;
	v19 =	vld [tilespmem:s5+$0x12D90]  }
0x493: {  	v7 =	vadd.f32 v10, v7;
	v26 =	vld [tilespmem:s5+$0x6DA0];
	v0 =	vadd.f32 v1, v0;
	v1 =	vmul.f32 v13, v13  }
0x494: {  	v9 =	vadd.f32 v25, v9;
	v10 =	vmul.f32 v12, v12;
	v8 =	vadd.f32 v38, v8;
	v13 =	vld [tilespmem:s5+$0x12DA0]  }
0x495: {  	v7 =	vadd.f32 v14, v7;
	v12 =	vld [tilespmem:s5+$0x6DB0];
	v0 =	vadd.f32 v1, v0;
	v1 =	vmul.f32 v11, v11  }
0x496: {  	v6 =	vmul.f32 v6, v6;
	v9 =	vadd.f32 v45, v9;
	v8 =	vadd.f32 v35, v8;
	v11 =	vld [tilespmem:s5+$0x12DB0]  }
0x497: {  	v7 =	vadd.f32 v10, v7;
	v14 =	vld [tilespmem:s5+$0x69C0];
	v0 =	vadd.f32 v1, v0;
	v1 =	vmul.f32 v5, v5  }
0x498: {  	v4 =	vmul.f32 v4, v4;
	v9 =	vadd.f32 v44, v9;
	v8 =	vadd.f32 v34, v8;
	v5 =	vld [tilespmem:s5+$0x129C0]  }
0x499: {  	v6 =	vadd.f32 v6, v7;
	v25 =	vld [tilespmem:s5+$0x69D0];
	v0 =	vadd.f32 v1, v0;
	v1 =	vmul.f32 v3, v3  }
0x49a: {  	v9 =	vadd.f32 v28, v9;
	v10 =	vadd.f32 v2, v8;
	v30 =	vld [tilespmem:s5+$0x129D0]  }
0x49b: {  	v7 =	vadd.f32 v4, v6;
	v2 =	vld [tilespmem:s5+$0x69E0];
	v8 =	vadd.f32 v1, v0  }
0x49c: {  	v0 =	vld [tilespmem:s5+$0x129E0]  }
0x49d: {  	v1 =	vld [tilespmem:s5+$0x69F0]  }
0x49e: {  	v32 =	vld [tilespmem:s5+$0x129F0]  }
0x49f: {  	v36 =	vld [tilespmem:s5+$0x6980]  }
0x4a0: {  	v37 =	vld [tilespmem:s5+$0x12980]  }
0x4a1: {  	v41 =	vld [tilespmem:s5+$0x6990]  }
0x4a2: {  	v42 =	vld [tilespmem:s5+$0x12990]  }
0x4a3: {  	v43 =	vld [tilespmem:s5+$0x69A0]  }
0x4a4: {  	v44 =	vld [tilespmem:s5+$0x129A0]  }
0x4a5: {  	v45 =	vld [tilespmem:s5+$0x69B0]  }
0x4a6: {  	v46 =	vld [tilespmem:s5+$0x129B0]  }
0x4a7: {  	v47 =	vld [tilespmem:s5+$0x65C0]  }
0x4a8: {  	v48 =	vld [tilespmem:s5+$0x125C0]  }
0x4a9: {  	v49 =	vld [tilespmem:s5+$0x65D0]  }
0x4aa: {  	v50 =	vld [tilespmem:s5+$0x125D0]  }
0x4ab: {  	v51 =	vld [tilespmem:s5+$0x65E0]  }
0x4ac: {  	v52 =	vld [tilespmem:s5+$0x125E0]  }
0x4ad: {  	v53 =	vld [tilespmem:s5+$0x65F0]  }
0x4ae: {  	v54 =	vld [tilespmem:s5+$0x125F0]  }
0x4af: {  	v55 =	vld [tilespmem:s5+$0x6580]  }
0x4b0: {  	v56 =	vld [tilespmem:s5+$0x12580]  }
0x4b1: {  	v57 =	vld [tilespmem:s5+$0x6590]  }
0x4b2: {  	v58 =	vld [tilespmem:s5+$0x12590]  }
0x4b3: {  	v59 =	vld [tilespmem:s5+$0x65A0]  }
0x4b4: {  	v60 =	vld [tilespmem:s5+$0x125A0]  }
0x4b5: {  	v28 =	vld [tilespmem:s5+$0x65B0]  }
0x4b6: {  	v33 =	vld [tilespmem:s5+$0x125B0]  }
0x4b7: {  	v15 =	vsub.f32 v15, v16;
	v29 =	vld [tilespmem:s5+$0x61C0]  }
0x4b8: {  	v16 =	vsub.f32 v17, v18;
	v4 =	vsub.f32 v21, v22;
	v34 =	vld [tilespmem:s5+$0x121C0]  }
0x4b9: {  	v17 =	vsub.f32 v27, v39;
	v3 =	vsub.f32 v23, v24;
	v31 =	vld [tilespmem:s5+$0x61D0]  }
0x4ba: {  	v18 =	vsub.f32 v20, v19;
	v6 =	vsub.f32 v26, v13;
	v35 =	vld [tilespmem:s5+$0x121D0]  }
0x4bb: {  	v21 =	vsub.f32 v14, v5;
	v5 =	vsub.f32 v12, v11;
	v24 =	vld [tilespmem:s5+$0x61E0]  }
0x4bc: {  	v22 =	vsub.f32 v25, v30;
	v12 =	vsub.f32 v2, v0;
	v26 =	vld [tilespmem:s5+$0x121E0]  }
0x4bd: {  	v11 =	vsub.f32 v1, v32;
	v23 =	vsub.f32 v36, v37;
	v38 =	vld [tilespmem:s5+$0x6180]  }
.Ltmp5:
0x4be: {  	v25 =	vsub.f32 v41, v42;
	v14 =	vsub.f32 v43, v44;
	v40 =	vld [tilespmem:s5+$0x12180];
	(pc) =	sbr.rel @p0 .LBB2_12-.Ltmp5, $4  }
0x4bf: {  	v13 =	vsub.f32 v45, v46;
	v30 =	vsub.f32 v47, v48;
	v39 =	vld [tilespmem:s5+$0x6190]  }
0x4c0: {  	v32 =	vsub.f32 v49, v50;
	v20 =	vsub.f32 v51, v52;
	v42 =	vld [tilespmem:s5+$0x12190]  }
0x4c1: {  	v19 =	vsub.f32 v53, v54;
	v36 =	vsub.f32 v55, v56;
	v41 =	vld [tilespmem:s5+$0x61A0]  }
0x4c2: {  	s7 =	sadd.s32 $0x200, s7;
	v37 =	vsub.f32 v57, v58;
	v27 =	vsub.f32 v59, v60;
	v43 =	vld [tilespmem:s5+$0x121A0]  }
0x4c3: {  	v0 =	vld [tilespmem:s5+$0x61B0]  }
0x4c4: {  	v1 =	vld [tilespmem:s5+$0x121B0]  }
0x4c5: {  	v2 =	vld [tilespmem:s5+$0x61F0]  }
0x4c6: {  	v44 =	vld [tilespmem:s5+$0x121F0];
	_ =	swait.ge [sflag:s14], $0x6000  }
0x4c7: {  	[sflag:s14] =	ssyncset.done $0x0  }
0x4c8: {  	[sflag:s14] =	ssyncadd.s32 $0xFFFFA000  }
0x4c9: {  	s5 =	simm.s32 $0x0;
	_ =	swait.ge [sflag:s30], $0x6000  }
0x4ca: {  	s4 =	sand.u32 $0x7000, s5;
	s7 =	sand.u32 $0x380, s5;
	[sflag:s30] =	ssyncset.done $0x0  }
0x4cb: {  	s4 =	sor.u32 s7, s4;
	[sflag:s30] =	ssyncadd.s32 $0xFFFFA000  }
0x4cc: {  	v45 =	vld [tilespmem:s4+$0xDC0]  }
0x4cd: {  	v50 =	vld [tilespmem:s4+$0xCDC0]  }
0x4ce: {  	v51 =	vld [tilespmem:s4+$0xDD0]  }
0x4cf: {  	v52 =	vld [tilespmem:s4+$0xCDD0]  }
0x4d0: {  	v53 =	vld [tilespmem:s4+$0xDE0]  }
0x4d1: {  	v54 =	vld [tilespmem:s4+$0xCDE0]  }
0x4d2: {  	v28 =	vsub.f32 v28, v33;
	v55 =	vld [tilespmem:s4+$0xDF0]  }
0x4d3: {  	v29 =	vsub.f32 v29, v34;
	v31 =	vsub.f32 v31, v35;
	v23 =	vmul.f32 v23, v23;
	v56 =	vld [tilespmem:s4+$0xCDF0]  }
0x4d4: {  	v24 =	vsub.f32 v24, v26;
	v19 =	vmul.f32 v19, v19;
	v14 =	vmul.f32 v14, v14;
	v57 =	vld [tilespmem:s4+$0xD80]  }
0x4d5: {  	v12 =	vmul.f32 v12, v12;
	v11 =	vmul.f32 v11, v11;
	v46 =	vsub.f32 v39, v42;
	v59 =	vld [tilespmem:s4+$0xCD80]  }
0x4d6: {  	v6 =	vmul.f32 v6, v6;
	v47 =	vsub.f32 v41, v43;
	v0 =	vsub.f32 v0, v1;
	v58 =	vld [tilespmem:s4+$0xD90]  }
0x4d7: {  	v29 =	vmul.f32 v29, v29;
	v1 =	vmul.f32 v46, v46;
	v60 =	vld [tilespmem:s4+$0xCD90];
	[tilespmem:$0x1FAF0] =	vst v45;
	v45 =	vsub.f32 v38, v40  }
0x4d8: {  	v2 =	vsub.f32 v2, v44;
	v61 =	vld [tilespmem:s4+$0xDA0];
	v26 =	vmul.f32 v47, v47;
	v0 =	vmul.f32 v0, v0  }
0x4d9: {  	v62 =	vld [tilespmem:s4+$0xDB0];
	v1 =	vadd.f32 v1, v9;
	v9 =	vmul.f32 v31, v31;
	v33 =	vmul.f32 v45, v45  }
0x4da: {  	v24 =	vmul.f32 v24, v24;
	v63 =	vld [tilespmem:s4+$0xCDB0];
	v7 =	vadd.f32 v26, v7;
	v0 =	vadd.f32 v0, v8  }
0x4db: {  	v34 =	vld [tilespmem:s4+$0xC990];
	v2 =	vmul.f32 v2, v2;
	v1 =	vadd.f32 v9, v1;
	v10 =	vadd.f32 v33, v10  }
0x4dc: {  	v35 =	vld [tilespmem:s4+$0xC9A0];
	v7 =	vadd.f32 v24, v7;
	v24 =	vmul.f32 v27, v27;
	v27 =	vmul.f32 v28, v28  }
0x4dd: {  	v49 =	vld [tilespmem:s4+$0x9B0];
	v0 =	vadd.f32 v2, v0;
	v8 =	vadd.f32 v29, v10;
	v10 =	vmul.f32 v37, v37  }
0x4de: {  	v5 =	vmul.f32 v5, v5;
	v48 =	vld [tilespmem:s4+$0xC9B0];
	v9 =	vmul.f32 v36, v36;
	v7 =	vadd.f32 v24, v7  }
0x4df: {  	v41 =	vld [tilespmem:s4+$0x5C0];
	v0 =	vadd.f32 v27, v0;
	v1 =	vadd.f32 v10, v1;
	v10 =	vmul.f32 v20, v20  }
0x4e0: {  	v47 =	vld [tilespmem:s4+$0x5D0];
	v26 =	vmul.f32 v30, v30;
	v8 =	vadd.f32 v9, v8;
	v9 =	vmul.f32 v32, v32  }
0x4e1: {  	v46 =	vld [tilespmem:s4+$0x5E0];
	v0 =	vadd.f32 v19, v0;
	v7 =	vadd.f32 v10, v7;
	v10 =	vmul.f32 v13, v13  }
0x4e2: {  	v39 =	vld [tilespmem:s4+$0xC5E0];
	v8 =	vadd.f32 v26, v8;
	v1 =	vadd.f32 v9, v1;
	v9 =	vmul.f32 v25, v25  }
0x4e3: {  	v43 =	vld [tilespmem:s4+$0xC5F0];
	v13 =	vmul.f32 v22, v22;
	v7 =	vadd.f32 v14, v7;
	v0 =	vadd.f32 v10, v0  }
0x4e4: {  	v44 =	vld [tilespmem:s4+$0x590];
	v8 =	vadd.f32 v23, v8;
	v1 =	vadd.f32 v9, v1;
	v9 =	vmul.f32 v21, v21  }
0x4e5: {  	v4 =	vmul.f32 v4, v4;
	v42 =	vld [tilespmem:s4+$0xC590];
	v7 =	vadd.f32 v12, v7;
	v0 =	vadd.f32 v11, v0  }
0x4e6: {  	v36 =	vld [tilespmem:s4+$0xC5C0];
	v8 =	vadd.f32 v9, v8;
	v1 =	vadd.f32 v13, v1;
	v9 =	vmul.f32 v18, v18  }
0x4e7: {  	v3 =	vmul.f32 v3, v3;
	v28 =	vld [tilespmem:s4+$0xC5B0];
	v7 =	vadd.f32 v6, v7;
	v0 =	vadd.f32 v5, v0  }
0x4e8: {  	[tilespmem:$0x1FB80] =	vst v58;
	v58 =	vld [tilespmem:s4+$0xCDA0];
	v1 =	vadd.f32 v9, v1;
	v9 =	vmul.f32 v16, v16  }
0x4e9: {  	[tilespmem:$0x1FB00] =	vst v50;
	v5 =	vadd.f32 v4, v7;
	v7 =	vadd.f32 v3, v0;
	v0 =	vld [tilespmem:$0x1FAF0]  }
0x4ea: {  	[tilespmem:$0x1FB10] =	vst v51;
	v9 =	vadd.f32 v9, v1;
	v1 =	vld [tilespmem:$0x1FB00]  }
0x4eb: {  	[tilespmem:$0x1FBA0] =	vst v61;
	v61 =	vld [tilespmem:s4+$0x9C0]  }
0x4ec: {  	[tilespmem:$0x1FBB0] =	vst v62;
	v62 =	vld [tilespmem:s4+$0xC9C0]  }
0x4ed: {  	[tilespmem:$0x1FBC0] =	vst v63;
	v63 =	vld [tilespmem:s4+$0x9D0]  }
0x4ee: {  	[tilespmem:$0x1FB50] =	vst v57;
	v57 =	vld [tilespmem:s4+$0xC9D0]  }
0x4ef: {  	[tilespmem:$0x1FB20] =	vst v52;
	v30 =	vsub.f32 v0, v1;
	v0 =	vld [tilespmem:$0x1FB10]  }
0x4f0: {  	[tilespmem:$0x1FB30] =	vst v53;
	v1 =	vld [tilespmem:$0x1FB20]  }
0x4f1: {  	[tilespmem:$0x1FB70] =	vst v56;
	v56 =	vld [tilespmem:s4+$0x9E0]  }
0x4f2: {  	[tilespmem:$0x1FB60] =	vst v55;
	v55 =	vld [tilespmem:s4+$0xC9E0]  }
0x4f3: {  	[tilespmem:$0x1FB90] =	vst v60;
	v60 =	vld [tilespmem:s4+$0x9F0];
	v10 =	vmul.f32 v17, v17  }
0x4f4: {  	[tilespmem:$0x1FB40] =	vst v54;
	v54 =	vld [tilespmem:s4+$0xC9F0]  }
0x4f5: {  	v8 =	vadd.f32 v10, v8;
	v10 =	vmul.f32 v15, v15;
	v15 =	vsub.f32 v0, v1;
	v0 =	vld [tilespmem:$0x1FB30]  }
0x4f6: {  	v1 =	vld [tilespmem:$0x1FB40]  }
0x4f7: {  	v53 =	vld [tilespmem:s4+$0x980]  }
0x4f8: {  	v52 =	vld [tilespmem:s4+$0xC980]  }
0x4f9: {  	v51 =	vld [tilespmem:s4+$0x990]  }
0x4fa: {  	v50 =	vld [tilespmem:s4+$0x9A0]  }
0x4fb: {  	v4 =	vsub.f32 v0, v1;
	v0 =	vld [tilespmem:$0x1FB50]  }
0x4fc: {  	v38 =	vld [tilespmem:s4+$0xC5D0]  }
0x4fd: {  	v40 =	vld [tilespmem:s4+$0x580]  }
0x4fe: {  	v2 =	vld [tilespmem:s4+$0xC5A0]  }
0x4ff: {  	v1 =	vld [tilespmem:$0x1FB70]  }
0x500: {  	v31 =	vsub.f32 v0, v59;
	v0 =	vld [tilespmem:$0x1FB60]  }
0x501: {  	v45 =	vld [tilespmem:s4+$0x5F0]  }
0x502: {  	v27 =	vld [tilespmem:s4+$0x1C0]  }
0x503: {  	v36 =	vsub.f32 v41, v36;
	v41 =	vld [tilespmem:s4+$0xC190]  }
0x504: {  	v19 =	vld [tilespmem:s4+$0x1E0]  }
0x505: {  	v3 =	vsub.f32 v0, v1;
	v0 =	vld [tilespmem:$0x1FB80]  }
0x506: {  	v1 =	vld [tilespmem:$0x1FB90]  }
0x507: {  	v33 =	vld [tilespmem:s4+$0x180]  }
0x508: {  	v29 =	vld [tilespmem:s4+$0xC1C0]  }
0x509: {  	v37 =	vld [tilespmem:s4+$0xC180]  }
0x50a: {  	v20 =	vld [tilespmem:s4+$0xC580]  }
0x50b: {  	v16 =	vsub.f32 v0, v1;
	v0 =	vld [tilespmem:$0x1FBA0]  }
0x50c: {  	v25 =	vld [tilespmem:s4+$0x5A0]  }
0x50d: {  	v42 =	vsub.f32 v44, v42;
	v26 =	vld [tilespmem:s4+$0x5B0]  }
0x50e: {  	v24 =	vsub.f32 v61, v62;
	v34 =	vsub.f32 v51, v34;
	v22 =	vld [tilespmem:s4+$0xC1E0]  }
0x50f: {  	v38 =	vsub.f32 v47, v38;
	v32 =	vsub.f32 v53, v52;
	v1 =	vld [tilespmem:$0x1FBC0]  }
0x510: {  	v6 =	vadd.f32 v10, v8;
	v10 =	vsub.f32 v0, v58;
	v0 =	vld [tilespmem:$0x1FBB0]  }
0x511: {  	v23 =	vld [tilespmem:s4+$0xC1D0];
	v17 =	vsub.f32 v63, v57;
	v14 =	vsub.f32 v50, v35  }
0x512: {  	v35 =	vld [tilespmem:s4+$0x190];
	v21 =	vsub.f32 v46, v39;
	v40 =	vsub.f32 v40, v20  }
0x513: {  	v20 =	vsub.f32 v45, v43;
	v18 =	vld [tilespmem:s4+$0x1D0];
	v12 =	vsub.f32 v56, v55  }
0x514: {  	v39 =	vld [tilespmem:s4+$0x1A0];
	v11 =	vsub.f32 v60, v54;
	v13 =	vsub.f32 v49, v48  }
0x515: {  	s7 =	simm.s32 $0x200;
	v43 =	vld [tilespmem:s4+$0xC1A0];
	v25 =	vsub.f32 v25, v2;
	v8 =	vsub.f32 v0, v1  }
.LBB2_14:
0x516: {  	p0 =	sne.s32 s7, $0x5E00;
	v0 =	vld [tilespmem:s4+$0x1B0];
	v1 =	vsub.f32 v26, v28;
	v2 =	vmul.f32 v30, v30;
	v26 =	vmul.f32 v15, v15  }
0x517: {  	v27 =	vsub.f32 v27, v29;
	v29 =	vmul.f32 v31, v31;
	v30 =	vmul.f32 v16, v16;
	s5 =	sadd.s32 $0x80, s5;
	v28 =	vld [tilespmem:s4+$0xC1B0]  }
0x518: {  	s8 =	sand.u32 $0x7000, s7;
	v18 =	vsub.f32 v18, v23;
	v31 =	vmul.f32 v24, v24;
	v44 =	vmul.f32 v17, v17;
	s9 =	sand.u32 $0x380, s5;
	v23 =	vld [tilespmem:s4+$0x1F0]  }
0x519: {  	v24 =	vsub.f32 v33, v37;
	v32 =	vmul.f32 v32, v32;
	v34 =	vmul.f32 v34, v34;
	v33 =	vld [tilespmem:s4+$0xC1F0];
	s4 =	sor.u32 s9, s8  }
0x51a: {  	v36 =	vmul.f32 v36, v36;
	v37 =	vmul.f32 v38, v38;
	v35 =	vsub.f32 v35, v41;
	v15 =	vld [tilespmem:s4+$0xDC0]  }
0x51b: {  	v38 =	vsub.f32 v39, v43;
	v39 =	vmul.f32 v40, v40;
	v40 =	vmul.f32 v42, v42;
	v16 =	vld [tilespmem:s4+$0xCDC0]  }
0x51c: {  	v27 =	vmul.f32 v27, v27;
	v17 =	vld [tilespmem:s4+$0xDD0];
	v0 =	vsub.f32 v0, v28;
	v28 =	vmul.f32 v18, v18  }
0x51d: {  	v24 =	vmul.f32 v24, v24;
	v41 =	vsub.f32 v19, v22;
	v35 =	vmul.f32 v35, v35;
	v18 =	vld [tilespmem:s4+$0xCDD0]  }
0x51e: {  	v38 =	vmul.f32 v38, v38;
	v19 =	vld [tilespmem:s4+$0xDE0];
	v0 =	vmul.f32 v0, v0;
	v33 =	vsub.f32 v23, v33  }
0x51f: {  	v6 =	vadd.f32 v24, v6;
	v9 =	vadd.f32 v35, v9;
	v35 =	vmul.f32 v41, v41;
	v22 =	vld [tilespmem:s4+$0xCDE0]  }
0x520: {  	v5 =	vadd.f32 v38, v5;
	v23 =	vld [tilespmem:s4+$0xDF0];
	v0 =	vadd.f32 v0, v7;
	v7 =	vmul.f32 v33, v33  }
0x521: {  	v25 =	vmul.f32 v25, v25;
	v6 =	vadd.f32 v27, v6;
	v9 =	vadd.f32 v28, v9;
	v24 =	vld [tilespmem:s4+$0xCDF0]  }
0x522: {  	v1 =	vmul.f32 v1, v1;
	v5 =	vadd.f32 v35, v5;
	v33 =	vld [tilespmem:s4+$0xD80];
	v0 =	vadd.f32 v7, v0  }
0x523: {  	v6 =	vadd.f32 v39, v6;
	v7 =	vadd.f32 v40, v9;
	v9 =	vmul.f32 v21, v21;
	v35 =	vld [tilespmem:s4+$0xCD80]  }
0x524: {  	v5 =	vadd.f32 v25, v5;
	v21 =	vld [tilespmem:s4+$0xD90];
	v0 =	vadd.f32 v1, v0;
	v1 =	vmul.f32 v20, v20  }
0x525: {  	v14 =	vmul.f32 v14, v14;
	v6 =	vadd.f32 v36, v6;
	v7 =	vadd.f32 v37, v7;
	v20 =	vld [tilespmem:s4+$0xCD90]  }
0x526: {  	v5 =	vadd.f32 v9, v5;
	v25 =	vld [tilespmem:s4+$0xDA0];
	v0 =	vadd.f32 v1, v0;
	v1 =	vmul.f32 v13, v13  }
0x527: {  	v6 =	vadd.f32 v32, v6;
	v9 =	vmul.f32 v12, v12;
	v7 =	vadd.f32 v34, v7;
	v13 =	vld [tilespmem:s4+$0xCDA0]  }
0x528: {  	v5 =	vadd.f32 v14, v5;
	v12 =	vld [tilespmem:s4+$0xDB0];
	v0 =	vadd.f32 v1, v0;
	v1 =	vmul.f32 v11, v11  }
0x529: {  	v10 =	vmul.f32 v10, v10;
	v6 =	vadd.f32 v31, v6;
	v7 =	vadd.f32 v44, v7;
	v11 =	vld [tilespmem:s4+$0xCDB0]  }
0x52a: {  	v5 =	vadd.f32 v9, v5;
	v14 =	vld [tilespmem:s4+$0x9C0];
	v0 =	vadd.f32 v1, v0;
	v1 =	vmul.f32 v8, v8  }
0x52b: {  	v4 =	vmul.f32 v4, v4;
	v6 =	vadd.f32 v29, v6;
	v7 =	vadd.f32 v30, v7;
	v8 =	vld [tilespmem:s4+$0xC9C0]  }
0x52c: {  	v5 =	vadd.f32 v10, v5;
	v32 =	vld [tilespmem:s4+$0x9D0];
	v0 =	vadd.f32 v1, v0;
	v1 =	vmul.f32 v3, v3  }
0x52d: {  	v6 =	vadd.f32 v2, v6;
	v9 =	vadd.f32 v26, v7;
	v34 =	vld [tilespmem:s4+$0xC9D0]  }
0x52e: {  	v5 =	vadd.f32 v4, v5;
	v2 =	vld [tilespmem:s4+$0x9E0];
	v7 =	vadd.f32 v1, v0  }
0x52f: {  	v0 =	vld [tilespmem:s4+$0xC9E0]  }
0x530: {  	v1 =	vld [tilespmem:s4+$0x9F0]  }
0x531: {  	v36 =	vld [tilespmem:s4+$0xC9F0]  }
0x532: {  	v37 =	vld [tilespmem:s4+$0x980]  }
0x533: {  	v38 =	vld [tilespmem:s4+$0xC980]  }
0x534: {  	v39 =	vld [tilespmem:s4+$0x990]  }
0x535: {  	v40 =	vld [tilespmem:s4+$0xC990]  }
0x536: {  	v41 =	vld [tilespmem:s4+$0x9A0]  }
0x537: {  	v42 =	vld [tilespmem:s4+$0xC9A0]  }
0x538: {  	v43 =	vld [tilespmem:s4+$0x9B0]  }
0x539: {  	v44 =	vld [tilespmem:s4+$0xC9B0]  }
0x53a: {  	v45 =	vld [tilespmem:s4+$0x5C0]  }
0x53b: {  	v46 =	vld [tilespmem:s4+$0xC5C0]  }
0x53c: {  	v47 =	vld [tilespmem:s4+$0x5D0]  }
0x53d: {  	v48 =	vld [tilespmem:s4+$0xC5D0]  }
0x53e: {  	v49 =	vld [tilespmem:s4+$0x5E0]  }
0x53f: {  	v50 =	vld [tilespmem:s4+$0xC5E0]  }
0x540: {  	v51 =	vld [tilespmem:s4+$0x5F0]  }
0x541: {  	v52 =	vld [tilespmem:s4+$0xC5F0]  }
0x542: {  	v53 =	vld [tilespmem:s4+$0x580]  }
0x543: {  	v54 =	vld [tilespmem:s4+$0xC580]  }
0x544: {  	v55 =	vld [tilespmem:s4+$0x590]  }
0x545: {  	v56 =	vld [tilespmem:s4+$0xC590]  }
0x546: {  	v57 =	vld [tilespmem:s4+$0x5A0]  }
0x547: {  	v58 =	vld [tilespmem:s4+$0xC5A0]  }
0x548: {  	v26 =	vld [tilespmem:s4+$0x5B0]  }
0x549: {  	v28 =	vld [tilespmem:s4+$0xC5B0]  }
0x54a: {  	v30 =	vsub.f32 v15, v16;
	v27 =	vld [tilespmem:s4+$0x1C0]  }
0x54b: {  	v15 =	vsub.f32 v17, v18;
	v4 =	vsub.f32 v19, v22;
	v29 =	vld [tilespmem:s4+$0xC1C0]  }
0x54c: {  	v31 =	vsub.f32 v33, v35;
	v3 =	vsub.f32 v23, v24;
	v18 =	vld [tilespmem:s4+$0x1D0]  }
0x54d: {  	v16 =	vsub.f32 v21, v20;
	v10 =	vsub.f32 v25, v13;
	v23 =	vld [tilespmem:s4+$0xC1D0]  }
0x54e: {  	v24 =	vsub.f32 v14, v8;
	v8 =	vsub.f32 v12, v11;
	v19 =	vld [tilespmem:s4+$0x1E0]  }
0x54f: {  	v17 =	vsub.f32 v32, v34;
	v12 =	vsub.f32 v2, v0;
	v22 =	vld [tilespmem:s4+$0xC1E0]  }
0x550: {  	v11 =	vsub.f32 v1, v36;
	v32 =	vsub.f32 v37, v38;
	v33 =	vld [tilespmem:s4+$0x180]  }
.Ltmp6:
0x551: {  	v34 =	vsub.f32 v39, v40;
	v14 =	vsub.f32 v41, v42;
	v37 =	vld [tilespmem:s4+$0xC180];
	(pc) =	sbr.rel @p0 .LBB2_14-.Ltmp6, $4  }
0x552: {  	v13 =	vsub.f32 v43, v44;
	v36 =	vsub.f32 v45, v46;
	v35 =	vld [tilespmem:s4+$0x190]  }
0x553: {  	v38 =	vsub.f32 v47, v48;
	v21 =	vsub.f32 v49, v50;
	v41 =	vld [tilespmem:s4+$0xC190]  }
0x554: {  	v20 =	vsub.f32 v51, v52;
	v40 =	vsub.f32 v53, v54;
	v39 =	vld [tilespmem:s4+$0x1A0]  }
0x555: {  	s7 =	sadd.s32 $0x200, s7;
	v42 =	vsub.f32 v55, v56;
	v25 =	vsub.f32 v57, v58;
	v43 =	vld [tilespmem:s4+$0xC1A0]  }
0x556: {  	v1 =	vsub.f32 v26, v28;
	v2 =	vmul.f32 v30, v30;
	v28 =	vmul.f32 v31, v31  }
0x557: {  	v0 =	vld [tilespmem:s4+$0x1B0];
	v27 =	vsub.f32 v27, v29;
	v24 =	vmul.f32 v24, v24;
	v62 =	vmul.f32 v32, v32  }
0x558: {  	v58 =	vld [tilespmem:s4+$0xC1B0];
	v18 =	vsub.f32 v18, v23;
	v63 =	vmul.f32 v34, v34;
	v44 =	vmul.f32 v36, v36  }
0x559: {  	v59 =	vld [tilespmem:s4+$0x1F0];
	v60 =	vsub.f32 v33, v37;
	v45 =	vmul.f32 v38, v38;
	v47 =	vmul.f32 v40, v40  }
0x55a: {  	v61 =	vld [tilespmem:s4+$0xC1F0];
	v56 =	vmul.f32 v21, v21;
	v57 =	vmul.f32 v20, v20;
	v41 =	vsub.f32 v35, v41  }
0x55b: {  	v19 =	vsub.f32 v19, v22;
	v14 =	vmul.f32 v14, v14;
	v50 =	vmul.f32 v60, v60  }
0x55c: {  	v48 =	vmul.f32 v42, v42;
	v46 =	vsub.f32 v39, v43;
	v51 =	vmul.f32 v41, v41  }
0x55d: {  	v49 =	vmul.f32 v27, v27;
	v6 =	vadd.f32 v50, v6;
	v0 =	vsub.f32 v0, v58  }
0x55e: {  	v18 =	vmul.f32 v18, v18;
	v52 =	vmul.f32 v46, v46;
	v9 =	vadd.f32 v51, v9  }
0x55f: {  	v23 =	vsub.f32 v59, v61;
	v6 =	vadd.f32 v49, v6;
	v0 =	vmul.f32 v0, v0  }
0x560: {  	v19 =	vmul.f32 v19, v19;
	v5 =	vadd.f32 v52, v5;
	v9 =	vadd.f32 v18, v9  }
0x561: {  	v53 =	vmul.f32 v23, v23;
	v6 =	vadd.f32 v47, v6;
	v0 =	vadd.f32 v0, v7  }
0x562: {  	v54 =	vmul.f32 v25, v25;
	v5 =	vadd.f32 v19, v5;
	v55 =	vadd.f32 v48, v9  }
0x563: {  	v1 =	vmul.f32 v1, v1;
	v6 =	vadd.f32 v44, v6;
	v0 =	vadd.f32 v53, v0  }
0x564: {  	v12 =	vmul.f32 v12, v12;
	v5 =	vadd.f32 v54, v5;
	v7 =	vadd.f32 v45, v55  }
0x565: {  	v10 =	vmul.f32 v10, v10;
	v6 =	vadd.f32 v62, v6;
	v0 =	vadd.f32 v1, v0  }
0x566: {  	v59 =	vmul.f32 v17, v17;
	v5 =	vadd.f32 v56, v5;
	v7 =	vadd.f32 v63, v7  }
0x567: {  	v58 =	vmul.f32 v13, v13;
	v6 =	vadd.f32 v24, v6;
	v0 =	vadd.f32 v57, v0  }
0x568: {  	v60 =	vmul.f32 v16, v16;
	v5 =	vadd.f32 v14, v5;
	v7 =	vadd.f32 v59, v7  }
0x569: {  	v61 =	vmul.f32 v11, v11;
	v6 =	vadd.f32 v28, v6;
	v0 =	vadd.f32 v58, v0  }
0x56a: {  	v62 =	vmul.f32 v15, v15;
	v5 =	vadd.f32 v12, v5;
	v1 =	vadd.f32 v60, v7  }
0x56b: {  	v63 =	vmul.f32 v8, v8;
	v2 =	vadd.f32 v2, v6;
	v0 =	vadd.f32 v61, v0  }
0x56c: {  	v4 =	vmul.f32 v4, v4;
	v5 =	vadd.f32 v10, v5;
	v1 =	vadd.f32 v62, v1  }
0x56d: {  	v0 =	vadd.f32 v63, v0  }
0x56e: {  	v3 =	vmul.f32 v3, v3;
	v4 =	vadd.f32 v4, v5;
	v1 =	vadd.f32 v1, v2;
	_ =	sdelay $0x1  }
0x56f: {  	v0 =	vadd.f32 v3, v0;
	v1 =	vadd.f32 v4, v1;
	_ =	sdelay $0x1  }
0x570: {  	v0 =	vadd.f32 v0, v1;
	_ =	sdelay $0x1  }
0x571: {  	s8 =	rddreg [dreg:$0xd];
	s5 =	simm.s32 $0x18180;
	[tilespmem:$0x18180] =	vst v0  }
0x572: {  	[hbm4b:s8+s3] =	stream.linear.scatter [tilespmem:s5], [sflag:$0x5], $0x10, $0x38;
	[tilespmem:$0x18200] =	vst v63  }
0x573: {  	_ =	swait.ge [sflag:s15], $0x10  }
0x574: {  	s0 =	sadd.s32 $0x1, s0;
	s9 =	rddreg [dreg:$0xe]  }
0x575: {  	p0 =	sne.s32 s0, s9  }
.Ltmp7:
0x576: {  	_ = 	snop;
	(pc) =	sbr.rel @p0 .LBB2_1-.Ltmp7, $3  }
0x577: {  	_ =	sdelay $0x1  }
0x578: {  	[sflag:s15] =	ssyncset.done $0x0  }
0x579: {  	[sflag:s15] =	ssyncadd.s32 $0xFFFFFFF0  }
0x57a: {  	_ =	sfence.sel $0x180000  }
0x57b: {  	[bflag:$0x0] =	sbarrier.arrive $0xFFFF  }
0x57c: {  	_ =	strace $0x90000047  }
0x57d: {  	s0 =	stileid.u32;
	[bflag:$0x2] =	sbarrier.arrive $0xFFFF  }
0x57e: {  	p0 =	sne.s32 s0, $0x0;
	s0 =	rddreg [dreg:$0x4]  }
0x57f: {  	s0 =	sadd.s32 @!p0 $0x100000, s0  }
0x580: {  	[sflag:s0] =	ssyncadd.tile.s32 @!p0 $0x1;
	_ =	shalt  }
.Lfunc_end2:
_tile_overlayer_lowered:
.L_overlay_start_2:
0x581: {  	(tag) =	ssettag $0x2  }
0x582: {  	s0 =	rddreg [dreg:$0x0];
	s2 =	stileid.u32  }
0x583: {  	s1 =	rddreg [dreg:$0x1];
	p0 =	sne.s32 s2, $0x0  }
0x584: {  	s3 =	rddreg [dreg:$0x2];
	[bflag:$0x3] =	sbarrier.arrive $0xFFFF;
	s2 =	simm.s32 @!p0 $0x1C05  }
0x585: {  	[timem:s3], [sflag:s2] =	dma.local @!p0 [hbm:s0], s1  }
0x586: {  	s0 =	simm.s32 @!p0 $0x5  }
0x587: {  	_ =	swait.ge @!p0 [sflag:s0], s1  }
0x588: {  	s1 =	ssub.s32 @!p0 $0x0, s1;
	[sflag:s0] =	ssyncset.done @!p0 $0x0  }
0x589: {  	[sflag:s0] =	ssyncadd.s32 @!p0 s1  }
0x58a: {  	[bflag:$0x3] =	sbarrier.arrive $0xFFFF  }
0x58b: {  	_ =	shalt  }

</sc_bundles>
